<compile_context>
chip_gen: v7x
topology: tpu7x:2x2x1
jax: 0.10.2.dev20260603
libtpu: 0.0.44.dev20260713+nightly
codegen_flags: <defaults>
</compile_context>

<pallas_src>
import functools

import jax
import jax.numpy as jnp
from jax import lax
from jax.experimental import pallas as pl
from jax.experimental.pallas import tpu as pltpu
from jax.experimental.pallas import tpu_sc as plsc

N_NODES = 10000
N_EDGES = 320000
D_IN = 128

NC = 2
NS = 16
NW = NC * NS
CHUNK = 128
N_PAD = 10112
RPT = N_PAD // NS
EPT_CHUNKS = 84
E_PAD = NW * EPT_CHUNKS * CHUNK


def _sc_scatter(hw, zeros, src_r, dst_r, d, fsplit, nb):
    n_chunks = src_r.shape[1]
    assert n_chunks % nb == 0 and nb >= 2
    mesh = plsc.VectorSubcoreMesh(core_axis_name="c", subcore_axis_name="s")

    @functools.partial(
        pl.kernel,
        out_type=jax.ShapeDtypeStruct((NC, N_PAD, d), jnp.float32),
        mesh=mesh,
        scratch_types=[
            pltpu.VMEM((n_chunks, CHUNK), jnp.int32),
            pltpu.VMEM((n_chunks, CHUNK), jnp.int32),
            pltpu.VMEM((nb, CHUNK, d), jnp.float32),
            pltpu.VMEM_SHARED((N_PAD, d), jnp.float32),
        ] + [pltpu.SemaphoreType.DMA] * nb,
        compiler_params=pltpu.CompilerParams(use_tc_tiling_on_sc=False),
    )
    def k(hw_hbm, z_hbm, src_hbm, dst_hbm, out_hbm,
          src_v, dst_v, rows_v, acc_sh, *gsems):
        c = lax.axis_index("c")
        s = lax.axis_index("s")
        table = hw_hbm.at[c] if fsplit else hw_hbm
        wid = s if fsplit else s * NC + c
        cp_src = pltpu.async_copy(src_hbm.at[wid], src_v, gsems[0])
        cp_dst = pltpu.async_copy(dst_hbm.at[wid], dst_v, gsems[1])
        pltpu.sync_copy(z_hbm.at[pl.ds(s * RPT, RPT)],
                        acc_sh.at[pl.ds(s * RPT, RPT)])
        cp_src.wait()
        cp_dst.wait()
        plsc.subcore_barrier()

        def gissue(j, b):
            pltpu.async_copy(table.at[src_v.at[j]], rows_v.at[b], gsems[b])

        def gwait(j, b):
            pltpu.make_async_copy(table.at[src_v.at[j]], rows_v.at[b],
                                  gsems[b]).wait()

        def ssync(j, b):
            pltpu.sync_copy(rows_v.at[b], acc_sh.at[dst_v.at[j]], add=True)

        for jj in range(nb - 1):
            gissue(jj, jj)

        @pl.loop(0, n_chunks - nb, step=nb)
        def _(j0):
            for b in range(nb):
                j = j0 + b
                gissue(j + nb - 1, (b + nb - 1) % nb)
                gwait(j, b)
                ssync(j, b)

        for jj in range(n_chunks - nb, n_chunks):
            if jj + nb - 1 < n_chunks:
                gissue(jj + nb - 1, (jj + nb - 1) % nb)
            gwait(jj, jj % nb)
            ssync(jj, jj % nb)

        plsc.subcore_barrier()
        pltpu.sync_copy(acc_sh.at[pl.ds(s * RPT, RPT)],
                        out_hbm.at[c].at[pl.ds(s * RPT, RPT)])

    return k(hw, zeros, src_r, dst_r)


def _tc_scale(h, wcol, split):
    def body(h_ref, wc_ref, o_ref):
        hw = wc_ref[...] * h_ref[...]
        if split:
            dh = hw.shape[1] // 2
            o_ref[0, pl.ds(0, N_NODES), :] = hw[:, :dh]
            o_ref[1, pl.ds(0, N_NODES), :] = hw[:, dh:]
        else:
            o_ref[pl.ds(0, N_NODES), :] = hw

    dim = h.shape[1]
    shp = (2, N_PAD, dim // 2) if split else (N_PAD, dim)
    return pl.pallas_call(
        body,
        out_shape=jax.ShapeDtypeStruct(shp, jnp.float32),
    )(h, wcol)


def _tc_layer(p, h, w_mat, b, wcol, concat, act):
    def body(p_ref, h_ref, w_ref, b_ref, wc_ref, hn_ref, hwn_ref):
        hr = h_ref[pl.ds(0, N_NODES), :]
        if concat:
            x = jnp.concatenate(
                [p_ref[0, pl.ds(0, N_NODES), :],
                 p_ref[1, pl.ds(0, N_NODES), :]], axis=1) + hr
        else:
            x = (p_ref[0, pl.ds(0, N_NODES), :]
                 + p_ref[1, pl.ds(0, N_NODES), :] + hr)
        y = jnp.dot(x, w_ref[...], preferred_element_type=jnp.float32) + b_ref[...]
        y = jnp.maximum(y, 0.0) if act == "relu" else jax.nn.sigmoid(y)
        hn_ref[pl.ds(0, N_NODES), :] = y
        hwn_ref[pl.ds(0, N_NODES), :] = wc_ref[...] * y

    d = w_mat.shape[1]
    return pl.pallas_call(
        body,
        out_shape=[
            jax.ShapeDtypeStruct((N_PAD, d), jnp.float32),
            jax.ShapeDtypeStruct((N_PAD, d), jnp.float32),
        ],
    )(p, h, w_mat, b, wcol)


def _tc_last(p, h, w_mat, b):
    def body(p_ref, h_ref, w_ref, b_ref, o_ref):
        x = (p_ref[0, pl.ds(0, N_NODES), :]
             + p_ref[1, pl.ds(0, N_NODES), :]
             + h_ref[pl.ds(0, N_NODES), :])
        o_ref[...] = jax.nn.sigmoid(
            jnp.dot(x, w_ref[...], preferred_element_type=jnp.float32)
            + b_ref[...])

    d = w_mat.shape[1]
    return pl.pallas_call(
        body,
        out_shape=jax.ShapeDtypeStruct((N_NODES, d), jnp.float32),
    )(p, h, w_mat, b)


def kernel(structure, H, input_weight, W1, b1, W2, b2, W3, b3):
    src = structure[0]
    dst = structure[1]
    pad = E_PAD - N_EDGES
    fill = N_NODES + (jnp.arange(pad, dtype=jnp.int32) % (N_PAD - N_NODES))
    src_flat = jnp.concatenate([src, fill])
    dst_flat = jnp.concatenate([dst, fill])
    src_r1 = src_flat.reshape(NS, 2 * EPT_CHUNKS, CHUNK)
    dst_r1 = dst_flat.reshape(NS, 2 * EPT_CHUNKS, CHUNK)
    src_r = src_flat.reshape(NW, EPT_CHUNKS, CHUNK)
    dst_r = dst_flat.reshape(NW, EPT_CHUNKS, CHUNK)

    wcol = input_weight.reshape(N_NODES, 1)
    z = jnp.zeros((N_PAD, D_IN), jnp.float32)

    hw1 = _tc_scale(H, wcol, True)
    p1 = _sc_scatter(hw1, z[:, :64], src_r1, dst_r1, 64, True, 4)
    h1, hw2 = _tc_layer(p1, H, W1, b1.reshape(1, -1), wcol, True, "relu")
    p2 = _sc_scatter(hw2, z[:, :32], src_r, dst_r, 32, False, 6)
    h2, hw3 = _tc_layer(p2, h1, W2, b2.reshape(1, -1), wcol, False, "relu")
    p3 = _sc_scatter(hw3, z[:, :16], src_r, dst_r, 16, False, 6)
    return _tc_last(p3, h2, W3, b3.reshape(1, -1))

# --- scband reference (transcript-rebuilt; emitter-appended) ---
"""Pipeline reference for scband-hyper-msg-multimedia-46136538694226 (READ-ONLY COPY).

The authoritative reference and input builder live on the scoring server;
editing this copy changes nothing except your own understanding.
"""

import jax, jax.numpy as jnp
import numpy as np

N_NODES = 10000
N_EDGES = 320000
D_IN = 128
H1 = 32
H2 = 16
C = 8


def _hypermsg_conv(edge_index, H, input_weight, W, b):
    # HyperMSG message passing: gather source node features, weight by
    # learned per-node importance (input_weight), scatter-add to destination
    # nodes, combine with self features, then linear transform.
    src = edge_index[0]
    dst = edge_index[1]
    msg = H[src] * input_weight[src][:, None]
    agg = jnp.zeros((H.shape[0], H.shape[1]), dtype=H.dtype).at[dst].add(msg)
    return (agg + H) @ W + b


def setup_inputs(seed: int = 0) -> dict:
    key = jax.random.key(seed)
    ks = jax.random.split(key, 10)
    structure = jax.random.randint(ks[0], (2, N_EDGES), 0, N_NODES, dtype=jnp.int32)
    H = jax.random.normal(ks[1], (N_NODES, D_IN), dtype=jnp.float32)
    input_weight = jax.random.uniform(ks[2], (N_NODES,), dtype=jnp.float32)
    W1 = jax.random.normal(ks[3], (D_IN, H1), dtype=jnp.float32) * (1.0 / np.sqrt(D_IN))
    b1 = jnp.zeros((H1,), dtype=jnp.float32)
    W2 = jax.random.normal(ks[4], (H1, H2), dtype=jnp.float32) * (1.0 / np.sqrt(H1))
    b2 = jnp.zeros((H2,), dtype=jnp.float32)
    W3 = jax.random.normal(ks[5], (H2, C), dtype=jnp.float32) * (1.0 / np.sqrt(H2))
    b3 = jnp.zeros((C,), dtype=jnp.float32)
    return {"structure": structure, "H": H, "input_weight": input_weight,
            "W1": W1, "b1": b1, "W2": W2, "b2": b2, "W3": W3, "b3": b3}


def reference(structure, H, input_weight, W1, b1, W2, b2, W3, b3):
    # dropout is inference-mode identity (training=False)
    h = jax.nn.relu(_hypermsg_conv(structure, H, input_weight, W1, b1))
    h = jax.nn.relu(_hypermsg_conv(structure, h, input_weight, W2, b2))
    h = _hypermsg_conv(structure, h, input_weight, W3, b3)
    return jax.nn.sigmoid(h)

if __name__ == "__main__":
    import jax
    _d = setup_inputs()
    print(jax.jit(kernel)(*tuple(_d.values())))

</pallas_src>

<mosaic_0001>
#map = affine_map<(d0, d1) -> (0, 0)>
#map1 = affine_map<(d0, d1) -> (0, 0, 0)>
module attributes {stable_mosaic.version = 14 : i64} {
  func.func @k(%arg0: i32, %arg1: i32, %arg2: memref<10112x16xf32, #tpu.memory_space<hbm>>, %arg3: memref<10112x16xf32, #tpu.memory_space<hbm>>, %arg4: memref<32x84x128xi32, #tpu.memory_space<hbm>>, %arg5: memref<32x84x128xi32, #tpu.memory_space<hbm>>, %arg6: memref<2x10112x16xf32, #tpu.memory_space<hbm>>, %arg7: memref<84x128xi32, #tpu.memory_space<vmem>>, %arg8: memref<84x128xi32, #tpu.memory_space<vmem>>, %arg9: memref<6x128x16xf32, #tpu.memory_space<vmem>>, %arg10: memref<10112x16xf32, #tpu.memory_space<vmem_shared>>, %arg11: memref<!tpu.dma_semaphore, #tpu.memory_space<semaphore_mem>>, %arg12: memref<!tpu.dma_semaphore, #tpu.memory_space<semaphore_mem>>, %arg13: memref<!tpu.dma_semaphore, #tpu.memory_space<semaphore_mem>>, %arg14: memref<!tpu.dma_semaphore, #tpu.memory_space<semaphore_mem>>, %arg15: memref<!tpu.dma_semaphore, #tpu.memory_space<semaphore_mem>>, %arg16: memref<!tpu.dma_semaphore, #tpu.memory_space<semaphore_mem>>) attributes {dimension_semantics = [#tpu.dimension_semantics<core_parallel>, #tpu.dimension_semantics<subcore_parallel>], iteration_bounds = array<i64: 2, 16>, scalar_prefetch = 0 : i64, scratch_operands = 10 : i64, tpu.core_type = #tpu.core_type<sc_vector_subcore>, window_params = [{transform_indices = #map}, {transform_indices = #map}, {transform_indices = #map1}, {transform_indices = #map1}, {transform_indices = #map1}]} {
    %mul3A = arith.constant 2 : i32
    %mul3A_0 = arith.muli %arg1, %mul3A : i32
    %add3A = arith.addi %mul3A_0, %arg0 : i32
    %dma_start3A = arith.constant 0 : i32
    %dma_start3A_1 = arith.constant 0 : i32
    %dma_start3A_2 = tpu.memref_slice %arg4[%add3A, %dma_start3A, %dma_start3A_1] : memref<32x84x128xi32, #tpu.memory_space<hbm>> -> memref<1x84x128xi32, #tpu.memory_space<hbm>>
    %dma_start3A_3 = tpu.memref_squeeze %dma_start3A_2 : memref<1x84x128xi32, #tpu.memory_space<hbm>> -> memref<84x128xi32, #tpu.memory_space<hbm>>
    %dma_start3A_4 = arith.constant 0 : i32
    %dma_start3A_5 = arith.constant 0 : i32
    %dma_start3A_6 = tpu.memref_slice %arg4[%add3A, %dma_start3A_4, %dma_start3A_5] : memref<32x84x128xi32, #tpu.memory_space<hbm>> -> memref<1x84x128xi32, #tpu.memory_space<hbm>>
    %dma_start3A_7 = tpu.memref_squeeze %dma_start3A_6 : memref<1x84x128xi32, #tpu.memory_space<hbm>> -> memref<84x128xi32, #tpu.memory_space<hbm>>
    tpu.enqueue_dma source(%dma_start3A_7 : memref<84x128xi32, #tpu.memory_space<hbm>>) target(%arg7 : memref<84x128xi32, #tpu.memory_space<vmem>>) target_semaphore(%arg11 : memref<!tpu.dma_semaphore, #tpu.memory_space<semaphore_mem>>)
    %dma_start3A_8 = arith.constant 0 : i32
    %dma_start3A_9 = arith.constant 0 : i32
    %dma_start3A_10 = tpu.memref_slice %arg5[%add3A, %dma_start3A_8, %dma_start3A_9] : memref<32x84x128xi32, #tpu.memory_space<hbm>> -> memref<1x84x128xi32, #tpu.memory_space<hbm>>
    %dma_start3A_11 = tpu.memref_squeeze %dma_start3A_10 : memref<1x84x128xi32, #tpu.memory_space<hbm>> -> memref<84x128xi32, #tpu.memory_space<hbm>>
    %dma_start3A_12 = arith.constant 0 : i32
    %dma_start3A_13 = arith.constant 0 : i32
    %dma_start3A_14 = tpu.memref_slice %arg5[%add3A, %dma_start3A_12, %dma_start3A_13] : memref<32x84x128xi32, #tpu.memory_space<hbm>> -> memref<1x84x128xi32, #tpu.memory_space<hbm>>
    %dma_start3A_15 = tpu.memref_squeeze %dma_start3A_14 : memref<1x84x128xi32, #tpu.memory_space<hbm>> -> memref<84x128xi32, #tpu.memory_space<hbm>>
    tpu.enqueue_dma source(%dma_start3A_15 : memref<84x128xi32, #tpu.memory_space<hbm>>) target(%arg8 : memref<84x128xi32, #tpu.memory_space<vmem>>) target_semaphore(%arg12 : memref<!tpu.dma_semaphore, #tpu.memory_space<semaphore_mem>>)
    %mul3A_16 = arith.constant 632 : i32
    %mul3A_17 = arith.muli %arg1, %mul3A_16 : i32
    %mul3A_18 = arith.constant 632 : i32
    %mul3A_19 = arith.muli %arg1, %mul3A_18 : i32
    "tpu.region"() ({
      %run_scoped3A_199 = tpu.sem_alloc : memref<!tpu.dma_semaphore, #tpu.memory_space<semaphore_mem>>
      %dma_start3A_200 = arith.constant 0 : i32
      %dma_start3A_201 = tpu.memref_slice %arg10[%mul3A_19, %dma_start3A_200] : memref<10112x16xf32, #tpu.memory_space<vmem_shared>> -> memref<632x16xf32, #tpu.memory_space<vmem_shared>>
      %dma_start3A_202 = arith.constant 0 : i32
      %dma_start3A_203 = tpu.memref_slice %arg3[%mul3A_17, %dma_start3A_202] : memref<10112x16xf32, #tpu.memory_space<hbm>> -> memref<632x16xf32, #tpu.memory_space<hbm>>
      tpu.enqueue_dma source(%dma_start3A_203 : memref<632x16xf32, #tpu.memory_space<hbm>>) target(%dma_start3A_201 : memref<632x16xf32, #tpu.memory_space<vmem_shared>>) target_semaphore(%run_scoped3A_199 : memref<!tpu.dma_semaphore, #tpu.memory_space<semaphore_mem>>)
      %dma_wait3A_204 = arith.constant 0 : i32
      %dma_wait3A_205 = tpu.memref_slice %arg10[%mul3A_19, %dma_wait3A_204] : memref<10112x16xf32, #tpu.memory_space<vmem_shared>> -> memref<632x16xf32, #tpu.memory_space<vmem_shared>>
      %dma_wait3A_206 = arith.constant 0 : i32
      %dma_wait3A_207 = tpu.memref_slice %arg3[%mul3A_17, %dma_wait3A_206] : memref<10112x16xf32, #tpu.memory_space<hbm>> -> memref<632x16xf32, #tpu.memory_space<hbm>>
      tpu.wait_dma2 semaphore(%run_scoped3A_199 : memref<!tpu.dma_semaphore, #tpu.memory_space<semaphore_mem>>) src(%dma_wait3A_207 : memref<632x16xf32, #tpu.memory_space<hbm>>) dst(%dma_wait3A_205 : memref<632x16xf32, #tpu.memory_space<vmem_shared>>)
      tpu.yield
    }) : () -> ()
    %dma_wait3A = arith.constant 0 : i32
    %dma_wait3A_20 = arith.constant 0 : i32
    %dma_wait3A_21 = tpu.memref_slice %arg4[%add3A, %dma_wait3A, %dma_wait3A_20] : memref<32x84x128xi32, #tpu.memory_space<hbm>> -> memref<1x84x128xi32, #tpu.memory_space<hbm>>
    %dma_wait3A_22 = tpu.memref_squeeze %dma_wait3A_21 : memref<1x84x128xi32, #tpu.memory_space<hbm>> -> memref<84x128xi32, #tpu.memory_space<hbm>>
    %dma_wait3A_23 = arith.constant 0 : i32
    %dma_wait3A_24 = arith.constant 0 : i32
    %dma_wait3A_25 = tpu.memref_slice %arg4[%add3A, %dma_wait3A_23, %dma_wait3A_24] : memref<32x84x128xi32, #tpu.memory_space<hbm>> -> memref<1x84x128xi32, #tpu.memory_space<hbm>>
    %dma_wait3A_26 = tpu.memref_squeeze %dma_wait3A_25 : memref<1x84x128xi32, #tpu.memory_space<hbm>> -> memref<84x128xi32, #tpu.memory_space<hbm>>
    tpu.wait_dma2 semaphore(%arg11 : memref<!tpu.dma_semaphore, #tpu.memory_space<semaphore_mem>>) src(%dma_wait3A_26 : memref<84x128xi32, #tpu.memory_space<hbm>>) dst(%arg7 : memref<84x128xi32, #tpu.memory_space<vmem>>)
    %dma_wait3A_27 = arith.constant 0 : i32
    %dma_wait3A_28 = arith.constant 0 : i32
    %dma_wait3A_29 = tpu.memref_slice %arg5[%add3A, %dma_wait3A_27, %dma_wait3A_28] : memref<32x84x128xi32, #tpu.memory_space<hbm>> -> memref<1x84x128xi32, #tpu.memory_space<hbm>>
    %dma_wait3A_30 = tpu.memref_squeeze %dma_wait3A_29 : memref<1x84x128xi32, #tpu.memory_space<hbm>> -> memref<84x128xi32, #tpu.memory_space<hbm>>
    %dma_wait3A_31 = arith.constant 0 : i32
    %dma_wait3A_32 = arith.constant 0 : i32
    %dma_wait3A_33 = tpu.memref_slice %arg5[%add3A, %dma_wait3A_31, %dma_wait3A_32] : memref<32x84x128xi32, #tpu.memory_space<hbm>> -> memref<1x84x128xi32, #tpu.memory_space<hbm>>
    %dma_wait3A_34 = tpu.memref_squeeze %dma_wait3A_33 : memref<1x84x128xi32, #tpu.memory_space<hbm>> -> memref<84x128xi32, #tpu.memory_space<hbm>>
    tpu.wait_dma2 semaphore(%arg12 : memref<!tpu.dma_semaphore, #tpu.memory_space<semaphore_mem>>) src(%dma_wait3A_34 : memref<84x128xi32, #tpu.memory_space<hbm>>) dst(%arg8 : memref<84x128xi32, #tpu.memory_space<vmem>>)
    %barrier3A = arith.constant 0 : index
    tpu.barrier barrier_id(%barrier3A)
    %dma_start3A_35 = arith.constant 0 : i32
    %dma_start3A_36 = arith.constant 0 : i32
    %dma_start3A_37 = arith.constant 0 : i32
    %dma_start3A_38 = arith.constant 0 : i32
    %dma_start3A_39 = tpu.memref_slice %arg9[%dma_start3A_36, %dma_start3A_37, %dma_start3A_38] : memref<6x128x16xf32, #tpu.memory_space<vmem>> -> memref<1x128x16xf32, #tpu.memory_space<vmem>>
    %dma_start3A_40 = tpu.memref_squeeze %dma_start3A_39 : memref<1x128x16xf32, #tpu.memory_space<vmem>> -> memref<128x16xf32, #tpu.memory_space<vmem>>
    %dma_start3A_41 = arith.constant 0 : i32
    %dma_start3A_42 = tpu.memref_slice %arg7[%dma_start3A_35, %dma_start3A_41] : memref<84x128xi32, #tpu.memory_space<vmem>> -> memref<1x128xi32, #tpu.memory_space<vmem>>
    %dma_start3A_43 = tpu.memref_squeeze %dma_start3A_42 : memref<1x128xi32, #tpu.memory_space<vmem>> -> memref<128xi32, #tpu.memory_space<vmem>>
    %dma_start3A_44 = arith.constant 0 : i32
    %dma_start3A_45 = arith.constant 0 : i32
    %dma_start3A_46 = tpu.memref_slice %arg2[%dma_start3A_44, %dma_start3A_45] : memref<10112x16xf32, #tpu.memory_space<hbm>> -> memref<10112x16xf32, #tpu.memory_space<hbm>>
    tpu.enqueue_indirect_dma source(%dma_start3A_46 : memref<10112x16xf32, #tpu.memory_space<hbm>>) target(%dma_start3A_40 : memref<128x16xf32, #tpu.memory_space<vmem>>) offsets(%dma_start3A_43 : memref<128xi32, #tpu.memory_space<vmem>>) semaphore(%arg11 : memref<!tpu.dma_semaphore, #tpu.memory_space<semaphore_mem>>)
    %dma_start3A_47 = arith.constant 1 : i32
    %dma_start3A_48 = arith.constant 1 : i32
    %dma_start3A_49 = arith.constant 0 : i32
    %dma_start3A_50 = arith.constant 0 : i32
    %dma_start3A_51 = tpu.memref_slice %arg9[%dma_start3A_48, %dma_start3A_49, %dma_start3A_50] : memref<6x128x16xf32, #tpu.memory_space<vmem>> -> memref<1x128x16xf32, #tpu.memory_space<vmem>>
    %dma_start3A_52 = tpu.memref_squeeze %dma_start3A_51 : memref<1x128x16xf32, #tpu.memory_space<vmem>> -> memref<128x16xf32, #tpu.memory_space<vmem>>
    %dma_start3A_53 = arith.constant 0 : i32
    %dma_start3A_54 = tpu.memref_slice %arg7[%dma_start3A_47, %dma_start3A_53] : memref<84x128xi32, #tpu.memory_space<vmem>> -> memref<1x128xi32, #tpu.memory_space<vmem>>
    %dma_start3A_55 = tpu.memref_squeeze %dma_start3A_54 : memref<1x128xi32, #tpu.memory_space<vmem>> -> memref<128xi32, #tpu.memory_space<vmem>>
    %dma_start3A_56 = arith.constant 0 : i32
    %dma_start3A_57 = arith.constant 0 : i32
    %dma_start3A_58 = tpu.memref_slice %arg2[%dma_start3A_56, %dma_start3A_57] : memref<10112x16xf32, #tpu.memory_space<hbm>> -> memref<10112x16xf32, #tpu.memory_space<hbm>>
    tpu.enqueue_indirect_dma source(%dma_start3A_58 : memref<10112x16xf32, #tpu.memory_space<hbm>>) target(%dma_start3A_52 : memref<128x16xf32, #tpu.memory_space<vmem>>) offsets(%dma_start3A_55 : memref<128xi32, #tpu.memory_space<vmem>>) semaphore(%arg12 : memref<!tpu.dma_semaphore, #tpu.memory_space<semaphore_mem>>)
    %dma_start3A_59 = arith.constant 2 : i32
    %dma_start3A_60 = arith.constant 2 : i32
    %dma_start3A_61 = arith.constant 0 : i32
    %dma_start3A_62 = arith.constant 0 : i32
    %dma_start3A_63 = tpu.memref_slice %arg9[%dma_start3A_60, %dma_start3A_61, %dma_start3A_62] : memref<6x128x16xf32, #tpu.memory_space<vmem>> -> memref<1x128x16xf32, #tpu.memory_space<vmem>>
    %dma_start3A_64 = tpu.memref_squeeze %dma_start3A_63 : memref<1x128x16xf32, #tpu.memory_space<vmem>> -> memref<128x16xf32, #tpu.memory_space<vmem>>
    %dma_start3A_65 = arith.constant 0 : i32
    %dma_start3A_66 = tpu.memref_slice %arg7[%dma_start3A_59, %dma_start3A_65] : memref<84x128xi32, #tpu.memory_space<vmem>> -> memref<1x128xi32, #tpu.memory_space<vmem>>
    %dma_start3A_67 = tpu.memref_squeeze %dma_start3A_66 : memref<1x128xi32, #tpu.memory_space<vmem>> -> memref<128xi32, #tpu.memory_space<vmem>>
    %dma_start3A_68 = arith.constant 0 : i32
    %dma_start3A_69 = arith.constant 0 : i32
    %dma_start3A_70 = tpu.memref_slice %arg2[%dma_start3A_68, %dma_start3A_69] : memref<10112x16xf32, #tpu.memory_space<hbm>> -> memref<10112x16xf32, #tpu.memory_space<hbm>>
    tpu.enqueue_indirect_dma source(%dma_start3A_70 : memref<10112x16xf32, #tpu.memory_space<hbm>>) target(%dma_start3A_64 : memref<128x16xf32, #tpu.memory_space<vmem>>) offsets(%dma_start3A_67 : memref<128xi32, #tpu.memory_space<vmem>>) semaphore(%arg13 : memref<!tpu.dma_semaphore, #tpu.memory_space<semaphore_mem>>)
    %dma_start3A_71 = arith.constant 3 : i32
    %dma_start3A_72 = arith.constant 3 : i32
    %dma_start3A_73 = arith.constant 0 : i32
    %dma_start3A_74 = arith.constant 0 : i32
    %dma_start3A_75 = tpu.memref_slice %arg9[%dma_start3A_72, %dma_start3A_73, %dma_start3A_74] : memref<6x128x16xf32, #tpu.memory_space<vmem>> -> memref<1x128x16xf32, #tpu.memory_space<vmem>>
    %dma_start3A_76 = tpu.memref_squeeze %dma_start3A_75 : memref<1x128x16xf32, #tpu.memory_space<vmem>> -> memref<128x16xf32, #tpu.memory_space<vmem>>
    %dma_start3A_77 = arith.constant 0 : i32
    %dma_start3A_78 = tpu.memref_slice %arg7[%dma_start3A_71, %dma_start3A_77] : memref<84x128xi32, #tpu.memory_space<vmem>> -> memref<1x128xi32, #tpu.memory_space<vmem>>
    %dma_start3A_79 = tpu.memref_squeeze %dma_start3A_78 : memref<1x128xi32, #tpu.memory_space<vmem>> -> memref<128xi32, #tpu.memory_space<vmem>>
    %dma_start3A_80 = arith.constant 0 : i32
    %dma_start3A_81 = arith.constant 0 : i32
    %dma_start3A_82 = tpu.memref_slice %arg2[%dma_start3A_80, %dma_start3A_81] : memref<10112x16xf32, #tpu.memory_space<hbm>> -> memref<10112x16xf32, #tpu.memory_space<hbm>>
    tpu.enqueue_indirect_dma source(%dma_start3A_82 : memref<10112x16xf32, #tpu.memory_space<hbm>>) target(%dma_start3A_76 : memref<128x16xf32, #tpu.memory_space<vmem>>) offsets(%dma_start3A_79 : memref<128xi32, #tpu.memory_space<vmem>>) semaphore(%arg14 : memref<!tpu.dma_semaphore, #tpu.memory_space<semaphore_mem>>)
    %dma_start3A_83 = arith.constant 4 : i32
    %dma_start3A_84 = arith.constant 4 : i32
    %dma_start3A_85 = arith.constant 0 : i32
    %dma_start3A_86 = arith.constant 0 : i32
    %dma_start3A_87 = tpu.memref_slice %arg9[%dma_start3A_84, %dma_start3A_85, %dma_start3A_86] : memref<6x128x16xf32, #tpu.memory_space<vmem>> -> memref<1x128x16xf32, #tpu.memory_space<vmem>>
    %dma_start3A_88 = tpu.memref_squeeze %dma_start3A_87 : memref<1x128x16xf32, #tpu.memory_space<vmem>> -> memref<128x16xf32, #tpu.memory_space<vmem>>
    %dma_start3A_89 = arith.constant 0 : i32
    %dma_start3A_90 = tpu.memref_slice %arg7[%dma_start3A_83, %dma_start3A_89] : memref<84x128xi32, #tpu.memory_space<vmem>> -> memref<1x128xi32, #tpu.memory_space<vmem>>
    %dma_start3A_91 = tpu.memref_squeeze %dma_start3A_90 : memref<1x128xi32, #tpu.memory_space<vmem>> -> memref<128xi32, #tpu.memory_space<vmem>>
    %dma_start3A_92 = arith.constant 0 : i32
    %dma_start3A_93 = arith.constant 0 : i32
    %dma_start3A_94 = tpu.memref_slice %arg2[%dma_start3A_92, %dma_start3A_93] : memref<10112x16xf32, #tpu.memory_space<hbm>> -> memref<10112x16xf32, #tpu.memory_space<hbm>>
    tpu.enqueue_indirect_dma source(%dma_start3A_94 : memref<10112x16xf32, #tpu.memory_space<hbm>>) target(%dma_start3A_88 : memref<128x16xf32, #tpu.memory_space<vmem>>) offsets(%dma_start3A_91 : memref<128xi32, #tpu.memory_space<vmem>>) semaphore(%arg15 : memref<!tpu.dma_semaphore, #tpu.memory_space<semaphore_mem>>)
    %scan3A = arith.constant 0 : i32
    %scan3A_95 = arith.constant 13 : i32
    %scan3A_96 = arith.addi %scan3A, %scan3A_95 : i32
    %scan3A_97 = arith.constant 1 : i32
    scf.for %scan3A_199 = %scan3A to %scan3A_96 step %scan3A_97  : i32 {
      %mul3A_200 = arith.constant 6 : i32
      %mul3A_201 = arith.muli %scan3A_199, %mul3A_200 : i32
      %add3A_202 = arith.constant 0 : i32
      %add3A_203 = arith.addi %add3A_202, %mul3A_201 : i32
      %add3A_204 = arith.constant 0 : i32
      %add3A_205 = arith.addi %add3A_203, %add3A_204 : i32
      %add3A_206 = arith.constant 6 : i32
      %add3A_207 = arith.addi %add3A_205, %add3A_206 : i32
      %sub3A = arith.constant 1 : i32
      %sub3A_208 = arith.subi %add3A_207, %sub3A : i32
      %dma_start3A_209 = arith.constant 5 : i32
      %dma_start3A_210 = arith.constant 0 : i32
      %dma_start3A_211 = arith.constant 0 : i32
      %dma_start3A_212 = tpu.memref_slice %arg9[%dma_start3A_209, %dma_start3A_210, %dma_start3A_211] : memref<6x128x16xf32, #tpu.memory_space<vmem>> -> memref<1x128x16xf32, #tpu.memory_space<vmem>>
      %dma_start3A_213 = tpu.memref_squeeze %dma_start3A_212 : memref<1x128x16xf32, #tpu.memory_space<vmem>> -> memref<128x16xf32, #tpu.memory_space<vmem>>
      %dma_start3A_214 = arith.constant 0 : i32
      %dma_start3A_215 = tpu.memref_slice %arg7[%sub3A_208, %dma_start3A_214] : memref<84x128xi32, #tpu.memory_space<vmem>> -> memref<1x128xi32, #tpu.memory_space<vmem>>
      %dma_start3A_216 = tpu.memref_squeeze %dma_start3A_215 : memref<1x128xi32, #tpu.memory_space<vmem>> -> memref<128xi32, #tpu.memory_space<vmem>>
      %dma_start3A_217 = arith.constant 0 : i32
      %dma_start3A_218 = arith.constant 0 : i32
      %dma_start3A_219 = tpu.memref_slice %arg2[%dma_start3A_217, %dma_start3A_218] : memref<10112x16xf32, #tpu.memory_space<hbm>> -> memref<10112x16xf32, #tpu.memory_space<hbm>>
      tpu.enqueue_indirect_dma source(%dma_start3A_219 : memref<10112x16xf32, #tpu.memory_space<hbm>>) target(%dma_start3A_213 : memref<128x16xf32, #tpu.memory_space<vmem>>) offsets(%dma_start3A_216 : memref<128xi32, #tpu.memory_space<vmem>>) semaphore(%arg16 : memref<!tpu.dma_semaphore, #tpu.memory_space<semaphore_mem>>)
      %dma_wait3A_220 = arith.constant 0 : i32
      %dma_wait3A_221 = arith.constant 0 : i32
      %dma_wait3A_222 = arith.constant 0 : i32
      %dma_wait3A_223 = tpu.memref_slice %arg9[%dma_wait3A_220, %dma_wait3A_221, %dma_wait3A_222] : memref<6x128x16xf32, #tpu.memory_space<vmem>> -> memref<1x128x16xf32, #tpu.memory_space<vmem>>
      %dma_wait3A_224 = tpu.memref_squeeze %dma_wait3A_223 : memref<1x128x16xf32, #tpu.memory_space<vmem>> -> memref<128x16xf32, #tpu.memory_space<vmem>>
      %dma_wait3A_225 = arith.constant 0 : i32
      %dma_wait3A_226 = tpu.memref_slice %arg7[%add3A_205, %dma_wait3A_225] : memref<84x128xi32, #tpu.memory_space<vmem>> -> memref<1x128xi32, #tpu.memory_space<vmem>>
      %dma_wait3A_227 = tpu.memref_squeeze %dma_wait3A_226 : memref<1x128xi32, #tpu.memory_space<vmem>> -> memref<128xi32, #tpu.memory_space<vmem>>
      %dma_wait3A_228 = arith.constant 0 : i32
      %dma_wait3A_229 = arith.constant 0 : i32
      %dma_wait3A_230 = tpu.memref_slice %arg2[%dma_wait3A_228, %dma_wait3A_229] : memref<10112x16xf32, #tpu.memory_space<hbm>> -> memref<10112x16xf32, #tpu.memory_space<hbm>>
      tpu.wait_indirect_dma semaphore(%arg11 : memref<!tpu.dma_semaphore, #tpu.memory_space<semaphore_mem>>) src(%dma_wait3A_230 : memref<10112x16xf32, #tpu.memory_space<hbm>>) dst(%dma_wait3A_224 : memref<128x16xf32, #tpu.memory_space<vmem>>)
      %run_scoped3A_231 = arith.constant 0 : i32
      "tpu.region"() ({
        %run_scoped3A_377 = tpu.sem_alloc : memref<!tpu.dma_semaphore, #tpu.memory_space<semaphore_mem>>
        %dma_start3A_378 = arith.constant 0 : i32
        %dma_start3A_379 = arith.constant 0 : i32
        %dma_start3A_380 = tpu.memref_slice %arg9[%run_scoped3A_231, %dma_start3A_378, %dma_start3A_379] : memref<6x128x16xf32, #tpu.memory_space<vmem>> -> memref<1x128x16xf32, #tpu.memory_space<vmem>>
        %dma_start3A_381 = tpu.memref_squeeze %dma_start3A_380 : memref<1x128x16xf32, #tpu.memory_space<vmem>> -> memref<128x16xf32, #tpu.memory_space<vmem>>
        %dma_start3A_382 = arith.constant 0 : i32
        %dma_start3A_383 = tpu.memref_slice %arg8[%add3A_205, %dma_start3A_382] : memref<84x128xi32, #tpu.memory_space<vmem>> -> memref<1x128xi32, #tpu.memory_space<vmem>>
        %dma_start3A_384 = tpu.memref_squeeze %dma_start3A_383 : memref<1x128xi32, #tpu.memory_space<vmem>> -> memref<128xi32, #tpu.memory_space<vmem>>
        %dma_start3A_385 = arith.constant 0 : i32
        %dma_start3A_386 = arith.constant 0 : i32
        %dma_start3A_387 = tpu.memref_slice %arg10[%dma_start3A_385, %dma_start3A_386] : memref<10112x16xf32, #tpu.memory_space<vmem_shared>> -> memref<10112x16xf32, #tpu.memory_space<vmem_shared>>
        tpu.enqueue_indirect_dma source(%dma_start3A_381 : memref<128x16xf32, #tpu.memory_space<vmem>>) target(%dma_start3A_387 : memref<10112x16xf32, #tpu.memory_space<vmem_shared>>) offsets(%dma_start3A_384 : memref<128xi32, #tpu.memory_space<vmem>>) semaphore(%run_scoped3A_377 : memref<!tpu.dma_semaphore, #tpu.memory_space<semaphore_mem>>) {add = true}
        %dma_wait3A_388 = arith.constant 0 : i32
        %dma_wait3A_389 = arith.constant 0 : i32
        %dma_wait3A_390 = tpu.memref_slice %arg9[%run_scoped3A_231, %dma_wait3A_388, %dma_wait3A_389] : memref<6x128x16xf32, #tpu.memory_space<vmem>> -> memref<1x128x16xf32, #tpu.memory_space<vmem>>
        %dma_wait3A_391 = tpu.memref_squeeze %dma_wait3A_390 : memref<1x128x16xf32, #tpu.memory_space<vmem>> -> memref<128x16xf32, #tpu.memory_space<vmem>>
        %dma_wait3A_392 = arith.constant 0 : i32
        %dma_wait3A_393 = tpu.memref_slice %arg8[%add3A_205, %dma_wait3A_392] : memref<84x128xi32, #tpu.memory_space<vmem>> -> memref<1x128xi32, #tpu.memory_space<vmem>>
        %dma_wait3A_394 = tpu.memref_squeeze %dma_wait3A_393 : memref<1x128xi32, #tpu.memory_space<vmem>> -> memref<128xi32, #tpu.memory_space<vmem>>
        %dma_wait3A_395 = arith.constant 0 : i32
        %dma_wait3A_396 = arith.constant 0 : i32
        %dma_wait3A_397 = tpu.memref_slice %arg10[%dma_wait3A_395, %dma_wait3A_396] : memref<10112x16xf32, #tpu.memory_space<vmem_shared>> -> memref<10112x16xf32, #tpu.memory_space<vmem_shared>>
        tpu.wait_indirect_dma semaphore(%run_scoped3A_377 : memref<!tpu.dma_semaphore, #tpu.memory_space<semaphore_mem>>) src(%dma_wait3A_391 : memref<128x16xf32, #tpu.memory_space<vmem>>) dst(%dma_wait3A_397 : memref<10112x16xf32, #tpu.memory_space<vmem_shared>>)
        tpu.yield
      }) : () -> ()
      %add3A_232 = arith.constant 1 : i32
      %add3A_233 = arith.addi %add3A_203, %add3A_232 : i32
      %add3A_234 = arith.constant 6 : i32
      %add3A_235 = arith.addi %add3A_233, %add3A_234 : i32
      %sub3A_236 = arith.constant 1 : i32
      %sub3A_237 = arith.subi %add3A_235, %sub3A_236 : i32
      %dma_start3A_238 = arith.constant 0 : i32
      %dma_start3A_239 = arith.constant 0 : i32
      %dma_start3A_240 = arith.constant 0 : i32
      %dma_start3A_241 = tpu.memref_slice %arg9[%dma_start3A_238, %dma_start3A_239, %dma_start3A_240] : memref<6x128x16xf32, #tpu.memory_space<vmem>> -> memref<1x128x16xf32, #tpu.memory_space<vmem>>
      %dma_start3A_242 = tpu.memref_squeeze %dma_start3A_241 : memref<1x128x16xf32, #tpu.memory_space<vmem>> -> memref<128x16xf32, #tpu.memory_space<vmem>>
      %dma_start3A_243 = arith.constant 0 : i32
      %dma_start3A_244 = tpu.memref_slice %arg7[%sub3A_237, %dma_start3A_243] : memref<84x128xi32, #tpu.memory_space<vmem>> -> memref<1x128xi32, #tpu.memory_space<vmem>>
      %dma_start3A_245 = tpu.memref_squeeze %dma_start3A_244 : memref<1x128xi32, #tpu.memory_space<vmem>> -> memref<128xi32, #tpu.memory_space<vmem>>
      %dma_start3A_246 = arith.constant 0 : i32
      %dma_start3A_247 = arith.constant 0 : i32
      %dma_start3A_248 = tpu.memref_slice %arg2[%dma_start3A_246, %dma_start3A_247] : memref<10112x16xf32, #tpu.memory_space<hbm>> -> memref<10112x16xf32, #tpu.memory_space<hbm>>
      tpu.enqueue_indirect_dma source(%dma_start3A_248 : memref<10112x16xf32, #tpu.memory_space<hbm>>) target(%dma_start3A_242 : memref<128x16xf32, #tpu.memory_space<vmem>>) offsets(%dma_start3A_245 : memref<128xi32, #tpu.memory_space<vmem>>) semaphore(%arg11 : memref<!tpu.dma_semaphore, #tpu.memory_space<semaphore_mem>>)
      %dma_wait3A_249 = arith.constant 1 : i32
      %dma_wait3A_250 = arith.constant 0 : i32
      %dma_wait3A_251 = arith.constant 0 : i32
      %dma_wait3A_252 = tpu.memref_slice %arg9[%dma_wait3A_249, %dma_wait3A_250, %dma_wait3A_251] : memref<6x128x16xf32, #tpu.memory_space<vmem>> -> memref<1x128x16xf32, #tpu.memory_space<vmem>>
      %dma_wait3A_253 = tpu.memref_squeeze %dma_wait3A_252 : memref<1x128x16xf32, #tpu.memory_space<vmem>> -> memref<128x16xf32, #tpu.memory_space<vmem>>
      %dma_wait3A_254 = arith.constant 0 : i32
      %dma_wait3A_255 = tpu.memref_slice %arg7[%add3A_233, %dma_wait3A_254] : memref<84x128xi32, #tpu.memory_space<vmem>> -> memref<1x128xi32, #tpu.memory_space<vmem>>
      %dma_wait3A_256 = tpu.memref_squeeze %dma_wait3A_255 : memref<1x128xi32, #tpu.memory_space<vmem>> -> memref<128xi32, #tpu.memory_space<vmem>>
      %dma_wait3A_257 = arith.constant 0 : i32
      %dma_wait3A_258 = arith.constant 0 : i32
      %dma_wait3A_259 = tpu.memref_slice %arg2[%dma_wait3A_257, %dma_wait3A_258] : memref<10112x16xf32, #tpu.memory_space<hbm>> -> memref<10112x16xf32, #tpu.memory_space<hbm>>
      tpu.wait_indirect_dma semaphore(%arg12 : memref<!tpu.dma_semaphore, #tpu.memory_space<semaphore_mem>>) src(%dma_wait3A_259 : memref<10112x16xf32, #tpu.memory_space<hbm>>) dst(%dma_wait3A_253 : memref<128x16xf32, #tpu.memory_space<vmem>>)
      %run_scoped3A_260 = arith.constant 1 : i32
      "tpu.region"() ({
        %run_scoped3A_377 = tpu.sem_alloc : memref<!tpu.dma_semaphore, #tpu.memory_space<semaphore_mem>>
        %dma_start3A_378 = arith.constant 0 : i32
        %dma_start3A_379 = arith.constant 0 : i32
        %dma_start3A_380 = tpu.memref_slice %arg9[%run_scoped3A_260, %dma_start3A_378, %dma_start3A_379] : memref<6x128x16xf32, #tpu.memory_space<vmem>> -> memref<1x128x16xf32, #tpu.memory_space<vmem>>
        %dma_start3A_381 = tpu.memref_squeeze %dma_start3A_380 : memref<1x128x16xf32, #tpu.memory_space<vmem>> -> memref<128x16xf32, #tpu.memory_space<vmem>>
        %dma_start3A_382 = arith.constant 0 : i32
        %dma_start3A_383 = tpu.memref_slice %arg8[%add3A_233, %dma_start3A_382] : memref<84x128xi32, #tpu.memory_space<vmem>> -> memref<1x128xi32, #tpu.memory_space<vmem>>
        %dma_start3A_384 = tpu.memref_squeeze %dma_start3A_383 : memref<1x128xi32, #tpu.memory_space<vmem>> -> memref<128xi32, #tpu.memory_space<vmem>>
        %dma_start3A_385 = arith.constant 0 : i32
        %dma_start3A_386 = arith.constant 0 : i32
        %dma_start3A_387 = tpu.memref_slice %arg10[%dma_start3A_385, %dma_start3A_386] : memref<10112x16xf32, #tpu.memory_space<vmem_shared>> -> memref<10112x16xf32, #tpu.memory_space<vmem_shared>>
        tpu.enqueue_indirect_dma source(%dma_start3A_381 : memref<128x16xf32, #tpu.memory_space<vmem>>) target(%dma_start3A_387 : memref<10112x16xf32, #tpu.memory_space<vmem_shared>>) offsets(%dma_start3A_384 : memref<128xi32, #tpu.memory_space<vmem>>) semaphore(%run_scoped3A_377 : memref<!tpu.dma_semaphore, #tpu.memory_space<semaphore_mem>>) {add = true}
        %dma_wait3A_388 = arith.constant 0 : i32
        %dma_wait3A_389 = arith.constant 0 : i32
        %dma_wait3A_390 = tpu.memref_slice %arg9[%run_scoped3A_260, %dma_wait3A_388, %dma_wait3A_389] : memref<6x128x16xf32, #tpu.memory_space<vmem>> -> memref<1x128x16xf32, #tpu.memory_space<vmem>>
        %dma_wait3A_391 = tpu.memref_squeeze %dma_wait3A_390 : memref<1x128x16xf32, #tpu.memory_space<vmem>> -> memref<128x16xf32, #tpu.memory_space<vmem>>
        %dma_wait3A_392 = arith.constant 0 : i32
        %dma_wait3A_393 = tpu.memref_slice %arg8[%add3A_233, %dma_wait3A_392] : memref<84x128xi32, #tpu.memory_space<vmem>> -> memref<1x128xi32, #tpu.memory_space<vmem>>
        %dma_wait3A_394 = tpu.memref_squeeze %dma_wait3A_393 : memref<1x128xi32, #tpu.memory_space<vmem>> -> memref<128xi32, #tpu.memory_space<vmem>>
        %dma_wait3A_395 = arith.constant 0 : i32
        %dma_wait3A_396 = arith.constant 0 : i32
        %dma_wait3A_397 = tpu.memref_slice %arg10[%dma_wait3A_395, %dma_wait3A_396] : memref<10112x16xf32, #tpu.memory_space<vmem_shared>> -> memref<10112x16xf32, #tpu.memory_space<vmem_shared>>
        tpu.wait_indirect_dma semaphore(%run_scoped3A_377 : memref<!tpu.dma_semaphore, #tpu.memory_space<semaphore_mem>>) src(%dma_wait3A_391 : memref<128x16xf32, #tpu.memory_space<vmem>>) dst(%dma_wait3A_397 : memref<10112x16xf32, #tpu.memory_space<vmem_shared>>)
        tpu.yield
      }) : () -> ()
      %add3A_261 = arith.constant 2 : i32
      %add3A_262 = arith.addi %add3A_203, %add3A_261 : i32
      %add3A_263 = arith.constant 6 : i32
      %add3A_264 = arith.addi %add3A_262, %add3A_263 : i32
      %sub3A_265 = arith.constant 1 : i32
      %sub3A_266 = arith.subi %add3A_264, %sub3A_265 : i32
      %dma_start3A_267 = arith.constant 1 : i32
      %dma_start3A_268 = arith.constant 0 : i32
      %dma_start3A_269 = arith.constant 0 : i32
      %dma_start3A_270 = tpu.memref_slice %arg9[%dma_start3A_267, %dma_start3A_268, %dma_start3A_269] : memref<6x128x16xf32, #tpu.memory_space<vmem>> -> memref<1x128x16xf32, #tpu.memory_space<vmem>>
      %dma_start3A_271 = tpu.memref_squeeze %dma_start3A_270 : memref<1x128x16xf32, #tpu.memory_space<vmem>> -> memref<128x16xf32, #tpu.memory_space<vmem>>
      %dma_start3A_272 = arith.constant 0 : i32
      %dma_start3A_273 = tpu.memref_slice %arg7[%sub3A_266, %dma_start3A_272] : memref<84x128xi32, #tpu.memory_space<vmem>> -> memref<1x128xi32, #tpu.memory_space<vmem>>
      %dma_start3A_274 = tpu.memref_squeeze %dma_start3A_273 : memref<1x128xi32, #tpu.memory_space<vmem>> -> memref<128xi32, #tpu.memory_space<vmem>>
      %dma_start3A_275 = arith.constant 0 : i32
      %dma_start3A_276 = arith.constant 0 : i32
      %dma_start3A_277 = tpu.memref_slice %arg2[%dma_start3A_275, %dma_start3A_276] : memref<10112x16xf32, #tpu.memory_space<hbm>> -> memref<10112x16xf32, #tpu.memory_space<hbm>>
      tpu.enqueue_indirect_dma source(%dma_start3A_277 : memref<10112x16xf32, #tpu.memory_space<hbm>>) target(%dma_start3A_271 : memref<128x16xf32, #tpu.memory_space<vmem>>) offsets(%dma_start3A_274 : memref<128xi32, #tpu.memory_space<vmem>>) semaphore(%arg12 : memref<!tpu.dma_semaphore, #tpu.memory_space<semaphore_mem>>)
      %dma_wait3A_278 = arith.constant 2 : i32
      %dma_wait3A_279 = arith.constant 0 : i32
      %dma_wait3A_280 = arith.constant 0 : i32
      %dma_wait3A_281 = tpu.memref_slice %arg9[%dma_wait3A_278, %dma_wait3A_279, %dma_wait3A_280] : memref<6x128x16xf32, #tpu.memory_space<vmem>> -> memref<1x128x16xf32, #tpu.memory_space<vmem>>
      %dma_wait3A_282 = tpu.memref_squeeze %dma_wait3A_281 : memref<1x128x16xf32, #tpu.memory_space<vmem>> -> memref<128x16xf32, #tpu.memory_space<vmem>>
      %dma_wait3A_283 = arith.constant 0 : i32
      %dma_wait3A_284 = tpu.memref_slice %arg7[%add3A_262, %dma_wait3A_283] : memref<84x128xi32, #tpu.memory_space<vmem>> -> memref<1x128xi32, #tpu.memory_space<vmem>>
      %dma_wait3A_285 = tpu.memref_squeeze %dma_wait3A_284 : memref<1x128xi32, #tpu.memory_space<vmem>> -> memref<128xi32, #tpu.memory_space<vmem>>
      %dma_wait3A_286 = arith.constant 0 : i32
      %dma_wait3A_287 = arith.constant 0 : i32
      %dma_wait3A_288 = tpu.memref_slice %arg2[%dma_wait3A_286, %dma_wait3A_287] : memref<10112x16xf32, #tpu.memory_space<hbm>> -> memref<10112x16xf32, #tpu.memory_space<hbm>>
      tpu.wait_indirect_dma semaphore(%arg13 : memref<!tpu.dma_semaphore, #tpu.memory_space<semaphore_mem>>) src(%dma_wait3A_288 : memref<10112x16xf32, #tpu.memory_space<hbm>>) dst(%dma_wait3A_282 : memref<128x16xf32, #tpu.memory_space<vmem>>)
      %run_scoped3A_289 = arith.constant 2 : i32
      "tpu.region"() ({
        %run_scoped3A_377 = tpu.sem_alloc : memref<!tpu.dma_semaphore, #tpu.memory_space<semaphore_mem>>
        %dma_start3A_378 = arith.constant 0 : i32
        %dma_start3A_379 = arith.constant 0 : i32
        %dma_start3A_380 = tpu.memref_slice %arg9[%run_scoped3A_289, %dma_start3A_378, %dma_start3A_379] : memref<6x128x16xf32, #tpu.memory_space<vmem>> -> memref<1x128x16xf32, #tpu.memory_space<vmem>>
        %dma_start3A_381 = tpu.memref_squeeze %dma_start3A_380 : memref<1x128x16xf32, #tpu.memory_space<vmem>> -> memref<128x16xf32, #tpu.memory_space<vmem>>
        %dma_start3A_382 = arith.constant 0 : i32
        %dma_start3A_383 = tpu.memref_slice %arg8[%add3A_262, %dma_start3A_382] : memref<84x128xi32, #tpu.memory_space<vmem>> -> memref<1x128xi32, #tpu.memory_space<vmem>>
        %dma_start3A_384 = tpu.memref_squeeze %dma_start3A_383 : memref<1x128xi32, #tpu.memory_space<vmem>> -> memref<128xi32, #tpu.memory_space<vmem>>
        %dma_start3A_385 = arith.constant 0 : i32
        %dma_start3A_386 = arith.constant 0 : i32
        %dma_start3A_387 = tpu.memref_slice %arg10[%dma_start3A_385, %dma_start3A_386] : memref<10112x16xf32, #tpu.memory_space<vmem_shared>> -> memref<10112x16xf32, #tpu.memory_space<vmem_shared>>
        tpu.enqueue_indirect_dma source(%dma_start3A_381 : memref<128x16xf32, #tpu.memory_space<vmem>>) target(%dma_start3A_387 : memref<10112x16xf32, #tpu.memory_space<vmem_shared>>) offsets(%dma_start3A_384 : memref<128xi32, #tpu.memory_space<vmem>>) semaphore(%run_scoped3A_377 : memref<!tpu.dma_semaphore, #tpu.memory_space<semaphore_mem>>) {add = true}
        %dma_wait3A_388 = arith.constant 0 : i32
        %dma_wait3A_389 = arith.constant 0 : i32
        %dma_wait3A_390 = tpu.memref_slice %arg9[%run_scoped3A_289, %dma_wait3A_388, %dma_wait3A_389] : memref<6x128x16xf32, #tpu.memory_space<vmem>> -> memref<1x128x16xf32, #tpu.memory_space<vmem>>
        %dma_wait3A_391 = tpu.memref_squeeze %dma_wait3A_390 : memref<1x128x16xf32, #tpu.memory_space<vmem>> -> memref<128x16xf32, #tpu.memory_space<vmem>>
        %dma_wait3A_392 = arith.constant 0 : i32
        %dma_wait3A_393 = tpu.memref_slice %arg8[%add3A_262, %dma_wait3A_392] : memref<84x128xi32, #tpu.memory_space<vmem>> -> memref<1x128xi32, #tpu.memory_space<vmem>>
        %dma_wait3A_394 = tpu.memref_squeeze %dma_wait3A_393 : memref<1x128xi32, #tpu.memory_space<vmem>> -> memref<128xi32, #tpu.memory_space<vmem>>
        %dma_wait3A_395 = arith.constant 0 : i32
        %dma_wait3A_396 = arith.constant 0 : i32
        %dma_wait3A_397 = tpu.memref_slice %arg10[%dma_wait3A_395, %dma_wait3A_396] : memref<10112x16xf32, #tpu.memory_space<vmem_shared>> -> memref<10112x16xf32, #tpu.memory_space<vmem_shared>>
        tpu.wait_indirect_dma semaphore(%run_scoped3A_377 : memref<!tpu.dma_semaphore, #tpu.memory_space<semaphore_mem>>) src(%dma_wait3A_391 : memref<128x16xf32, #tpu.memory_space<vmem>>) dst(%dma_wait3A_397 : memref<10112x16xf32, #tpu.memory_space<vmem_shared>>)
        tpu.yield
      }) : () -> ()
      %add3A_290 = arith.constant 3 : i32
      %add3A_291 = arith.addi %add3A_203, %add3A_290 : i32
      %add3A_292 = arith.constant 6 : i32
      %add3A_293 = arith.addi %add3A_291, %add3A_292 : i32
      %sub3A_294 = arith.constant 1 : i32
      %sub3A_295 = arith.subi %add3A_293, %sub3A_294 : i32
      %dma_start3A_296 = arith.constant 2 : i32
      %dma_start3A_297 = arith.constant 0 : i32
      %dma_start3A_298 = arith.constant 0 : i32
      %dma_start3A_299 = tpu.memref_slice %arg9[%dma_start3A_296, %dma_start3A_297, %dma_start3A_298] : memref<6x128x16xf32, #tpu.memory_space<vmem>> -> memref<1x128x16xf32, #tpu.memory_space<vmem>>
      %dma_start3A_300 = tpu.memref_squeeze %dma_start3A_299 : memref<1x128x16xf32, #tpu.memory_space<vmem>> -> memref<128x16xf32, #tpu.memory_space<vmem>>
      %dma_start3A_301 = arith.constant 0 : i32
      %dma_start3A_302 = tpu.memref_slice %arg7[%sub3A_295, %dma_start3A_301] : memref<84x128xi32, #tpu.memory_space<vmem>> -> memref<1x128xi32, #tpu.memory_space<vmem>>
      %dma_start3A_303 = tpu.memref_squeeze %dma_start3A_302 : memref<1x128xi32, #tpu.memory_space<vmem>> -> memref<128xi32, #tpu.memory_space<vmem>>
      %dma_start3A_304 = arith.constant 0 : i32
      %dma_start3A_305 = arith.constant 0 : i32
      %dma_start3A_306 = tpu.memref_slice %arg2[%dma_start3A_304, %dma_start3A_305] : memref<10112x16xf32, #tpu.memory_space<hbm>> -> memref<10112x16xf32, #tpu.memory_space<hbm>>
      tpu.enqueue_indirect_dma source(%dma_start3A_306 : memref<10112x16xf32, #tpu.memory_space<hbm>>) target(%dma_start3A_300 : memref<128x16xf32, #tpu.memory_space<vmem>>) offsets(%dma_start3A_303 : memref<128xi32, #tpu.memory_space<vmem>>) semaphore(%arg13 : memref<!tpu.dma_semaphore, #tpu.memory_space<semaphore_mem>>)
      %dma_wait3A_307 = arith.constant 3 : i32
      %dma_wait3A_308 = arith.constant 0 : i32
      %dma_wait3A_309 = arith.constant 0 : i32
      %dma_wait3A_310 = tpu.memref_slice %arg9[%dma_wait3A_307, %dma_wait3A_308, %dma_wait3A_309] : memref<6x128x16xf32, #tpu.memory_space<vmem>> -> memref<1x128x16xf32, #tpu.memory_space<vmem>>
      %dma_wait3A_311 = tpu.memref_squeeze %dma_wait3A_310 : memref<1x128x16xf32, #tpu.memory_space<vmem>> -> memref<128x16xf32, #tpu.memory_space<vmem>>
      %dma_wait3A_312 = arith.constant 0 : i32
      %dma_wait3A_313 = tpu.memref_slice %arg7[%add3A_291, %dma_wait3A_312] : memref<84x128xi32, #tpu.memory_space<vmem>> -> memref<1x128xi32, #tpu.memory_space<vmem>>
      %dma_wait3A_314 = tpu.memref_squeeze %dma_wait3A_313 : memref<1x128xi32, #tpu.memory_space<vmem>> -> memref<128xi32, #tpu.memory_space<vmem>>
      %dma_wait3A_315 = arith.constant 0 : i32
      %dma_wait3A_316 = arith.constant 0 : i32
      %dma_wait3A_317 = tpu.memref_slice %arg2[%dma_wait3A_315, %dma_wait3A_316] : memref<10112x16xf32, #tpu.memory_space<hbm>> -> memref<10112x16xf32, #tpu.memory_space<hbm>>
      tpu.wait_indirect_dma semaphore(%arg14 : memref<!tpu.dma_semaphore, #tpu.memory_space<semaphore_mem>>) src(%dma_wait3A_317 : memref<10112x16xf32, #tpu.memory_space<hbm>>) dst(%dma_wait3A_311 : memref<128x16xf32, #tpu.memory_space<vmem>>)
      %run_scoped3A_318 = arith.constant 3 : i32
      "tpu.region"() ({
        %run_scoped3A_377 = tpu.sem_alloc : memref<!tpu.dma_semaphore, #tpu.memory_space<semaphore_mem>>
        %dma_start3A_378 = arith.constant 0 : i32
        %dma_start3A_379 = arith.constant 0 : i32
        %dma_start3A_380 = tpu.memref_slice %arg9[%run_scoped3A_318, %dma_start3A_378, %dma_start3A_379] : memref<6x128x16xf32, #tpu.memory_space<vmem>> -> memref<1x128x16xf32, #tpu.memory_space<vmem>>
        %dma_start3A_381 = tpu.memref_squeeze %dma_start3A_380 : memref<1x128x16xf32, #tpu.memory_space<vmem>> -> memref<128x16xf32, #tpu.memory_space<vmem>>
        %dma_start3A_382 = arith.constant 0 : i32
        %dma_start3A_383 = tpu.memref_slice %arg8[%add3A_291, %dma_start3A_382] : memref<84x128xi32, #tpu.memory_space<vmem>> -> memref<1x128xi32, #tpu.memory_space<vmem>>
        %dma_start3A_384 = tpu.memref_squeeze %dma_start3A_383 : memref<1x128xi32, #tpu.memory_space<vmem>> -> memref<128xi32, #tpu.memory_space<vmem>>
        %dma_start3A_385 = arith.constant 0 : i32
        %dma_start3A_386 = arith.constant 0 : i32
        %dma_start3A_387 = tpu.memref_slice %arg10[%dma_start3A_385, %dma_start3A_386] : memref<10112x16xf32, #tpu.memory_space<vmem_shared>> -> memref<10112x16xf32, #tpu.memory_space<vmem_shared>>
        tpu.enqueue_indirect_dma source(%dma_start3A_381 : memref<128x16xf32, #tpu.memory_space<vmem>>) target(%dma_start3A_387 : memref<10112x16xf32, #tpu.memory_space<vmem_shared>>) offsets(%dma_start3A_384 : memref<128xi32, #tpu.memory_space<vmem>>) semaphore(%run_scoped3A_377 : memref<!tpu.dma_semaphore, #tpu.memory_space<semaphore_mem>>) {add = true}
        %dma_wait3A_388 = arith.constant 0 : i32
        %dma_wait3A_389 = arith.constant 0 : i32
        %dma_wait3A_390 = tpu.memref_slice %arg9[%run_scoped3A_318, %dma_wait3A_388, %dma_wait3A_389] : memref<6x128x16xf32, #tpu.memory_space<vmem>> -> memref<1x128x16xf32, #tpu.memory_space<vmem>>
        %dma_wait3A_391 = tpu.memref_squeeze %dma_wait3A_390 : memref<1x128x16xf32, #tpu.memory_space<vmem>> -> memref<128x16xf32, #tpu.memory_space<vmem>>
        %dma_wait3A_392 = arith.constant 0 : i32
        %dma_wait3A_393 = tpu.memref_slice %arg8[%add3A_291, %dma_wait3A_392] : memref<84x128xi32, #tpu.memory_space<vmem>> -> memref<1x128xi32, #tpu.memory_space<vmem>>
        %dma_wait3A_394 = tpu.memref_squeeze %dma_wait3A_393 : memref<1x128xi32, #tpu.memory_space<vmem>> -> memref<128xi32, #tpu.memory_space<vmem>>
        %dma_wait3A_395 = arith.constant 0 : i32
        %dma_wait3A_396 = arith.constant 0 : i32
        %dma_wait3A_397 = tpu.memref_slice %arg10[%dma_wait3A_395, %dma_wait3A_396] : memref<10112x16xf32, #tpu.memory_space<vmem_shared>> -> memref<10112x16xf32, #tpu.memory_space<vmem_shared>>
        tpu.wait_indirect_dma semaphore(%run_scoped3A_377 : memref<!tpu.dma_semaphore, #tpu.memory_space<semaphore_mem>>) src(%dma_wait3A_391 : memref<128x16xf32, #tpu.memory_space<vmem>>) dst(%dma_wait3A_397 : memref<10112x16xf32, #tpu.memory_space<vmem_shared>>)
        tpu.yield
      }) : () -> ()
      %add3A_319 = arith.constant 4 : i32
      %add3A_320 = arith.addi %add3A_203, %add3A_319 : i32
      %add3A_321 = arith.constant 6 : i32
      %add3A_322 = arith.addi %add3A_320, %add3A_321 : i32
      %sub3A_323 = arith.constant 1 : i32
      %sub3A_324 = arith.subi %add3A_322, %sub3A_323 : i32
      %dma_start3A_325 = arith.constant 3 : i32
      %dma_start3A_326 = arith.constant 0 : i32
      %dma_start3A_327 = arith.constant 0 : i32
      %dma_start3A_328 = tpu.memref_slice %arg9[%dma_start3A_325, %dma_start3A_326, %dma_start3A_327] : memref<6x128x16xf32, #tpu.memory_space<vmem>> -> memref<1x128x16xf32, #tpu.memory_space<vmem>>
      %dma_start3A_329 = tpu.memref_squeeze %dma_start3A_328 : memref<1x128x16xf32, #tpu.memory_space<vmem>> -> memref<128x16xf32, #tpu.memory_space<vmem>>
      %dma_start3A_330 = arith.constant 0 : i32
      %dma_start3A_331 = tpu.memref_slice %arg7[%sub3A_324, %dma_start3A_330] : memref<84x128xi32, #tpu.memory_space<vmem>> -> memref<1x128xi32, #tpu.memory_space<vmem>>
      %dma_start3A_332 = tpu.memref_squeeze %dma_start3A_331 : memref<1x128xi32, #tpu.memory_space<vmem>> -> memref<128xi32, #tpu.memory_space<vmem>>
      %dma_start3A_333 = arith.constant 0 : i32
      %dma_start3A_334 = arith.constant 0 : i32
      %dma_start3A_335 = tpu.memref_slice %arg2[%dma_start3A_333, %dma_start3A_334] : memref<10112x16xf32, #tpu.memory_space<hbm>> -> memref<10112x16xf32, #tpu.memory_space<hbm>>
      tpu.enqueue_indirect_dma source(%dma_start3A_335 : memref<10112x16xf32, #tpu.memory_space<hbm>>) target(%dma_start3A_329 : memref<128x16xf32, #tpu.memory_space<vmem>>) offsets(%dma_start3A_332 : memref<128xi32, #tpu.memory_space<vmem>>) semaphore(%arg14 : memref<!tpu.dma_semaphore, #tpu.memory_space<semaphore_mem>>)
      %dma_wait3A_336 = arith.constant 4 : i32
      %dma_wait3A_337 = arith.constant 0 : i32
      %dma_wait3A_338 = arith.constant 0 : i32
      %dma_wait3A_339 = tpu.memref_slice %arg9[%dma_wait3A_336, %dma_wait3A_337, %dma_wait3A_338] : memref<6x128x16xf32, #tpu.memory_space<vmem>> -> memref<1x128x16xf32, #tpu.memory_space<vmem>>
      %dma_wait3A_340 = tpu.memref_squeeze %dma_wait3A_339 : memref<1x128x16xf32, #tpu.memory_space<vmem>> -> memref<128x16xf32, #tpu.memory_space<vmem>>
      %dma_wait3A_341 = arith.constant 0 : i32
      %dma_wait3A_342 = tpu.memref_slice %arg7[%add3A_320, %dma_wait3A_341] : memref<84x128xi32, #tpu.memory_space<vmem>> -> memref<1x128xi32, #tpu.memory_space<vmem>>
      %dma_wait3A_343 = tpu.memref_squeeze %dma_wait3A_342 : memref<1x128xi32, #tpu.memory_space<vmem>> -> memref<128xi32, #tpu.memory_space<vmem>>
      %dma_wait3A_344 = arith.constant 0 : i32
      %dma_wait3A_345 = arith.constant 0 : i32
      %dma_wait3A_346 = tpu.memref_slice %arg2[%dma_wait3A_344, %dma_wait3A_345] : memref<10112x16xf32, #tpu.memory_space<hbm>> -> memref<10112x16xf32, #tpu.memory_space<hbm>>
      tpu.wait_indirect_dma semaphore(%arg15 : memref<!tpu.dma_semaphore, #tpu.memory_space<semaphore_mem>>) src(%dma_wait3A_346 : memref<10112x16xf32, #tpu.memory_space<hbm>>) dst(%dma_wait3A_340 : memref<128x16xf32, #tpu.memory_space<vmem>>)
      %run_scoped3A_347 = arith.constant 4 : i32
      "tpu.region"() ({
        %run_scoped3A_377 = tpu.sem_alloc : memref<!tpu.dma_semaphore, #tpu.memory_space<semaphore_mem>>
        %dma_start3A_378 = arith.constant 0 : i32
        %dma_start3A_379 = arith.constant 0 : i32
        %dma_start3A_380 = tpu.memref_slice %arg9[%run_scoped3A_347, %dma_start3A_378, %dma_start3A_379] : memref<6x128x16xf32, #tpu.memory_space<vmem>> -> memref<1x128x16xf32, #tpu.memory_space<vmem>>
        %dma_start3A_381 = tpu.memref_squeeze %dma_start3A_380 : memref<1x128x16xf32, #tpu.memory_space<vmem>> -> memref<128x16xf32, #tpu.memory_space<vmem>>
        %dma_start3A_382 = arith.constant 0 : i32
        %dma_start3A_383 = tpu.memref_slice %arg8[%add3A_320, %dma_start3A_382] : memref<84x128xi32, #tpu.memory_space<vmem>> -> memref<1x128xi32, #tpu.memory_space<vmem>>
        %dma_start3A_384 = tpu.memref_squeeze %dma_start3A_383 : memref<1x128xi32, #tpu.memory_space<vmem>> -> memref<128xi32, #tpu.memory_space<vmem>>
        %dma_start3A_385 = arith.constant 0 : i32
        %dma_start3A_386 = arith.constant 0 : i32
        %dma_start3A_387 = tpu.memref_slice %arg10[%dma_start3A_385, %dma_start3A_386] : memref<10112x16xf32, #tpu.memory_space<vmem_shared>> -> memref<10112x16xf32, #tpu.memory_space<vmem_shared>>
        tpu.enqueue_indirect_dma source(%dma_start3A_381 : memref<128x16xf32, #tpu.memory_space<vmem>>) target(%dma_start3A_387 : memref<10112x16xf32, #tpu.memory_space<vmem_shared>>) offsets(%dma_start3A_384 : memref<128xi32, #tpu.memory_space<vmem>>) semaphore(%run_scoped3A_377 : memref<!tpu.dma_semaphore, #tpu.memory_space<semaphore_mem>>) {add = true}
        %dma_wait3A_388 = arith.constant 0 : i32
        %dma_wait3A_389 = arith.constant 0 : i32
        %dma_wait3A_390 = tpu.memref_slice %arg9[%run_scoped3A_347, %dma_wait3A_388, %dma_wait3A_389] : memref<6x128x16xf32, #tpu.memory_space<vmem>> -> memref<1x128x16xf32, #tpu.memory_space<vmem>>
        %dma_wait3A_391 = tpu.memref_squeeze %dma_wait3A_390 : memref<1x128x16xf32, #tpu.memory_space<vmem>> -> memref<128x16xf32, #tpu.memory_space<vmem>>
        %dma_wait3A_392 = arith.constant 0 : i32
        %dma_wait3A_393 = tpu.memref_slice %arg8[%add3A_320, %dma_wait3A_392] : memref<84x128xi32, #tpu.memory_space<vmem>> -> memref<1x128xi32, #tpu.memory_space<vmem>>
        %dma_wait3A_394 = tpu.memref_squeeze %dma_wait3A_393 : memref<1x128xi32, #tpu.memory_space<vmem>> -> memref<128xi32, #tpu.memory_space<vmem>>
        %dma_wait3A_395 = arith.constant 0 : i32
        %dma_wait3A_396 = arith.constant 0 : i32
        %dma_wait3A_397 = tpu.memref_slice %arg10[%dma_wait3A_395, %dma_wait3A_396] : memref<10112x16xf32, #tpu.memory_space<vmem_shared>> -> memref<10112x16xf32, #tpu.memory_space<vmem_shared>>
        tpu.wait_indirect_dma semaphore(%run_scoped3A_377 : memref<!tpu.dma_semaphore, #tpu.memory_space<semaphore_mem>>) src(%dma_wait3A_391 : memref<128x16xf32, #tpu.memory_space<vmem>>) dst(%dma_wait3A_397 : memref<10112x16xf32, #tpu.memory_space<vmem_shared>>)
        tpu.yield
      }) : () -> ()
      %add3A_348 = arith.constant 5 : i32
      %add3A_349 = arith.addi %add3A_203, %add3A_348 : i32
      %add3A_350 = arith.constant 6 : i32
      %add3A_351 = arith.addi %add3A_349, %add3A_350 : i32
      %sub3A_352 = arith.constant 1 : i32
      %sub3A_353 = arith.subi %add3A_351, %sub3A_352 : i32
      %dma_start3A_354 = arith.constant 4 : i32
      %dma_start3A_355 = arith.constant 0 : i32
      %dma_start3A_356 = arith.constant 0 : i32
      %dma_start3A_357 = tpu.memref_slice %arg9[%dma_start3A_354, %dma_start3A_355, %dma_start3A_356] : memref<6x128x16xf32, #tpu.memory_space<vmem>> -> memref<1x128x16xf32, #tpu.memory_space<vmem>>
      %dma_start3A_358 = tpu.memref_squeeze %dma_start3A_357 : memref<1x128x16xf32, #tpu.memory_space<vmem>> -> memref<128x16xf32, #tpu.memory_space<vmem>>
      %dma_start3A_359 = arith.constant 0 : i32
      %dma_start3A_360 = tpu.memref_slice %arg7[%sub3A_353, %dma_start3A_359] : memref<84x128xi32, #tpu.memory_space<vmem>> -> memref<1x128xi32, #tpu.memory_space<vmem>>
      %dma_start3A_361 = tpu.memref_squeeze %dma_start3A_360 : memref<1x128xi32, #tpu.memory_space<vmem>> -> memref<128xi32, #tpu.memory_space<vmem>>
      %dma_start3A_362 = arith.constant 0 : i32
      %dma_start3A_363 = arith.constant 0 : i32
      %dma_start3A_364 = tpu.memref_slice %arg2[%dma_start3A_362, %dma_start3A_363] : memref<10112x16xf32, #tpu.memory_space<hbm>> -> memref<10112x16xf32, #tpu.memory_space<hbm>>
      tpu.enqueue_indirect_dma source(%dma_start3A_364 : memref<10112x16xf32, #tpu.memory_space<hbm>>) target(%dma_start3A_358 : memref<128x16xf32, #tpu.memory_space<vmem>>) offsets(%dma_start3A_361 : memref<128xi32, #tpu.memory_space<vmem>>) semaphore(%arg15 : memref<!tpu.dma_semaphore, #tpu.memory_space<semaphore_mem>>)
      %dma_wait3A_365 = arith.constant 5 : i32
      %dma_wait3A_366 = arith.constant 0 : i32
      %dma_wait3A_367 = arith.constant 0 : i32
      %dma_wait3A_368 = tpu.memref_slice %arg9[%dma_wait3A_365, %dma_wait3A_366, %dma_wait3A_367] : memref<6x128x16xf32, #tpu.memory_space<vmem>> -> memref<1x128x16xf32, #tpu.memory_space<vmem>>
      %dma_wait3A_369 = tpu.memref_squeeze %dma_wait3A_368 : memref<1x128x16xf32, #tpu.memory_space<vmem>> -> memref<128x16xf32, #tpu.memory_space<vmem>>
      %dma_wait3A_370 = arith.constant 0 : i32
      %dma_wait3A_371 = tpu.memref_slice %arg7[%add3A_349, %dma_wait3A_370] : memref<84x128xi32, #tpu.memory_space<vmem>> -> memref<1x128xi32, #tpu.memory_space<vmem>>
      %dma_wait3A_372 = tpu.memref_squeeze %dma_wait3A_371 : memref<1x128xi32, #tpu.memory_space<vmem>> -> memref<128xi32, #tpu.memory_space<vmem>>
      %dma_wait3A_373 = arith.constant 0 : i32
      %dma_wait3A_374 = arith.constant 0 : i32
      %dma_wait3A_375 = tpu.memref_slice %arg2[%dma_wait3A_373, %dma_wait3A_374] : memref<10112x16xf32, #tpu.memory_space<hbm>> -> memref<10112x16xf32, #tpu.memory_space<hbm>>
      tpu.wait_indirect_dma semaphore(%arg16 : memref<!tpu.dma_semaphore, #tpu.memory_space<semaphore_mem>>) src(%dma_wait3A_375 : memref<10112x16xf32, #tpu.memory_space<hbm>>) dst(%dma_wait3A_369 : memref<128x16xf32, #tpu.memory_space<vmem>>)
      %run_scoped3A_376 = arith.constant 5 : i32
      "tpu.region"() ({
        %run_scoped3A_377 = tpu.sem_alloc : memref<!tpu.dma_semaphore, #tpu.memory_space<semaphore_mem>>
        %dma_start3A_378 = arith.constant 0 : i32
        %dma_start3A_379 = arith.constant 0 : i32
        %dma_start3A_380 = tpu.memref_slice %arg9[%run_scoped3A_376, %dma_start3A_378, %dma_start3A_379] : memref<6x128x16xf32, #tpu.memory_space<vmem>> -> memref<1x128x16xf32, #tpu.memory_space<vmem>>
        %dma_start3A_381 = tpu.memref_squeeze %dma_start3A_380 : memref<1x128x16xf32, #tpu.memory_space<vmem>> -> memref<128x16xf32, #tpu.memory_space<vmem>>
        %dma_start3A_382 = arith.constant 0 : i32
        %dma_start3A_383 = tpu.memref_slice %arg8[%add3A_349, %dma_start3A_382] : memref<84x128xi32, #tpu.memory_space<vmem>> -> memref<1x128xi32, #tpu.memory_space<vmem>>
        %dma_start3A_384 = tpu.memref_squeeze %dma_start3A_383 : memref<1x128xi32, #tpu.memory_space<vmem>> -> memref<128xi32, #tpu.memory_space<vmem>>
        %dma_start3A_385 = arith.constant 0 : i32
        %dma_start3A_386 = arith.constant 0 : i32
        %dma_start3A_387 = tpu.memref_slice %arg10[%dma_start3A_385, %dma_start3A_386] : memref<10112x16xf32, #tpu.memory_space<vmem_shared>> -> memref<10112x16xf32, #tpu.memory_space<vmem_shared>>
        tpu.enqueue_indirect_dma source(%dma_start3A_381 : memref<128x16xf32, #tpu.memory_space<vmem>>) target(%dma_start3A_387 : memref<10112x16xf32, #tpu.memory_space<vmem_shared>>) offsets(%dma_start3A_384 : memref<128xi32, #tpu.memory_space<vmem>>) semaphore(%run_scoped3A_377 : memref<!tpu.dma_semaphore, #tpu.memory_space<semaphore_mem>>) {add = true}
        %dma_wait3A_388 = arith.constant 0 : i32
        %dma_wait3A_389 = arith.constant 0 : i32
        %dma_wait3A_390 = tpu.memref_slice %arg9[%run_scoped3A_376, %dma_wait3A_388, %dma_wait3A_389] : memref<6x128x16xf32, #tpu.memory_space<vmem>> -> memref<1x128x16xf32, #tpu.memory_space<vmem>>
        %dma_wait3A_391 = tpu.memref_squeeze %dma_wait3A_390 : memref<1x128x16xf32, #tpu.memory_space<vmem>> -> memref<128x16xf32, #tpu.memory_space<vmem>>
        %dma_wait3A_392 = arith.constant 0 : i32
        %dma_wait3A_393 = tpu.memref_slice %arg8[%add3A_349, %dma_wait3A_392] : memref<84x128xi32, #tpu.memory_space<vmem>> -> memref<1x128xi32, #tpu.memory_space<vmem>>
        %dma_wait3A_394 = tpu.memref_squeeze %dma_wait3A_393 : memref<1x128xi32, #tpu.memory_space<vmem>> -> memref<128xi32, #tpu.memory_space<vmem>>
        %dma_wait3A_395 = arith.constant 0 : i32
        %dma_wait3A_396 = arith.constant 0 : i32
        %dma_wait3A_397 = tpu.memref_slice %arg10[%dma_wait3A_395, %dma_wait3A_396] : memref<10112x16xf32, #tpu.memory_space<vmem_shared>> -> memref<10112x16xf32, #tpu.memory_space<vmem_shared>>
        tpu.wait_indirect_dma semaphore(%run_scoped3A_377 : memref<!tpu.dma_semaphore, #tpu.memory_space<semaphore_mem>>) src(%dma_wait3A_391 : memref<128x16xf32, #tpu.memory_space<vmem>>) dst(%dma_wait3A_397 : memref<10112x16xf32, #tpu.memory_space<vmem_shared>>)
        tpu.yield
      }) : () -> ()
    }
    %scan3A_98 = arith.constant 13 : i32
    %dma_start3A_99 = arith.constant 83 : i32
    %dma_start3A_100 = arith.constant 5 : i32
    %dma_start3A_101 = arith.constant 0 : i32
    %dma_start3A_102 = arith.constant 0 : i32
    %dma_start3A_103 = tpu.memref_slice %arg9[%dma_start3A_100, %dma_start3A_101, %dma_start3A_102] : memref<6x128x16xf32, #tpu.memory_space<vmem>> -> memref<1x128x16xf32, #tpu.memory_space<vmem>>
    %dma_start3A_104 = tpu.memref_squeeze %dma_start3A_103 : memref<1x128x16xf32, #tpu.memory_space<vmem>> -> memref<128x16xf32, #tpu.memory_space<vmem>>
    %dma_start3A_105 = arith.constant 0 : i32
    %dma_start3A_106 = tpu.memref_slice %arg7[%dma_start3A_99, %dma_start3A_105] : memref<84x128xi32, #tpu.memory_space<vmem>> -> memref<1x128xi32, #tpu.memory_space<vmem>>
    %dma_start3A_107 = tpu.memref_squeeze %dma_start3A_106 : memref<1x128xi32, #tpu.memory_space<vmem>> -> memref<128xi32, #tpu.memory_space<vmem>>
    %dma_start3A_108 = arith.constant 0 : i32
    %dma_start3A_109 = arith.constant 0 : i32
    %dma_start3A_110 = tpu.memref_slice %arg2[%dma_start3A_108, %dma_start3A_109] : memref<10112x16xf32, #tpu.memory_space<hbm>> -> memref<10112x16xf32, #tpu.memory_space<hbm>>
    tpu.enqueue_indirect_dma source(%dma_start3A_110 : memref<10112x16xf32, #tpu.memory_space<hbm>>) target(%dma_start3A_104 : memref<128x16xf32, #tpu.memory_space<vmem>>) offsets(%dma_start3A_107 : memref<128xi32, #tpu.memory_space<vmem>>) semaphore(%arg16 : memref<!tpu.dma_semaphore, #tpu.memory_space<semaphore_mem>>)
    %dma_wait3A_111 = arith.constant 78 : i32
    %dma_wait3A_112 = arith.constant 0 : i32
    %dma_wait3A_113 = arith.constant 0 : i32
    %dma_wait3A_114 = arith.constant 0 : i32
    %dma_wait3A_115 = tpu.memref_slice %arg9[%dma_wait3A_112, %dma_wait3A_113, %dma_wait3A_114] : memref<6x128x16xf32, #tpu.memory_space<vmem>> -> memref<1x128x16xf32, #tpu.memory_space<vmem>>
    %dma_wait3A_116 = tpu.memref_squeeze %dma_wait3A_115 : memref<1x128x16xf32, #tpu.memory_space<vmem>> -> memref<128x16xf32, #tpu.memory_space<vmem>>
    %dma_wait3A_117 = arith.constant 0 : i32
    %dma_wait3A_118 = tpu.memref_slice %arg7[%dma_wait3A_111, %dma_wait3A_117] : memref<84x128xi32, #tpu.memory_space<vmem>> -> memref<1x128xi32, #tpu.memory_space<vmem>>
    %dma_wait3A_119 = tpu.memref_squeeze %dma_wait3A_118 : memref<1x128xi32, #tpu.memory_space<vmem>> -> memref<128xi32, #tpu.memory_space<vmem>>
    %dma_wait3A_120 = arith.constant 0 : i32
    %dma_wait3A_121 = arith.constant 0 : i32
    %dma_wait3A_122 = tpu.memref_slice %arg2[%dma_wait3A_120, %dma_wait3A_121] : memref<10112x16xf32, #tpu.memory_space<hbm>> -> memref<10112x16xf32, #tpu.memory_space<hbm>>
    tpu.wait_indirect_dma semaphore(%arg11 : memref<!tpu.dma_semaphore, #tpu.memory_space<semaphore_mem>>) src(%dma_wait3A_122 : memref<10112x16xf32, #tpu.memory_space<hbm>>) dst(%dma_wait3A_116 : memref<128x16xf32, #tpu.memory_space<vmem>>)
    %run_scoped3A = arith.constant 0 : i32
    %run_scoped3A_123 = arith.constant 78 : i32
    "tpu.region"() ({
      %run_scoped3A_199 = tpu.sem_alloc : memref<!tpu.dma_semaphore, #tpu.memory_space<semaphore_mem>>
      %dma_start3A_200 = arith.constant 0 : i32
      %dma_start3A_201 = arith.constant 0 : i32
      %dma_start3A_202 = tpu.memref_slice %arg9[%run_scoped3A, %dma_start3A_200, %dma_start3A_201] : memref<6x128x16xf32, #tpu.memory_space<vmem>> -> memref<1x128x16xf32, #tpu.memory_space<vmem>>
      %dma_start3A_203 = tpu.memref_squeeze %dma_start3A_202 : memref<1x128x16xf32, #tpu.memory_space<vmem>> -> memref<128x16xf32, #tpu.memory_space<vmem>>
      %dma_start3A_204 = arith.constant 0 : i32
      %dma_start3A_205 = tpu.memref_slice %arg8[%run_scoped3A_123, %dma_start3A_204] : memref<84x128xi32, #tpu.memory_space<vmem>> -> memref<1x128xi32, #tpu.memory_space<vmem>>
      %dma_start3A_206 = tpu.memref_squeeze %dma_start3A_205 : memref<1x128xi32, #tpu.memory_space<vmem>> -> memref<128xi32, #tpu.memory_space<vmem>>
      %dma_start3A_207 = arith.constant 0 : i32
      %dma_start3A_208 = arith.constant 0 : i32
      %dma_start3A_209 = tpu.memref_slice %arg10[%dma_start3A_207, %dma_start3A_208] : memref<10112x16xf32, #tpu.memory_space<vmem_shared>> -> memref<10112x16xf32, #tpu.memory_space<vmem_shared>>
      tpu.enqueue_indirect_dma source(%dma_start3A_203 : memref<128x16xf32, #tpu.memory_space<vmem>>) target(%dma_start3A_209 : memref<10112x16xf32, #tpu.memory_space<vmem_shared>>) offsets(%dma_start3A_206 : memref<128xi32, #tpu.memory_space<vmem>>) semaphore(%run_scoped3A_199 : memref<!tpu.dma_semaphore, #tpu.memory_space<semaphore_mem>>) {add = true}
      %dma_wait3A_210 = arith.constant 0 : i32
      %dma_wait3A_211 = arith.constant 0 : i32
      %dma_wait3A_212 = tpu.memref_slice %arg9[%run_scoped3A, %dma_wait3A_210, %dma_wait3A_211] : memref<6x128x16xf32, #tpu.memory_space<vmem>> -> memref<1x128x16xf32, #tpu.memory_space<vmem>>
      %dma_wait3A_213 = tpu.memref_squeeze %dma_wait3A_212 : memref<1x128x16xf32, #tpu.memory_space<vmem>> -> memref<128x16xf32, #tpu.memory_space<vmem>>
      %dma_wait3A_214 = arith.constant 0 : i32
      %dma_wait3A_215 = tpu.memref_slice %arg8[%run_scoped3A_123, %dma_wait3A_214] : memref<84x128xi32, #tpu.memory_space<vmem>> -> memref<1x128xi32, #tpu.memory_space<vmem>>
      %dma_wait3A_216 = tpu.memref_squeeze %dma_wait3A_215 : memref<1x128xi32, #tpu.memory_space<vmem>> -> memref<128xi32, #tpu.memory_space<vmem>>
      %dma_wait3A_217 = arith.constant 0 : i32
      %dma_wait3A_218 = arith.constant 0 : i32
      %dma_wait3A_219 = tpu.memref_slice %arg10[%dma_wait3A_217, %dma_wait3A_218] : memref<10112x16xf32, #tpu.memory_space<vmem_shared>> -> memref<10112x16xf32, #tpu.memory_space<vmem_shared>>
      tpu.wait_indirect_dma semaphore(%run_scoped3A_199 : memref<!tpu.dma_semaphore, #tpu.memory_space<semaphore_mem>>) src(%dma_wait3A_213 : memref<128x16xf32, #tpu.memory_space<vmem>>) dst(%dma_wait3A_219 : memref<10112x16xf32, #tpu.memory_space<vmem_shared>>)
      tpu.yield
    }) : () -> ()
    %dma_wait3A_124 = arith.constant 79 : i32
    %dma_wait3A_125 = arith.constant 1 : i32
    %dma_wait3A_126 = arith.constant 0 : i32
    %dma_wait3A_127 = arith.constant 0 : i32
    %dma_wait3A_128 = tpu.memref_slice %arg9[%dma_wait3A_125, %dma_wait3A_126, %dma_wait3A_127] : memref<6x128x16xf32, #tpu.memory_space<vmem>> -> memref<1x128x16xf32, #tpu.memory_space<vmem>>
    %dma_wait3A_129 = tpu.memref_squeeze %dma_wait3A_128 : memref<1x128x16xf32, #tpu.memory_space<vmem>> -> memref<128x16xf32, #tpu.memory_space<vmem>>
    %dma_wait3A_130 = arith.constant 0 : i32
    %dma_wait3A_131 = tpu.memref_slice %arg7[%dma_wait3A_124, %dma_wait3A_130] : memref<84x128xi32, #tpu.memory_space<vmem>> -> memref<1x128xi32, #tpu.memory_space<vmem>>
    %dma_wait3A_132 = tpu.memref_squeeze %dma_wait3A_131 : memref<1x128xi32, #tpu.memory_space<vmem>> -> memref<128xi32, #tpu.memory_space<vmem>>
    %dma_wait3A_133 = arith.constant 0 : i32
    %dma_wait3A_134 = arith.constant 0 : i32
    %dma_wait3A_135 = tpu.memref_slice %arg2[%dma_wait3A_133, %dma_wait3A_134] : memref<10112x16xf32, #tpu.memory_space<hbm>> -> memref<10112x16xf32, #tpu.memory_space<hbm>>
    tpu.wait_indirect_dma semaphore(%arg12 : memref<!tpu.dma_semaphore, #tpu.memory_space<semaphore_mem>>) src(%dma_wait3A_135 : memref<10112x16xf32, #tpu.memory_space<hbm>>) dst(%dma_wait3A_129 : memref<128x16xf32, #tpu.memory_space<vmem>>)
    %run_scoped3A_136 = arith.constant 1 : i32
    %run_scoped3A_137 = arith.constant 79 : i32
    "tpu.region"() ({
      %run_scoped3A_199 = tpu.sem_alloc : memref<!tpu.dma_semaphore, #tpu.memory_space<semaphore_mem>>
      %dma_start3A_200 = arith.constant 0 : i32
      %dma_start3A_201 = arith.constant 0 : i32
      %dma_start3A_202 = tpu.memref_slice %arg9[%run_scoped3A_136, %dma_start3A_200, %dma_start3A_201] : memref<6x128x16xf32, #tpu.memory_space<vmem>> -> memref<1x128x16xf32, #tpu.memory_space<vmem>>
      %dma_start3A_203 = tpu.memref_squeeze %dma_start3A_202 : memref<1x128x16xf32, #tpu.memory_space<vmem>> -> memref<128x16xf32, #tpu.memory_space<vmem>>
      %dma_start3A_204 = arith.constant 0 : i32
      %dma_start3A_205 = tpu.memref_slice %arg8[%run_scoped3A_137, %dma_start3A_204] : memref<84x128xi32, #tpu.memory_space<vmem>> -> memref<1x128xi32, #tpu.memory_space<vmem>>
      %dma_start3A_206 = tpu.memref_squeeze %dma_start3A_205 : memref<1x128xi32, #tpu.memory_space<vmem>> -> memref<128xi32, #tpu.memory_space<vmem>>
      %dma_start3A_207 = arith.constant 0 : i32
      %dma_start3A_208 = arith.constant 0 : i32
      %dma_start3A_209 = tpu.memref_slice %arg10[%dma_start3A_207, %dma_start3A_208] : memref<10112x16xf32, #tpu.memory_space<vmem_shared>> -> memref<10112x16xf32, #tpu.memory_space<vmem_shared>>
      tpu.enqueue_indirect_dma source(%dma_start3A_203 : memref<128x16xf32, #tpu.memory_space<vmem>>) target(%dma_start3A_209 : memref<10112x16xf32, #tpu.memory_space<vmem_shared>>) offsets(%dma_start3A_206 : memref<128xi32, #tpu.memory_space<vmem>>) semaphore(%run_scoped3A_199 : memref<!tpu.dma_semaphore, #tpu.memory_space<semaphore_mem>>) {add = true}
      %dma_wait3A_210 = arith.constant 0 : i32
      %dma_wait3A_211 = arith.constant 0 : i32
      %dma_wait3A_212 = tpu.memref_slice %arg9[%run_scoped3A_136, %dma_wait3A_210, %dma_wait3A_211] : memref<6x128x16xf32, #tpu.memory_space<vmem>> -> memref<1x128x16xf32, #tpu.memory_space<vmem>>
      %dma_wait3A_213 = tpu.memref_squeeze %dma_wait3A_212 : memref<1x128x16xf32, #tpu.memory_space<vmem>> -> memref<128x16xf32, #tpu.memory_space<vmem>>
      %dma_wait3A_214 = arith.constant 0 : i32
      %dma_wait3A_215 = tpu.memref_slice %arg8[%run_scoped3A_137, %dma_wait3A_214] : memref<84x128xi32, #tpu.memory_space<vmem>> -> memref<1x128xi32, #tpu.memory_space<vmem>>
      %dma_wait3A_216 = tpu.memref_squeeze %dma_wait3A_215 : memref<1x128xi32, #tpu.memory_space<vmem>> -> memref<128xi32, #tpu.memory_space<vmem>>
      %dma_wait3A_217 = arith.constant 0 : i32
      %dma_wait3A_218 = arith.constant 0 : i32
      %dma_wait3A_219 = tpu.memref_slice %arg10[%dma_wait3A_217, %dma_wait3A_218] : memref<10112x16xf32, #tpu.memory_space<vmem_shared>> -> memref<10112x16xf32, #tpu.memory_space<vmem_shared>>
      tpu.wait_indirect_dma semaphore(%run_scoped3A_199 : memref<!tpu.dma_semaphore, #tpu.memory_space<semaphore_mem>>) src(%dma_wait3A_213 : memref<128x16xf32, #tpu.memory_space<vmem>>) dst(%dma_wait3A_219 : memref<10112x16xf32, #tpu.memory_space<vmem_shared>>)
      tpu.yield
    }) : () -> ()
    %dma_wait3A_138 = arith.constant 80 : i32
    %dma_wait3A_139 = arith.constant 2 : i32
    %dma_wait3A_140 = arith.constant 0 : i32
    %dma_wait3A_141 = arith.constant 0 : i32
    %dma_wait3A_142 = tpu.memref_slice %arg9[%dma_wait3A_139, %dma_wait3A_140, %dma_wait3A_141] : memref<6x128x16xf32, #tpu.memory_space<vmem>> -> memref<1x128x16xf32, #tpu.memory_space<vmem>>
    %dma_wait3A_143 = tpu.memref_squeeze %dma_wait3A_142 : memref<1x128x16xf32, #tpu.memory_space<vmem>> -> memref<128x16xf32, #tpu.memory_space<vmem>>
    %dma_wait3A_144 = arith.constant 0 : i32
    %dma_wait3A_145 = tpu.memref_slice %arg7[%dma_wait3A_138, %dma_wait3A_144] : memref<84x128xi32, #tpu.memory_space<vmem>> -> memref<1x128xi32, #tpu.memory_space<vmem>>
    %dma_wait3A_146 = tpu.memref_squeeze %dma_wait3A_145 : memref<1x128xi32, #tpu.memory_space<vmem>> -> memref<128xi32, #tpu.memory_space<vmem>>
    %dma_wait3A_147 = arith.constant 0 : i32
    %dma_wait3A_148 = arith.constant 0 : i32
    %dma_wait3A_149 = tpu.memref_slice %arg2[%dma_wait3A_147, %dma_wait3A_148] : memref<10112x16xf32, #tpu.memory_space<hbm>> -> memref<10112x16xf32, #tpu.memory_space<hbm>>
    tpu.wait_indirect_dma semaphore(%arg13 : memref<!tpu.dma_semaphore, #tpu.memory_space<semaphore_mem>>) src(%dma_wait3A_149 : memref<10112x16xf32, #tpu.memory_space<hbm>>) dst(%dma_wait3A_143 : memref<128x16xf32, #tpu.memory_space<vmem>>)
    %run_scoped3A_150 = arith.constant 2 : i32
    %run_scoped3A_151 = arith.constant 80 : i32
    "tpu.region"() ({
      %run_scoped3A_199 = tpu.sem_alloc : memref<!tpu.dma_semaphore, #tpu.memory_space<semaphore_mem>>
      %dma_start3A_200 = arith.constant 0 : i32
      %dma_start3A_201 = arith.constant 0 : i32
      %dma_start3A_202 = tpu.memref_slice %arg9[%run_scoped3A_150, %dma_start3A_200, %dma_start3A_201] : memref<6x128x16xf32, #tpu.memory_space<vmem>> -> memref<1x128x16xf32, #tpu.memory_space<vmem>>
      %dma_start3A_203 = tpu.memref_squeeze %dma_start3A_202 : memref<1x128x16xf32, #tpu.memory_space<vmem>> -> memref<128x16xf32, #tpu.memory_space<vmem>>
      %dma_start3A_204 = arith.constant 0 : i32
      %dma_start3A_205 = tpu.memref_slice %arg8[%run_scoped3A_151, %dma_start3A_204] : memref<84x128xi32, #tpu.memory_space<vmem>> -> memref<1x128xi32, #tpu.memory_space<vmem>>
      %dma_start3A_206 = tpu.memref_squeeze %dma_start3A_205 : memref<1x128xi32, #tpu.memory_space<vmem>> -> memref<128xi32, #tpu.memory_space<vmem>>
      %dma_start3A_207 = arith.constant 0 : i32
      %dma_start3A_208 = arith.constant 0 : i32
      %dma_start3A_209 = tpu.memref_slice %arg10[%dma_start3A_207, %dma_start3A_208] : memref<10112x16xf32, #tpu.memory_space<vmem_shared>> -> memref<10112x16xf32, #tpu.memory_space<vmem_shared>>
      tpu.enqueue_indirect_dma source(%dma_start3A_203 : memref<128x16xf32, #tpu.memory_space<vmem>>) target(%dma_start3A_209 : memref<10112x16xf32, #tpu.memory_space<vmem_shared>>) offsets(%dma_start3A_206 : memref<128xi32, #tpu.memory_space<vmem>>) semaphore(%run_scoped3A_199 : memref<!tpu.dma_semaphore, #tpu.memory_space<semaphore_mem>>) {add = true}
      %dma_wait3A_210 = arith.constant 0 : i32
      %dma_wait3A_211 = arith.constant 0 : i32
      %dma_wait3A_212 = tpu.memref_slice %arg9[%run_scoped3A_150, %dma_wait3A_210, %dma_wait3A_211] : memref<6x128x16xf32, #tpu.memory_space<vmem>> -> memref<1x128x16xf32, #tpu.memory_space<vmem>>
      %dma_wait3A_213 = tpu.memref_squeeze %dma_wait3A_212 : memref<1x128x16xf32, #tpu.memory_space<vmem>> -> memref<128x16xf32, #tpu.memory_space<vmem>>
      %dma_wait3A_214 = arith.constant 0 : i32
      %dma_wait3A_215 = tpu.memref_slice %arg8[%run_scoped3A_151, %dma_wait3A_214] : memref<84x128xi32, #tpu.memory_space<vmem>> -> memref<1x128xi32, #tpu.memory_space<vmem>>
      %dma_wait3A_216 = tpu.memref_squeeze %dma_wait3A_215 : memref<1x128xi32, #tpu.memory_space<vmem>> -> memref<128xi32, #tpu.memory_space<vmem>>
      %dma_wait3A_217 = arith.constant 0 : i32
      %dma_wait3A_218 = arith.constant 0 : i32
      %dma_wait3A_219 = tpu.memref_slice %arg10[%dma_wait3A_217, %dma_wait3A_218] : memref<10112x16xf32, #tpu.memory_space<vmem_shared>> -> memref<10112x16xf32, #tpu.memory_space<vmem_shared>>
      tpu.wait_indirect_dma semaphore(%run_scoped3A_199 : memref<!tpu.dma_semaphore, #tpu.memory_space<semaphore_mem>>) src(%dma_wait3A_213 : memref<128x16xf32, #tpu.memory_space<vmem>>) dst(%dma_wait3A_219 : memref<10112x16xf32, #tpu.memory_space<vmem_shared>>)
      tpu.yield
    }) : () -> ()
    %dma_wait3A_152 = arith.constant 81 : i32
    %dma_wait3A_153 = arith.constant 3 : i32
    %dma_wait3A_154 = arith.constant 0 : i32
    %dma_wait3A_155 = arith.constant 0 : i32
    %dma_wait3A_156 = tpu.memref_slice %arg9[%dma_wait3A_153, %dma_wait3A_154, %dma_wait3A_155] : memref<6x128x16xf32, #tpu.memory_space<vmem>> -> memref<1x128x16xf32, #tpu.memory_space<vmem>>
    %dma_wait3A_157 = tpu.memref_squeeze %dma_wait3A_156 : memref<1x128x16xf32, #tpu.memory_space<vmem>> -> memref<128x16xf32, #tpu.memory_space<vmem>>
    %dma_wait3A_158 = arith.constant 0 : i32
    %dma_wait3A_159 = tpu.memref_slice %arg7[%dma_wait3A_152, %dma_wait3A_158] : memref<84x128xi32, #tpu.memory_space<vmem>> -> memref<1x128xi32, #tpu.memory_space<vmem>>
    %dma_wait3A_160 = tpu.memref_squeeze %dma_wait3A_159 : memref<1x128xi32, #tpu.memory_space<vmem>> -> memref<128xi32, #tpu.memory_space<vmem>>
    %dma_wait3A_161 = arith.constant 0 : i32
    %dma_wait3A_162 = arith.constant 0 : i32
    %dma_wait3A_163 = tpu.memref_slice %arg2[%dma_wait3A_161, %dma_wait3A_162] : memref<10112x16xf32, #tpu.memory_space<hbm>> -> memref<10112x16xf32, #tpu.memory_space<hbm>>
    tpu.wait_indirect_dma semaphore(%arg14 : memref<!tpu.dma_semaphore, #tpu.memory_space<semaphore_mem>>) src(%dma_wait3A_163 : memref<10112x16xf32, #tpu.memory_space<hbm>>) dst(%dma_wait3A_157 : memref<128x16xf32, #tpu.memory_space<vmem>>)
    %run_scoped3A_164 = arith.constant 3 : i32
    %run_scoped3A_165 = arith.constant 81 : i32
    "tpu.region"() ({
      %run_scoped3A_199 = tpu.sem_alloc : memref<!tpu.dma_semaphore, #tpu.memory_space<semaphore_mem>>
      %dma_start3A_200 = arith.constant 0 : i32
      %dma_start3A_201 = arith.constant 0 : i32
      %dma_start3A_202 = tpu.memref_slice %arg9[%run_scoped3A_164, %dma_start3A_200, %dma_start3A_201] : memref<6x128x16xf32, #tpu.memory_space<vmem>> -> memref<1x128x16xf32, #tpu.memory_space<vmem>>
      %dma_start3A_203 = tpu.memref_squeeze %dma_start3A_202 : memref<1x128x16xf32, #tpu.memory_space<vmem>> -> memref<128x16xf32, #tpu.memory_space<vmem>>
      %dma_start3A_204 = arith.constant 0 : i32
      %dma_start3A_205 = tpu.memref_slice %arg8[%run_scoped3A_165, %dma_start3A_204] : memref<84x128xi32, #tpu.memory_space<vmem>> -> memref<1x128xi32, #tpu.memory_space<vmem>>
      %dma_start3A_206 = tpu.memref_squeeze %dma_start3A_205 : memref<1x128xi32, #tpu.memory_space<vmem>> -> memref<128xi32, #tpu.memory_space<vmem>>
      %dma_start3A_207 = arith.constant 0 : i32
      %dma_start3A_208 = arith.constant 0 : i32
      %dma_start3A_209 = tpu.memref_slice %arg10[%dma_start3A_207, %dma_start3A_208] : memref<10112x16xf32, #tpu.memory_space<vmem_shared>> -> memref<10112x16xf32, #tpu.memory_space<vmem_shared>>
      tpu.enqueue_indirect_dma source(%dma_start3A_203 : memref<128x16xf32, #tpu.memory_space<vmem>>) target(%dma_start3A_209 : memref<10112x16xf32, #tpu.memory_space<vmem_shared>>) offsets(%dma_start3A_206 : memref<128xi32, #tpu.memory_space<vmem>>) semaphore(%run_scoped3A_199 : memref<!tpu.dma_semaphore, #tpu.memory_space<semaphore_mem>>) {add = true}
      %dma_wait3A_210 = arith.constant 0 : i32
      %dma_wait3A_211 = arith.constant 0 : i32
      %dma_wait3A_212 = tpu.memref_slice %arg9[%run_scoped3A_164, %dma_wait3A_210, %dma_wait3A_211] : memref<6x128x16xf32, #tpu.memory_space<vmem>> -> memref<1x128x16xf32, #tpu.memory_space<vmem>>
      %dma_wait3A_213 = tpu.memref_squeeze %dma_wait3A_212 : memref<1x128x16xf32, #tpu.memory_space<vmem>> -> memref<128x16xf32, #tpu.memory_space<vmem>>
      %dma_wait3A_214 = arith.constant 0 : i32
      %dma_wait3A_215 = tpu.memref_slice %arg8[%run_scoped3A_165, %dma_wait3A_214] : memref<84x128xi32, #tpu.memory_space<vmem>> -> memref<1x128xi32, #tpu.memory_space<vmem>>
      %dma_wait3A_216 = tpu.memref_squeeze %dma_wait3A_215 : memref<1x128xi32, #tpu.memory_space<vmem>> -> memref<128xi32, #tpu.memory_space<vmem>>
      %dma_wait3A_217 = arith.constant 0 : i32
      %dma_wait3A_218 = arith.constant 0 : i32
      %dma_wait3A_219 = tpu.memref_slice %arg10[%dma_wait3A_217, %dma_wait3A_218] : memref<10112x16xf32, #tpu.memory_space<vmem_shared>> -> memref<10112x16xf32, #tpu.memory_space<vmem_shared>>
      tpu.wait_indirect_dma semaphore(%run_scoped3A_199 : memref<!tpu.dma_semaphore, #tpu.memory_space<semaphore_mem>>) src(%dma_wait3A_213 : memref<128x16xf32, #tpu.memory_space<vmem>>) dst(%dma_wait3A_219 : memref<10112x16xf32, #tpu.memory_space<vmem_shared>>)
      tpu.yield
    }) : () -> ()
    %dma_wait3A_166 = arith.constant 82 : i32
    %dma_wait3A_167 = arith.constant 4 : i32
    %dma_wait3A_168 = arith.constant 0 : i32
    %dma_wait3A_169 = arith.constant 0 : i32
    %dma_wait3A_170 = tpu.memref_slice %arg9[%dma_wait3A_167, %dma_wait3A_168, %dma_wait3A_169] : memref<6x128x16xf32, #tpu.memory_space<vmem>> -> memref<1x128x16xf32, #tpu.memory_space<vmem>>
    %dma_wait3A_171 = tpu.memref_squeeze %dma_wait3A_170 : memref<1x128x16xf32, #tpu.memory_space<vmem>> -> memref<128x16xf32, #tpu.memory_space<vmem>>
    %dma_wait3A_172 = arith.constant 0 : i32
    %dma_wait3A_173 = tpu.memref_slice %arg7[%dma_wait3A_166, %dma_wait3A_172] : memref<84x128xi32, #tpu.memory_space<vmem>> -> memref<1x128xi32, #tpu.memory_space<vmem>>
    %dma_wait3A_174 = tpu.memref_squeeze %dma_wait3A_173 : memref<1x128xi32, #tpu.memory_space<vmem>> -> memref<128xi32, #tpu.memory_space<vmem>>
    %dma_wait3A_175 = arith.constant 0 : i32
    %dma_wait3A_176 = arith.constant 0 : i32
    %dma_wait3A_177 = tpu.memref_slice %arg2[%dma_wait3A_175, %dma_wait3A_176] : memref<10112x16xf32, #tpu.memory_space<hbm>> -> memref<10112x16xf32, #tpu.memory_space<hbm>>
    tpu.wait_indirect_dma semaphore(%arg15 : memref<!tpu.dma_semaphore, #tpu.memory_space<semaphore_mem>>) src(%dma_wait3A_177 : memref<10112x16xf32, #tpu.memory_space<hbm>>) dst(%dma_wait3A_171 : memref<128x16xf32, #tpu.memory_space<vmem>>)
    %run_scoped3A_178 = arith.constant 4 : i32
    %run_scoped3A_179 = arith.constant 82 : i32
    "tpu.region"() ({
      %run_scoped3A_199 = tpu.sem_alloc : memref<!tpu.dma_semaphore, #tpu.memory_space<semaphore_mem>>
      %dma_start3A_200 = arith.constant 0 : i32
      %dma_start3A_201 = arith.constant 0 : i32
      %dma_start3A_202 = tpu.memref_slice %arg9[%run_scoped3A_178, %dma_start3A_200, %dma_start3A_201] : memref<6x128x16xf32, #tpu.memory_space<vmem>> -> memref<1x128x16xf32, #tpu.memory_space<vmem>>
      %dma_start3A_203 = tpu.memref_squeeze %dma_start3A_202 : memref<1x128x16xf32, #tpu.memory_space<vmem>> -> memref<128x16xf32, #tpu.memory_space<vmem>>
      %dma_start3A_204 = arith.constant 0 : i32
      %dma_start3A_205 = tpu.memref_slice %arg8[%run_scoped3A_179, %dma_start3A_204] : memref<84x128xi32, #tpu.memory_space<vmem>> -> memref<1x128xi32, #tpu.memory_space<vmem>>
      %dma_start3A_206 = tpu.memref_squeeze %dma_start3A_205 : memref<1x128xi32, #tpu.memory_space<vmem>> -> memref<128xi32, #tpu.memory_space<vmem>>
      %dma_start3A_207 = arith.constant 0 : i32
      %dma_start3A_208 = arith.constant 0 : i32
      %dma_start3A_209 = tpu.memref_slice %arg10[%dma_start3A_207, %dma_start3A_208] : memref<10112x16xf32, #tpu.memory_space<vmem_shared>> -> memref<10112x16xf32, #tpu.memory_space<vmem_shared>>
      tpu.enqueue_indirect_dma source(%dma_start3A_203 : memref<128x16xf32, #tpu.memory_space<vmem>>) target(%dma_start3A_209 : memref<10112x16xf32, #tpu.memory_space<vmem_shared>>) offsets(%dma_start3A_206 : memref<128xi32, #tpu.memory_space<vmem>>) semaphore(%run_scoped3A_199 : memref<!tpu.dma_semaphore, #tpu.memory_space<semaphore_mem>>) {add = true}
      %dma_wait3A_210 = arith.constant 0 : i32
      %dma_wait3A_211 = arith.constant 0 : i32
      %dma_wait3A_212 = tpu.memref_slice %arg9[%run_scoped3A_178, %dma_wait3A_210, %dma_wait3A_211] : memref<6x128x16xf32, #tpu.memory_space<vmem>> -> memref<1x128x16xf32, #tpu.memory_space<vmem>>
      %dma_wait3A_213 = tpu.memref_squeeze %dma_wait3A_212 : memref<1x128x16xf32, #tpu.memory_space<vmem>> -> memref<128x16xf32, #tpu.memory_space<vmem>>
      %dma_wait3A_214 = arith.constant 0 : i32
      %dma_wait3A_215 = tpu.memref_slice %arg8[%run_scoped3A_179, %dma_wait3A_214] : memref<84x128xi32, #tpu.memory_space<vmem>> -> memref<1x128xi32, #tpu.memory_space<vmem>>
      %dma_wait3A_216 = tpu.memref_squeeze %dma_wait3A_215 : memref<1x128xi32, #tpu.memory_space<vmem>> -> memref<128xi32, #tpu.memory_space<vmem>>
      %dma_wait3A_217 = arith.constant 0 : i32
      %dma_wait3A_218 = arith.constant 0 : i32
      %dma_wait3A_219 = tpu.memref_slice %arg10[%dma_wait3A_217, %dma_wait3A_218] : memref<10112x16xf32, #tpu.memory_space<vmem_shared>> -> memref<10112x16xf32, #tpu.memory_space<vmem_shared>>
      tpu.wait_indirect_dma semaphore(%run_scoped3A_199 : memref<!tpu.dma_semaphore, #tpu.memory_space<semaphore_mem>>) src(%dma_wait3A_213 : memref<128x16xf32, #tpu.memory_space<vmem>>) dst(%dma_wait3A_219 : memref<10112x16xf32, #tpu.memory_space<vmem_shared>>)
      tpu.yield
    }) : () -> ()
    %dma_wait3A_180 = arith.constant 83 : i32
    %dma_wait3A_181 = arith.constant 5 : i32
    %dma_wait3A_182 = arith.constant 0 : i32
    %dma_wait3A_183 = arith.constant 0 : i32
    %dma_wait3A_184 = tpu.memref_slice %arg9[%dma_wait3A_181, %dma_wait3A_182, %dma_wait3A_183] : memref<6x128x16xf32, #tpu.memory_space<vmem>> -> memref<1x128x16xf32, #tpu.memory_space<vmem>>
    %dma_wait3A_185 = tpu.memref_squeeze %dma_wait3A_184 : memref<1x128x16xf32, #tpu.memory_space<vmem>> -> memref<128x16xf32, #tpu.memory_space<vmem>>
    %dma_wait3A_186 = arith.constant 0 : i32
    %dma_wait3A_187 = tpu.memref_slice %arg7[%dma_wait3A_180, %dma_wait3A_186] : memref<84x128xi32, #tpu.memory_space<vmem>> -> memref<1x128xi32, #tpu.memory_space<vmem>>
    %dma_wait3A_188 = tpu.memref_squeeze %dma_wait3A_187 : memref<1x128xi32, #tpu.memory_space<vmem>> -> memref<128xi32, #tpu.memory_space<vmem>>
    %dma_wait3A_189 = arith.constant 0 : i32
    %dma_wait3A_190 = arith.constant 0 : i32
    %dma_wait3A_191 = tpu.memref_slice %arg2[%dma_wait3A_189, %dma_wait3A_190] : memref<10112x16xf32, #tpu.memory_space<hbm>> -> memref<10112x16xf32, #tpu.memory_space<hbm>>
    tpu.wait_indirect_dma semaphore(%arg16 : memref<!tpu.dma_semaphore, #tpu.memory_space<semaphore_mem>>) src(%dma_wait3A_191 : memref<10112x16xf32, #tpu.memory_space<hbm>>) dst(%dma_wait3A_185 : memref<128x16xf32, #tpu.memory_space<vmem>>)
    %run_scoped3A_192 = arith.constant 5 : i32
    %run_scoped3A_193 = arith.constant 83 : i32
    "tpu.region"() ({
      %run_scoped3A_199 = tpu.sem_alloc : memref<!tpu.dma_semaphore, #tpu.memory_space<semaphore_mem>>
      %dma_start3A_200 = arith.constant 0 : i32
      %dma_start3A_201 = arith.constant 0 : i32
      %dma_start3A_202 = tpu.memref_slice %arg9[%run_scoped3A_192, %dma_start3A_200, %dma_start3A_201] : memref<6x128x16xf32, #tpu.memory_space<vmem>> -> memref<1x128x16xf32, #tpu.memory_space<vmem>>
      %dma_start3A_203 = tpu.memref_squeeze %dma_start3A_202 : memref<1x128x16xf32, #tpu.memory_space<vmem>> -> memref<128x16xf32, #tpu.memory_space<vmem>>
      %dma_start3A_204 = arith.constant 0 : i32
      %dma_start3A_205 = tpu.memref_slice %arg8[%run_scoped3A_193, %dma_start3A_204] : memref<84x128xi32, #tpu.memory_space<vmem>> -> memref<1x128xi32, #tpu.memory_space<vmem>>
      %dma_start3A_206 = tpu.memref_squeeze %dma_start3A_205 : memref<1x128xi32, #tpu.memory_space<vmem>> -> memref<128xi32, #tpu.memory_space<vmem>>
      %dma_start3A_207 = arith.constant 0 : i32
      %dma_start3A_208 = arith.constant 0 : i32
      %dma_start3A_209 = tpu.memref_slice %arg10[%dma_start3A_207, %dma_start3A_208] : memref<10112x16xf32, #tpu.memory_space<vmem_shared>> -> memref<10112x16xf32, #tpu.memory_space<vmem_shared>>
      tpu.enqueue_indirect_dma source(%dma_start3A_203 : memref<128x16xf32, #tpu.memory_space<vmem>>) target(%dma_start3A_209 : memref<10112x16xf32, #tpu.memory_space<vmem_shared>>) offsets(%dma_start3A_206 : memref<128xi32, #tpu.memory_space<vmem>>) semaphore(%run_scoped3A_199 : memref<!tpu.dma_semaphore, #tpu.memory_space<semaphore_mem>>) {add = true}
      %dma_wait3A_210 = arith.constant 0 : i32
      %dma_wait3A_211 = arith.constant 0 : i32
      %dma_wait3A_212 = tpu.memref_slice %arg9[%run_scoped3A_192, %dma_wait3A_210, %dma_wait3A_211] : memref<6x128x16xf32, #tpu.memory_space<vmem>> -> memref<1x128x16xf32, #tpu.memory_space<vmem>>
      %dma_wait3A_213 = tpu.memref_squeeze %dma_wait3A_212 : memref<1x128x16xf32, #tpu.memory_space<vmem>> -> memref<128x16xf32, #tpu.memory_space<vmem>>
      %dma_wait3A_214 = arith.constant 0 : i32
      %dma_wait3A_215 = tpu.memref_slice %arg8[%run_scoped3A_193, %dma_wait3A_214] : memref<84x128xi32, #tpu.memory_space<vmem>> -> memref<1x128xi32, #tpu.memory_space<vmem>>
      %dma_wait3A_216 = tpu.memref_squeeze %dma_wait3A_215 : memref<1x128xi32, #tpu.memory_space<vmem>> -> memref<128xi32, #tpu.memory_space<vmem>>
      %dma_wait3A_217 = arith.constant 0 : i32
      %dma_wait3A_218 = arith.constant 0 : i32
      %dma_wait3A_219 = tpu.memref_slice %arg10[%dma_wait3A_217, %dma_wait3A_218] : memref<10112x16xf32, #tpu.memory_space<vmem_shared>> -> memref<10112x16xf32, #tpu.memory_space<vmem_shared>>
      tpu.wait_indirect_dma semaphore(%run_scoped3A_199 : memref<!tpu.dma_semaphore, #tpu.memory_space<semaphore_mem>>) src(%dma_wait3A_213 : memref<128x16xf32, #tpu.memory_space<vmem>>) dst(%dma_wait3A_219 : memref<10112x16xf32, #tpu.memory_space<vmem_shared>>)
      tpu.yield
    }) : () -> ()
    %barrier3A_194 = arith.constant 0 : index
    tpu.barrier barrier_id(%barrier3A_194)
    %mul3A_195 = arith.constant 632 : i32
    %mul3A_196 = arith.muli %arg1, %mul3A_195 : i32
    %mul3A_197 = arith.constant 632 : i32
    %mul3A_198 = arith.muli %arg1, %mul3A_197 : i32
    "tpu.region"() ({
      %run_scoped3A_199 = tpu.sem_alloc : memref<!tpu.dma_semaphore, #tpu.memory_space<semaphore_mem>>
      %dma_start3A_200 = arith.constant 0 : i32
      %dma_start3A_201 = arith.constant 0 : i32
      %dma_start3A_202 = tpu.memref_slice %arg6[%arg0, %dma_start3A_200, %dma_start3A_201] : memref<2x10112x16xf32, #tpu.memory_space<hbm>> -> memref<1x10112x16xf32, #tpu.memory_space<hbm>>
      %dma_start3A_203 = tpu.memref_squeeze %dma_start3A_202 : memref<1x10112x16xf32, #tpu.memory_space<hbm>> -> memref<10112x16xf32, #tpu.memory_space<hbm>>
      %dma_start3A_204 = arith.constant 0 : i32
      %dma_start3A_205 = tpu.memref_slice %dma_start3A_203[%mul3A_198, %dma_start3A_204] : memref<10112x16xf32, #tpu.memory_space<hbm>> -> memref<632x16xf32, #tpu.memory_space<hbm>>
      %dma_start3A_206 = arith.constant 0 : i32
      %dma_start3A_207 = tpu.memref_slice %arg10[%mul3A_196, %dma_start3A_206] : memref<10112x16xf32, #tpu.memory_space<vmem_shared>> -> memref<632x16xf32, #tpu.memory_space<vmem_shared>>
      tpu.enqueue_dma source(%dma_start3A_207 : memref<632x16xf32, #tpu.memory_space<vmem_shared>>) target(%dma_start3A_205 : memref<632x16xf32, #tpu.memory_space<hbm>>) target_semaphore(%run_scoped3A_199 : memref<!tpu.dma_semaphore, #tpu.memory_space<semaphore_mem>>)
      %dma_wait3A_208 = arith.constant 0 : i32
      %dma_wait3A_209 = arith.constant 0 : i32
      %dma_wait3A_210 = tpu.memref_slice %arg6[%arg0, %dma_wait3A_208, %dma_wait3A_209] : memref<2x10112x16xf32, #tpu.memory_space<hbm>> -> memref<1x10112x16xf32, #tpu.memory_space<hbm>>
      %dma_wait3A_211 = tpu.memref_squeeze %dma_wait3A_210 : memref<1x10112x16xf32, #tpu.memory_space<hbm>> -> memref<10112x16xf32, #tpu.memory_space<hbm>>
      %dma_wait3A_212 = arith.constant 0 : i32
      %dma_wait3A_213 = tpu.memref_slice %dma_wait3A_211[%mul3A_198, %dma_wait3A_212] : memref<10112x16xf32, #tpu.memory_space<hbm>> -> memref<632x16xf32, #tpu.memory_space<hbm>>
      %dma_wait3A_214 = arith.constant 0 : i32
      %dma_wait3A_215 = tpu.memref_slice %arg10[%mul3A_196, %dma_wait3A_214] : memref<10112x16xf32, #tpu.memory_space<vmem_shared>> -> memref<632x16xf32, #tpu.memory_space<vmem_shared>>
      tpu.wait_dma2 semaphore(%run_scoped3A_199 : memref<!tpu.dma_semaphore, #tpu.memory_space<semaphore_mem>>) src(%dma_wait3A_215 : memref<632x16xf32, #tpu.memory_space<vmem_shared>>) dst(%dma_wait3A_213 : memref<632x16xf32, #tpu.memory_space<hbm>>)
      tpu.yield
    }) : () -> ()
    return
  }
}

#map = affine_map<(d0, d1) -> (0, 0, 0)>
#map1 = affine_map<(d0, d1) -> (0, 0)>
module attributes {stable_mosaic.version = 14 : i64} {
  func.func @k(%arg0: i32, %arg1: i32, %arg2: memref<2x10112x64xf32, #tpu.memory_space<hbm>>, %arg3: memref<10112x64xf32, #tpu.memory_space<hbm>>, %arg4: memref<16x168x128xi32, #tpu.memory_space<hbm>>, %arg5: memref<16x168x128xi32, #tpu.memory_space<hbm>>, %arg6: memref<2x10112x64xf32, #tpu.memory_space<hbm>>, %arg7: memref<168x128xi32, #tpu.memory_space<vmem>>, %arg8: memref<168x128xi32, #tpu.memory_space<vmem>>, %arg9: memref<4x128x64xf32, #tpu.memory_space<vmem>>, %arg10: memref<10112x64xf32, #tpu.memory_space<vmem_shared>>, %arg11: memref<!tpu.dma_semaphore, #tpu.memory_space<semaphore_mem>>, %arg12: memref<!tpu.dma_semaphore, #tpu.memory_space<semaphore_mem>>, %arg13: memref<!tpu.dma_semaphore, #tpu.memory_space<semaphore_mem>>, %arg14: memref<!tpu.dma_semaphore, #tpu.memory_space<semaphore_mem>>) attributes {dimension_semantics = [#tpu.dimension_semantics<core_parallel>, #tpu.dimension_semantics<subcore_parallel>], iteration_bounds = array<i64: 2, 16>, scalar_prefetch = 0 : i64, scratch_operands = 8 : i64, tpu.core_type = #tpu.core_type<sc_vector_subcore>, window_params = [{transform_indices = #map}, {transform_indices = #map1}, {transform_indices = #map}, {transform_indices = #map}, {transform_indices = #map}]} {
    %dma_start3A = arith.constant 0 : i32
    %dma_start3A_0 = arith.constant 0 : i32
    %dma_start3A_1 = tpu.memref_slice %arg4[%arg1, %dma_start3A, %dma_start3A_0] : memref<16x168x128xi32, #tpu.memory_space<hbm>> -> memref<1x168x128xi32, #tpu.memory_space<hbm>>
    %dma_start3A_2 = tpu.memref_squeeze %dma_start3A_1 : memref<1x168x128xi32, #tpu.memory_space<hbm>> -> memref<168x128xi32, #tpu.memory_space<hbm>>
    %dma_start3A_3 = arith.constant 0 : i32
    %dma_start3A_4 = arith.constant 0 : i32
    %dma_start3A_5 = tpu.memref_slice %arg4[%arg1, %dma_start3A_3, %dma_start3A_4] : memref<16x168x128xi32, #tpu.memory_space<hbm>> -> memref<1x168x128xi32, #tpu.memory_space<hbm>>
    %dma_start3A_6 = tpu.memref_squeeze %dma_start3A_5 : memref<1x168x128xi32, #tpu.memory_space<hbm>> -> memref<168x128xi32, #tpu.memory_space<hbm>>
    tpu.enqueue_dma source(%dma_start3A_6 : memref<168x128xi32, #tpu.memory_space<hbm>>) target(%arg7 : memref<168x128xi32, #tpu.memory_space<vmem>>) target_semaphore(%arg11 : memref<!tpu.dma_semaphore, #tpu.memory_space<semaphore_mem>>)
    %dma_start3A_7 = arith.constant 0 : i32
    %dma_start3A_8 = arith.constant 0 : i32
    %dma_start3A_9 = tpu.memref_slice %arg5[%arg1, %dma_start3A_7, %dma_start3A_8] : memref<16x168x128xi32, #tpu.memory_space<hbm>> -> memref<1x168x128xi32, #tpu.memory_space<hbm>>
    %dma_start3A_10 = tpu.memref_squeeze %dma_start3A_9 : memref<1x168x128xi32, #tpu.memory_space<hbm>> -> memref<168x128xi32, #tpu.memory_space<hbm>>
    %dma_start3A_11 = arith.constant 0 : i32
    %dma_start3A_12 = arith.constant 0 : i32
    %dma_start3A_13 = tpu.memref_slice %arg5[%arg1, %dma_start3A_11, %dma_start3A_12] : memref<16x168x128xi32, #tpu.memory_space<hbm>> -> memref<1x168x128xi32, #tpu.memory_space<hbm>>
    %dma_start3A_14 = tpu.memref_squeeze %dma_start3A_13 : memref<1x168x128xi32, #tpu.memory_space<hbm>> -> memref<168x128xi32, #tpu.memory_space<hbm>>
    tpu.enqueue_dma source(%dma_start3A_14 : memref<168x128xi32, #tpu.memory_space<hbm>>) target(%arg8 : memref<168x128xi32, #tpu.memory_space<vmem>>) target_semaphore(%arg12 : memref<!tpu.dma_semaphore, #tpu.memory_space<semaphore_mem>>)
    %mul3A = arith.constant 632 : i32
    %mul3A_15 = arith.muli %arg1, %mul3A : i32
    %mul3A_16 = arith.constant 632 : i32
    %mul3A_17 = arith.muli %arg1, %mul3A_16 : i32
    "tpu.region"() ({
      %run_scoped3A_177 = tpu.sem_alloc : memref<!tpu.dma_semaphore, #tpu.memory_space<semaphore_mem>>
      %dma_start3A_178 = arith.constant 0 : i32
      %dma_start3A_179 = tpu.memref_slice %arg10[%mul3A_17, %dma_start3A_178] : memref<10112x64xf32, #tpu.memory_space<vmem_shared>> -> memref<632x64xf32, #tpu.memory_space<vmem_shared>>
      %dma_start3A_180 = arith.constant 0 : i32
      %dma_start3A_181 = tpu.memref_slice %arg3[%mul3A_15, %dma_start3A_180] : memref<10112x64xf32, #tpu.memory_space<hbm>> -> memref<632x64xf32, #tpu.memory_space<hbm>>
      tpu.enqueue_dma source(%dma_start3A_181 : memref<632x64xf32, #tpu.memory_space<hbm>>) target(%dma_start3A_179 : memref<632x64xf32, #tpu.memory_space<vmem_shared>>) target_semaphore(%run_scoped3A_177 : memref<!tpu.dma_semaphore, #tpu.memory_space<semaphore_mem>>)
      %dma_wait3A_182 = arith.constant 0 : i32
      %dma_wait3A_183 = tpu.memref_slice %arg10[%mul3A_17, %dma_wait3A_182] : memref<10112x64xf32, #tpu.memory_space<vmem_shared>> -> memref<632x64xf32, #tpu.memory_space<vmem_shared>>
      %dma_wait3A_184 = arith.constant 0 : i32
      %dma_wait3A_185 = tpu.memref_slice %arg3[%mul3A_15, %dma_wait3A_184] : memref<10112x64xf32, #tpu.memory_space<hbm>> -> memref<632x64xf32, #tpu.memory_space<hbm>>
      tpu.wait_dma2 semaphore(%run_scoped3A_177 : memref<!tpu.dma_semaphore, #tpu.memory_space<semaphore_mem>>) src(%dma_wait3A_185 : memref<632x64xf32, #tpu.memory_space<hbm>>) dst(%dma_wait3A_183 : memref<632x64xf32, #tpu.memory_space<vmem_shared>>)
      tpu.yield
    }) : () -> ()
    %dma_wait3A = arith.constant 0 : i32
    %dma_wait3A_18 = arith.constant 0 : i32
    %dma_wait3A_19 = tpu.memref_slice %arg4[%arg1, %dma_wait3A, %dma_wait3A_18] : memref<16x168x128xi32, #tpu.memory_space<hbm>> -> memref<1x168x128xi32, #tpu.memory_space<hbm>>
    %dma_wait3A_20 = tpu.memref_squeeze %dma_wait3A_19 : memref<1x168x128xi32, #tpu.memory_space<hbm>> -> memref<168x128xi32, #tpu.memory_space<hbm>>
    %dma_wait3A_21 = arith.constant 0 : i32
    %dma_wait3A_22 = arith.constant 0 : i32
    %dma_wait3A_23 = tpu.memref_slice %arg4[%arg1, %dma_wait3A_21, %dma_wait3A_22] : memref<16x168x128xi32, #tpu.memory_space<hbm>> -> memref<1x168x128xi32, #tpu.memory_space<hbm>>
    %dma_wait3A_24 = tpu.memref_squeeze %dma_wait3A_23 : memref<1x168x128xi32, #tpu.memory_space<hbm>> -> memref<168x128xi32, #tpu.memory_space<hbm>>
    tpu.wait_dma2 semaphore(%arg11 : memref<!tpu.dma_semaphore, #tpu.memory_space<semaphore_mem>>) src(%dma_wait3A_24 : memref<168x128xi32, #tpu.memory_space<hbm>>) dst(%arg7 : memref<168x128xi32, #tpu.memory_space<vmem>>)
    %dma_wait3A_25 = arith.constant 0 : i32
    %dma_wait3A_26 = arith.constant 0 : i32
    %dma_wait3A_27 = tpu.memref_slice %arg5[%arg1, %dma_wait3A_25, %dma_wait3A_26] : memref<16x168x128xi32, #tpu.memory_space<hbm>> -> memref<1x168x128xi32, #tpu.memory_space<hbm>>
    %dma_wait3A_28 = tpu.memref_squeeze %dma_wait3A_27 : memref<1x168x128xi32, #tpu.memory_space<hbm>> -> memref<168x128xi32, #tpu.memory_space<hbm>>
    %dma_wait3A_29 = arith.constant 0 : i32
    %dma_wait3A_30 = arith.constant 0 : i32
    %dma_wait3A_31 = tpu.memref_slice %arg5[%arg1, %dma_wait3A_29, %dma_wait3A_30] : memref<16x168x128xi32, #tpu.memory_space<hbm>> -> memref<1x168x128xi32, #tpu.memory_space<hbm>>
    %dma_wait3A_32 = tpu.memref_squeeze %dma_wait3A_31 : memref<1x168x128xi32, #tpu.memory_space<hbm>> -> memref<168x128xi32, #tpu.memory_space<hbm>>
    tpu.wait_dma2 semaphore(%arg12 : memref<!tpu.dma_semaphore, #tpu.memory_space<semaphore_mem>>) src(%dma_wait3A_32 : memref<168x128xi32, #tpu.memory_space<hbm>>) dst(%arg8 : memref<168x128xi32, #tpu.memory_space<vmem>>)
    %barrier3A = arith.constant 0 : index
    tpu.barrier barrier_id(%barrier3A)
    %dma_start3A_33 = arith.constant 0 : i32
    %dma_start3A_34 = arith.constant 0 : i32
    %dma_start3A_35 = arith.constant 0 : i32
    %dma_start3A_36 = arith.constant 0 : i32
    %dma_start3A_37 = tpu.memref_slice %arg9[%dma_start3A_34, %dma_start3A_35, %dma_start3A_36] : memref<4x128x64xf32, #tpu.memory_space<vmem>> -> memref<1x128x64xf32, #tpu.memory_space<vmem>>
    %dma_start3A_38 = tpu.memref_squeeze %dma_start3A_37 : memref<1x128x64xf32, #tpu.memory_space<vmem>> -> memref<128x64xf32, #tpu.memory_space<vmem>>
    %dma_start3A_39 = arith.constant 0 : i32
    %dma_start3A_40 = tpu.memref_slice %arg7[%dma_start3A_33, %dma_start3A_39] : memref<168x128xi32, #tpu.memory_space<vmem>> -> memref<1x128xi32, #tpu.memory_space<vmem>>
    %dma_start3A_41 = tpu.memref_squeeze %dma_start3A_40 : memref<1x128xi32, #tpu.memory_space<vmem>> -> memref<128xi32, #tpu.memory_space<vmem>>
    %dma_start3A_42 = arith.constant 0 : i32
    %dma_start3A_43 = arith.constant 0 : i32
    %dma_start3A_44 = tpu.memref_slice %arg2[%arg0, %dma_start3A_42, %dma_start3A_43] : memref<2x10112x64xf32, #tpu.memory_space<hbm>> -> memref<1x10112x64xf32, #tpu.memory_space<hbm>>
    %dma_start3A_45 = tpu.memref_squeeze %dma_start3A_44 : memref<1x10112x64xf32, #tpu.memory_space<hbm>> -> memref<10112x64xf32, #tpu.memory_space<hbm>>
    %dma_start3A_46 = arith.constant 0 : i32
    %dma_start3A_47 = arith.constant 0 : i32
    %dma_start3A_48 = tpu.memref_slice %dma_start3A_45[%dma_start3A_46, %dma_start3A_47] : memref<10112x64xf32, #tpu.memory_space<hbm>> -> memref<10112x64xf32, #tpu.memory_space<hbm>>
    tpu.enqueue_indirect_dma source(%dma_start3A_48 : memref<10112x64xf32, #tpu.memory_space<hbm>>) target(%dma_start3A_38 : memref<128x64xf32, #tpu.memory_space<vmem>>) offsets(%dma_start3A_41 : memref<128xi32, #tpu.memory_space<vmem>>) semaphore(%arg11 : memref<!tpu.dma_semaphore, #tpu.memory_space<semaphore_mem>>)
    %dma_start3A_49 = arith.constant 1 : i32
    %dma_start3A_50 = arith.constant 1 : i32
    %dma_start3A_51 = arith.constant 0 : i32
    %dma_start3A_52 = arith.constant 0 : i32
    %dma_start3A_53 = tpu.memref_slice %arg9[%dma_start3A_50, %dma_start3A_51, %dma_start3A_52] : memref<4x128x64xf32, #tpu.memory_space<vmem>> -> memref<1x128x64xf32, #tpu.memory_space<vmem>>
    %dma_start3A_54 = tpu.memref_squeeze %dma_start3A_53 : memref<1x128x64xf32, #tpu.memory_space<vmem>> -> memref<128x64xf32, #tpu.memory_space<vmem>>
    %dma_start3A_55 = arith.constant 0 : i32
    %dma_start3A_56 = tpu.memref_slice %arg7[%dma_start3A_49, %dma_start3A_55] : memref<168x128xi32, #tpu.memory_space<vmem>> -> memref<1x128xi32, #tpu.memory_space<vmem>>
    %dma_start3A_57 = tpu.memref_squeeze %dma_start3A_56 : memref<1x128xi32, #tpu.memory_space<vmem>> -> memref<128xi32, #tpu.memory_space<vmem>>
    %dma_start3A_58 = arith.constant 0 : i32
    %dma_start3A_59 = arith.constant 0 : i32
    %dma_start3A_60 = tpu.memref_slice %arg2[%arg0, %dma_start3A_58, %dma_start3A_59] : memref<2x10112x64xf32, #tpu.memory_space<hbm>> -> memref<1x10112x64xf32, #tpu.memory_space<hbm>>
    %dma_start3A_61 = tpu.memref_squeeze %dma_start3A_60 : memref<1x10112x64xf32, #tpu.memory_space<hbm>> -> memref<10112x64xf32, #tpu.memory_space<hbm>>
    %dma_start3A_62 = arith.constant 0 : i32
    %dma_start3A_63 = arith.constant 0 : i32
    %dma_start3A_64 = tpu.memref_slice %dma_start3A_61[%dma_start3A_62, %dma_start3A_63] : memref<10112x64xf32, #tpu.memory_space<hbm>> -> memref<10112x64xf32, #tpu.memory_space<hbm>>
    tpu.enqueue_indirect_dma source(%dma_start3A_64 : memref<10112x64xf32, #tpu.memory_space<hbm>>) target(%dma_start3A_54 : memref<128x64xf32, #tpu.memory_space<vmem>>) offsets(%dma_start3A_57 : memref<128xi32, #tpu.memory_space<vmem>>) semaphore(%arg12 : memref<!tpu.dma_semaphore, #tpu.memory_space<semaphore_mem>>)
    %dma_start3A_65 = arith.constant 2 : i32
    %dma_start3A_66 = arith.constant 2 : i32
    %dma_start3A_67 = arith.constant 0 : i32
    %dma_start3A_68 = arith.constant 0 : i32
    %dma_start3A_69 = tpu.memref_slice %arg9[%dma_start3A_66, %dma_start3A_67, %dma_start3A_68] : memref<4x128x64xf32, #tpu.memory_space<vmem>> -> memref<1x128x64xf32, #tpu.memory_space<vmem>>
    %dma_start3A_70 = tpu.memref_squeeze %dma_start3A_69 : memref<1x128x64xf32, #tpu.memory_space<vmem>> -> memref<128x64xf32, #tpu.memory_space<vmem>>
    %dma_start3A_71 = arith.constant 0 : i32
    %dma_start3A_72 = tpu.memref_slice %arg7[%dma_start3A_65, %dma_start3A_71] : memref<168x128xi32, #tpu.memory_space<vmem>> -> memref<1x128xi32, #tpu.memory_space<vmem>>
    %dma_start3A_73 = tpu.memref_squeeze %dma_start3A_72 : memref<1x128xi32, #tpu.memory_space<vmem>> -> memref<128xi32, #tpu.memory_space<vmem>>
    %dma_start3A_74 = arith.constant 0 : i32
    %dma_start3A_75 = arith.constant 0 : i32
    %dma_start3A_76 = tpu.memref_slice %arg2[%arg0, %dma_start3A_74, %dma_start3A_75] : memref<2x10112x64xf32, #tpu.memory_space<hbm>> -> memref<1x10112x64xf32, #tpu.memory_space<hbm>>
    %dma_start3A_77 = tpu.memref_squeeze %dma_start3A_76 : memref<1x10112x64xf32, #tpu.memory_space<hbm>> -> memref<10112x64xf32, #tpu.memory_space<hbm>>
    %dma_start3A_78 = arith.constant 0 : i32
    %dma_start3A_79 = arith.constant 0 : i32
    %dma_start3A_80 = tpu.memref_slice %dma_start3A_77[%dma_start3A_78, %dma_start3A_79] : memref<10112x64xf32, #tpu.memory_space<hbm>> -> memref<10112x64xf32, #tpu.memory_space<hbm>>
    tpu.enqueue_indirect_dma source(%dma_start3A_80 : memref<10112x64xf32, #tpu.memory_space<hbm>>) target(%dma_start3A_70 : memref<128x64xf32, #tpu.memory_space<vmem>>) offsets(%dma_start3A_73 : memref<128xi32, #tpu.memory_space<vmem>>) semaphore(%arg13 : memref<!tpu.dma_semaphore, #tpu.memory_space<semaphore_mem>>)
    %scan3A = arith.constant 0 : i32
    %scan3A_81 = arith.constant 41 : i32
    %scan3A_82 = arith.addi %scan3A, %scan3A_81 : i32
    %scan3A_83 = arith.constant 1 : i32
    scf.for %scan3A_177 = %scan3A to %scan3A_82 step %scan3A_83  : i32 {
      %mul3A_178 = arith.constant 4 : i32
      %mul3A_179 = arith.muli %scan3A_177, %mul3A_178 : i32
      %add3A = arith.constant 0 : i32
      %add3A_180 = arith.addi %add3A, %mul3A_179 : i32
      %add3A_181 = arith.constant 0 : i32
      %add3A_182 = arith.addi %add3A_180, %add3A_181 : i32
      %add3A_183 = arith.constant 4 : i32
      %add3A_184 = arith.addi %add3A_182, %add3A_183 : i32
      %sub3A = arith.constant 1 : i32
      %sub3A_185 = arith.subi %add3A_184, %sub3A : i32
      %dma_start3A_186 = arith.constant 3 : i32
      %dma_start3A_187 = arith.constant 0 : i32
      %dma_start3A_188 = arith.constant 0 : i32
      %dma_start3A_189 = tpu.memref_slice %arg9[%dma_start3A_186, %dma_start3A_187, %dma_start3A_188] : memref<4x128x64xf32, #tpu.memory_space<vmem>> -> memref<1x128x64xf32, #tpu.memory_space<vmem>>
      %dma_start3A_190 = tpu.memref_squeeze %dma_start3A_189 : memref<1x128x64xf32, #tpu.memory_space<vmem>> -> memref<128x64xf32, #tpu.memory_space<vmem>>
      %dma_start3A_191 = arith.constant 0 : i32
      %dma_start3A_192 = tpu.memref_slice %arg7[%sub3A_185, %dma_start3A_191] : memref<168x128xi32, #tpu.memory_space<vmem>> -> memref<1x128xi32, #tpu.memory_space<vmem>>
      %dma_start3A_193 = tpu.memref_squeeze %dma_start3A_192 : memref<1x128xi32, #tpu.memory_space<vmem>> -> memref<128xi32, #tpu.memory_space<vmem>>
      %dma_start3A_194 = arith.constant 0 : i32
      %dma_start3A_195 = arith.constant 0 : i32
      %dma_start3A_196 = tpu.memref_slice %arg2[%arg0, %dma_start3A_194, %dma_start3A_195] : memref<2x10112x64xf32, #tpu.memory_space<hbm>> -> memref<1x10112x64xf32, #tpu.memory_space<hbm>>
      %dma_start3A_197 = tpu.memref_squeeze %dma_start3A_196 : memref<1x10112x64xf32, #tpu.memory_space<hbm>> -> memref<10112x64xf32, #tpu.memory_space<hbm>>
      %dma_start3A_198 = arith.constant 0 : i32
      %dma_start3A_199 = arith.constant 0 : i32
      %dma_start3A_200 = tpu.memref_slice %dma_start3A_197[%dma_start3A_198, %dma_start3A_199] : memref<10112x64xf32, #tpu.memory_space<hbm>> -> memref<10112x64xf32, #tpu.memory_space<hbm>>
      tpu.enqueue_indirect_dma source(%dma_start3A_200 : memref<10112x64xf32, #tpu.memory_space<hbm>>) target(%dma_start3A_190 : memref<128x64xf32, #tpu.memory_space<vmem>>) offsets(%dma_start3A_193 : memref<128xi32, #tpu.memory_space<vmem>>) semaphore(%arg14 : memref<!tpu.dma_semaphore, #tpu.memory_space<semaphore_mem>>)
      %dma_wait3A_201 = arith.constant 0 : i32
      %dma_wait3A_202 = arith.constant 0 : i32
      %dma_wait3A_203 = arith.constant 0 : i32
      %dma_wait3A_204 = tpu.memref_slice %arg9[%dma_wait3A_201, %dma_wait3A_202, %dma_wait3A_203] : memref<4x128x64xf32, #tpu.memory_space<vmem>> -> memref<1x128x64xf32, #tpu.memory_space<vmem>>
      %dma_wait3A_205 = tpu.memref_squeeze %dma_wait3A_204 : memref<1x128x64xf32, #tpu.memory_space<vmem>> -> memref<128x64xf32, #tpu.memory_space<vmem>>
      %dma_wait3A_206 = arith.constant 0 : i32
      %dma_wait3A_207 = tpu.memref_slice %arg7[%add3A_182, %dma_wait3A_206] : memref<168x128xi32, #tpu.memory_space<vmem>> -> memref<1x128xi32, #tpu.memory_space<vmem>>
      %dma_wait3A_208 = tpu.memref_squeeze %dma_wait3A_207 : memref<1x128xi32, #tpu.memory_space<vmem>> -> memref<128xi32, #tpu.memory_space<vmem>>
      %dma_wait3A_209 = arith.constant 0 : i32
      %dma_wait3A_210 = arith.constant 0 : i32
      %dma_wait3A_211 = tpu.memref_slice %arg2[%arg0, %dma_wait3A_209, %dma_wait3A_210] : memref<2x10112x64xf32, #tpu.memory_space<hbm>> -> memref<1x10112x64xf32, #tpu.memory_space<hbm>>
      %dma_wait3A_212 = tpu.memref_squeeze %dma_wait3A_211 : memref<1x10112x64xf32, #tpu.memory_space<hbm>> -> memref<10112x64xf32, #tpu.memory_space<hbm>>
      %dma_wait3A_213 = arith.constant 0 : i32
      %dma_wait3A_214 = arith.constant 0 : i32
      %dma_wait3A_215 = tpu.memref_slice %dma_wait3A_212[%dma_wait3A_213, %dma_wait3A_214] : memref<10112x64xf32, #tpu.memory_space<hbm>> -> memref<10112x64xf32, #tpu.memory_space<hbm>>
      tpu.wait_indirect_dma semaphore(%arg11 : memref<!tpu.dma_semaphore, #tpu.memory_space<semaphore_mem>>) src(%dma_wait3A_215 : memref<10112x64xf32, #tpu.memory_space<hbm>>) dst(%dma_wait3A_205 : memref<128x64xf32, #tpu.memory_space<vmem>>)
      %run_scoped3A_216 = arith.constant 0 : i32
      "tpu.region"() ({
        %run_scoped3A_328 = tpu.sem_alloc : memref<!tpu.dma_semaphore, #tpu.memory_space<semaphore_mem>>
        %dma_start3A_329 = arith.constant 0 : i32
        %dma_start3A_330 = arith.constant 0 : i32
        %dma_start3A_331 = tpu.memref_slice %arg9[%run_scoped3A_216, %dma_start3A_329, %dma_start3A_330] : memref<4x128x64xf32, #tpu.memory_space<vmem>> -> memref<1x128x64xf32, #tpu.memory_space<vmem>>
        %dma_start3A_332 = tpu.memref_squeeze %dma_start3A_331 : memref<1x128x64xf32, #tpu.memory_space<vmem>> -> memref<128x64xf32, #tpu.memory_space<vmem>>
        %dma_start3A_333 = arith.constant 0 : i32
        %dma_start3A_334 = tpu.memref_slice %arg8[%add3A_182, %dma_start3A_333] : memref<168x128xi32, #tpu.memory_space<vmem>> -> memref<1x128xi32, #tpu.memory_space<vmem>>
        %dma_start3A_335 = tpu.memref_squeeze %dma_start3A_334 : memref<1x128xi32, #tpu.memory_space<vmem>> -> memref<128xi32, #tpu.memory_space<vmem>>
        %dma_start3A_336 = arith.constant 0 : i32
        %dma_start3A_337 = arith.constant 0 : i32
        %dma_start3A_338 = tpu.memref_slice %arg10[%dma_start3A_336, %dma_start3A_337] : memref<10112x64xf32, #tpu.memory_space<vmem_shared>> -> memref<10112x64xf32, #tpu.memory_space<vmem_shared>>
        tpu.enqueue_indirect_dma source(%dma_start3A_332 : memref<128x64xf32, #tpu.memory_space<vmem>>) target(%dma_start3A_338 : memref<10112x64xf32, #tpu.memory_space<vmem_shared>>) offsets(%dma_start3A_335 : memref<128xi32, #tpu.memory_space<vmem>>) semaphore(%run_scoped3A_328 : memref<!tpu.dma_semaphore, #tpu.memory_space<semaphore_mem>>) {add = true}
        %dma_wait3A_339 = arith.constant 0 : i32
        %dma_wait3A_340 = arith.constant 0 : i32
        %dma_wait3A_341 = tpu.memref_slice %arg9[%run_scoped3A_216, %dma_wait3A_339, %dma_wait3A_340] : memref<4x128x64xf32, #tpu.memory_space<vmem>> -> memref<1x128x64xf32, #tpu.memory_space<vmem>>
        %dma_wait3A_342 = tpu.memref_squeeze %dma_wait3A_341 : memref<1x128x64xf32, #tpu.memory_space<vmem>> -> memref<128x64xf32, #tpu.memory_space<vmem>>
        %dma_wait3A_343 = arith.constant 0 : i32
        %dma_wait3A_344 = tpu.memref_slice %arg8[%add3A_182, %dma_wait3A_343] : memref<168x128xi32, #tpu.memory_space<vmem>> -> memref<1x128xi32, #tpu.memory_space<vmem>>
        %dma_wait3A_345 = tpu.memref_squeeze %dma_wait3A_344 : memref<1x128xi32, #tpu.memory_space<vmem>> -> memref<128xi32, #tpu.memory_space<vmem>>
        %dma_wait3A_346 = arith.constant 0 : i32
        %dma_wait3A_347 = arith.constant 0 : i32
        %dma_wait3A_348 = tpu.memref_slice %arg10[%dma_wait3A_346, %dma_wait3A_347] : memref<10112x64xf32, #tpu.memory_space<vmem_shared>> -> memref<10112x64xf32, #tpu.memory_space<vmem_shared>>
        tpu.wait_indirect_dma semaphore(%run_scoped3A_328 : memref<!tpu.dma_semaphore, #tpu.memory_space<semaphore_mem>>) src(%dma_wait3A_342 : memref<128x64xf32, #tpu.memory_space<vmem>>) dst(%dma_wait3A_348 : memref<10112x64xf32, #tpu.memory_space<vmem_shared>>)
        tpu.yield
      }) : () -> ()
      %add3A_217 = arith.constant 1 : i32
      %add3A_218 = arith.addi %add3A_180, %add3A_217 : i32
      %add3A_219 = arith.constant 4 : i32
      %add3A_220 = arith.addi %add3A_218, %add3A_219 : i32
      %sub3A_221 = arith.constant 1 : i32
      %sub3A_222 = arith.subi %add3A_220, %sub3A_221 : i32
      %dma_start3A_223 = arith.constant 0 : i32
      %dma_start3A_224 = arith.constant 0 : i32
      %dma_start3A_225 = arith.constant 0 : i32
      %dma_start3A_226 = tpu.memref_slice %arg9[%dma_start3A_223, %dma_start3A_224, %dma_start3A_225] : memref<4x128x64xf32, #tpu.memory_space<vmem>> -> memref<1x128x64xf32, #tpu.memory_space<vmem>>
      %dma_start3A_227 = tpu.memref_squeeze %dma_start3A_226 : memref<1x128x64xf32, #tpu.memory_space<vmem>> -> memref<128x64xf32, #tpu.memory_space<vmem>>
      %dma_start3A_228 = arith.constant 0 : i32
      %dma_start3A_229 = tpu.memref_slice %arg7[%sub3A_222, %dma_start3A_228] : memref<168x128xi32, #tpu.memory_space<vmem>> -> memref<1x128xi32, #tpu.memory_space<vmem>>
      %dma_start3A_230 = tpu.memref_squeeze %dma_start3A_229 : memref<1x128xi32, #tpu.memory_space<vmem>> -> memref<128xi32, #tpu.memory_space<vmem>>
      %dma_start3A_231 = arith.constant 0 : i32
      %dma_start3A_232 = arith.constant 0 : i32
      %dma_start3A_233 = tpu.memref_slice %arg2[%arg0, %dma_start3A_231, %dma_start3A_232] : memref<2x10112x64xf32, #tpu.memory_space<hbm>> -> memref<1x10112x64xf32, #tpu.memory_space<hbm>>
      %dma_start3A_234 = tpu.memref_squeeze %dma_start3A_233 : memref<1x10112x64xf32, #tpu.memory_space<hbm>> -> memref<10112x64xf32, #tpu.memory_space<hbm>>
      %dma_start3A_235 = arith.constant 0 : i32
      %dma_start3A_236 = arith.constant 0 : i32
      %dma_start3A_237 = tpu.memref_slice %dma_start3A_234[%dma_start3A_235, %dma_start3A_236] : memref<10112x64xf32, #tpu.memory_space<hbm>> -> memref<10112x64xf32, #tpu.memory_space<hbm>>
      tpu.enqueue_indirect_dma source(%dma_start3A_237 : memref<10112x64xf32, #tpu.memory_space<hbm>>) target(%dma_start3A_227 : memref<128x64xf32, #tpu.memory_space<vmem>>) offsets(%dma_start3A_230 : memref<128xi32, #tpu.memory_space<vmem>>) semaphore(%arg11 : memref<!tpu.dma_semaphore, #tpu.memory_space<semaphore_mem>>)
      %dma_wait3A_238 = arith.constant 1 : i32
      %dma_wait3A_239 = arith.constant 0 : i32
      %dma_wait3A_240 = arith.constant 0 : i32
      %dma_wait3A_241 = tpu.memref_slice %arg9[%dma_wait3A_238, %dma_wait3A_239, %dma_wait3A_240] : memref<4x128x64xf32, #tpu.memory_space<vmem>> -> memref<1x128x64xf32, #tpu.memory_space<vmem>>
      %dma_wait3A_242 = tpu.memref_squeeze %dma_wait3A_241 : memref<1x128x64xf32, #tpu.memory_space<vmem>> -> memref<128x64xf32, #tpu.memory_space<vmem>>
      %dma_wait3A_243 = arith.constant 0 : i32
      %dma_wait3A_244 = tpu.memref_slice %arg7[%add3A_218, %dma_wait3A_243] : memref<168x128xi32, #tpu.memory_space<vmem>> -> memref<1x128xi32, #tpu.memory_space<vmem>>
      %dma_wait3A_245 = tpu.memref_squeeze %dma_wait3A_244 : memref<1x128xi32, #tpu.memory_space<vmem>> -> memref<128xi32, #tpu.memory_space<vmem>>
      %dma_wait3A_246 = arith.constant 0 : i32
      %dma_wait3A_247 = arith.constant 0 : i32
      %dma_wait3A_248 = tpu.memref_slice %arg2[%arg0, %dma_wait3A_246, %dma_wait3A_247] : memref<2x10112x64xf32, #tpu.memory_space<hbm>> -> memref<1x10112x64xf32, #tpu.memory_space<hbm>>
      %dma_wait3A_249 = tpu.memref_squeeze %dma_wait3A_248 : memref<1x10112x64xf32, #tpu.memory_space<hbm>> -> memref<10112x64xf32, #tpu.memory_space<hbm>>
      %dma_wait3A_250 = arith.constant 0 : i32
      %dma_wait3A_251 = arith.constant 0 : i32
      %dma_wait3A_252 = tpu.memref_slice %dma_wait3A_249[%dma_wait3A_250, %dma_wait3A_251] : memref<10112x64xf32, #tpu.memory_space<hbm>> -> memref<10112x64xf32, #tpu.memory_space<hbm>>
      tpu.wait_indirect_dma semaphore(%arg12 : memref<!tpu.dma_semaphore, #tpu.memory_space<semaphore_mem>>) src(%dma_wait3A_252 : memref<10112x64xf32, #tpu.memory_space<hbm>>) dst(%dma_wait3A_242 : memref<128x64xf32, #tpu.memory_space<vmem>>)
      %run_scoped3A_253 = arith.constant 1 : i32
      "tpu.region"() ({
        %run_scoped3A_328 = tpu.sem_alloc : memref<!tpu.dma_semaphore, #tpu.memory_space<semaphore_mem>>
        %dma_start3A_329 = arith.constant 0 : i32
        %dma_start3A_330 = arith.constant 0 : i32
        %dma_start3A_331 = tpu.memref_slice %arg9[%run_scoped3A_253, %dma_start3A_329, %dma_start3A_330] : memref<4x128x64xf32, #tpu.memory_space<vmem>> -> memref<1x128x64xf32, #tpu.memory_space<vmem>>
        %dma_start3A_332 = tpu.memref_squeeze %dma_start3A_331 : memref<1x128x64xf32, #tpu.memory_space<vmem>> -> memref<128x64xf32, #tpu.memory_space<vmem>>
        %dma_start3A_333 = arith.constant 0 : i32
        %dma_start3A_334 = tpu.memref_slice %arg8[%add3A_218, %dma_start3A_333] : memref<168x128xi32, #tpu.memory_space<vmem>> -> memref<1x128xi32, #tpu.memory_space<vmem>>
        %dma_start3A_335 = tpu.memref_squeeze %dma_start3A_334 : memref<1x128xi32, #tpu.memory_space<vmem>> -> memref<128xi32, #tpu.memory_space<vmem>>
        %dma_start3A_336 = arith.constant 0 : i32
        %dma_start3A_337 = arith.constant 0 : i32
        %dma_start3A_338 = tpu.memref_slice %arg10[%dma_start3A_336, %dma_start3A_337] : memref<10112x64xf32, #tpu.memory_space<vmem_shared>> -> memref<10112x64xf32, #tpu.memory_space<vmem_shared>>
        tpu.enqueue_indirect_dma source(%dma_start3A_332 : memref<128x64xf32, #tpu.memory_space<vmem>>) target(%dma_start3A_338 : memref<10112x64xf32, #tpu.memory_space<vmem_shared>>) offsets(%dma_start3A_335 : memref<128xi32, #tpu.memory_space<vmem>>) semaphore(%run_scoped3A_328 : memref<!tpu.dma_semaphore, #tpu.memory_space<semaphore_mem>>) {add = true}
        %dma_wait3A_339 = arith.constant 0 : i32
        %dma_wait3A_340 = arith.constant 0 : i32
        %dma_wait3A_341 = tpu.memref_slice %arg9[%run_scoped3A_253, %dma_wait3A_339, %dma_wait3A_340] : memref<4x128x64xf32, #tpu.memory_space<vmem>> -> memref<1x128x64xf32, #tpu.memory_space<vmem>>
        %dma_wait3A_342 = tpu.memref_squeeze %dma_wait3A_341 : memref<1x128x64xf32, #tpu.memory_space<vmem>> -> memref<128x64xf32, #tpu.memory_space<vmem>>
        %dma_wait3A_343 = arith.constant 0 : i32
        %dma_wait3A_344 = tpu.memref_slice %arg8[%add3A_218, %dma_wait3A_343] : memref<168x128xi32, #tpu.memory_space<vmem>> -> memref<1x128xi32, #tpu.memory_space<vmem>>
        %dma_wait3A_345 = tpu.memref_squeeze %dma_wait3A_344 : memref<1x128xi32, #tpu.memory_space<vmem>> -> memref<128xi32, #tpu.memory_space<vmem>>
        %dma_wait3A_346 = arith.constant 0 : i32
        %dma_wait3A_347 = arith.constant 0 : i32
        %dma_wait3A_348 = tpu.memref_slice %arg10[%dma_wait3A_346, %dma_wait3A_347] : memref<10112x64xf32, #tpu.memory_space<vmem_shared>> -> memref<10112x64xf32, #tpu.memory_space<vmem_shared>>
        tpu.wait_indirect_dma semaphore(%run_scoped3A_328 : memref<!tpu.dma_semaphore, #tpu.memory_space<semaphore_mem>>) src(%dma_wait3A_342 : memref<128x64xf32, #tpu.memory_space<vmem>>) dst(%dma_wait3A_348 : memref<10112x64xf32, #tpu.memory_space<vmem_shared>>)
        tpu.yield
      }) : () -> ()
      %add3A_254 = arith.constant 2 : i32
      %add3A_255 = arith.addi %add3A_180, %add3A_254 : i32
      %add3A_256 = arith.constant 4 : i32
      %add3A_257 = arith.addi %add3A_255, %add3A_256 : i32
      %sub3A_258 = arith.constant 1 : i32
      %sub3A_259 = arith.subi %add3A_257, %sub3A_258 : i32
      %dma_start3A_260 = arith.constant 1 : i32
      %dma_start3A_261 = arith.constant 0 : i32
      %dma_start3A_262 = arith.constant 0 : i32
      %dma_start3A_263 = tpu.memref_slice %arg9[%dma_start3A_260, %dma_start3A_261, %dma_start3A_262] : memref<4x128x64xf32, #tpu.memory_space<vmem>> -> memref<1x128x64xf32, #tpu.memory_space<vmem>>
      %dma_start3A_264 = tpu.memref_squeeze %dma_start3A_263 : memref<1x128x64xf32, #tpu.memory_space<vmem>> -> memref<128x64xf32, #tpu.memory_space<vmem>>
      %dma_start3A_265 = arith.constant 0 : i32
      %dma_start3A_266 = tpu.memref_slice %arg7[%sub3A_259, %dma_start3A_265] : memref<168x128xi32, #tpu.memory_space<vmem>> -> memref<1x128xi32, #tpu.memory_space<vmem>>
      %dma_start3A_267 = tpu.memref_squeeze %dma_start3A_266 : memref<1x128xi32, #tpu.memory_space<vmem>> -> memref<128xi32, #tpu.memory_space<vmem>>
      %dma_start3A_268 = arith.constant 0 : i32
      %dma_start3A_269 = arith.constant 0 : i32
      %dma_start3A_270 = tpu.memref_slice %arg2[%arg0, %dma_start3A_268, %dma_start3A_269] : memref<2x10112x64xf32, #tpu.memory_space<hbm>> -> memref<1x10112x64xf32, #tpu.memory_space<hbm>>
      %dma_start3A_271 = tpu.memref_squeeze %dma_start3A_270 : memref<1x10112x64xf32, #tpu.memory_space<hbm>> -> memref<10112x64xf32, #tpu.memory_space<hbm>>
      %dma_start3A_272 = arith.constant 0 : i32
      %dma_start3A_273 = arith.constant 0 : i32
      %dma_start3A_274 = tpu.memref_slice %dma_start3A_271[%dma_start3A_272, %dma_start3A_273] : memref<10112x64xf32, #tpu.memory_space<hbm>> -> memref<10112x64xf32, #tpu.memory_space<hbm>>
      tpu.enqueue_indirect_dma source(%dma_start3A_274 : memref<10112x64xf32, #tpu.memory_space<hbm>>) target(%dma_start3A_264 : memref<128x64xf32, #tpu.memory_space<vmem>>) offsets(%dma_start3A_267 : memref<128xi32, #tpu.memory_space<vmem>>) semaphore(%arg12 : memref<!tpu.dma_semaphore, #tpu.memory_space<semaphore_mem>>)
      %dma_wait3A_275 = arith.constant 2 : i32
      %dma_wait3A_276 = arith.constant 0 : i32
      %dma_wait3A_277 = arith.constant 0 : i32
      %dma_wait3A_278 = tpu.memref_slice %arg9[%dma_wait3A_275, %dma_wait3A_276, %dma_wait3A_277] : memref<4x128x64xf32, #tpu.memory_space<vmem>> -> memref<1x128x64xf32, #tpu.memory_space<vmem>>
      %dma_wait3A_279 = tpu.memref_squeeze %dma_wait3A_278 : memref<1x128x64xf32, #tpu.memory_space<vmem>> -> memref<128x64xf32, #tpu.memory_space<vmem>>
      %dma_wait3A_280 = arith.constant 0 : i32
      %dma_wait3A_281 = tpu.memref_slice %arg7[%add3A_255, %dma_wait3A_280] : memref<168x128xi32, #tpu.memory_space<vmem>> -> memref<1x128xi32, #tpu.memory_space<vmem>>
      %dma_wait3A_282 = tpu.memref_squeeze %dma_wait3A_281 : memref<1x128xi32, #tpu.memory_space<vmem>> -> memref<128xi32, #tpu.memory_space<vmem>>
      %dma_wait3A_283 = arith.constant 0 : i32
      %dma_wait3A_284 = arith.constant 0 : i32
      %dma_wait3A_285 = tpu.memref_slice %arg2[%arg0, %dma_wait3A_283, %dma_wait3A_284] : memref<2x10112x64xf32, #tpu.memory_space<hbm>> -> memref<1x10112x64xf32, #tpu.memory_space<hbm>>
      %dma_wait3A_286 = tpu.memref_squeeze %dma_wait3A_285 : memref<1x10112x64xf32, #tpu.memory_space<hbm>> -> memref<10112x64xf32, #tpu.memory_space<hbm>>
      %dma_wait3A_287 = arith.constant 0 : i32
      %dma_wait3A_288 = arith.constant 0 : i32
      %dma_wait3A_289 = tpu.memref_slice %dma_wait3A_286[%dma_wait3A_287, %dma_wait3A_288] : memref<10112x64xf32, #tpu.memory_space<hbm>> -> memref<10112x64xf32, #tpu.memory_space<hbm>>
      tpu.wait_indirect_dma semaphore(%arg13 : memref<!tpu.dma_semaphore, #tpu.memory_space<semaphore_mem>>) src(%dma_wait3A_289 : memref<10112x64xf32, #tpu.memory_space<hbm>>) dst(%dma_wait3A_279 : memref<128x64xf32, #tpu.memory_space<vmem>>)
      %run_scoped3A_290 = arith.constant 2 : i32
      "tpu.region"() ({
        %run_scoped3A_328 = tpu.sem_alloc : memref<!tpu.dma_semaphore, #tpu.memory_space<semaphore_mem>>
        %dma_start3A_329 = arith.constant 0 : i32
        %dma_start3A_330 = arith.constant 0 : i32
        %dma_start3A_331 = tpu.memref_slice %arg9[%run_scoped3A_290, %dma_start3A_329, %dma_start3A_330] : memref<4x128x64xf32, #tpu.memory_space<vmem>> -> memref<1x128x64xf32, #tpu.memory_space<vmem>>
        %dma_start3A_332 = tpu.memref_squeeze %dma_start3A_331 : memref<1x128x64xf32, #tpu.memory_space<vmem>> -> memref<128x64xf32, #tpu.memory_space<vmem>>
        %dma_start3A_333 = arith.constant 0 : i32
        %dma_start3A_334 = tpu.memref_slice %arg8[%add3A_255, %dma_start3A_333] : memref<168x128xi32, #tpu.memory_space<vmem>> -> memref<1x128xi32, #tpu.memory_space<vmem>>
        %dma_start3A_335 = tpu.memref_squeeze %dma_start3A_334 : memref<1x128xi32, #tpu.memory_space<vmem>> -> memref<128xi32, #tpu.memory_space<vmem>>
        %dma_start3A_336 = arith.constant 0 : i32
        %dma_start3A_337 = arith.constant 0 : i32
        %dma_start3A_338 = tpu.memref_slice %arg10[%dma_start3A_336, %dma_start3A_337] : memref<10112x64xf32, #tpu.memory_space<vmem_shared>> -> memref<10112x64xf32, #tpu.memory_space<vmem_shared>>
        tpu.enqueue_indirect_dma source(%dma_start3A_332 : memref<128x64xf32, #tpu.memory_space<vmem>>) target(%dma_start3A_338 : memref<10112x64xf32, #tpu.memory_space<vmem_shared>>) offsets(%dma_start3A_335 : memref<128xi32, #tpu.memory_space<vmem>>) semaphore(%run_scoped3A_328 : memref<!tpu.dma_semaphore, #tpu.memory_space<semaphore_mem>>) {add = true}
        %dma_wait3A_339 = arith.constant 0 : i32
        %dma_wait3A_340 = arith.constant 0 : i32
        %dma_wait3A_341 = tpu.memref_slice %arg9[%run_scoped3A_290, %dma_wait3A_339, %dma_wait3A_340] : memref<4x128x64xf32, #tpu.memory_space<vmem>> -> memref<1x128x64xf32, #tpu.memory_space<vmem>>
        %dma_wait3A_342 = tpu.memref_squeeze %dma_wait3A_341 : memref<1x128x64xf32, #tpu.memory_space<vmem>> -> memref<128x64xf32, #tpu.memory_space<vmem>>
        %dma_wait3A_343 = arith.constant 0 : i32
        %dma_wait3A_344 = tpu.memref_slice %arg8[%add3A_255, %dma_wait3A_343] : memref<168x128xi32, #tpu.memory_space<vmem>> -> memref<1x128xi32, #tpu.memory_space<vmem>>
        %dma_wait3A_345 = tpu.memref_squeeze %dma_wait3A_344 : memref<1x128xi32, #tpu.memory_space<vmem>> -> memref<128xi32, #tpu.memory_space<vmem>>
        %dma_wait3A_346 = arith.constant 0 : i32
        %dma_wait3A_347 = arith.constant 0 : i32
        %dma_wait3A_348 = tpu.memref_slice %arg10[%dma_wait3A_346, %dma_wait3A_347] : memref<10112x64xf32, #tpu.memory_space<vmem_shared>> -> memref<10112x64xf32, #tpu.memory_space<vmem_shared>>
        tpu.wait_indirect_dma semaphore(%run_scoped3A_328 : memref<!tpu.dma_semaphore, #tpu.memory_space<semaphore_mem>>) src(%dma_wait3A_342 : memref<128x64xf32, #tpu.memory_space<vmem>>) dst(%dma_wait3A_348 : memref<10112x64xf32, #tpu.memory_space<vmem_shared>>)
        tpu.yield
      }) : () -> ()
      %add3A_291 = arith.constant 3 : i32
      %add3A_292 = arith.addi %add3A_180, %add3A_291 : i32
      %add3A_293 = arith.constant 4 : i32
      %add3A_294 = arith.addi %add3A_292, %add3A_293 : i32
      %sub3A_295 = arith.constant 1 : i32
      %sub3A_296 = arith.subi %add3A_294, %sub3A_295 : i32
      %dma_start3A_297 = arith.constant 2 : i32
      %dma_start3A_298 = arith.constant 0 : i32
      %dma_start3A_299 = arith.constant 0 : i32
      %dma_start3A_300 = tpu.memref_slice %arg9[%dma_start3A_297, %dma_start3A_298, %dma_start3A_299] : memref<4x128x64xf32, #tpu.memory_space<vmem>> -> memref<1x128x64xf32, #tpu.memory_space<vmem>>
      %dma_start3A_301 = tpu.memref_squeeze %dma_start3A_300 : memref<1x128x64xf32, #tpu.memory_space<vmem>> -> memref<128x64xf32, #tpu.memory_space<vmem>>
      %dma_start3A_302 = arith.constant 0 : i32
      %dma_start3A_303 = tpu.memref_slice %arg7[%sub3A_296, %dma_start3A_302] : memref<168x128xi32, #tpu.memory_space<vmem>> -> memref<1x128xi32, #tpu.memory_space<vmem>>
      %dma_start3A_304 = tpu.memref_squeeze %dma_start3A_303 : memref<1x128xi32, #tpu.memory_space<vmem>> -> memref<128xi32, #tpu.memory_space<vmem>>
      %dma_start3A_305 = arith.constant 0 : i32
      %dma_start3A_306 = arith.constant 0 : i32
      %dma_start3A_307 = tpu.memref_slice %arg2[%arg0, %dma_start3A_305, %dma_start3A_306] : memref<2x10112x64xf32, #tpu.memory_space<hbm>> -> memref<1x10112x64xf32, #tpu.memory_space<hbm>>
      %dma_start3A_308 = tpu.memref_squeeze %dma_start3A_307 : memref<1x10112x64xf32, #tpu.memory_space<hbm>> -> memref<10112x64xf32, #tpu.memory_space<hbm>>
      %dma_start3A_309 = arith.constant 0 : i32
      %dma_start3A_310 = arith.constant 0 : i32
      %dma_start3A_311 = tpu.memref_slice %dma_start3A_308[%dma_start3A_309, %dma_start3A_310] : memref<10112x64xf32, #tpu.memory_space<hbm>> -> memref<10112x64xf32, #tpu.memory_space<hbm>>
      tpu.enqueue_indirect_dma source(%dma_start3A_311 : memref<10112x64xf32, #tpu.memory_space<hbm>>) target(%dma_start3A_301 : memref<128x64xf32, #tpu.memory_space<vmem>>) offsets(%dma_start3A_304 : memref<128xi32, #tpu.memory_space<vmem>>) semaphore(%arg13 : memref<!tpu.dma_semaphore, #tpu.memory_space<semaphore_mem>>)
      %dma_wait3A_312 = arith.constant 3 : i32
      %dma_wait3A_313 = arith.constant 0 : i32
      %dma_wait3A_314 = arith.constant 0 : i32
      %dma_wait3A_315 = tpu.memref_slice %arg9[%dma_wait3A_312, %dma_wait3A_313, %dma_wait3A_314] : memref<4x128x64xf32, #tpu.memory_space<vmem>> -> memref<1x128x64xf32, #tpu.memory_space<vmem>>
      %dma_wait3A_316 = tpu.memref_squeeze %dma_wait3A_315 : memref<1x128x64xf32, #tpu.memory_space<vmem>> -> memref<128x64xf32, #tpu.memory_space<vmem>>
      %dma_wait3A_317 = arith.constant 0 : i32
      %dma_wait3A_318 = tpu.memref_slice %arg7[%add3A_292, %dma_wait3A_317] : memref<168x128xi32, #tpu.memory_space<vmem>> -> memref<1x128xi32, #tpu.memory_space<vmem>>
      %dma_wait3A_319 = tpu.memref_squeeze %dma_wait3A_318 : memref<1x128xi32, #tpu.memory_space<vmem>> -> memref<128xi32, #tpu.memory_space<vmem>>
      %dma_wait3A_320 = arith.constant 0 : i32
      %dma_wait3A_321 = arith.constant 0 : i32
      %dma_wait3A_322 = tpu.memref_slice %arg2[%arg0, %dma_wait3A_320, %dma_wait3A_321] : memref<2x10112x64xf32, #tpu.memory_space<hbm>> -> memref<1x10112x64xf32, #tpu.memory_space<hbm>>
      %dma_wait3A_323 = tpu.memref_squeeze %dma_wait3A_322 : memref<1x10112x64xf32, #tpu.memory_space<hbm>> -> memref<10112x64xf32, #tpu.memory_space<hbm>>
      %dma_wait3A_324 = arith.constant 0 : i32
      %dma_wait3A_325 = arith.constant 0 : i32
      %dma_wait3A_326 = tpu.memref_slice %dma_wait3A_323[%dma_wait3A_324, %dma_wait3A_325] : memref<10112x64xf32, #tpu.memory_space<hbm>> -> memref<10112x64xf32, #tpu.memory_space<hbm>>
      tpu.wait_indirect_dma semaphore(%arg14 : memref<!tpu.dma_semaphore, #tpu.memory_space<semaphore_mem>>) src(%dma_wait3A_326 : memref<10112x64xf32, #tpu.memory_space<hbm>>) dst(%dma_wait3A_316 : memref<128x64xf32, #tpu.memory_space<vmem>>)
      %run_scoped3A_327 = arith.constant 3 : i32
      "tpu.region"() ({
        %run_scoped3A_328 = tpu.sem_alloc : memref<!tpu.dma_semaphore, #tpu.memory_space<semaphore_mem>>
        %dma_start3A_329 = arith.constant 0 : i32
        %dma_start3A_330 = arith.constant 0 : i32
        %dma_start3A_331 = tpu.memref_slice %arg9[%run_scoped3A_327, %dma_start3A_329, %dma_start3A_330] : memref<4x128x64xf32, #tpu.memory_space<vmem>> -> memref<1x128x64xf32, #tpu.memory_space<vmem>>
        %dma_start3A_332 = tpu.memref_squeeze %dma_start3A_331 : memref<1x128x64xf32, #tpu.memory_space<vmem>> -> memref<128x64xf32, #tpu.memory_space<vmem>>
        %dma_start3A_333 = arith.constant 0 : i32
        %dma_start3A_334 = tpu.memref_slice %arg8[%add3A_292, %dma_start3A_333] : memref<168x128xi32, #tpu.memory_space<vmem>> -> memref<1x128xi32, #tpu.memory_space<vmem>>
        %dma_start3A_335 = tpu.memref_squeeze %dma_start3A_334 : memref<1x128xi32, #tpu.memory_space<vmem>> -> memref<128xi32, #tpu.memory_space<vmem>>
        %dma_start3A_336 = arith.constant 0 : i32
        %dma_start3A_337 = arith.constant 0 : i32
        %dma_start3A_338 = tpu.memref_slice %arg10[%dma_start3A_336, %dma_start3A_337] : memref<10112x64xf32, #tpu.memory_space<vmem_shared>> -> memref<10112x64xf32, #tpu.memory_space<vmem_shared>>
        tpu.enqueue_indirect_dma source(%dma_start3A_332 : memref<128x64xf32, #tpu.memory_space<vmem>>) target(%dma_start3A_338 : memref<10112x64xf32, #tpu.memory_space<vmem_shared>>) offsets(%dma_start3A_335 : memref<128xi32, #tpu.memory_space<vmem>>) semaphore(%run_scoped3A_328 : memref<!tpu.dma_semaphore, #tpu.memory_space<semaphore_mem>>) {add = true}
        %dma_wait3A_339 = arith.constant 0 : i32
        %dma_wait3A_340 = arith.constant 0 : i32
        %dma_wait3A_341 = tpu.memref_slice %arg9[%run_scoped3A_327, %dma_wait3A_339, %dma_wait3A_340] : memref<4x128x64xf32, #tpu.memory_space<vmem>> -> memref<1x128x64xf32, #tpu.memory_space<vmem>>
        %dma_wait3A_342 = tpu.memref_squeeze %dma_wait3A_341 : memref<1x128x64xf32, #tpu.memory_space<vmem>> -> memref<128x64xf32, #tpu.memory_space<vmem>>
        %dma_wait3A_343 = arith.constant 0 : i32
        %dma_wait3A_344 = tpu.memref_slice %arg8[%add3A_292, %dma_wait3A_343] : memref<168x128xi32, #tpu.memory_space<vmem>> -> memref<1x128xi32, #tpu.memory_space<vmem>>
        %dma_wait3A_345 = tpu.memref_squeeze %dma_wait3A_344 : memref<1x128xi32, #tpu.memory_space<vmem>> -> memref<128xi32, #tpu.memory_space<vmem>>
        %dma_wait3A_346 = arith.constant 0 : i32
        %dma_wait3A_347 = arith.constant 0 : i32
        %dma_wait3A_348 = tpu.memref_slice %arg10[%dma_wait3A_346, %dma_wait3A_347] : memref<10112x64xf32, #tpu.memory_space<vmem_shared>> -> memref<10112x64xf32, #tpu.memory_space<vmem_shared>>
        tpu.wait_indirect_dma semaphore(%run_scoped3A_328 : memref<!tpu.dma_semaphore, #tpu.memory_space<semaphore_mem>>) src(%dma_wait3A_342 : memref<128x64xf32, #tpu.memory_space<vmem>>) dst(%dma_wait3A_348 : memref<10112x64xf32, #tpu.memory_space<vmem_shared>>)
        tpu.yield
      }) : () -> ()
    }
    %scan3A_84 = arith.constant 41 : i32
    %dma_start3A_85 = arith.constant 167 : i32
    %dma_start3A_86 = arith.constant 3 : i32
    %dma_start3A_87 = arith.constant 0 : i32
    %dma_start3A_88 = arith.constant 0 : i32
    %dma_start3A_89 = tpu.memref_slice %arg9[%dma_start3A_86, %dma_start3A_87, %dma_start3A_88] : memref<4x128x64xf32, #tpu.memory_space<vmem>> -> memref<1x128x64xf32, #tpu.memory_space<vmem>>
    %dma_start3A_90 = tpu.memref_squeeze %dma_start3A_89 : memref<1x128x64xf32, #tpu.memory_space<vmem>> -> memref<128x64xf32, #tpu.memory_space<vmem>>
    %dma_start3A_91 = arith.constant 0 : i32
    %dma_start3A_92 = tpu.memref_slice %arg7[%dma_start3A_85, %dma_start3A_91] : memref<168x128xi32, #tpu.memory_space<vmem>> -> memref<1x128xi32, #tpu.memory_space<vmem>>
    %dma_start3A_93 = tpu.memref_squeeze %dma_start3A_92 : memref<1x128xi32, #tpu.memory_space<vmem>> -> memref<128xi32, #tpu.memory_space<vmem>>
    %dma_start3A_94 = arith.constant 0 : i32
    %dma_start3A_95 = arith.constant 0 : i32
    %dma_start3A_96 = tpu.memref_slice %arg2[%arg0, %dma_start3A_94, %dma_start3A_95] : memref<2x10112x64xf32, #tpu.memory_space<hbm>> -> memref<1x10112x64xf32, #tpu.memory_space<hbm>>
    %dma_start3A_97 = tpu.memref_squeeze %dma_start3A_96 : memref<1x10112x64xf32, #tpu.memory_space<hbm>> -> memref<10112x64xf32, #tpu.memory_space<hbm>>
    %dma_start3A_98 = arith.constant 0 : i32
    %dma_start3A_99 = arith.constant 0 : i32
    %dma_start3A_100 = tpu.memref_slice %dma_start3A_97[%dma_start3A_98, %dma_start3A_99] : memref<10112x64xf32, #tpu.memory_space<hbm>> -> memref<10112x64xf32, #tpu.memory_space<hbm>>
    tpu.enqueue_indirect_dma source(%dma_start3A_100 : memref<10112x64xf32, #tpu.memory_space<hbm>>) target(%dma_start3A_90 : memref<128x64xf32, #tpu.memory_space<vmem>>) offsets(%dma_start3A_93 : memref<128xi32, #tpu.memory_space<vmem>>) semaphore(%arg14 : memref<!tpu.dma_semaphore, #tpu.memory_space<semaphore_mem>>)
    %dma_wait3A_101 = arith.constant 164 : i32
    %dma_wait3A_102 = arith.constant 0 : i32
    %dma_wait3A_103 = arith.constant 0 : i32
    %dma_wait3A_104 = arith.constant 0 : i32
    %dma_wait3A_105 = tpu.memref_slice %arg9[%dma_wait3A_102, %dma_wait3A_103, %dma_wait3A_104] : memref<4x128x64xf32, #tpu.memory_space<vmem>> -> memref<1x128x64xf32, #tpu.memory_space<vmem>>
    %dma_wait3A_106 = tpu.memref_squeeze %dma_wait3A_105 : memref<1x128x64xf32, #tpu.memory_space<vmem>> -> memref<128x64xf32, #tpu.memory_space<vmem>>
    %dma_wait3A_107 = arith.constant 0 : i32
    %dma_wait3A_108 = tpu.memref_slice %arg7[%dma_wait3A_101, %dma_wait3A_107] : memref<168x128xi32, #tpu.memory_space<vmem>> -> memref<1x128xi32, #tpu.memory_space<vmem>>
    %dma_wait3A_109 = tpu.memref_squeeze %dma_wait3A_108 : memref<1x128xi32, #tpu.memory_space<vmem>> -> memref<128xi32, #tpu.memory_space<vmem>>
    %dma_wait3A_110 = arith.constant 0 : i32
    %dma_wait3A_111 = arith.constant 0 : i32
    %dma_wait3A_112 = tpu.memref_slice %arg2[%arg0, %dma_wait3A_110, %dma_wait3A_111] : memref<2x10112x64xf32, #tpu.memory_space<hbm>> -> memref<1x10112x64xf32, #tpu.memory_space<hbm>>
    %dma_wait3A_113 = tpu.memref_squeeze %dma_wait3A_112 : memref<1x10112x64xf32, #tpu.memory_space<hbm>> -> memref<10112x64xf32, #tpu.memory_space<hbm>>
    %dma_wait3A_114 = arith.constant 0 : i32
    %dma_wait3A_115 = arith.constant 0 : i32
    %dma_wait3A_116 = tpu.memref_slice %dma_wait3A_113[%dma_wait3A_114, %dma_wait3A_115] : memref<10112x64xf32, #tpu.memory_space<hbm>> -> memref<10112x64xf32, #tpu.memory_space<hbm>>
    tpu.wait_indirect_dma semaphore(%arg11 : memref<!tpu.dma_semaphore, #tpu.memory_space<semaphore_mem>>) src(%dma_wait3A_116 : memref<10112x64xf32, #tpu.memory_space<hbm>>) dst(%dma_wait3A_106 : memref<128x64xf32, #tpu.memory_space<vmem>>)
    %run_scoped3A = arith.constant 0 : i32
    %run_scoped3A_117 = arith.constant 164 : i32
    "tpu.region"() ({
      %run_scoped3A_177 = tpu.sem_alloc : memref<!tpu.dma_semaphore, #tpu.memory_space<semaphore_mem>>
      %dma_start3A_178 = arith.constant 0 : i32
      %dma_start3A_179 = arith.constant 0 : i32
      %dma_start3A_180 = tpu.memref_slice %arg9[%run_scoped3A, %dma_start3A_178, %dma_start3A_179] : memref<4x128x64xf32, #tpu.memory_space<vmem>> -> memref<1x128x64xf32, #tpu.memory_space<vmem>>
      %dma_start3A_181 = tpu.memref_squeeze %dma_start3A_180 : memref<1x128x64xf32, #tpu.memory_space<vmem>> -> memref<128x64xf32, #tpu.memory_space<vmem>>
      %dma_start3A_182 = arith.constant 0 : i32
      %dma_start3A_183 = tpu.memref_slice %arg8[%run_scoped3A_117, %dma_start3A_182] : memref<168x128xi32, #tpu.memory_space<vmem>> -> memref<1x128xi32, #tpu.memory_space<vmem>>
      %dma_start3A_184 = tpu.memref_squeeze %dma_start3A_183 : memref<1x128xi32, #tpu.memory_space<vmem>> -> memref<128xi32, #tpu.memory_space<vmem>>
      %dma_start3A_185 = arith.constant 0 : i32
      %dma_start3A_186 = arith.constant 0 : i32
      %dma_start3A_187 = tpu.memref_slice %arg10[%dma_start3A_185, %dma_start3A_186] : memref<10112x64xf32, #tpu.memory_space<vmem_shared>> -> memref<10112x64xf32, #tpu.memory_space<vmem_shared>>
      tpu.enqueue_indirect_dma source(%dma_start3A_181 : memref<128x64xf32, #tpu.memory_space<vmem>>) target(%dma_start3A_187 : memref<10112x64xf32, #tpu.memory_space<vmem_shared>>) offsets(%dma_start3A_184 : memref<128xi32, #tpu.memory_space<vmem>>) semaphore(%run_scoped3A_177 : memref<!tpu.dma_semaphore, #tpu.memory_space<semaphore_mem>>) {add = true}
      %dma_wait3A_188 = arith.constant 0 : i32
      %dma_wait3A_189 = arith.constant 0 : i32
      %dma_wait3A_190 = tpu.memref_slice %arg9[%run_scoped3A, %dma_wait3A_188, %dma_wait3A_189] : memref<4x128x64xf32, #tpu.memory_space<vmem>> -> memref<1x128x64xf32, #tpu.memory_space<vmem>>
      %dma_wait3A_191 = tpu.memref_squeeze %dma_wait3A_190 : memref<1x128x64xf32, #tpu.memory_space<vmem>> -> memref<128x64xf32, #tpu.memory_space<vmem>>
      %dma_wait3A_192 = arith.constant 0 : i32
      %dma_wait3A_193 = tpu.memref_slice %arg8[%run_scoped3A_117, %dma_wait3A_192] : memref<168x128xi32, #tpu.memory_space<vmem>> -> memref<1x128xi32, #tpu.memory_space<vmem>>
      %dma_wait3A_194 = tpu.memref_squeeze %dma_wait3A_193 : memref<1x128xi32, #tpu.memory_space<vmem>> -> memref<128xi32, #tpu.memory_space<vmem>>
      %dma_wait3A_195 = arith.constant 0 : i32
      %dma_wait3A_196 = arith.constant 0 : i32
      %dma_wait3A_197 = tpu.memref_slice %arg10[%dma_wait3A_195, %dma_wait3A_196] : memref<10112x64xf32, #tpu.memory_space<vmem_shared>> -> memref<10112x64xf32, #tpu.memory_space<vmem_shared>>
      tpu.wait_indirect_dma semaphore(%run_scoped3A_177 : memref<!tpu.dma_semaphore, #tpu.memory_space<semaphore_mem>>) src(%dma_wait3A_191 : memref<128x64xf32, #tpu.memory_space<vmem>>) dst(%dma_wait3A_197 : memref<10112x64xf32, #tpu.memory_space<vmem_shared>>)
      tpu.yield
    }) : () -> ()
    %dma_wait3A_118 = arith.constant 165 : i32
    %dma_wait3A_119 = arith.constant 1 : i32
    %dma_wait3A_120 = arith.constant 0 : i32
    %dma_wait3A_121 = arith.constant 0 : i32
    %dma_wait3A_122 = tpu.memref_slice %arg9[%dma_wait3A_119, %dma_wait3A_120, %dma_wait3A_121] : memref<4x128x64xf32, #tpu.memory_space<vmem>> -> memref<1x128x64xf32, #tpu.memory_space<vmem>>
    %dma_wait3A_123 = tpu.memref_squeeze %dma_wait3A_122 : memref<1x128x64xf32, #tpu.memory_space<vmem>> -> memref<128x64xf32, #tpu.memory_space<vmem>>
    %dma_wait3A_124 = arith.constant 0 : i32
    %dma_wait3A_125 = tpu.memref_slice %arg7[%dma_wait3A_118, %dma_wait3A_124] : memref<168x128xi32, #tpu.memory_space<vmem>> -> memref<1x128xi32, #tpu.memory_space<vmem>>
    %dma_wait3A_126 = tpu.memref_squeeze %dma_wait3A_125 : memref<1x128xi32, #tpu.memory_space<vmem>> -> memref<128xi32, #tpu.memory_space<vmem>>
    %dma_wait3A_127 = arith.constant 0 : i32
    %dma_wait3A_128 = arith.constant 0 : i32
    %dma_wait3A_129 = tpu.memref_slice %arg2[%arg0, %dma_wait3A_127, %dma_wait3A_128] : memref<2x10112x64xf32, #tpu.memory_space<hbm>> -> memref<1x10112x64xf32, #tpu.memory_space<hbm>>
    %dma_wait3A_130 = tpu.memref_squeeze %dma_wait3A_129 : memref<1x10112x64xf32, #tpu.memory_space<hbm>> -> memref<10112x64xf32, #tpu.memory_space<hbm>>
    %dma_wait3A_131 = arith.constant 0 : i32
    %dma_wait3A_132 = arith.constant 0 : i32
    %dma_wait3A_133 = tpu.memref_slice %dma_wait3A_130[%dma_wait3A_131, %dma_wait3A_132] : memref<10112x64xf32, #tpu.memory_space<hbm>> -> memref<10112x64xf32, #tpu.memory_space<hbm>>
    tpu.wait_indirect_dma semaphore(%arg12 : memref<!tpu.dma_semaphore, #tpu.memory_space<semaphore_mem>>) src(%dma_wait3A_133 : memref<10112x64xf32, #tpu.memory_space<hbm>>) dst(%dma_wait3A_123 : memref<128x64xf32, #tpu.memory_space<vmem>>)
    %run_scoped3A_134 = arith.constant 1 : i32
    %run_scoped3A_135 = arith.constant 165 : i32
    "tpu.region"() ({
      %run_scoped3A_177 = tpu.sem_alloc : memref<!tpu.dma_semaphore, #tpu.memory_space<semaphore_mem>>
      %dma_start3A_178 = arith.constant 0 : i32
      %dma_start3A_179 = arith.constant 0 : i32
      %dma_start3A_180 = tpu.memref_slice %arg9[%run_scoped3A_134, %dma_start3A_178, %dma_start3A_179] : memref<4x128x64xf32, #tpu.memory_space<vmem>> -> memref<1x128x64xf32, #tpu.memory_space<vmem>>
      %dma_start3A_181 = tpu.memref_squeeze %dma_start3A_180 : memref<1x128x64xf32, #tpu.memory_space<vmem>> -> memref<128x64xf32, #tpu.memory_space<vmem>>
      %dma_start3A_182 = arith.constant 0 : i32
      %dma_start3A_183 = tpu.memref_slice %arg8[%run_scoped3A_135, %dma_start3A_182] : memref<168x128xi32, #tpu.memory_space<vmem>> -> memref<1x128xi32, #tpu.memory_space<vmem>>
      %dma_start3A_184 = tpu.memref_squeeze %dma_start3A_183 : memref<1x128xi32, #tpu.memory_space<vmem>> -> memref<128xi32, #tpu.memory_space<vmem>>
      %dma_start3A_185 = arith.constant 0 : i32
      %dma_start3A_186 = arith.constant 0 : i32
      %dma_start3A_187 = tpu.memref_slice %arg10[%dma_start3A_185, %dma_start3A_186] : memref<10112x64xf32, #tpu.memory_space<vmem_shared>> -> memref<10112x64xf32, #tpu.memory_space<vmem_shared>>
      tpu.enqueue_indirect_dma source(%dma_start3A_181 : memref<128x64xf32, #tpu.memory_space<vmem>>) target(%dma_start3A_187 : memref<10112x64xf32, #tpu.memory_space<vmem_shared>>) offsets(%dma_start3A_184 : memref<128xi32, #tpu.memory_space<vmem>>) semaphore(%run_scoped3A_177 : memref<!tpu.dma_semaphore, #tpu.memory_space<semaphore_mem>>) {add = true}
      %dma_wait3A_188 = arith.constant 0 : i32
      %dma_wait3A_189 = arith.constant 0 : i32
      %dma_wait3A_190 = tpu.memref_slice %arg9[%run_scoped3A_134, %dma_wait3A_188, %dma_wait3A_189] : memref<4x128x64xf32, #tpu.memory_space<vmem>> -> memref<1x128x64xf32, #tpu.memory_space<vmem>>
      %dma_wait3A_191 = tpu.memref_squeeze %dma_wait3A_190 : memref<1x128x64xf32, #tpu.memory_space<vmem>> -> memref<128x64xf32, #tpu.memory_space<vmem>>
      %dma_wait3A_192 = arith.constant 0 : i32
      %dma_wait3A_193 = tpu.memref_slice %arg8[%run_scoped3A_135, %dma_wait3A_192] : memref<168x128xi32, #tpu.memory_space<vmem>> -> memref<1x128xi32, #tpu.memory_space<vmem>>
      %dma_wait3A_194 = tpu.memref_squeeze %dma_wait3A_193 : memref<1x128xi32, #tpu.memory_space<vmem>> -> memref<128xi32, #tpu.memory_space<vmem>>
      %dma_wait3A_195 = arith.constant 0 : i32
      %dma_wait3A_196 = arith.constant 0 : i32
      %dma_wait3A_197 = tpu.memref_slice %arg10[%dma_wait3A_195, %dma_wait3A_196] : memref<10112x64xf32, #tpu.memory_space<vmem_shared>> -> memref<10112x64xf32, #tpu.memory_space<vmem_shared>>
      tpu.wait_indirect_dma semaphore(%run_scoped3A_177 : memref<!tpu.dma_semaphore, #tpu.memory_space<semaphore_mem>>) src(%dma_wait3A_191 : memref<128x64xf32, #tpu.memory_space<vmem>>) dst(%dma_wait3A_197 : memref<10112x64xf32, #tpu.memory_space<vmem_shared>>)
      tpu.yield
    }) : () -> ()
    %dma_wait3A_136 = arith.constant 166 : i32
    %dma_wait3A_137 = arith.constant 2 : i32
    %dma_wait3A_138 = arith.constant 0 : i32
    %dma_wait3A_139 = arith.constant 0 : i32
    %dma_wait3A_140 = tpu.memref_slice %arg9[%dma_wait3A_137, %dma_wait3A_138, %dma_wait3A_139] : memref<4x128x64xf32, #tpu.memory_space<vmem>> -> memref<1x128x64xf32, #tpu.memory_space<vmem>>
    %dma_wait3A_141 = tpu.memref_squeeze %dma_wait3A_140 : memref<1x128x64xf32, #tpu.memory_space<vmem>> -> memref<128x64xf32, #tpu.memory_space<vmem>>
    %dma_wait3A_142 = arith.constant 0 : i32
    %dma_wait3A_143 = tpu.memref_slice %arg7[%dma_wait3A_136, %dma_wait3A_142] : memref<168x128xi32, #tpu.memory_space<vmem>> -> memref<1x128xi32, #tpu.memory_space<vmem>>
    %dma_wait3A_144 = tpu.memref_squeeze %dma_wait3A_143 : memref<1x128xi32, #tpu.memory_space<vmem>> -> memref<128xi32, #tpu.memory_space<vmem>>
    %dma_wait3A_145 = arith.constant 0 : i32
    %dma_wait3A_146 = arith.constant 0 : i32
    %dma_wait3A_147 = tpu.memref_slice %arg2[%arg0, %dma_wait3A_145, %dma_wait3A_146] : memref<2x10112x64xf32, #tpu.memory_space<hbm>> -> memref<1x10112x64xf32, #tpu.memory_space<hbm>>
    %dma_wait3A_148 = tpu.memref_squeeze %dma_wait3A_147 : memref<1x10112x64xf32, #tpu.memory_space<hbm>> -> memref<10112x64xf32, #tpu.memory_space<hbm>>
    %dma_wait3A_149 = arith.constant 0 : i32
    %dma_wait3A_150 = arith.constant 0 : i32
    %dma_wait3A_151 = tpu.memref_slice %dma_wait3A_148[%dma_wait3A_149, %dma_wait3A_150] : memref<10112x64xf32, #tpu.memory_space<hbm>> -> memref<10112x64xf32, #tpu.memory_space<hbm>>
    tpu.wait_indirect_dma semaphore(%arg13 : memref<!tpu.dma_semaphore, #tpu.memory_space<semaphore_mem>>) src(%dma_wait3A_151 : memref<10112x64xf32, #tpu.memory_space<hbm>>) dst(%dma_wait3A_141 : memref<128x64xf32, #tpu.memory_space<vmem>>)
    %run_scoped3A_152 = arith.constant 2 : i32
    %run_scoped3A_153 = arith.constant 166 : i32
    "tpu.region"() ({
      %run_scoped3A_177 = tpu.sem_alloc : memref<!tpu.dma_semaphore, #tpu.memory_space<semaphore_mem>>
      %dma_start3A_178 = arith.constant 0 : i32
      %dma_start3A_179 = arith.constant 0 : i32
      %dma_start3A_180 = tpu.memref_slice %arg9[%run_scoped3A_152, %dma_start3A_178, %dma_start3A_179] : memref<4x128x64xf32, #tpu.memory_space<vmem>> -> memref<1x128x64xf32, #tpu.memory_space<vmem>>
      %dma_start3A_181 = tpu.memref_squeeze %dma_start3A_180 : memref<1x128x64xf32, #tpu.memory_space<vmem>> -> memref<128x64xf32, #tpu.memory_space<vmem>>
      %dma_start3A_182 = arith.constant 0 : i32
      %dma_start3A_183 = tpu.memref_slice %arg8[%run_scoped3A_153, %dma_start3A_182] : memref<168x128xi32, #tpu.memory_space<vmem>> -> memref<1x128xi32, #tpu.memory_space<vmem>>
      %dma_start3A_184 = tpu.memref_squeeze %dma_start3A_183 : memref<1x128xi32, #tpu.memory_space<vmem>> -> memref<128xi32, #tpu.memory_space<vmem>>
      %dma_start3A_185 = arith.constant 0 : i32
      %dma_start3A_186 = arith.constant 0 : i32
      %dma_start3A_187 = tpu.memref_slice %arg10[%dma_start3A_185, %dma_start3A_186] : memref<10112x64xf32, #tpu.memory_space<vmem_shared>> -> memref<10112x64xf32, #tpu.memory_space<vmem_shared>>
      tpu.enqueue_indirect_dma source(%dma_start3A_181 : memref<128x64xf32, #tpu.memory_space<vmem>>) target(%dma_start3A_187 : memref<10112x64xf32, #tpu.memory_space<vmem_shared>>) offsets(%dma_start3A_184 : memref<128xi32, #tpu.memory_space<vmem>>) semaphore(%run_scoped3A_177 : memref<!tpu.dma_semaphore, #tpu.memory_space<semaphore_mem>>) {add = true}
      %dma_wait3A_188 = arith.constant 0 : i32
      %dma_wait3A_189 = arith.constant 0 : i32
      %dma_wait3A_190 = tpu.memref_slice %arg9[%run_scoped3A_152, %dma_wait3A_188, %dma_wait3A_189] : memref<4x128x64xf32, #tpu.memory_space<vmem>> -> memref<1x128x64xf32, #tpu.memory_space<vmem>>
      %dma_wait3A_191 = tpu.memref_squeeze %dma_wait3A_190 : memref<1x128x64xf32, #tpu.memory_space<vmem>> -> memref<128x64xf32, #tpu.memory_space<vmem>>
      %dma_wait3A_192 = arith.constant 0 : i32
      %dma_wait3A_193 = tpu.memref_slice %arg8[%run_scoped3A_153, %dma_wait3A_192] : memref<168x128xi32, #tpu.memory_space<vmem>> -> memref<1x128xi32, #tpu.memory_space<vmem>>
      %dma_wait3A_194 = tpu.memref_squeeze %dma_wait3A_193 : memref<1x128xi32, #tpu.memory_space<vmem>> -> memref<128xi32, #tpu.memory_space<vmem>>
      %dma_wait3A_195 = arith.constant 0 : i32
      %dma_wait3A_196 = arith.constant 0 : i32
      %dma_wait3A_197 = tpu.memref_slice %arg10[%dma_wait3A_195, %dma_wait3A_196] : memref<10112x64xf32, #tpu.memory_space<vmem_shared>> -> memref<10112x64xf32, #tpu.memory_space<vmem_shared>>
      tpu.wait_indirect_dma semaphore(%run_scoped3A_177 : memref<!tpu.dma_semaphore, #tpu.memory_space<semaphore_mem>>) src(%dma_wait3A_191 : memref<128x64xf32, #tpu.memory_space<vmem>>) dst(%dma_wait3A_197 : memref<10112x64xf32, #tpu.memory_space<vmem_shared>>)
      tpu.yield
    }) : () -> ()
    %dma_wait3A_154 = arith.constant 167 : i32
    %dma_wait3A_155 = arith.constant 3 : i32
    %dma_wait3A_156 = arith.constant 0 : i32
    %dma_wait3A_157 = arith.constant 0 : i32
    %dma_wait3A_158 = tpu.memref_slice %arg9[%dma_wait3A_155, %dma_wait3A_156, %dma_wait3A_157] : memref<4x128x64xf32, #tpu.memory_space<vmem>> -> memref<1x128x64xf32, #tpu.memory_space<vmem>>
    %dma_wait3A_159 = tpu.memref_squeeze %dma_wait3A_158 : memref<1x128x64xf32, #tpu.memory_space<vmem>> -> memref<128x64xf32, #tpu.memory_space<vmem>>
    %dma_wait3A_160 = arith.constant 0 : i32
    %dma_wait3A_161 = tpu.memref_slice %arg7[%dma_wait3A_154, %dma_wait3A_160] : memref<168x128xi32, #tpu.memory_space<vmem>> -> memref<1x128xi32, #tpu.memory_space<vmem>>
    %dma_wait3A_162 = tpu.memref_squeeze %dma_wait3A_161 : memref<1x128xi32, #tpu.memory_space<vmem>> -> memref<128xi32, #tpu.memory_space<vmem>>
    %dma_wait3A_163 = arith.constant 0 : i32
    %dma_wait3A_164 = arith.constant 0 : i32
    %dma_wait3A_165 = tpu.memref_slice %arg2[%arg0, %dma_wait3A_163, %dma_wait3A_164] : memref<2x10112x64xf32, #tpu.memory_space<hbm>> -> memref<1x10112x64xf32, #tpu.memory_space<hbm>>
    %dma_wait3A_166 = tpu.memref_squeeze %dma_wait3A_165 : memref<1x10112x64xf32, #tpu.memory_space<hbm>> -> memref<10112x64xf32, #tpu.memory_space<hbm>>
    %dma_wait3A_167 = arith.constant 0 : i32
    %dma_wait3A_168 = arith.constant 0 : i32
    %dma_wait3A_169 = tpu.memref_slice %dma_wait3A_166[%dma_wait3A_167, %dma_wait3A_168] : memref<10112x64xf32, #tpu.memory_space<hbm>> -> memref<10112x64xf32, #tpu.memory_space<hbm>>
    tpu.wait_indirect_dma semaphore(%arg14 : memref<!tpu.dma_semaphore, #tpu.memory_space<semaphore_mem>>) src(%dma_wait3A_169 : memref<10112x64xf32, #tpu.memory_space<hbm>>) dst(%dma_wait3A_159 : memref<128x64xf32, #tpu.memory_space<vmem>>)
    %run_scoped3A_170 = arith.constant 3 : i32
    %run_scoped3A_171 = arith.constant 167 : i32
    "tpu.region"() ({
      %run_scoped3A_177 = tpu.sem_alloc : memref<!tpu.dma_semaphore, #tpu.memory_space<semaphore_mem>>
      %dma_start3A_178 = arith.constant 0 : i32
      %dma_start3A_179 = arith.constant 0 : i32
      %dma_start3A_180 = tpu.memref_slice %arg9[%run_scoped3A_170, %dma_start3A_178, %dma_start3A_179] : memref<4x128x64xf32, #tpu.memory_space<vmem>> -> memref<1x128x64xf32, #tpu.memory_space<vmem>>
      %dma_start3A_181 = tpu.memref_squeeze %dma_start3A_180 : memref<1x128x64xf32, #tpu.memory_space<vmem>> -> memref<128x64xf32, #tpu.memory_space<vmem>>
      %dma_start3A_182 = arith.constant 0 : i32
      %dma_start3A_183 = tpu.memref_slice %arg8[%run_scoped3A_171, %dma_start3A_182] : memref<168x128xi32, #tpu.memory_space<vmem>> -> memref<1x128xi32, #tpu.memory_space<vmem>>
      %dma_start3A_184 = tpu.memref_squeeze %dma_start3A_183 : memref<1x128xi32, #tpu.memory_space<vmem>> -> memref<128xi32, #tpu.memory_space<vmem>>
      %dma_start3A_185 = arith.constant 0 : i32
      %dma_start3A_186 = arith.constant 0 : i32
      %dma_start3A_187 = tpu.memref_slice %arg10[%dma_start3A_185, %dma_start3A_186] : memref<10112x64xf32, #tpu.memory_space<vmem_shared>> -> memref<10112x64xf32, #tpu.memory_space<vmem_shared>>
      tpu.enqueue_indirect_dma source(%dma_start3A_181 : memref<128x64xf32, #tpu.memory_space<vmem>>) target(%dma_start3A_187 : memref<10112x64xf32, #tpu.memory_space<vmem_shared>>) offsets(%dma_start3A_184 : memref<128xi32, #tpu.memory_space<vmem>>) semaphore(%run_scoped3A_177 : memref<!tpu.dma_semaphore, #tpu.memory_space<semaphore_mem>>) {add = true}
      %dma_wait3A_188 = arith.constant 0 : i32
      %dma_wait3A_189 = arith.constant 0 : i32
      %dma_wait3A_190 = tpu.memref_slice %arg9[%run_scoped3A_170, %dma_wait3A_188, %dma_wait3A_189] : memref<4x128x64xf32, #tpu.memory_space<vmem>> -> memref<1x128x64xf32, #tpu.memory_space<vmem>>
      %dma_wait3A_191 = tpu.memref_squeeze %dma_wait3A_190 : memref<1x128x64xf32, #tpu.memory_space<vmem>> -> memref<128x64xf32, #tpu.memory_space<vmem>>
      %dma_wait3A_192 = arith.constant 0 : i32
      %dma_wait3A_193 = tpu.memref_slice %arg8[%run_scoped3A_171, %dma_wait3A_192] : memref<168x128xi32, #tpu.memory_space<vmem>> -> memref<1x128xi32, #tpu.memory_space<vmem>>
      %dma_wait3A_194 = tpu.memref_squeeze %dma_wait3A_193 : memref<1x128xi32, #tpu.memory_space<vmem>> -> memref<128xi32, #tpu.memory_space<vmem>>
      %dma_wait3A_195 = arith.constant 0 : i32
      %dma_wait3A_196 = arith.constant 0 : i32
      %dma_wait3A_197 = tpu.memref_slice %arg10[%dma_wait3A_195, %dma_wait3A_196] : memref<10112x64xf32, #tpu.memory_space<vmem_shared>> -> memref<10112x64xf32, #tpu.memory_space<vmem_shared>>
      tpu.wait_indirect_dma semaphore(%run_scoped3A_177 : memref<!tpu.dma_semaphore, #tpu.memory_space<semaphore_mem>>) src(%dma_wait3A_191 : memref<128x64xf32, #tpu.memory_space<vmem>>) dst(%dma_wait3A_197 : memref<10112x64xf32, #tpu.memory_space<vmem_shared>>)
      tpu.yield
    }) : () -> ()
    %barrier3A_172 = arith.constant 0 : index
    tpu.barrier barrier_id(%barrier3A_172)
    %mul3A_173 = arith.constant 632 : i32
    %mul3A_174 = arith.muli %arg1, %mul3A_173 : i32
    %mul3A_175 = arith.constant 632 : i32
    %mul3A_176 = arith.muli %arg1, %mul3A_175 : i32
    "tpu.region"() ({
      %run_scoped3A_177 = tpu.sem_alloc : memref<!tpu.dma_semaphore, #tpu.memory_space<semaphore_mem>>
      %dma_start3A_178 = arith.constant 0 : i32
      %dma_start3A_179 = arith.constant 0 : i32
      %dma_start3A_180 = tpu.memref_slice %arg6[%arg0, %dma_start3A_178, %dma_start3A_179] : memref<2x10112x64xf32, #tpu.memory_space<hbm>> -> memref<1x10112x64xf32, #tpu.memory_space<hbm>>
      %dma_start3A_181 = tpu.memref_squeeze %dma_start3A_180 : memref<1x10112x64xf32, #tpu.memory_space<hbm>> -> memref<10112x64xf32, #tpu.memory_space<hbm>>
      %dma_start3A_182 = arith.constant 0 : i32
      %dma_start3A_183 = tpu.memref_slice %dma_start3A_181[%mul3A_176, %dma_start3A_182] : memref<10112x64xf32, #tpu.memory_space<hbm>> -> memref<632x64xf32, #tpu.memory_space<hbm>>
      %dma_start3A_184 = arith.constant 0 : i32
      %dma_start3A_185 = tpu.memref_slice %arg10[%mul3A_174, %dma_start3A_184] : memref<10112x64xf32, #tpu.memory_space<vmem_shared>> -> memref<632x64xf32, #tpu.memory_space<vmem_shared>>
      tpu.enqueue_dma source(%dma_start3A_185 : memref<632x64xf32, #tpu.memory_space<vmem_shared>>) target(%dma_start3A_183 : memref<632x64xf32, #tpu.memory_space<hbm>>) target_semaphore(%run_scoped3A_177 : memref<!tpu.dma_semaphore, #tpu.memory_space<semaphore_mem>>)
      %dma_wait3A_186 = arith.constant 0 : i32
      %dma_wait3A_187 = arith.constant 0 : i32
      %dma_wait3A_188 = tpu.memref_slice %arg6[%arg0, %dma_wait3A_186, %dma_wait3A_187] : memref<2x10112x64xf32, #tpu.memory_space<hbm>> -> memref<1x10112x64xf32, #tpu.memory_space<hbm>>
      %dma_wait3A_189 = tpu.memref_squeeze %dma_wait3A_188 : memref<1x10112x64xf32, #tpu.memory_space<hbm>> -> memref<10112x64xf32, #tpu.memory_space<hbm>>
      %dma_wait3A_190 = arith.constant 0 : i32
      %dma_wait3A_191 = tpu.memref_slice %dma_wait3A_189[%mul3A_176, %dma_wait3A_190] : memref<10112x64xf32, #tpu.memory_space<hbm>> -> memref<632x64xf32, #tpu.memory_space<hbm>>
      %dma_wait3A_192 = arith.constant 0 : i32
      %dma_wait3A_193 = tpu.memref_slice %arg10[%mul3A_174, %dma_wait3A_192] : memref<10112x64xf32, #tpu.memory_space<vmem_shared>> -> memref<632x64xf32, #tpu.memory_space<vmem_shared>>
      tpu.wait_dma2 semaphore(%run_scoped3A_177 : memref<!tpu.dma_semaphore, #tpu.memory_space<semaphore_mem>>) src(%dma_wait3A_193 : memref<632x64xf32, #tpu.memory_space<vmem_shared>>) dst(%dma_wait3A_191 : memref<632x64xf32, #tpu.memory_space<hbm>>)
      tpu.yield
    }) : () -> ()
    return
  }
}

#map = affine_map<(d0, d1) -> (0, 0)>
#map1 = affine_map<(d0, d1) -> (0, 0, 0)>
module attributes {stable_mosaic.version = 14 : i64} {
  func.func @k(%arg0: i32, %arg1: i32, %arg2: memref<10112x32xf32, #tpu.memory_space<hbm>>, %arg3: memref<10112x32xf32, #tpu.memory_space<hbm>>, %arg4: memref<32x84x128xi32, #tpu.memory_space<hbm>>, %arg5: memref<32x84x128xi32, #tpu.memory_space<hbm>>, %arg6: memref<2x10112x32xf32, #tpu.memory_space<hbm>>, %arg7: memref<84x128xi32, #tpu.memory_space<vmem>>, %arg8: memref<84x128xi32, #tpu.memory_space<vmem>>, %arg9: memref<6x128x32xf32, #tpu.memory_space<vmem>>, %arg10: memref<10112x32xf32, #tpu.memory_space<vmem_shared>>, %arg11: memref<!tpu.dma_semaphore, #tpu.memory_space<semaphore_mem>>, %arg12: memref<!tpu.dma_semaphore, #tpu.memory_space<semaphore_mem>>, %arg13: memref<!tpu.dma_semaphore, #tpu.memory_space<semaphore_mem>>, %arg14: memref<!tpu.dma_semaphore, #tpu.memory_space<semaphore_mem>>, %arg15: memref<!tpu.dma_semaphore, #tpu.memory_space<semaphore_mem>>, %arg16: memref<!tpu.dma_semaphore, #tpu.memory_space<semaphore_mem>>) attributes {dimension_semantics = [#tpu.dimension_semantics<core_parallel>, #tpu.dimension_semantics<subcore_parallel>], iteration_bounds = array<i64: 2, 16>, scalar_prefetch = 0 : i64, scratch_operands = 10 : i64, tpu.core_type = #tpu.core_type<sc_vector_subcore>, window_params = [{transform_indices = #map}, {transform_indices = #map}, {transform_indices = #map1}, {transform_indices = #map1}, {transform_indices = #map1}]} {
    %mul3A = arith.constant 2 : i32
    %mul3A_0 = arith.muli %arg1, %mul3A : i32
    %add3A = arith.addi %mul3A_0, %arg0 : i32
    %dma_start3A = arith.constant 0 : i32
    %dma_start3A_1 = arith.constant 0 : i32
    %dma_start3A_2 = tpu.memref_slice %arg4[%add3A, %dma_start3A, %dma_start3A_1] : memref<32x84x128xi32, #tpu.memory_space<hbm>> -> memref<1x84x128xi32, #tpu.memory_space<hbm>>
    %dma_start3A_3 = tpu.memref_squeeze %dma_start3A_2 : memref<1x84x128xi32, #tpu.memory_space<hbm>> -> memref<84x128xi32, #tpu.memory_space<hbm>>
    %dma_start3A_4 = arith.constant 0 : i32
    %dma_start3A_5 = arith.constant 0 : i32
    %dma_start3A_6 = tpu.memref_slice %arg4[%add3A, %dma_start3A_4, %dma_start3A_5] : memref<32x84x128xi32, #tpu.memory_space<hbm>> -> memref<1x84x128xi32, #tpu.memory_space<hbm>>
    %dma_start3A_7 = tpu.memref_squeeze %dma_start3A_6 : memref<1x84x128xi32, #tpu.memory_space<hbm>> -> memref<84x128xi32, #tpu.memory_space<hbm>>
    tpu.enqueue_dma source(%dma_start3A_7 : memref<84x128xi32, #tpu.memory_space<hbm>>) target(%arg7 : memref<84x128xi32, #tpu.memory_space<vmem>>) target_semaphore(%arg11 : memref<!tpu.dma_semaphore, #tpu.memory_space<semaphore_mem>>)
    %dma_start3A_8 = arith.constant 0 : i32
    %dma_start3A_9 = arith.constant 0 : i32
    %dma_start3A_10 = tpu.memref_slice %arg5[%add3A, %dma_start3A_8, %dma_start3A_9] : memref<32x84x128xi32, #tpu.memory_space<hbm>> -> memref<1x84x128xi32, #tpu.memory_space<hbm>>
    %dma_start3A_11 = tpu.memref_squeeze %dma_start3A_10 : memref<1x84x128xi32, #tpu.memory_space<hbm>> -> memref<84x128xi32, #tpu.memory_space<hbm>>
    %dma_start3A_12 = arith.constant 0 : i32
    %dma_start3A_13 = arith.constant 0 : i32
    %dma_start3A_14 = tpu.memref_slice %arg5[%add3A, %dma_start3A_12, %dma_start3A_13] : memref<32x84x128xi32, #tpu.memory_space<hbm>> -> memref<1x84x128xi32, #tpu.memory_space<hbm>>
    %dma_start3A_15 = tpu.memref_squeeze %dma_start3A_14 : memref<1x84x128xi32, #tpu.memory_space<hbm>> -> memref<84x128xi32, #tpu.memory_space<hbm>>
    tpu.enqueue_dma source(%dma_start3A_15 : memref<84x128xi32, #tpu.memory_space<hbm>>) target(%arg8 : memref<84x128xi32, #tpu.memory_space<vmem>>) target_semaphore(%arg12 : memref<!tpu.dma_semaphore, #tpu.memory_space<semaphore_mem>>)
    %mul3A_16 = arith.constant 632 : i32
    %mul3A_17 = arith.muli %arg1, %mul3A_16 : i32
    %mul3A_18 = arith.constant 632 : i32
    %mul3A_19 = arith.muli %arg1, %mul3A_18 : i32
    "tpu.region"() ({
      %run_scoped3A_199 = tpu.sem_alloc : memref<!tpu.dma_semaphore, #tpu.memory_space<semaphore_mem>>
      %dma_start3A_200 = arith.constant 0 : i32
      %dma_start3A_201 = tpu.memref_slice %arg10[%mul3A_19, %dma_start3A_200] : memref<10112x32xf32, #tpu.memory_space<vmem_shared>> -> memref<632x32xf32, #tpu.memory_space<vmem_shared>>
      %dma_start3A_202 = arith.constant 0 : i32
      %dma_start3A_203 = tpu.memref_slice %arg3[%mul3A_17, %dma_start3A_202] : memref<10112x32xf32, #tpu.memory_space<hbm>> -> memref<632x32xf32, #tpu.memory_space<hbm>>
      tpu.enqueue_dma source(%dma_start3A_203 : memref<632x32xf32, #tpu.memory_space<hbm>>) target(%dma_start3A_201 : memref<632x32xf32, #tpu.memory_space<vmem_shared>>) target_semaphore(%run_scoped3A_199 : memref<!tpu.dma_semaphore, #tpu.memory_space<semaphore_mem>>)
      %dma_wait3A_204 = arith.constant 0 : i32
      %dma_wait3A_205 = tpu.memref_slice %arg10[%mul3A_19, %dma_wait3A_204] : memref<10112x32xf32, #tpu.memory_space<vmem_shared>> -> memref<632x32xf32, #tpu.memory_space<vmem_shared>>
      %dma_wait3A_206 = arith.constant 0 : i32
      %dma_wait3A_207 = tpu.memref_slice %arg3[%mul3A_17, %dma_wait3A_206] : memref<10112x32xf32, #tpu.memory_space<hbm>> -> memref<632x32xf32, #tpu.memory_space<hbm>>
      tpu.wait_dma2 semaphore(%run_scoped3A_199 : memref<!tpu.dma_semaphore, #tpu.memory_space<semaphore_mem>>) src(%dma_wait3A_207 : memref<632x32xf32, #tpu.memory_space<hbm>>) dst(%dma_wait3A_205 : memref<632x32xf32, #tpu.memory_space<vmem_shared>>)
      tpu.yield
    }) : () -> ()
    %dma_wait3A = arith.constant 0 : i32
    %dma_wait3A_20 = arith.constant 0 : i32
    %dma_wait3A_21 = tpu.memref_slice %arg4[%add3A, %dma_wait3A, %dma_wait3A_20] : memref<32x84x128xi32, #tpu.memory_space<hbm>> -> memref<1x84x128xi32, #tpu.memory_space<hbm>>
    %dma_wait3A_22 = tpu.memref_squeeze %dma_wait3A_21 : memref<1x84x128xi32, #tpu.memory_space<hbm>> -> memref<84x128xi32, #tpu.memory_space<hbm>>
    %dma_wait3A_23 = arith.constant 0 : i32
    %dma_wait3A_24 = arith.constant 0 : i32
    %dma_wait3A_25 = tpu.memref_slice %arg4[%add3A, %dma_wait3A_23, %dma_wait3A_24] : memref<32x84x128xi32, #tpu.memory_space<hbm>> -> memref<1x84x128xi32, #tpu.memory_space<hbm>>
    %dma_wait3A_26 = tpu.memref_squeeze %dma_wait3A_25 : memref<1x84x128xi32, #tpu.memory_space<hbm>> -> memref<84x128xi32, #tpu.memory_space<hbm>>
    tpu.wait_dma2 semaphore(%arg11 : memref<!tpu.dma_semaphore, #tpu.memory_space<semaphore_mem>>) src(%dma_wait3A_26 : memref<84x128xi32, #tpu.memory_space<hbm>>) dst(%arg7 : memref<84x128xi32, #tpu.memory_space<vmem>>)
    %dma_wait3A_27 = arith.constant 0 : i32
    %dma_wait3A_28 = arith.constant 0 : i32
    %dma_wait3A_29 = tpu.memref_slice %arg5[%add3A, %dma_wait3A_27, %dma_wait3A_28] : memref<32x84x128xi32, #tpu.memory_space<hbm>> -> memref<1x84x128xi32, #tpu.memory_space<hbm>>
    %dma_wait3A_30 = tpu.memref_squeeze %dma_wait3A_29 : memref<1x84x128xi32, #tpu.memory_space<hbm>> -> memref<84x128xi32, #tpu.memory_space<hbm>>
    %dma_wait3A_31 = arith.constant 0 : i32
    %dma_wait3A_32 = arith.constant 0 : i32
    %dma_wait3A_33 = tpu.memref_slice %arg5[%add3A, %dma_wait3A_31, %dma_wait3A_32] : memref<32x84x128xi32, #tpu.memory_space<hbm>> -> memref<1x84x128xi32, #tpu.memory_space<hbm>>
    %dma_wait3A_34 = tpu.memref_squeeze %dma_wait3A_33 : memref<1x84x128xi32, #tpu.memory_space<hbm>> -> memref<84x128xi32, #tpu.memory_space<hbm>>
    tpu.wait_dma2 semaphore(%arg12 : memref<!tpu.dma_semaphore, #tpu.memory_space<semaphore_mem>>) src(%dma_wait3A_34 : memref<84x128xi32, #tpu.memory_space<hbm>>) dst(%arg8 : memref<84x128xi32, #tpu.memory_space<vmem>>)
    %barrier3A = arith.constant 0 : index
    tpu.barrier barrier_id(%barrier3A)
    %dma_start3A_35 = arith.constant 0 : i32
    %dma_start3A_36 = arith.constant 0 : i32
    %dma_start3A_37 = arith.constant 0 : i32
    %dma_start3A_38 = arith.constant 0 : i32
    %dma_start3A_39 = tpu.memref_slice %arg9[%dma_start3A_36, %dma_start3A_37, %dma_start3A_38] : memref<6x128x32xf32, #tpu.memory_space<vmem>> -> memref<1x128x32xf32, #tpu.memory_space<vmem>>
    %dma_start3A_40 = tpu.memref_squeeze %dma_start3A_39 : memref<1x128x32xf32, #tpu.memory_space<vmem>> -> memref<128x32xf32, #tpu.memory_space<vmem>>
    %dma_start3A_41 = arith.constant 0 : i32
    %dma_start3A_42 = tpu.memref_slice %arg7[%dma_start3A_35, %dma_start3A_41] : memref<84x128xi32, #tpu.memory_space<vmem>> -> memref<1x128xi32, #tpu.memory_space<vmem>>
    %dma_start3A_43 = tpu.memref_squeeze %dma_start3A_42 : memref<1x128xi32, #tpu.memory_space<vmem>> -> memref<128xi32, #tpu.memory_space<vmem>>
    %dma_start3A_44 = arith.constant 0 : i32
    %dma_start3A_45 = arith.constant 0 : i32
    %dma_start3A_46 = tpu.memref_slice %arg2[%dma_start3A_44, %dma_start3A_45] : memref<10112x32xf32, #tpu.memory_space<hbm>> -> memref<10112x32xf32, #tpu.memory_space<hbm>>
    tpu.enqueue_indirect_dma source(%dma_start3A_46 : memref<10112x32xf32, #tpu.memory_space<hbm>>) target(%dma_start3A_40 : memref<128x32xf32, #tpu.memory_space<vmem>>) offsets(%dma_start3A_43 : memref<128xi32, #tpu.memory_space<vmem>>) semaphore(%arg11 : memref<!tpu.dma_semaphore, #tpu.memory_space<semaphore_mem>>)
    %dma_start3A_47 = arith.constant 1 : i32
    %dma_start3A_48 = arith.constant 1 : i32
    %dma_start3A_49 = arith.constant 0 : i32
    %dma_start3A_50 = arith.constant 0 : i32
    %dma_start3A_51 = tpu.memref_slice %arg9[%dma_start3A_48, %dma_start3A_49, %dma_start3A_50] : memref<6x128x32xf32, #tpu.memory_space<vmem>> -> memref<1x128x32xf32, #tpu.memory_space<vmem>>
    %dma_start3A_52 = tpu.memref_squeeze %dma_start3A_51 : memref<1x128x32xf32, #tpu.memory_space<vmem>> -> memref<128x32xf32, #tpu.memory_space<vmem>>
    %dma_start3A_53 = arith.constant 0 : i32
    %dma_start3A_54 = tpu.memref_slice %arg7[%dma_start3A_47, %dma_start3A_53] : memref<84x128xi32, #tpu.memory_space<vmem>> -> memref<1x128xi32, #tpu.memory_space<vmem>>
    %dma_start3A_55 = tpu.memref_squeeze %dma_start3A_54 : memref<1x128xi32, #tpu.memory_space<vmem>> -> memref<128xi32, #tpu.memory_space<vmem>>
    %dma_start3A_56 = arith.constant 0 : i32
    %dma_start3A_57 = arith.constant 0 : i32
    %dma_start3A_58 = tpu.memref_slice %arg2[%dma_start3A_56, %dma_start3A_57] : memref<10112x32xf32, #tpu.memory_space<hbm>> -> memref<10112x32xf32, #tpu.memory_space<hbm>>
    tpu.enqueue_indirect_dma source(%dma_start3A_58 : memref<10112x32xf32, #tpu.memory_space<hbm>>) target(%dma_start3A_52 : memref<128x32xf32, #tpu.memory_space<vmem>>) offsets(%dma_start3A_55 : memref<128xi32, #tpu.memory_space<vmem>>) semaphore(%arg12 : memref<!tpu.dma_semaphore, #tpu.memory_space<semaphore_mem>>)
    %dma_start3A_59 = arith.constant 2 : i32
    %dma_start3A_60 = arith.constant 2 : i32
    %dma_start3A_61 = arith.constant 0 : i32
    %dma_start3A_62 = arith.constant 0 : i32
    %dma_start3A_63 = tpu.memref_slice %arg9[%dma_start3A_60, %dma_start3A_61, %dma_start3A_62] : memref<6x128x32xf32, #tpu.memory_space<vmem>> -> memref<1x128x32xf32, #tpu.memory_space<vmem>>
    %dma_start3A_64 = tpu.memref_squeeze %dma_start3A_63 : memref<1x128x32xf32, #tpu.memory_space<vmem>> -> memref<128x32xf32, #tpu.memory_space<vmem>>
    %dma_start3A_65 = arith.constant 0 : i32
    %dma_start3A_66 = tpu.memref_slice %arg7[%dma_start3A_59, %dma_start3A_65] : memref<84x128xi32, #tpu.memory_space<vmem>> -> memref<1x128xi32, #tpu.memory_space<vmem>>
    %dma_start3A_67 = tpu.memref_squeeze %dma_start3A_66 : memref<1x128xi32, #tpu.memory_space<vmem>> -> memref<128xi32, #tpu.memory_space<vmem>>
    %dma_start3A_68 = arith.constant 0 : i32
    %dma_start3A_69 = arith.constant 0 : i32
    %dma_start3A_70 = tpu.memref_slice %arg2[%dma_start3A_68, %dma_start3A_69] : memref<10112x32xf32, #tpu.memory_space<hbm>> -> memref<10112x32xf32, #tpu.memory_space<hbm>>
    tpu.enqueue_indirect_dma source(%dma_start3A_70 : memref<10112x32xf32, #tpu.memory_space<hbm>>) target(%dma_start3A_64 : memref<128x32xf32, #tpu.memory_space<vmem>>) offsets(%dma_start3A_67 : memref<128xi32, #tpu.memory_space<vmem>>) semaphore(%arg13 : memref<!tpu.dma_semaphore, #tpu.memory_space<semaphore_mem>>)
    %dma_start3A_71 = arith.constant 3 : i32
    %dma_start3A_72 = arith.constant 3 : i32
    %dma_start3A_73 = arith.constant 0 : i32
    %dma_start3A_74 = arith.constant 0 : i32
    %dma_start3A_75 = tpu.memref_slice %arg9[%dma_start3A_72, %dma_start3A_73, %dma_start3A_74] : memref<6x128x32xf32, #tpu.memory_space<vmem>> -> memref<1x128x32xf32, #tpu.memory_space<vmem>>
    %dma_start3A_76 = tpu.memref_squeeze %dma_start3A_75 : memref<1x128x32xf32, #tpu.memory_space<vmem>> -> memref<128x32xf32, #tpu.memory_space<vmem>>
    %dma_start3A_77 = arith.constant 0 : i32
    %dma_start3A_78 = tpu.memref_slice %arg7[%dma_start3A_71, %dma_start3A_77] : memref<84x128xi32, #tpu.memory_space<vmem>> -> memref<1x128xi32, #tpu.memory_space<vmem>>
    %dma_start3A_79 = tpu.memref_squeeze %dma_start3A_78 : memref<1x128xi32, #tpu.memory_space<vmem>> -> memref<128xi32, #tpu.memory_space<vmem>>
    %dma_start3A_80 = arith.constant 0 : i32
    %dma_start3A_81 = arith.constant 0 : i32
    %dma_start3A_82 = tpu.memref_slice %arg2[%dma_start3A_80, %dma_start3A_81] : memref<10112x32xf32, #tpu.memory_space<hbm>> -> memref<10112x32xf32, #tpu.memory_space<hbm>>
    tpu.enqueue_indirect_dma source(%dma_start3A_82 : memref<10112x32xf32, #tpu.memory_space<hbm>>) target(%dma_start3A_76 : memref<128x32xf32, #tpu.memory_space<vmem>>) offsets(%dma_start3A_79 : memref<128xi32, #tpu.memory_space<vmem>>) semaphore(%arg14 : memref<!tpu.dma_semaphore, #tpu.memory_space<semaphore_mem>>)
    %dma_start3A_83 = arith.constant 4 : i32
    %dma_start3A_84 = arith.constant 4 : i32
    %dma_start3A_85 = arith.constant 0 : i32
    %dma_start3A_86 = arith.constant 0 : i32
    %dma_start3A_87 = tpu.memref_slice %arg9[%dma_start3A_84, %dma_start3A_85, %dma_start3A_86] : memref<6x128x32xf32, #tpu.memory_space<vmem>> -> memref<1x128x32xf32, #tpu.memory_space<vmem>>
    %dma_start3A_88 = tpu.memref_squeeze %dma_start3A_87 : memref<1x128x32xf32, #tpu.memory_space<vmem>> -> memref<128x32xf32, #tpu.memory_space<vmem>>
    %dma_start3A_89 = arith.constant 0 : i32
    %dma_start3A_90 = tpu.memref_slice %arg7[%dma_start3A_83, %dma_start3A_89] : memref<84x128xi32, #tpu.memory_space<vmem>> -> memref<1x128xi32, #tpu.memory_space<vmem>>
    %dma_start3A_91 = tpu.memref_squeeze %dma_start3A_90 : memref<1x128xi32, #tpu.memory_space<vmem>> -> memref<128xi32, #tpu.memory_space<vmem>>
    %dma_start3A_92 = arith.constant 0 : i32
    %dma_start3A_93 = arith.constant 0 : i32
    %dma_start3A_94 = tpu.memref_slice %arg2[%dma_start3A_92, %dma_start3A_93] : memref<10112x32xf32, #tpu.memory_space<hbm>> -> memref<10112x32xf32, #tpu.memory_space<hbm>>
    tpu.enqueue_indirect_dma source(%dma_start3A_94 : memref<10112x32xf32, #tpu.memory_space<hbm>>) target(%dma_start3A_88 : memref<128x32xf32, #tpu.memory_space<vmem>>) offsets(%dma_start3A_91 : memref<128xi32, #tpu.memory_space<vmem>>) semaphore(%arg15 : memref<!tpu.dma_semaphore, #tpu.memory_space<semaphore_mem>>)
    %scan3A = arith.constant 0 : i32
    %scan3A_95 = arith.constant 13 : i32
    %scan3A_96 = arith.addi %scan3A, %scan3A_95 : i32
    %scan3A_97 = arith.constant 1 : i32
    scf.for %scan3A_199 = %scan3A to %scan3A_96 step %scan3A_97  : i32 {
      %mul3A_200 = arith.constant 6 : i32
      %mul3A_201 = arith.muli %scan3A_199, %mul3A_200 : i32
      %add3A_202 = arith.constant 0 : i32
      %add3A_203 = arith.addi %add3A_202, %mul3A_201 : i32
      %add3A_204 = arith.constant 0 : i32
      %add3A_205 = arith.addi %add3A_203, %add3A_204 : i32
      %add3A_206 = arith.constant 6 : i32
      %add3A_207 = arith.addi %add3A_205, %add3A_206 : i32
      %sub3A = arith.constant 1 : i32
      %sub3A_208 = arith.subi %add3A_207, %sub3A : i32
      %dma_start3A_209 = arith.constant 5 : i32
      %dma_start3A_210 = arith.constant 0 : i32
      %dma_start3A_211 = arith.constant 0 : i32
      %dma_start3A_212 = tpu.memref_slice %arg9[%dma_start3A_209, %dma_start3A_210, %dma_start3A_211] : memref<6x128x32xf32, #tpu.memory_space<vmem>> -> memref<1x128x32xf32, #tpu.memory_space<vmem>>
      %dma_start3A_213 = tpu.memref_squeeze %dma_start3A_212 : memref<1x128x32xf32, #tpu.memory_space<vmem>> -> memref<128x32xf32, #tpu.memory_space<vmem>>
      %dma_start3A_214 = arith.constant 0 : i32
      %dma_start3A_215 = tpu.memref_slice %arg7[%sub3A_208, %dma_start3A_214] : memref<84x128xi32, #tpu.memory_space<vmem>> -> memref<1x128xi32, #tpu.memory_space<vmem>>
      %dma_start3A_216 = tpu.memref_squeeze %dma_start3A_215 : memref<1x128xi32, #tpu.memory_space<vmem>> -> memref<128xi32, #tpu.memory_space<vmem>>
      %dma_start3A_217 = arith.constant 0 : i32
      %dma_start3A_218 = arith.constant 0 : i32
      %dma_start3A_219 = tpu.memref_slice %arg2[%dma_start3A_217, %dma_start3A_218] : memref<10112x32xf32, #tpu.memory_space<hbm>> -> memref<10112x32xf32, #tpu.memory_space<hbm>>
      tpu.enqueue_indirect_dma source(%dma_start3A_219 : memref<10112x32xf32, #tpu.memory_space<hbm>>) target(%dma_start3A_213 : memref<128x32xf32, #tpu.memory_space<vmem>>) offsets(%dma_start3A_216 : memref<128xi32, #tpu.memory_space<vmem>>) semaphore(%arg16 : memref<!tpu.dma_semaphore, #tpu.memory_space<semaphore_mem>>)
      %dma_wait3A_220 = arith.constant 0 : i32
      %dma_wait3A_221 = arith.constant 0 : i32
      %dma_wait3A_222 = arith.constant 0 : i32
      %dma_wait3A_223 = tpu.memref_slice %arg9[%dma_wait3A_220, %dma_wait3A_221, %dma_wait3A_222] : memref<6x128x32xf32, #tpu.memory_space<vmem>> -> memref<1x128x32xf32, #tpu.memory_space<vmem>>
      %dma_wait3A_224 = tpu.memref_squeeze %dma_wait3A_223 : memref<1x128x32xf32, #tpu.memory_space<vmem>> -> memref<128x32xf32, #tpu.memory_space<vmem>>
      %dma_wait3A_225 = arith.constant 0 : i32
      %dma_wait3A_226 = tpu.memref_slice %arg7[%add3A_205, %dma_wait3A_225] : memref<84x128xi32, #tpu.memory_space<vmem>> -> memref<1x128xi32, #tpu.memory_space<vmem>>
      %dma_wait3A_227 = tpu.memref_squeeze %dma_wait3A_226 : memref<1x128xi32, #tpu.memory_space<vmem>> -> memref<128xi32, #tpu.memory_space<vmem>>
      %dma_wait3A_228 = arith.constant 0 : i32
      %dma_wait3A_229 = arith.constant 0 : i32
      %dma_wait3A_230 = tpu.memref_slice %arg2[%dma_wait3A_228, %dma_wait3A_229] : memref<10112x32xf32, #tpu.memory_space<hbm>> -> memref<10112x32xf32, #tpu.memory_space<hbm>>
      tpu.wait_indirect_dma semaphore(%arg11 : memref<!tpu.dma_semaphore, #tpu.memory_space<semaphore_mem>>) src(%dma_wait3A_230 : memref<10112x32xf32, #tpu.memory_space<hbm>>) dst(%dma_wait3A_224 : memref<128x32xf32, #tpu.memory_space<vmem>>)
      %run_scoped3A_231 = arith.constant 0 : i32
      "tpu.region"() ({
        %run_scoped3A_377 = tpu.sem_alloc : memref<!tpu.dma_semaphore, #tpu.memory_space<semaphore_mem>>
        %dma_start3A_378 = arith.constant 0 : i32
        %dma_start3A_379 = arith.constant 0 : i32
        %dma_start3A_380 = tpu.memref_slice %arg9[%run_scoped3A_231, %dma_start3A_378, %dma_start3A_379] : memref<6x128x32xf32, #tpu.memory_space<vmem>> -> memref<1x128x32xf32, #tpu.memory_space<vmem>>
        %dma_start3A_381 = tpu.memref_squeeze %dma_start3A_380 : memref<1x128x32xf32, #tpu.memory_space<vmem>> -> memref<128x32xf32, #tpu.memory_space<vmem>>
        %dma_start3A_382 = arith.constant 0 : i32
        %dma_start3A_383 = tpu.memref_slice %arg8[%add3A_205, %dma_start3A_382] : memref<84x128xi32, #tpu.memory_space<vmem>> -> memref<1x128xi32, #tpu.memory_space<vmem>>
        %dma_start3A_384 = tpu.memref_squeeze %dma_start3A_383 : memref<1x128xi32, #tpu.memory_space<vmem>> -> memref<128xi32, #tpu.memory_space<vmem>>
        %dma_start3A_385 = arith.constant 0 : i32
        %dma_start3A_386 = arith.constant 0 : i32
        %dma_start3A_387 = tpu.memref_slice %arg10[%dma_start3A_385, %dma_start3A_386] : memref<10112x32xf32, #tpu.memory_space<vmem_shared>> -> memref<10112x32xf32, #tpu.memory_space<vmem_shared>>
        tpu.enqueue_indirect_dma source(%dma_start3A_381 : memref<128x32xf32, #tpu.memory_space<vmem>>) target(%dma_start3A_387 : memref<10112x32xf32, #tpu.memory_space<vmem_shared>>) offsets(%dma_start3A_384 : memref<128xi32, #tpu.memory_space<vmem>>) semaphore(%run_scoped3A_377 : memref<!tpu.dma_semaphore, #tpu.memory_space<semaphore_mem>>) {add = true}
        %dma_wait3A_388 = arith.constant 0 : i32
        %dma_wait3A_389 = arith.constant 0 : i32
        %dma_wait3A_390 = tpu.memref_slice %arg9[%run_scoped3A_231, %dma_wait3A_388, %dma_wait3A_389] : memref<6x128x32xf32, #tpu.memory_space<vmem>> -> memref<1x128x32xf32, #tpu.memory_space<vmem>>
        %dma_wait3A_391 = tpu.memref_squeeze %dma_wait3A_390 : memref<1x128x32xf32, #tpu.memory_space<vmem>> -> memref<128x32xf32, #tpu.memory_space<vmem>>
        %dma_wait3A_392 = arith.constant 0 : i32
        %dma_wait3A_393 = tpu.memref_slice %arg8[%add3A_205, %dma_wait3A_392] : memref<84x128xi32, #tpu.memory_space<vmem>> -> memref<1x128xi32, #tpu.memory_space<vmem>>
        %dma_wait3A_394 = tpu.memref_squeeze %dma_wait3A_393 : memref<1x128xi32, #tpu.memory_space<vmem>> -> memref<128xi32, #tpu.memory_space<vmem>>
        %dma_wait3A_395 = arith.constant 0 : i32
        %dma_wait3A_396 = arith.constant 0 : i32
        %dma_wait3A_397 = tpu.memref_slice %arg10[%dma_wait3A_395, %dma_wait3A_396] : memref<10112x32xf32, #tpu.memory_space<vmem_shared>> -> memref<10112x32xf32, #tpu.memory_space<vmem_shared>>
        tpu.wait_indirect_dma semaphore(%run_scoped3A_377 : memref<!tpu.dma_semaphore, #tpu.memory_space<semaphore_mem>>) src(%dma_wait3A_391 : memref<128x32xf32, #tpu.memory_space<vmem>>) dst(%dma_wait3A_397 : memref<10112x32xf32, #tpu.memory_space<vmem_shared>>)
        tpu.yield
      }) : () -> ()
      %add3A_232 = arith.constant 1 : i32
      %add3A_233 = arith.addi %add3A_203, %add3A_232 : i32
      %add3A_234 = arith.constant 6 : i32
      %add3A_235 = arith.addi %add3A_233, %add3A_234 : i32
      %sub3A_236 = arith.constant 1 : i32
      %sub3A_237 = arith.subi %add3A_235, %sub3A_236 : i32
      %dma_start3A_238 = arith.constant 0 : i32
      %dma_start3A_239 = arith.constant 0 : i32
      %dma_start3A_240 = arith.constant 0 : i32
      %dma_start3A_241 = tpu.memref_slice %arg9[%dma_start3A_238, %dma_start3A_239, %dma_start3A_240] : memref<6x128x32xf32, #tpu.memory_space<vmem>> -> memref<1x128x32xf32, #tpu.memory_space<vmem>>
      %dma_start3A_242 = tpu.memref_squeeze %dma_start3A_241 : memref<1x128x32xf32, #tpu.memory_space<vmem>> -> memref<128x32xf32, #tpu.memory_space<vmem>>
      %dma_start3A_243 = arith.constant 0 : i32
      %dma_start3A_244 = tpu.memref_slice %arg7[%sub3A_237, %dma_start3A_243] : memref<84x128xi32, #tpu.memory_space<vmem>> -> memref<1x128xi32, #tpu.memory_space<vmem>>
      %dma_start3A_245 = tpu.memref_squeeze %dma_start3A_244 : memref<1x128xi32, #tpu.memory_space<vmem>> -> memref<128xi32, #tpu.memory_space<vmem>>
      %dma_start3A_246 = arith.constant 0 : i32
      %dma_start3A_247 = arith.constant 0 : i32
      %dma_start3A_248 = tpu.memref_slice %arg2[%dma_start3A_246, %dma_start3A_247] : memref<10112x32xf32, #tpu.memory_space<hbm>> -> memref<10112x32xf32, #tpu.memory_space<hbm>>
      tpu.enqueue_indirect_dma source(%dma_start3A_248 : memref<10112x32xf32, #tpu.memory_space<hbm>>) target(%dma_start3A_242 : memref<128x32xf32, #tpu.memory_space<vmem>>) offsets(%dma_start3A_245 : memref<128xi32, #tpu.memory_space<vmem>>) semaphore(%arg11 : memref<!tpu.dma_semaphore, #tpu.memory_space<semaphore_mem>>)
      %dma_wait3A_249 = arith.constant 1 : i32
      %dma_wait3A_250 = arith.constant 0 : i32
      %dma_wait3A_251 = arith.constant 0 : i32
      %dma_wait3A_252 = tpu.memref_slice %arg9[%dma_wait3A_249, %dma_wait3A_250, %dma_wait3A_251] : memref<6x128x32xf32, #tpu.memory_space<vmem>> -> memref<1x128x32xf32, #tpu.memory_space<vmem>>
      %dma_wait3A_253 = tpu.memref_squeeze %dma_wait3A_252 : memref<1x128x32xf32, #tpu.memory_space<vmem>> -> memref<128x32xf32, #tpu.memory_space<vmem>>
      %dma_wait3A_254 = arith.constant 0 : i32
      %dma_wait3A_255 = tpu.memref_slice %arg7[%add3A_233, %dma_wait3A_254] : memref<84x128xi32, #tpu.memory_space<vmem>> -> memref<1x128xi32, #tpu.memory_space<vmem>>
      %dma_wait3A_256 = tpu.memref_squeeze %dma_wait3A_255 : memref<1x128xi32, #tpu.memory_space<vmem>> -> memref<128xi32, #tpu.memory_space<vmem>>
      %dma_wait3A_257 = arith.constant 0 : i32
      %dma_wait3A_258 = arith.constant 0 : i32
      %dma_wait3A_259 = tpu.memref_slice %arg2[%dma_wait3A_257, %dma_wait3A_258] : memref<10112x32xf32, #tpu.memory_space<hbm>> -> memref<10112x32xf32, #tpu.memory_space<hbm>>
      tpu.wait_indirect_dma semaphore(%arg12 : memref<!tpu.dma_semaphore, #tpu.memory_space<semaphore_mem>>) src(%dma_wait3A_259 : memref<10112x32xf32, #tpu.memory_space<hbm>>) dst(%dma_wait3A_253 : memref<128x32xf32, #tpu.memory_space<vmem>>)
      %run_scoped3A_260 = arith.constant 1 : i32
      "tpu.region"() ({
        %run_scoped3A_377 = tpu.sem_alloc : memref<!tpu.dma_semaphore, #tpu.memory_space<semaphore_mem>>
        %dma_start3A_378 = arith.constant 0 : i32
        %dma_start3A_379 = arith.constant 0 : i32
        %dma_start3A_380 = tpu.memref_slice %arg9[%run_scoped3A_260, %dma_start3A_378, %dma_start3A_379] : memref<6x128x32xf32, #tpu.memory_space<vmem>> -> memref<1x128x32xf32, #tpu.memory_space<vmem>>
        %dma_start3A_381 = tpu.memref_squeeze %dma_start3A_380 : memref<1x128x32xf32, #tpu.memory_space<vmem>> -> memref<128x32xf32, #tpu.memory_space<vmem>>
        %dma_start3A_382 = arith.constant 0 : i32
        %dma_start3A_383 = tpu.memref_slice %arg8[%add3A_233, %dma_start3A_382] : memref<84x128xi32, #tpu.memory_space<vmem>> -> memref<1x128xi32, #tpu.memory_space<vmem>>
        %dma_start3A_384 = tpu.memref_squeeze %dma_start3A_383 : memref<1x128xi32, #tpu.memory_space<vmem>> -> memref<128xi32, #tpu.memory_space<vmem>>
        %dma_start3A_385 = arith.constant 0 : i32
        %dma_start3A_386 = arith.constant 0 : i32
        %dma_start3A_387 = tpu.memref_slice %arg10[%dma_start3A_385, %dma_start3A_386] : memref<10112x32xf32, #tpu.memory_space<vmem_shared>> -> memref<10112x32xf32, #tpu.memory_space<vmem_shared>>
        tpu.enqueue_indirect_dma source(%dma_start3A_381 : memref<128x32xf32, #tpu.memory_space<vmem>>) target(%dma_start3A_387 : memref<10112x32xf32, #tpu.memory_space<vmem_shared>>) offsets(%dma_start3A_384 : memref<128xi32, #tpu.memory_space<vmem>>) semaphore(%run_scoped3A_377 : memref<!tpu.dma_semaphore, #tpu.memory_space<semaphore_mem>>) {add = true}
        %dma_wait3A_388 = arith.constant 0 : i32
        %dma_wait3A_389 = arith.constant 0 : i32
        %dma_wait3A_390 = tpu.memref_slice %arg9[%run_scoped3A_260, %dma_wait3A_388, %dma_wait3A_389] : memref<6x128x32xf32, #tpu.memory_space<vmem>> -> memref<1x128x32xf32, #tpu.memory_space<vmem>>
        %dma_wait3A_391 = tpu.memref_squeeze %dma_wait3A_390 : memref<1x128x32xf32, #tpu.memory_space<vmem>> -> memref<128x32xf32, #tpu.memory_space<vmem>>
        %dma_wait3A_392 = arith.constant 0 : i32
        %dma_wait3A_393 = tpu.memref_slice %arg8[%add3A_233, %dma_wait3A_392] : memref<84x128xi32, #tpu.memory_space<vmem>> -> memref<1x128xi32, #tpu.memory_space<vmem>>
        %dma_wait3A_394 = tpu.memref_squeeze %dma_wait3A_393 : memref<1x128xi32, #tpu.memory_space<vmem>> -> memref<128xi32, #tpu.memory_space<vmem>>
        %dma_wait3A_395 = arith.constant 0 : i32
        %dma_wait3A_396 = arith.constant 0 : i32
        %dma_wait3A_397 = tpu.memref_slice %arg10[%dma_wait3A_395, %dma_wait3A_396] : memref<10112x32xf32, #tpu.memory_space<vmem_shared>> -> memref<10112x32xf32, #tpu.memory_space<vmem_shared>>
        tpu.wait_indirect_dma semaphore(%run_scoped3A_377 : memref<!tpu.dma_semaphore, #tpu.memory_space<semaphore_mem>>) src(%dma_wait3A_391 : memref<128x32xf32, #tpu.memory_space<vmem>>) dst(%dma_wait3A_397 : memref<10112x32xf32, #tpu.memory_space<vmem_shared>>)
        tpu.yield
      }) : () -> ()
      %add3A_261 = arith.constant 2 : i32
      %add3A_262 = arith.addi %add3A_203, %add3A_261 : i32
      %add3A_263 = arith.constant 6 : i32
      %add3A_264 = arith.addi %add3A_262, %add3A_263 : i32
      %sub3A_265 = arith.constant 1 : i32
      %sub3A_266 = arith.subi %add3A_264, %sub3A_265 : i32
      %dma_start3A_267 = arith.constant 1 : i32
      %dma_start3A_268 = arith.constant 0 : i32
      %dma_start3A_269 = arith.constant 0 : i32
      %dma_start3A_270 = tpu.memref_slice %arg9[%dma_start3A_267, %dma_start3A_268, %dma_start3A_269] : memref<6x128x32xf32, #tpu.memory_space<vmem>> -> memref<1x128x32xf32, #tpu.memory_space<vmem>>
      %dma_start3A_271 = tpu.memref_squeeze %dma_start3A_270 : memref<1x128x32xf32, #tpu.memory_space<vmem>> -> memref<128x32xf32, #tpu.memory_space<vmem>>
      %dma_start3A_272 = arith.constant 0 : i32
      %dma_start3A_273 = tpu.memref_slice %arg7[%sub3A_266, %dma_start3A_272] : memref<84x128xi32, #tpu.memory_space<vmem>> -> memref<1x128xi32, #tpu.memory_space<vmem>>
      %dma_start3A_274 = tpu.memref_squeeze %dma_start3A_273 : memref<1x128xi32, #tpu.memory_space<vmem>> -> memref<128xi32, #tpu.memory_space<vmem>>
      %dma_start3A_275 = arith.constant 0 : i32
      %dma_start3A_276 = arith.constant 0 : i32
      %dma_start3A_277 = tpu.memref_slice %arg2[%dma_start3A_275, %dma_start3A_276] : memref<10112x32xf32, #tpu.memory_space<hbm>> -> memref<10112x32xf32, #tpu.memory_space<hbm>>
      tpu.enqueue_indirect_dma source(%dma_start3A_277 : memref<10112x32xf32, #tpu.memory_space<hbm>>) target(%dma_start3A_271 : memref<128x32xf32, #tpu.memory_space<vmem>>) offsets(%dma_start3A_274 : memref<128xi32, #tpu.memory_space<vmem>>) semaphore(%arg12 : memref<!tpu.dma_semaphore, #tpu.memory_space<semaphore_mem>>)
      %dma_wait3A_278 = arith.constant 2 : i32
      %dma_wait3A_279 = arith.constant 0 : i32
      %dma_wait3A_280 = arith.constant 0 : i32
      %dma_wait3A_281 = tpu.memref_slice %arg9[%dma_wait3A_278, %dma_wait3A_279, %dma_wait3A_280] : memref<6x128x32xf32, #tpu.memory_space<vmem>> -> memref<1x128x32xf32, #tpu.memory_space<vmem>>
      %dma_wait3A_282 = tpu.memref_squeeze %dma_wait3A_281 : memref<1x128x32xf32, #tpu.memory_space<vmem>> -> memref<128x32xf32, #tpu.memory_space<vmem>>
      %dma_wait3A_283 = arith.constant 0 : i32
      %dma_wait3A_284 = tpu.memref_slice %arg7[%add3A_262, %dma_wait3A_283] : memref<84x128xi32, #tpu.memory_space<vmem>> -> memref<1x128xi32, #tpu.memory_space<vmem>>
      %dma_wait3A_285 = tpu.memref_squeeze %dma_wait3A_284 : memref<1x128xi32, #tpu.memory_space<vmem>> -> memref<128xi32, #tpu.memory_space<vmem>>
      %dma_wait3A_286 = arith.constant 0 : i32
      %dma_wait3A_287 = arith.constant 0 : i32
      %dma_wait3A_288 = tpu.memref_slice %arg2[%dma_wait3A_286, %dma_wait3A_287] : memref<10112x32xf32, #tpu.memory_space<hbm>> -> memref<10112x32xf32, #tpu.memory_space<hbm>>
      tpu.wait_indirect_dma semaphore(%arg13 : memref<!tpu.dma_semaphore, #tpu.memory_space<semaphore_mem>>) src(%dma_wait3A_288 : memref<10112x32xf32, #tpu.memory_space<hbm>>) dst(%dma_wait3A_282 : memref<128x32xf32, #tpu.memory_space<vmem>>)
      %run_scoped3A_289 = arith.constant 2 : i32
      "tpu.region"() ({
        %run_scoped3A_377 = tpu.sem_alloc : memref<!tpu.dma_semaphore, #tpu.memory_space<semaphore_mem>>
        %dma_start3A_378 = arith.constant 0 : i32
        %dma_start3A_379 = arith.constant 0 : i32
        %dma_start3A_380 = tpu.memref_slice %arg9[%run_scoped3A_289, %dma_start3A_378, %dma_start3A_379] : memref<6x128x32xf32, #tpu.memory_space<vmem>> -> memref<1x128x32xf32, #tpu.memory_space<vmem>>
        %dma_start3A_381 = tpu.memref_squeeze %dma_start3A_380 : memref<1x128x32xf32, #tpu.memory_space<vmem>> -> memref<128x32xf32, #tpu.memory_space<vmem>>
        %dma_start3A_382 = arith.constant 0 : i32
        %dma_start3A_383 = tpu.memref_slice %arg8[%add3A_262, %dma_start3A_382] : memref<84x128xi32, #tpu.memory_space<vmem>> -> memref<1x128xi32, #tpu.memory_space<vmem>>
        %dma_start3A_384 = tpu.memref_squeeze %dma_start3A_383 : memref<1x128xi32, #tpu.memory_space<vmem>> -> memref<128xi32, #tpu.memory_space<vmem>>
        %dma_start3A_385 = arith.constant 0 : i32
        %dma_start3A_386 = arith.constant 0 : i32
        %dma_start3A_387 = tpu.memref_slice %arg10[%dma_start3A_385, %dma_start3A_386] : memref<10112x32xf32, #tpu.memory_space<vmem_shared>> -> memref<10112x32xf32, #tpu.memory_space<vmem_shared>>
        tpu.enqueue_indirect_dma source(%dma_start3A_381 : memref<128x32xf32, #tpu.memory_space<vmem>>) target(%dma_start3A_387 : memref<10112x32xf32, #tpu.memory_space<vmem_shared>>) offsets(%dma_start3A_384 : memref<128xi32, #tpu.memory_space<vmem>>) semaphore(%run_scoped3A_377 : memref<!tpu.dma_semaphore, #tpu.memory_space<semaphore_mem>>) {add = true}
        %dma_wait3A_388 = arith.constant 0 : i32
        %dma_wait3A_389 = arith.constant 0 : i32
        %dma_wait3A_390 = tpu.memref_slice %arg9[%run_scoped3A_289, %dma_wait3A_388, %dma_wait3A_389] : memref<6x128x32xf32, #tpu.memory_space<vmem>> -> memref<1x128x32xf32, #tpu.memory_space<vmem>>
        %dma_wait3A_391 = tpu.memref_squeeze %dma_wait3A_390 : memref<1x128x32xf32, #tpu.memory_space<vmem>> -> memref<128x32xf32, #tpu.memory_space<vmem>>
        %dma_wait3A_392 = arith.constant 0 : i32
        %dma_wait3A_393 = tpu.memref_slice %arg8[%add3A_262, %dma_wait3A_392] : memref<84x128xi32, #tpu.memory_space<vmem>> -> memref<1x128xi32, #tpu.memory_space<vmem>>
        %dma_wait3A_394 = tpu.memref_squeeze %dma_wait3A_393 : memref<1x128xi32, #tpu.memory_space<vmem>> -> memref<128xi32, #tpu.memory_space<vmem>>
        %dma_wait3A_395 = arith.constant 0 : i32
        %dma_wait3A_396 = arith.constant 0 : i32
        %dma_wait3A_397 = tpu.memref_slice %arg10[%dma_wait3A_395, %dma_wait3A_396] : memref<10112x32xf32, #tpu.memory_space<vmem_shared>> -> memref<10112x32xf32, #tpu.memory_space<vmem_shared>>
        tpu.wait_indirect_dma semaphore(%run_scoped3A_377 : memref<!tpu.dma_semaphore, #tpu.memory_space<semaphore_mem>>) src(%dma_wait3A_391 : memref<128x32xf32, #tpu.memory_space<vmem>>) dst(%dma_wait3A_397 : memref<10112x32xf32, #tpu.memory_space<vmem_shared>>)
        tpu.yield
      }) : () -> ()
      %add3A_290 = arith.constant 3 : i32
      %add3A_291 = arith.addi %add3A_203, %add3A_290 : i32
      %add3A_292 = arith.constant 6 : i32
      %add3A_293 = arith.addi %add3A_291, %add3A_292 : i32
      %sub3A_294 = arith.constant 1 : i32
      %sub3A_295 = arith.subi %add3A_293, %sub3A_294 : i32
      %dma_start3A_296 = arith.constant 2 : i32
      %dma_start3A_297 = arith.constant 0 : i32
      %dma_start3A_298 = arith.constant 0 : i32
      %dma_start3A_299 = tpu.memref_slice %arg9[%dma_start3A_296, %dma_start3A_297, %dma_start3A_298] : memref<6x128x32xf32, #tpu.memory_space<vmem>> -> memref<1x128x32xf32, #tpu.memory_space<vmem>>
      %dma_start3A_300 = tpu.memref_squeeze %dma_start3A_299 : memref<1x128x32xf32, #tpu.memory_space<vmem>> -> memref<128x32xf32, #tpu.memory_space<vmem>>
      %dma_start3A_301 = arith.constant 0 : i32
      %dma_start3A_302 = tpu.memref_slice %arg7[%sub3A_295, %dma_start3A_301] : memref<84x128xi32, #tpu.memory_space<vmem>> -> memref<1x128xi32, #tpu.memory_space<vmem>>
      %dma_start3A_303 = tpu.memref_squeeze %dma_start3A_302 : memref<1x128xi32, #tpu.memory_space<vmem>> -> memref<128xi32, #tpu.memory_space<vmem>>
      %dma_start3A_304 = arith.constant 0 : i32
      %dma_start3A_305 = arith.constant 0 : i32
      %dma_start3A_306 = tpu.memref_slice %arg2[%dma_start3A_304, %dma_start3A_305] : memref<10112x32xf32, #tpu.memory_space<hbm>> -> memref<10112x32xf32, #tpu.memory_space<hbm>>
      tpu.enqueue_indirect_dma source(%dma_start3A_306 : memref<10112x32xf32, #tpu.memory_space<hbm>>) target(%dma_start3A_300 : memref<128x32xf32, #tpu.memory_space<vmem>>) offsets(%dma_start3A_303 : memref<128xi32, #tpu.memory_space<vmem>>) semaphore(%arg13 : memref<!tpu.dma_semaphore, #tpu.memory_space<semaphore_mem>>)
      %dma_wait3A_307 = arith.constant 3 : i32
      %dma_wait3A_308 = arith.constant 0 : i32
      %dma_wait3A_309 = arith.constant 0 : i32
      %dma_wait3A_310 = tpu.memref_slice %arg9[%dma_wait3A_307, %dma_wait3A_308, %dma_wait3A_309] : memref<6x128x32xf32, #tpu.memory_space<vmem>> -> memref<1x128x32xf32, #tpu.memory_space<vmem>>
      %dma_wait3A_311 = tpu.memref_squeeze %dma_wait3A_310 : memref<1x128x32xf32, #tpu.memory_space<vmem>> -> memref<128x32xf32, #tpu.memory_space<vmem>>
      %dma_wait3A_312 = arith.constant 0 : i32
      %dma_wait3A_313 = tpu.memref_slice %arg7[%add3A_291, %dma_wait3A_312] : memref<84x128xi32, #tpu.memory_space<vmem>> -> memref<1x128xi32, #tpu.memory_space<vmem>>
      %dma_wait3A_314 = tpu.memref_squeeze %dma_wait3A_313 : memref<1x128xi32, #tpu.memory_space<vmem>> -> memref<128xi32, #tpu.memory_space<vmem>>
      %dma_wait3A_315 = arith.constant 0 : i32
      %dma_wait3A_316 = arith.constant 0 : i32
      %dma_wait3A_317 = tpu.memref_slice %arg2[%dma_wait3A_315, %dma_wait3A_316] : memref<10112x32xf32, #tpu.memory_space<hbm>> -> memref<10112x32xf32, #tpu.memory_space<hbm>>
      tpu.wait_indirect_dma semaphore(%arg14 : memref<!tpu.dma_semaphore, #tpu.memory_space<semaphore_mem>>) src(%dma_wait3A_317 : memref<10112x32xf32, #tpu.memory_space<hbm>>) dst(%dma_wait3A_311 : memref<128x32xf32, #tpu.memory_space<vmem>>)
      %run_scoped3A_318 = arith.constant 3 : i32
      "tpu.region"() ({
        %run_scoped3A_377 = tpu.sem_alloc : memref<!tpu.dma_semaphore, #tpu.memory_space<semaphore_mem>>
        %dma_start3A_378 = arith.constant 0 : i32
        %dma_start3A_379 = arith.constant 0 : i32
        %dma_start3A_380 = tpu.memref_slice %arg9[%run_scoped3A_318, %dma_start3A_378, %dma_start3A_379] : memref<6x128x32xf32, #tpu.memory_space<vmem>> -> memref<1x128x32xf32, #tpu.memory_space<vmem>>
        %dma_start3A_381 = tpu.memref_squeeze %dma_start3A_380 : memref<1x128x32xf32, #tpu.memory_space<vmem>> -> memref<128x32xf32, #tpu.memory_space<vmem>>
        %dma_start3A_382 = arith.constant 0 : i32
        %dma_start3A_383 = tpu.memref_slice %arg8[%add3A_291, %dma_start3A_382] : memref<84x128xi32, #tpu.memory_space<vmem>> -> memref<1x128xi32, #tpu.memory_space<vmem>>
        %dma_start3A_384 = tpu.memref_squeeze %dma_start3A_383 : memref<1x128xi32, #tpu.memory_space<vmem>> -> memref<128xi32, #tpu.memory_space<vmem>>
        %dma_start3A_385 = arith.constant 0 : i32
        %dma_start3A_386 = arith.constant 0 : i32
        %dma_start3A_387 = tpu.memref_slice %arg10[%dma_start3A_385, %dma_start3A_386] : memref<10112x32xf32, #tpu.memory_space<vmem_shared>> -> memref<10112x32xf32, #tpu.memory_space<vmem_shared>>
        tpu.enqueue_indirect_dma source(%dma_start3A_381 : memref<128x32xf32, #tpu.memory_space<vmem>>) target(%dma_start3A_387 : memref<10112x32xf32, #tpu.memory_space<vmem_shared>>) offsets(%dma_start3A_384 : memref<128xi32, #tpu.memory_space<vmem>>) semaphore(%run_scoped3A_377 : memref<!tpu.dma_semaphore, #tpu.memory_space<semaphore_mem>>) {add = true}
        %dma_wait3A_388 = arith.constant 0 : i32
        %dma_wait3A_389 = arith.constant 0 : i32
        %dma_wait3A_390 = tpu.memref_slice %arg9[%run_scoped3A_318, %dma_wait3A_388, %dma_wait3A_389] : memref<6x128x32xf32, #tpu.memory_space<vmem>> -> memref<1x128x32xf32, #tpu.memory_space<vmem>>
        %dma_wait3A_391 = tpu.memref_squeeze %dma_wait3A_390 : memref<1x128x32xf32, #tpu.memory_space<vmem>> -> memref<128x32xf32, #tpu.memory_space<vmem>>
        %dma_wait3A_392 = arith.constant 0 : i32
        %dma_wait3A_393 = tpu.memref_slice %arg8[%add3A_291, %dma_wait3A_392] : memref<84x128xi32, #tpu.memory_space<vmem>> -> memref<1x128xi32, #tpu.memory_space<vmem>>
        %dma_wait3A_394 = tpu.memref_squeeze %dma_wait3A_393 : memref<1x128xi32, #tpu.memory_space<vmem>> -> memref<128xi32, #tpu.memory_space<vmem>>
        %dma_wait3A_395 = arith.constant 0 : i32
        %dma_wait3A_396 = arith.constant 0 : i32
        %dma_wait3A_397 = tpu.memref_slice %arg10[%dma_wait3A_395, %dma_wait3A_396] : memref<10112x32xf32, #tpu.memory_space<vmem_shared>> -> memref<10112x32xf32, #tpu.memory_space<vmem_shared>>
        tpu.wait_indirect_dma semaphore(%run_scoped3A_377 : memref<!tpu.dma_semaphore, #tpu.memory_space<semaphore_mem>>) src(%dma_wait3A_391 : memref<128x32xf32, #tpu.memory_space<vmem>>) dst(%dma_wait3A_397 : memref<10112x32xf32, #tpu.memory_space<vmem_shared>>)
        tpu.yield
      }) : () -> ()
      %add3A_319 = arith.constant 4 : i32
      %add3A_320 = arith.addi %add3A_203, %add3A_319 : i32
      %add3A_321 = arith.constant 6 : i32
      %add3A_322 = arith.addi %add3A_320, %add3A_321 : i32
      %sub3A_323 = arith.constant 1 : i32
      %sub3A_324 = arith.subi %add3A_322, %sub3A_323 : i32
      %dma_start3A_325 = arith.constant 3 : i32
      %dma_start3A_326 = arith.constant 0 : i32
      %dma_start3A_327 = arith.constant 0 : i32
      %dma_start3A_328 = tpu.memref_slice %arg9[%dma_start3A_325, %dma_start3A_326, %dma_start3A_327] : memref<6x128x32xf32, #tpu.memory_space<vmem>> -> memref<1x128x32xf32, #tpu.memory_space<vmem>>
      %dma_start3A_329 = tpu.memref_squeeze %dma_start3A_328 : memref<1x128x32xf32, #tpu.memory_space<vmem>> -> memref<128x32xf32, #tpu.memory_space<vmem>>
      %dma_start3A_330 = arith.constant 0 : i32
      %dma_start3A_331 = tpu.memref_slice %arg7[%sub3A_324, %dma_start3A_330] : memref<84x128xi32, #tpu.memory_space<vmem>> -> memref<1x128xi32, #tpu.memory_space<vmem>>
      %dma_start3A_332 = tpu.memref_squeeze %dma_start3A_331 : memref<1x128xi32, #tpu.memory_space<vmem>> -> memref<128xi32, #tpu.memory_space<vmem>>
      %dma_start3A_333 = arith.constant 0 : i32
      %dma_start3A_334 = arith.constant 0 : i32
      %dma_start3A_335 = tpu.memref_slice %arg2[%dma_start3A_333, %dma_start3A_334] : memref<10112x32xf32, #tpu.memory_space<hbm>> -> memref<10112x32xf32, #tpu.memory_space<hbm>>
      tpu.enqueue_indirect_dma source(%dma_start3A_335 : memref<10112x32xf32, #tpu.memory_space<hbm>>) target(%dma_start3A_329 : memref<128x32xf32, #tpu.memory_space<vmem>>) offsets(%dma_start3A_332 : memref<128xi32, #tpu.memory_space<vmem>>) semaphore(%arg14 : memref<!tpu.dma_semaphore, #tpu.memory_space<semaphore_mem>>)
      %dma_wait3A_336 = arith.constant 4 : i32
      %dma_wait3A_337 = arith.constant 0 : i32
      %dma_wait3A_338 = arith.constant 0 : i32
      %dma_wait3A_339 = tpu.memref_slice %arg9[%dma_wait3A_336, %dma_wait3A_337, %dma_wait3A_338] : memref<6x128x32xf32, #tpu.memory_space<vmem>> -> memref<1x128x32xf32, #tpu.memory_space<vmem>>
      %dma_wait3A_340 = tpu.memref_squeeze %dma_wait3A_339 : memref<1x128x32xf32, #tpu.memory_space<vmem>> -> memref<128x32xf32, #tpu.memory_space<vmem>>
      %dma_wait3A_341 = arith.constant 0 : i32
      %dma_wait3A_342 = tpu.memref_slice %arg7[%add3A_320, %dma_wait3A_341] : memref<84x128xi32, #tpu.memory_space<vmem>> -> memref<1x128xi32, #tpu.memory_space<vmem>>
      %dma_wait3A_343 = tpu.memref_squeeze %dma_wait3A_342 : memref<1x128xi32, #tpu.memory_space<vmem>> -> memref<128xi32, #tpu.memory_space<vmem>>
      %dma_wait3A_344 = arith.constant 0 : i32
      %dma_wait3A_345 = arith.constant 0 : i32
      %dma_wait3A_346 = tpu.memref_slice %arg2[%dma_wait3A_344, %dma_wait3A_345] : memref<10112x32xf32, #tpu.memory_space<hbm>> -> memref<10112x32xf32, #tpu.memory_space<hbm>>
      tpu.wait_indirect_dma semaphore(%arg15 : memref<!tpu.dma_semaphore, #tpu.memory_space<semaphore_mem>>) src(%dma_wait3A_346 : memref<10112x32xf32, #tpu.memory_space<hbm>>) dst(%dma_wait3A_340 : memref<128x32xf32, #tpu.memory_space<vmem>>)
      %run_scoped3A_347 = arith.constant 4 : i32
      "tpu.region"() ({
        %run_scoped3A_377 = tpu.sem_alloc : memref<!tpu.dma_semaphore, #tpu.memory_space<semaphore_mem>>
        %dma_start3A_378 = arith.constant 0 : i32
        %dma_start3A_379 = arith.constant 0 : i32
        %dma_start3A_380 = tpu.memref_slice %arg9[%run_scoped3A_347, %dma_start3A_378, %dma_start3A_379] : memref<6x128x32xf32, #tpu.memory_space<vmem>> -> memref<1x128x32xf32, #tpu.memory_space<vmem>>
        %dma_start3A_381 = tpu.memref_squeeze %dma_start3A_380 : memref<1x128x32xf32, #tpu.memory_space<vmem>> -> memref<128x32xf32, #tpu.memory_space<vmem>>
        %dma_start3A_382 = arith.constant 0 : i32
        %dma_start3A_383 = tpu.memref_slice %arg8[%add3A_320, %dma_start3A_382] : memref<84x128xi32, #tpu.memory_space<vmem>> -> memref<1x128xi32, #tpu.memory_space<vmem>>
        %dma_start3A_384 = tpu.memref_squeeze %dma_start3A_383 : memref<1x128xi32, #tpu.memory_space<vmem>> -> memref<128xi32, #tpu.memory_space<vmem>>
        %dma_start3A_385 = arith.constant 0 : i32
        %dma_start3A_386 = arith.constant 0 : i32
        %dma_start3A_387 = tpu.memref_slice %arg10[%dma_start3A_385, %dma_start3A_386] : memref<10112x32xf32, #tpu.memory_space<vmem_shared>> -> memref<10112x32xf32, #tpu.memory_space<vmem_shared>>
        tpu.enqueue_indirect_dma source(%dma_start3A_381 : memref<128x32xf32, #tpu.memory_space<vmem>>) target(%dma_start3A_387 : memref<10112x32xf32, #tpu.memory_space<vmem_shared>>) offsets(%dma_start3A_384 : memref<128xi32, #tpu.memory_space<vmem>>) semaphore(%run_scoped3A_377 : memref<!tpu.dma_semaphore, #tpu.memory_space<semaphore_mem>>) {add = true}
        %dma_wait3A_388 = arith.constant 0 : i32
        %dma_wait3A_389 = arith.constant 0 : i32
        %dma_wait3A_390 = tpu.memref_slice %arg9[%run_scoped3A_347, %dma_wait3A_388, %dma_wait3A_389] : memref<6x128x32xf32, #tpu.memory_space<vmem>> -> memref<1x128x32xf32, #tpu.memory_space<vmem>>
        %dma_wait3A_391 = tpu.memref_squeeze %dma_wait3A_390 : memref<1x128x32xf32, #tpu.memory_space<vmem>> -> memref<128x32xf32, #tpu.memory_space<vmem>>
        %dma_wait3A_392 = arith.constant 0 : i32
        %dma_wait3A_393 = tpu.memref_slice %arg8[%add3A_320, %dma_wait3A_392] : memref<84x128xi32, #tpu.memory_space<vmem>> -> memref<1x128xi32, #tpu.memory_space<vmem>>
        %dma_wait3A_394 = tpu.memref_squeeze %dma_wait3A_393 : memref<1x128xi32, #tpu.memory_space<vmem>> -> memref<128xi32, #tpu.memory_space<vmem>>
        %dma_wait3A_395 = arith.constant 0 : i32
        %dma_wait3A_396 = arith.constant 0 : i32
        %dma_wait3A_397 = tpu.memref_slice %arg10[%dma_wait3A_395, %dma_wait3A_396] : memref<10112x32xf32, #tpu.memory_space<vmem_shared>> -> memref<10112x32xf32, #tpu.memory_space<vmem_shared>>
        tpu.wait_indirect_dma semaphore(%run_scoped3A_377 : memref<!tpu.dma_semaphore, #tpu.memory_space<semaphore_mem>>) src(%dma_wait3A_391 : memref<128x32xf32, #tpu.memory_space<vmem>>) dst(%dma_wait3A_397 : memref<10112x32xf32, #tpu.memory_space<vmem_shared>>)
        tpu.yield
      }) : () -> ()
      %add3A_348 = arith.constant 5 : i32
      %add3A_349 = arith.addi %add3A_203, %add3A_348 : i32
      %add3A_350 = arith.constant 6 : i32
      %add3A_351 = arith.addi %add3A_349, %add3A_350 : i32
      %sub3A_352 = arith.constant 1 : i32
      %sub3A_353 = arith.subi %add3A_351, %sub3A_352 : i32
      %dma_start3A_354 = arith.constant 4 : i32
      %dma_start3A_355 = arith.constant 0 : i32
      %dma_start3A_356 = arith.constant 0 : i32
      %dma_start3A_357 = tpu.memref_slice %arg9[%dma_start3A_354, %dma_start3A_355, %dma_start3A_356] : memref<6x128x32xf32, #tpu.memory_space<vmem>> -> memref<1x128x32xf32, #tpu.memory_space<vmem>>
      %dma_start3A_358 = tpu.memref_squeeze %dma_start3A_357 : memref<1x128x32xf32, #tpu.memory_space<vmem>> -> memref<128x32xf32, #tpu.memory_space<vmem>>
      %dma_start3A_359 = arith.constant 0 : i32
      %dma_start3A_360 = tpu.memref_slice %arg7[%sub3A_353, %dma_start3A_359] : memref<84x128xi32, #tpu.memory_space<vmem>> -> memref<1x128xi32, #tpu.memory_space<vmem>>
      %dma_start3A_361 = tpu.memref_squeeze %dma_start3A_360 : memref<1x128xi32, #tpu.memory_space<vmem>> -> memref<128xi32, #tpu.memory_space<vmem>>
      %dma_start3A_362 = arith.constant 0 : i32
      %dma_start3A_363 = arith.constant 0 : i32
      %dma_start3A_364 = tpu.memref_slice %arg2[%dma_start3A_362, %dma_start3A_363] : memref<10112x32xf32, #tpu.memory_space<hbm>> -> memref<10112x32xf32, #tpu.memory_space<hbm>>
      tpu.enqueue_indirect_dma source(%dma_start3A_364 : memref<10112x32xf32, #tpu.memory_space<hbm>>) target(%dma_start3A_358 : memref<128x32xf32, #tpu.memory_space<vmem>>) offsets(%dma_start3A_361 : memref<128xi32, #tpu.memory_space<vmem>>) semaphore(%arg15 : memref<!tpu.dma_semaphore, #tpu.memory_space<semaphore_mem>>)
      %dma_wait3A_365 = arith.constant 5 : i32
      %dma_wait3A_366 = arith.constant 0 : i32
      %dma_wait3A_367 = arith.constant 0 : i32
      %dma_wait3A_368 = tpu.memref_slice %arg9[%dma_wait3A_365, %dma_wait3A_366, %dma_wait3A_367] : memref<6x128x32xf32, #tpu.memory_space<vmem>> -> memref<1x128x32xf32, #tpu.memory_space<vmem>>
      %dma_wait3A_369 = tpu.memref_squeeze %dma_wait3A_368 : memref<1x128x32xf32, #tpu.memory_space<vmem>> -> memref<128x32xf32, #tpu.memory_space<vmem>>
      %dma_wait3A_370 = arith.constant 0 : i32
      %dma_wait3A_371 = tpu.memref_slice %arg7[%add3A_349, %dma_wait3A_370] : memref<84x128xi32, #tpu.memory_space<vmem>> -> memref<1x128xi32, #tpu.memory_space<vmem>>
      %dma_wait3A_372 = tpu.memref_squeeze %dma_wait3A_371 : memref<1x128xi32, #tpu.memory_space<vmem>> -> memref<128xi32, #tpu.memory_space<vmem>>
      %dma_wait3A_373 = arith.constant 0 : i32
      %dma_wait3A_374 = arith.constant 0 : i32
      %dma_wait3A_375 = tpu.memref_slice %arg2[%dma_wait3A_373, %dma_wait3A_374] : memref<10112x32xf32, #tpu.memory_space<hbm>> -> memref<10112x32xf32, #tpu.memory_space<hbm>>
      tpu.wait_indirect_dma semaphore(%arg16 : memref<!tpu.dma_semaphore, #tpu.memory_space<semaphore_mem>>) src(%dma_wait3A_375 : memref<10112x32xf32, #tpu.memory_space<hbm>>) dst(%dma_wait3A_369 : memref<128x32xf32, #tpu.memory_space<vmem>>)
      %run_scoped3A_376 = arith.constant 5 : i32
      "tpu.region"() ({
        %run_scoped3A_377 = tpu.sem_alloc : memref<!tpu.dma_semaphore, #tpu.memory_space<semaphore_mem>>
        %dma_start3A_378 = arith.constant 0 : i32
        %dma_start3A_379 = arith.constant 0 : i32
        %dma_start3A_380 = tpu.memref_slice %arg9[%run_scoped3A_376, %dma_start3A_378, %dma_start3A_379] : memref<6x128x32xf32, #tpu.memory_space<vmem>> -> memref<1x128x32xf32, #tpu.memory_space<vmem>>
        %dma_start3A_381 = tpu.memref_squeeze %dma_start3A_380 : memref<1x128x32xf32, #tpu.memory_space<vmem>> -> memref<128x32xf32, #tpu.memory_space<vmem>>
        %dma_start3A_382 = arith.constant 0 : i32
        %dma_start3A_383 = tpu.memref_slice %arg8[%add3A_349, %dma_start3A_382] : memref<84x128xi32, #tpu.memory_space<vmem>> -> memref<1x128xi32, #tpu.memory_space<vmem>>
        %dma_start3A_384 = tpu.memref_squeeze %dma_start3A_383 : memref<1x128xi32, #tpu.memory_space<vmem>> -> memref<128xi32, #tpu.memory_space<vmem>>
        %dma_start3A_385 = arith.constant 0 : i32
        %dma_start3A_386 = arith.constant 0 : i32
        %dma_start3A_387 = tpu.memref_slice %arg10[%dma_start3A_385, %dma_start3A_386] : memref<10112x32xf32, #tpu.memory_space<vmem_shared>> -> memref<10112x32xf32, #tpu.memory_space<vmem_shared>>
        tpu.enqueue_indirect_dma source(%dma_start3A_381 : memref<128x32xf32, #tpu.memory_space<vmem>>) target(%dma_start3A_387 : memref<10112x32xf32, #tpu.memory_space<vmem_shared>>) offsets(%dma_start3A_384 : memref<128xi32, #tpu.memory_space<vmem>>) semaphore(%run_scoped3A_377 : memref<!tpu.dma_semaphore, #tpu.memory_space<semaphore_mem>>) {add = true}
        %dma_wait3A_388 = arith.constant 0 : i32
        %dma_wait3A_389 = arith.constant 0 : i32
        %dma_wait3A_390 = tpu.memref_slice %arg9[%run_scoped3A_376, %dma_wait3A_388, %dma_wait3A_389] : memref<6x128x32xf32, #tpu.memory_space<vmem>> -> memref<1x128x32xf32, #tpu.memory_space<vmem>>
        %dma_wait3A_391 = tpu.memref_squeeze %dma_wait3A_390 : memref<1x128x32xf32, #tpu.memory_space<vmem>> -> memref<128x32xf32, #tpu.memory_space<vmem>>
        %dma_wait3A_392 = arith.constant 0 : i32
        %dma_wait3A_393 = tpu.memref_slice %arg8[%add3A_349, %dma_wait3A_392] : memref<84x128xi32, #tpu.memory_space<vmem>> -> memref<1x128xi32, #tpu.memory_space<vmem>>
        %dma_wait3A_394 = tpu.memref_squeeze %dma_wait3A_393 : memref<1x128xi32, #tpu.memory_space<vmem>> -> memref<128xi32, #tpu.memory_space<vmem>>
        %dma_wait3A_395 = arith.constant 0 : i32
        %dma_wait3A_396 = arith.constant 0 : i32
        %dma_wait3A_397 = tpu.memref_slice %arg10[%dma_wait3A_395, %dma_wait3A_396] : memref<10112x32xf32, #tpu.memory_space<vmem_shared>> -> memref<10112x32xf32, #tpu.memory_space<vmem_shared>>
        tpu.wait_indirect_dma semaphore(%run_scoped3A_377 : memref<!tpu.dma_semaphore, #tpu.memory_space<semaphore_mem>>) src(%dma_wait3A_391 : memref<128x32xf32, #tpu.memory_space<vmem>>) dst(%dma_wait3A_397 : memref<10112x32xf32, #tpu.memory_space<vmem_shared>>)
        tpu.yield
      }) : () -> ()
    }
    %scan3A_98 = arith.constant 13 : i32
    %dma_start3A_99 = arith.constant 83 : i32
    %dma_start3A_100 = arith.constant 5 : i32
    %dma_start3A_101 = arith.constant 0 : i32
    %dma_start3A_102 = arith.constant 0 : i32
    %dma_start3A_103 = tpu.memref_slice %arg9[%dma_start3A_100, %dma_start3A_101, %dma_start3A_102] : memref<6x128x32xf32, #tpu.memory_space<vmem>> -> memref<1x128x32xf32, #tpu.memory_space<vmem>>
    %dma_start3A_104 = tpu.memref_squeeze %dma_start3A_103 : memref<1x128x32xf32, #tpu.memory_space<vmem>> -> memref<128x32xf32, #tpu.memory_space<vmem>>
    %dma_start3A_105 = arith.constant 0 : i32
    %dma_start3A_106 = tpu.memref_slice %arg7[%dma_start3A_99, %dma_start3A_105] : memref<84x128xi32, #tpu.memory_space<vmem>> -> memref<1x128xi32, #tpu.memory_space<vmem>>
    %dma_start3A_107 = tpu.memref_squeeze %dma_start3A_106 : memref<1x128xi32, #tpu.memory_space<vmem>> -> memref<128xi32, #tpu.memory_space<vmem>>
    %dma_start3A_108 = arith.constant 0 : i32
    %dma_start3A_109 = arith.constant 0 : i32
    %dma_start3A_110 = tpu.memref_slice %arg2[%dma_start3A_108, %dma_start3A_109] : memref<10112x32xf32, #tpu.memory_space<hbm>> -> memref<10112x32xf32, #tpu.memory_space<hbm>>
    tpu.enqueue_indirect_dma source(%dma_start3A_110 : memref<10112x32xf32, #tpu.memory_space<hbm>>) target(%dma_start3A_104 : memref<128x32xf32, #tpu.memory_space<vmem>>) offsets(%dma_start3A_107 : memref<128xi32, #tpu.memory_space<vmem>>) semaphore(%arg16 : memref<!tpu.dma_semaphore, #tpu.memory_space<semaphore_mem>>)
    %dma_wait3A_111 = arith.constant 78 : i32
    %dma_wait3A_112 = arith.constant 0 : i32
    %dma_wait3A_113 = arith.constant 0 : i32
    %dma_wait3A_114 = arith.constant 0 : i32
    %dma_wait3A_115 = tpu.memref_slice %arg9[%dma_wait3A_112, %dma_wait3A_113, %dma_wait3A_114] : memref<6x128x32xf32, #tpu.memory_space<vmem>> -> memref<1x128x32xf32, #tpu.memory_space<vmem>>
    %dma_wait3A_116 = tpu.memref_squeeze %dma_wait3A_115 : memref<1x128x32xf32, #tpu.memory_space<vmem>> -> memref<128x32xf32, #tpu.memory_space<vmem>>
    %dma_wait3A_117 = arith.constant 0 : i32
    %dma_wait3A_118 = tpu.memref_slice %arg7[%dma_wait3A_111, %dma_wait3A_117] : memref<84x128xi32, #tpu.memory_space<vmem>> -> memref<1x128xi32, #tpu.memory_space<vmem>>
    %dma_wait3A_119 = tpu.memref_squeeze %dma_wait3A_118 : memref<1x128xi32, #tpu.memory_space<vmem>> -> memref<128xi32, #tpu.memory_space<vmem>>
    %dma_wait3A_120 = arith.constant 0 : i32
    %dma_wait3A_121 = arith.constant 0 : i32
    %dma_wait3A_122 = tpu.memref_slice %arg2[%dma_wait3A_120, %dma_wait3A_121] : memref<10112x32xf32, #tpu.memory_space<hbm>> -> memref<10112x32xf32, #tpu.memory_space<hbm>>
    tpu.wait_indirect_dma semaphore(%arg11 : memref<!tpu.dma_semaphore, #tpu.memory_space<semaphore_mem>>) src(%dma_wait3A_122 : memref<10112x32xf32, #tpu.memory_space<hbm>>) dst(%dma_wait3A_116 : memref<128x32xf32, #tpu.memory_space<vmem>>)
    %run_scoped3A = arith.constant 0 : i32
    %run_scoped3A_123 = arith.constant 78 : i32
    "tpu.region"() ({
      %run_scoped3A_199 = tpu.sem_alloc : memref<!tpu.dma_semaphore, #tpu.memory_space<semaphore_mem>>
      %dma_start3A_200 = arith.constant 0 : i32
      %dma_start3A_201 = arith.constant 0 : i32
      %dma_start3A_202 = tpu.memref_slice %arg9[%run_scoped3A, %dma_start3A_200, %dma_start3A_201] : memref<6x128x32xf32, #tpu.memory_space<vmem>> -> memref<1x128x32xf32, #tpu.memory_space<vmem>>
      %dma_start3A_203 = tpu.memref_squeeze %dma_start3A_202 : memref<1x128x32xf32, #tpu.memory_space<vmem>> -> memref<128x32xf32, #tpu.memory_space<vmem>>
      %dma_start3A_204 = arith.constant 0 : i32
      %dma_start3A_205 = tpu.memref_slice %arg8[%run_scoped3A_123, %dma_start3A_204] : memref<84x128xi32, #tpu.memory_space<vmem>> -> memref<1x128xi32, #tpu.memory_space<vmem>>
      %dma_start3A_206 = tpu.memref_squeeze %dma_start3A_205 : memref<1x128xi32, #tpu.memory_space<vmem>> -> memref<128xi32, #tpu.memory_space<vmem>>
      %dma_start3A_207 = arith.constant 0 : i32
      %dma_start3A_208 = arith.constant 0 : i32
      %dma_start3A_209 = tpu.memref_slice %arg10[%dma_start3A_207, %dma_start3A_208] : memref<10112x32xf32, #tpu.memory_space<vmem_shared>> -> memref<10112x32xf32, #tpu.memory_space<vmem_shared>>
      tpu.enqueue_indirect_dma source(%dma_start3A_203 : memref<128x32xf32, #tpu.memory_space<vmem>>) target(%dma_start3A_209 : memref<10112x32xf32, #tpu.memory_space<vmem_shared>>) offsets(%dma_start3A_206 : memref<128xi32, #tpu.memory_space<vmem>>) semaphore(%run_scoped3A_199 : memref<!tpu.dma_semaphore, #tpu.memory_space<semaphore_mem>>) {add = true}
      %dma_wait3A_210 = arith.constant 0 : i32
      %dma_wait3A_211 = arith.constant 0 : i32
      %dma_wait3A_212 = tpu.memref_slice %arg9[%run_scoped3A, %dma_wait3A_210, %dma_wait3A_211] : memref<6x128x32xf32, #tpu.memory_space<vmem>> -> memref<1x128x32xf32, #tpu.memory_space<vmem>>
      %dma_wait3A_213 = tpu.memref_squeeze %dma_wait3A_212 : memref<1x128x32xf32, #tpu.memory_space<vmem>> -> memref<128x32xf32, #tpu.memory_space<vmem>>
      %dma_wait3A_214 = arith.constant 0 : i32
      %dma_wait3A_215 = tpu.memref_slice %arg8[%run_scoped3A_123, %dma_wait3A_214] : memref<84x128xi32, #tpu.memory_space<vmem>> -> memref<1x128xi32, #tpu.memory_space<vmem>>
      %dma_wait3A_216 = tpu.memref_squeeze %dma_wait3A_215 : memref<1x128xi32, #tpu.memory_space<vmem>> -> memref<128xi32, #tpu.memory_space<vmem>>
      %dma_wait3A_217 = arith.constant 0 : i32
      %dma_wait3A_218 = arith.constant 0 : i32
      %dma_wait3A_219 = tpu.memref_slice %arg10[%dma_wait3A_217, %dma_wait3A_218] : memref<10112x32xf32, #tpu.memory_space<vmem_shared>> -> memref<10112x32xf32, #tpu.memory_space<vmem_shared>>
      tpu.wait_indirect_dma semaphore(%run_scoped3A_199 : memref<!tpu.dma_semaphore, #tpu.memory_space<semaphore_mem>>) src(%dma_wait3A_213 : memref<128x32xf32, #tpu.memory_space<vmem>>) dst(%dma_wait3A_219 : memref<10112x32xf32, #tpu.memory_space<vmem_shared>>)
      tpu.yield
    }) : () -> ()
    %dma_wait3A_124 = arith.constant 79 : i32
    %dma_wait3A_125 = arith.constant 1 : i32
    %dma_wait3A_126 = arith.constant 0 : i32
    %dma_wait3A_127 = arith.constant 0 : i32
    %dma_wait3A_128 = tpu.memref_slice %arg9[%dma_wait3A_125, %dma_wait3A_126, %dma_wait3A_127] : memref<6x128x32xf32, #tpu.memory_space<vmem>> -> memref<1x128x32xf32, #tpu.memory_space<vmem>>
    %dma_wait3A_129 = tpu.memref_squeeze %dma_wait3A_128 : memref<1x128x32xf32, #tpu.memory_space<vmem>> -> memref<128x32xf32, #tpu.memory_space<vmem>>
    %dma_wait3A_130 = arith.constant 0 : i32
    %dma_wait3A_131 = tpu.memref_slice %arg7[%dma_wait3A_124, %dma_wait3A_130] : memref<84x128xi32, #tpu.memory_space<vmem>> -> memref<1x128xi32, #tpu.memory_space<vmem>>
    %dma_wait3A_132 = tpu.memref_squeeze %dma_wait3A_131 : memref<1x128xi32, #tpu.memory_space<vmem>> -> memref<128xi32, #tpu.memory_space<vmem>>
    %dma_wait3A_133 = arith.constant 0 : i32
    %dma_wait3A_134 = arith.constant 0 : i32
    %dma_wait3A_135 = tpu.memref_slice %arg2[%dma_wait3A_133, %dma_wait3A_134] : memref<10112x32xf32, #tpu.memory_space<hbm>> -> memref<10112x32xf32, #tpu.memory_space<hbm>>
    tpu.wait_indirect_dma semaphore(%arg12 : memref<!tpu.dma_semaphore, #tpu.memory_space<semaphore_mem>>) src(%dma_wait3A_135 : memref<10112x32xf32, #tpu.memory_space<hbm>>) dst(%dma_wait3A_129 : memref<128x32xf32, #tpu.memory_space<vmem>>)
    %run_scoped3A_136 = arith.constant 1 : i32
    %run_scoped3A_137 = arith.constant 79 : i32
    "tpu.region"() ({
      %run_scoped3A_199 = tpu.sem_alloc : memref<!tpu.dma_semaphore, #tpu.memory_space<semaphore_mem>>
      %dma_start3A_200 = arith.constant 0 : i32
      %dma_start3A_201 = arith.constant 0 : i32
      %dma_start3A_202 = tpu.memref_slice %arg9[%run_scoped3A_136, %dma_start3A_200, %dma_start3A_201] : memref<6x128x32xf32, #tpu.memory_space<vmem>> -> memref<1x128x32xf32, #tpu.memory_space<vmem>>
      %dma_start3A_203 = tpu.memref_squeeze %dma_start3A_202 : memref<1x128x32xf32, #tpu.memory_space<vmem>> -> memref<128x32xf32, #tpu.memory_space<vmem>>
      %dma_start3A_204 = arith.constant 0 : i32
      %dma_start3A_205 = tpu.memref_slice %arg8[%run_scoped3A_137, %dma_start3A_204] : memref<84x128xi32, #tpu.memory_space<vmem>> -> memref<1x128xi32, #tpu.memory_space<vmem>>
      %dma_start3A_206 = tpu.memref_squeeze %dma_start3A_205 : memref<1x128xi32, #tpu.memory_space<vmem>> -> memref<128xi32, #tpu.memory_space<vmem>>
      %dma_start3A_207 = arith.constant 0 : i32
      %dma_start3A_208 = arith.constant 0 : i32
      %dma_start3A_209 = tpu.memref_slice %arg10[%dma_start3A_207, %dma_start3A_208] : memref<10112x32xf32, #tpu.memory_space<vmem_shared>> -> memref<10112x32xf32, #tpu.memory_space<vmem_shared>>
      tpu.enqueue_indirect_dma source(%dma_start3A_203 : memref<128x32xf32, #tpu.memory_space<vmem>>) target(%dma_start3A_209 : memref<10112x32xf32, #tpu.memory_space<vmem_shared>>) offsets(%dma_start3A_206 : memref<128xi32, #tpu.memory_space<vmem>>) semaphore(%run_scoped3A_199 : memref<!tpu.dma_semaphore, #tpu.memory_space<semaphore_mem>>) {add = true}
      %dma_wait3A_210 = arith.constant 0 : i32
      %dma_wait3A_211 = arith.constant 0 : i32
      %dma_wait3A_212 = tpu.memref_slice %arg9[%run_scoped3A_136, %dma_wait3A_210, %dma_wait3A_211] : memref<6x128x32xf32, #tpu.memory_space<vmem>> -> memref<1x128x32xf32, #tpu.memory_space<vmem>>
      %dma_wait3A_213 = tpu.memref_squeeze %dma_wait3A_212 : memref<1x128x32xf32, #tpu.memory_space<vmem>> -> memref<128x32xf32, #tpu.memory_space<vmem>>
      %dma_wait3A_214 = arith.constant 0 : i32
      %dma_wait3A_215 = tpu.memref_slice %arg8[%run_scoped3A_137, %dma_wait3A_214] : memref<84x128xi32, #tpu.memory_space<vmem>> -> memref<1x128xi32, #tpu.memory_space<vmem>>
      %dma_wait3A_216 = tpu.memref_squeeze %dma_wait3A_215 : memref<1x128xi32, #tpu.memory_space<vmem>> -> memref<128xi32, #tpu.memory_space<vmem>>
      %dma_wait3A_217 = arith.constant 0 : i32
      %dma_wait3A_218 = arith.constant 0 : i32
      %dma_wait3A_219 = tpu.memref_slice %arg10[%dma_wait3A_217, %dma_wait3A_218] : memref<10112x32xf32, #tpu.memory_space<vmem_shared>> -> memref<10112x32xf32, #tpu.memory_space<vmem_shared>>
      tpu.wait_indirect_dma semaphore(%run_scoped3A_199 : memref<!tpu.dma_semaphore, #tpu.memory_space<semaphore_mem>>) src(%dma_wait3A_213 : memref<128x32xf32, #tpu.memory_space<vmem>>) dst(%dma_wait3A_219 : memref<10112x32xf32, #tpu.memory_space<vmem_shared>>)
      tpu.yield
    }) : () -> ()
    %dma_wait3A_138 = arith.constant 80 : i32
    %dma_wait3A_139 = arith.constant 2 : i32
    %dma_wait3A_140 = arith.constant 0 : i32
    %dma_wait3A_141 = arith.constant 0 : i32
    %dma_wait3A_142 = tpu.memref_slice %arg9[%dma_wait3A_139, %dma_wait3A_140, %dma_wait3A_141] : memref<6x128x32xf32, #tpu.memory_space<vmem>> -> memref<1x128x32xf32, #tpu.memory_space<vmem>>
    %dma_wait3A_143 = tpu.memref_squeeze %dma_wait3A_142 : memref<1x128x32xf32, #tpu.memory_space<vmem>> -> memref<128x32xf32, #tpu.memory_space<vmem>>
    %dma_wait3A_144 = arith.constant 0 : i32
    %dma_wait3A_145 = tpu.memref_slice %arg7[%dma_wait3A_138, %dma_wait3A_144] : memref<84x128xi32, #tpu.memory_space<vmem>> -> memref<1x128xi32, #tpu.memory_space<vmem>>
    %dma_wait3A_146 = tpu.memref_squeeze %dma_wait3A_145 : memref<1x128xi32, #tpu.memory_space<vmem>> -> memref<128xi32, #tpu.memory_space<vmem>>
    %dma_wait3A_147 = arith.constant 0 : i32
    %dma_wait3A_148 = arith.constant 0 : i32
    %dma_wait3A_149 = tpu.memref_slice %arg2[%dma_wait3A_147, %dma_wait3A_148] : memref<10112x32xf32, #tpu.memory_space<hbm>> -> memref<10112x32xf32, #tpu.memory_space<hbm>>
    tpu.wait_indirect_dma semaphore(%arg13 : memref<!tpu.dma_semaphore, #tpu.memory_space<semaphore_mem>>) src(%dma_wait3A_149 : memref<10112x32xf32, #tpu.memory_space<hbm>>) dst(%dma_wait3A_143 : memref<128x32xf32, #tpu.memory_space<vmem>>)
    %run_scoped3A_150 = arith.constant 2 : i32
    %run_scoped3A_151 = arith.constant 80 : i32
    "tpu.region"() ({
      %run_scoped3A_199 = tpu.sem_alloc : memref<!tpu.dma_semaphore, #tpu.memory_space<semaphore_mem>>
      %dma_start3A_200 = arith.constant 0 : i32
      %dma_start3A_201 = arith.constant 0 : i32
      %dma_start3A_202 = tpu.memref_slice %arg9[%run_scoped3A_150, %dma_start3A_200, %dma_start3A_201] : memref<6x128x32xf32, #tpu.memory_space<vmem>> -> memref<1x128x32xf32, #tpu.memory_space<vmem>>
      %dma_start3A_203 = tpu.memref_squeeze %dma_start3A_202 : memref<1x128x32xf32, #tpu.memory_space<vmem>> -> memref<128x32xf32, #tpu.memory_space<vmem>>
      %dma_start3A_204 = arith.constant 0 : i32
      %dma_start3A_205 = tpu.memref_slice %arg8[%run_scoped3A_151, %dma_start3A_204] : memref<84x128xi32, #tpu.memory_space<vmem>> -> memref<1x128xi32, #tpu.memory_space<vmem>>
      %dma_start3A_206 = tpu.memref_squeeze %dma_start3A_205 : memref<1x128xi32, #tpu.memory_space<vmem>> -> memref<128xi32, #tpu.memory_space<vmem>>
      %dma_start3A_207 = arith.constant 0 : i32
      %dma_start3A_208 = arith.constant 0 : i32
      %dma_start3A_209 = tpu.memref_slice %arg10[%dma_start3A_207, %dma_start3A_208] : memref<10112x32xf32, #tpu.memory_space<vmem_shared>> -> memref<10112x32xf32, #tpu.memory_space<vmem_shared>>
      tpu.enqueue_indirect_dma source(%dma_start3A_203 : memref<128x32xf32, #tpu.memory_space<vmem>>) target(%dma_start3A_209 : memref<10112x32xf32, #tpu.memory_space<vmem_shared>>) offsets(%dma_start3A_206 : memref<128xi32, #tpu.memory_space<vmem>>) semaphore(%run_scoped3A_199 : memref<!tpu.dma_semaphore, #tpu.memory_space<semaphore_mem>>) {add = true}
      %dma_wait3A_210 = arith.constant 0 : i32
      %dma_wait3A_211 = arith.constant 0 : i32
      %dma_wait3A_212 = tpu.memref_slice %arg9[%run_scoped3A_150, %dma_wait3A_210, %dma_wait3A_211] : memref<6x128x32xf32, #tpu.memory_space<vmem>> -> memref<1x128x32xf32, #tpu.memory_space<vmem>>
      %dma_wait3A_213 = tpu.memref_squeeze %dma_wait3A_212 : memref<1x128x32xf32, #tpu.memory_space<vmem>> -> memref<128x32xf32, #tpu.memory_space<vmem>>
      %dma_wait3A_214 = arith.constant 0 : i32
      %dma_wait3A_215 = tpu.memref_slice %arg8[%run_scoped3A_151, %dma_wait3A_214] : memref<84x128xi32, #tpu.memory_space<vmem>> -> memref<1x128xi32, #tpu.memory_space<vmem>>
      %dma_wait3A_216 = tpu.memref_squeeze %dma_wait3A_215 : memref<1x128xi32, #tpu.memory_space<vmem>> -> memref<128xi32, #tpu.memory_space<vmem>>
      %dma_wait3A_217 = arith.constant 0 : i32
      %dma_wait3A_218 = arith.constant 0 : i32
      %dma_wait3A_219 = tpu.memref_slice %arg10[%dma_wait3A_217, %dma_wait3A_218] : memref<10112x32xf32, #tpu.memory_space<vmem_shared>> -> memref<10112x32xf32, #tpu.memory_space<vmem_shared>>
      tpu.wait_indirect_dma semaphore(%run_scoped3A_199 : memref<!tpu.dma_semaphore, #tpu.memory_space<semaphore_mem>>) src(%dma_wait3A_213 : memref<128x32xf32, #tpu.memory_space<vmem>>) dst(%dma_wait3A_219 : memref<10112x32xf32, #tpu.memory_space<vmem_shared>>)
      tpu.yield
    }) : () -> ()
    %dma_wait3A_152 = arith.constant 81 : i32
    %dma_wait3A_153 = arith.constant 3 : i32
    %dma_wait3A_154 = arith.constant 0 : i32
    %dma_wait3A_155 = arith.constant 0 : i32
    %dma_wait3A_156 = tpu.memref_slice %arg9[%dma_wait3A_153, %dma_wait3A_154, %dma_wait3A_155] : memref<6x128x32xf32, #tpu.memory_space<vmem>> -> memref<1x128x32xf32, #tpu.memory_space<vmem>>
    %dma_wait3A_157 = tpu.memref_squeeze %dma_wait3A_156 : memref<1x128x32xf32, #tpu.memory_space<vmem>> -> memref<128x32xf32, #tpu.memory_space<vmem>>
    %dma_wait3A_158 = arith.constant 0 : i32
    %dma_wait3A_159 = tpu.memref_slice %arg7[%dma_wait3A_152, %dma_wait3A_158] : memref<84x128xi32, #tpu.memory_space<vmem>> -> memref<1x128xi32, #tpu.memory_space<vmem>>
    %dma_wait3A_160 = tpu.memref_squeeze %dma_wait3A_159 : memref<1x128xi32, #tpu.memory_space<vmem>> -> memref<128xi32, #tpu.memory_space<vmem>>
    %dma_wait3A_161 = arith.constant 0 : i32
    %dma_wait3A_162 = arith.constant 0 : i32
    %dma_wait3A_163 = tpu.memref_slice %arg2[%dma_wait3A_161, %dma_wait3A_162] : memref<10112x32xf32, #tpu.memory_space<hbm>> -> memref<10112x32xf32, #tpu.memory_space<hbm>>
    tpu.wait_indirect_dma semaphore(%arg14 : memref<!tpu.dma_semaphore, #tpu.memory_space<semaphore_mem>>) src(%dma_wait3A_163 : memref<10112x32xf32, #tpu.memory_space<hbm>>) dst(%dma_wait3A_157 : memref<128x32xf32, #tpu.memory_space<vmem>>)
    %run_scoped3A_164 = arith.constant 3 : i32
    %run_scoped3A_165 = arith.constant 81 : i32
    "tpu.region"() ({
      %run_scoped3A_199 = tpu.sem_alloc : memref<!tpu.dma_semaphore, #tpu.memory_space<semaphore_mem>>
      %dma_start3A_200 = arith.constant 0 : i32
      %dma_start3A_201 = arith.constant 0 : i32
      %dma_start3A_202 = tpu.memref_slice %arg9[%run_scoped3A_164, %dma_start3A_200, %dma_start3A_201] : memref<6x128x32xf32, #tpu.memory_space<vmem>> -> memref<1x128x32xf32, #tpu.memory_space<vmem>>
      %dma_start3A_203 = tpu.memref_squeeze %dma_start3A_202 : memref<1x128x32xf32, #tpu.memory_space<vmem>> -> memref<128x32xf32, #tpu.memory_space<vmem>>
      %dma_start3A_204 = arith.constant 0 : i32
      %dma_start3A_205 = tpu.memref_slice %arg8[%run_scoped3A_165, %dma_start3A_204] : memref<84x128xi32, #tpu.memory_space<vmem>> -> memref<1x128xi32, #tpu.memory_space<vmem>>
      %dma_start3A_206 = tpu.memref_squeeze %dma_start3A_205 : memref<1x128xi32, #tpu.memory_space<vmem>> -> memref<128xi32, #tpu.memory_space<vmem>>
      %dma_start3A_207 = arith.constant 0 : i32
      %dma_start3A_208 = arith.constant 0 : i32
      %dma_start3A_209 = tpu.memref_slice %arg10[%dma_start3A_207, %dma_start3A_208] : memref<10112x32xf32, #tpu.memory_space<vmem_shared>> -> memref<10112x32xf32, #tpu.memory_space<vmem_shared>>
      tpu.enqueue_indirect_dma source(%dma_start3A_203 : memref<128x32xf32, #tpu.memory_space<vmem>>) target(%dma_start3A_209 : memref<10112x32xf32, #tpu.memory_space<vmem_shared>>) offsets(%dma_start3A_206 : memref<128xi32, #tpu.memory_space<vmem>>) semaphore(%run_scoped3A_199 : memref<!tpu.dma_semaphore, #tpu.memory_space<semaphore_mem>>) {add = true}
      %dma_wait3A_210 = arith.constant 0 : i32
      %dma_wait3A_211 = arith.constant 0 : i32
      %dma_wait3A_212 = tpu.memref_slice %arg9[%run_scoped3A_164, %dma_wait3A_210, %dma_wait3A_211] : memref<6x128x32xf32, #tpu.memory_space<vmem>> -> memref<1x128x32xf32, #tpu.memory_space<vmem>>
      %dma_wait3A_213 = tpu.memref_squeeze %dma_wait3A_212 : memref<1x128x32xf32, #tpu.memory_space<vmem>> -> memref<128x32xf32, #tpu.memory_space<vmem>>
      %dma_wait3A_214 = arith.constant 0 : i32
      %dma_wait3A_215 = tpu.memref_slice %arg8[%run_scoped3A_165, %dma_wait3A_214] : memref<84x128xi32, #tpu.memory_space<vmem>> -> memref<1x128xi32, #tpu.memory_space<vmem>>
      %dma_wait3A_216 = tpu.memref_squeeze %dma_wait3A_215 : memref<1x128xi32, #tpu.memory_space<vmem>> -> memref<128xi32, #tpu.memory_space<vmem>>
      %dma_wait3A_217 = arith.constant 0 : i32
      %dma_wait3A_218 = arith.constant 0 : i32
      %dma_wait3A_219 = tpu.memref_slice %arg10[%dma_wait3A_217, %dma_wait3A_218] : memref<10112x32xf32, #tpu.memory_space<vmem_shared>> -> memref<10112x32xf32, #tpu.memory_space<vmem_shared>>
      tpu.wait_indirect_dma semaphore(%run_scoped3A_199 : memref<!tpu.dma_semaphore, #tpu.memory_space<semaphore_mem>>) src(%dma_wait3A_213 : memref<128x32xf32, #tpu.memory_space<vmem>>) dst(%dma_wait3A_219 : memref<10112x32xf32, #tpu.memory_space<vmem_shared>>)
      tpu.yield
    }) : () -> ()
    %dma_wait3A_166 = arith.constant 82 : i32
    %dma_wait3A_167 = arith.constant 4 : i32
    %dma_wait3A_168 = arith.constant 0 : i32
    %dma_wait3A_169 = arith.constant 0 : i32
    %dma_wait3A_170 = tpu.memref_slice %arg9[%dma_wait3A_167, %dma_wait3A_168, %dma_wait3A_169] : memref<6x128x32xf32, #tpu.memory_space<vmem>> -> memref<1x128x32xf32, #tpu.memory_space<vmem>>
    %dma_wait3A_171 = tpu.memref_squeeze %dma_wait3A_170 : memref<1x128x32xf32, #tpu.memory_space<vmem>> -> memref<128x32xf32, #tpu.memory_space<vmem>>
    %dma_wait3A_172 = arith.constant 0 : i32
    %dma_wait3A_173 = tpu.memref_slice %arg7[%dma_wait3A_166, %dma_wait3A_172] : memref<84x128xi32, #tpu.memory_space<vmem>> -> memref<1x128xi32, #tpu.memory_space<vmem>>
    %dma_wait3A_174 = tpu.memref_squeeze %dma_wait3A_173 : memref<1x128xi32, #tpu.memory_space<vmem>> -> memref<128xi32, #tpu.memory_space<vmem>>
    %dma_wait3A_175 = arith.constant 0 : i32
    %dma_wait3A_176 = arith.constant 0 : i32
    %dma_wait3A_177 = tpu.memref_slice %arg2[%dma_wait3A_175, %dma_wait3A_176] : memref<10112x32xf32, #tpu.memory_space<hbm>> -> memref<10112x32xf32, #tpu.memory_space<hbm>>
    tpu.wait_indirect_dma semaphore(%arg15 : memref<!tpu.dma_semaphore, #tpu.memory_space<semaphore_mem>>) src(%dma_wait3A_177 : memref<10112x32xf32, #tpu.memory_space<hbm>>) dst(%dma_wait3A_171 : memref<128x32xf32, #tpu.memory_space<vmem>>)
    %run_scoped3A_178 = arith.constant 4 : i32
    %run_scoped3A_179 = arith.constant 82 : i32
    "tpu.region"() ({
      %run_scoped3A_199 = tpu.sem_alloc : memref<!tpu.dma_semaphore, #tpu.memory_space<semaphore_mem>>
      %dma_start3A_200 = arith.constant 0 : i32
      %dma_start3A_201 = arith.constant 0 : i32
      %dma_start3A_202 = tpu.memref_slice %arg9[%run_scoped3A_178, %dma_start3A_200, %dma_start3A_201] : memref<6x128x32xf32, #tpu.memory_space<vmem>> -> memref<1x128x32xf32, #tpu.memory_space<vmem>>
      %dma_start3A_203 = tpu.memref_squeeze %dma_start3A_202 : memref<1x128x32xf32, #tpu.memory_space<vmem>> -> memref<128x32xf32, #tpu.memory_space<vmem>>
      %dma_start3A_204 = arith.constant 0 : i32
      %dma_start3A_205 = tpu.memref_slice %arg8[%run_scoped3A_179, %dma_start3A_204] : memref<84x128xi32, #tpu.memory_space<vmem>> -> memref<1x128xi32, #tpu.memory_space<vmem>>
      %dma_start3A_206 = tpu.memref_squeeze %dma_start3A_205 : memref<1x128xi32, #tpu.memory_space<vmem>> -> memref<128xi32, #tpu.memory_space<vmem>>
      %dma_start3A_207 = arith.constant 0 : i32
      %dma_start3A_208 = arith.constant 0 : i32
      %dma_start3A_209 = tpu.memref_slice %arg10[%dma_start3A_207, %dma_start3A_208] : memref<10112x32xf32, #tpu.memory_space<vmem_shared>> -> memref<10112x32xf32, #tpu.memory_space<vmem_shared>>
      tpu.enqueue_indirect_dma source(%dma_start3A_203 : memref<128x32xf32, #tpu.memory_space<vmem>>) target(%dma_start3A_209 : memref<10112x32xf32, #tpu.memory_space<vmem_shared>>) offsets(%dma_start3A_206 : memref<128xi32, #tpu.memory_space<vmem>>) semaphore(%run_scoped3A_199 : memref<!tpu.dma_semaphore, #tpu.memory_space<semaphore_mem>>) {add = true}
      %dma_wait3A_210 = arith.constant 0 : i32
      %dma_wait3A_211 = arith.constant 0 : i32
      %dma_wait3A_212 = tpu.memref_slice %arg9[%run_scoped3A_178, %dma_wait3A_210, %dma_wait3A_211] : memref<6x128x32xf32, #tpu.memory_space<vmem>> -> memref<1x128x32xf32, #tpu.memory_space<vmem>>
      %dma_wait3A_213 = tpu.memref_squeeze %dma_wait3A_212 : memref<1x128x32xf32, #tpu.memory_space<vmem>> -> memref<128x32xf32, #tpu.memory_space<vmem>>
      %dma_wait3A_214 = arith.constant 0 : i32
      %dma_wait3A_215 = tpu.memref_slice %arg8[%run_scoped3A_179, %dma_wait3A_214] : memref<84x128xi32, #tpu.memory_space<vmem>> -> memref<1x128xi32, #tpu.memory_space<vmem>>
      %dma_wait3A_216 = tpu.memref_squeeze %dma_wait3A_215 : memref<1x128xi32, #tpu.memory_space<vmem>> -> memref<128xi32, #tpu.memory_space<vmem>>
      %dma_wait3A_217 = arith.constant 0 : i32
      %dma_wait3A_218 = arith.constant 0 : i32
      %dma_wait3A_219 = tpu.memref_slice %arg10[%dma_wait3A_217, %dma_wait3A_218] : memref<10112x32xf32, #tpu.memory_space<vmem_shared>> -> memref<10112x32xf32, #tpu.memory_space<vmem_shared>>
      tpu.wait_indirect_dma semaphore(%run_scoped3A_199 : memref<!tpu.dma_semaphore, #tpu.memory_space<semaphore_mem>>) src(%dma_wait3A_213 : memref<128x32xf32, #tpu.memory_space<vmem>>) dst(%dma_wait3A_219 : memref<10112x32xf32, #tpu.memory_space<vmem_shared>>)
      tpu.yield
    }) : () -> ()
    %dma_wait3A_180 = arith.constant 83 : i32
    %dma_wait3A_181 = arith.constant 5 : i32
    %dma_wait3A_182 = arith.constant 0 : i32
    %dma_wait3A_183 = arith.constant 0 : i32
    %dma_wait3A_184 = tpu.memref_slice %arg9[%dma_wait3A_181, %dma_wait3A_182, %dma_wait3A_183] : memref<6x128x32xf32, #tpu.memory_space<vmem>> -> memref<1x128x32xf32, #tpu.memory_space<vmem>>
    %dma_wait3A_185 = tpu.memref_squeeze %dma_wait3A_184 : memref<1x128x32xf32, #tpu.memory_space<vmem>> -> memref<128x32xf32, #tpu.memory_space<vmem>>
    %dma_wait3A_186 = arith.constant 0 : i32
    %dma_wait3A_187 = tpu.memref_slice %arg7[%dma_wait3A_180, %dma_wait3A_186] : memref<84x128xi32, #tpu.memory_space<vmem>> -> memref<1x128xi32, #tpu.memory_space<vmem>>
    %dma_wait3A_188 = tpu.memref_squeeze %dma_wait3A_187 : memref<1x128xi32, #tpu.memory_space<vmem>> -> memref<128xi32, #tpu.memory_space<vmem>>
    %dma_wait3A_189 = arith.constant 0 : i32
    %dma_wait3A_190 = arith.constant 0 : i32
    %dma_wait3A_191 = tpu.memref_slice %arg2[%dma_wait3A_189, %dma_wait3A_190] : memref<10112x32xf32, #tpu.memory_space<hbm>> -> memref<10112x32xf32, #tpu.memory_space<hbm>>
    tpu.wait_indirect_dma semaphore(%arg16 : memref<!tpu.dma_semaphore, #tpu.memory_space<semaphore_mem>>) src(%dma_wait3A_191 : memref<10112x32xf32, #tpu.memory_space<hbm>>) dst(%dma_wait3A_185 : memref<128x32xf32, #tpu.memory_space<vmem>>)
    %run_scoped3A_192 = arith.constant 5 : i32
    %run_scoped3A_193 = arith.constant 83 : i32
    "tpu.region"() ({
      %run_scoped3A_199 = tpu.sem_alloc : memref<!tpu.dma_semaphore, #tpu.memory_space<semaphore_mem>>
      %dma_start3A_200 = arith.constant 0 : i32
      %dma_start3A_201 = arith.constant 0 : i32
      %dma_start3A_202 = tpu.memref_slice %arg9[%run_scoped3A_192, %dma_start3A_200, %dma_start3A_201] : memref<6x128x32xf32, #tpu.memory_space<vmem>> -> memref<1x128x32xf32, #tpu.memory_space<vmem>>
      %dma_start3A_203 = tpu.memref_squeeze %dma_start3A_202 : memref<1x128x32xf32, #tpu.memory_space<vmem>> -> memref<128x32xf32, #tpu.memory_space<vmem>>
      %dma_start3A_204 = arith.constant 0 : i32
      %dma_start3A_205 = tpu.memref_slice %arg8[%run_scoped3A_193, %dma_start3A_204] : memref<84x128xi32, #tpu.memory_space<vmem>> -> memref<1x128xi32, #tpu.memory_space<vmem>>
      %dma_start3A_206 = tpu.memref_squeeze %dma_start3A_205 : memref<1x128xi32, #tpu.memory_space<vmem>> -> memref<128xi32, #tpu.memory_space<vmem>>
      %dma_start3A_207 = arith.constant 0 : i32
      %dma_start3A_208 = arith.constant 0 : i32
      %dma_start3A_209 = tpu.memref_slice %arg10[%dma_start3A_207, %dma_start3A_208] : memref<10112x32xf32, #tpu.memory_space<vmem_shared>> -> memref<10112x32xf32, #tpu.memory_space<vmem_shared>>
      tpu.enqueue_indirect_dma source(%dma_start3A_203 : memref<128x32xf32, #tpu.memory_space<vmem>>) target(%dma_start3A_209 : memref<10112x32xf32, #tpu.memory_space<vmem_shared>>) offsets(%dma_start3A_206 : memref<128xi32, #tpu.memory_space<vmem>>) semaphore(%run_scoped3A_199 : memref<!tpu.dma_semaphore, #tpu.memory_space<semaphore_mem>>) {add = true}
      %dma_wait3A_210 = arith.constant 0 : i32
      %dma_wait3A_211 = arith.constant 0 : i32
      %dma_wait3A_212 = tpu.memref_slice %arg9[%run_scoped3A_192, %dma_wait3A_210, %dma_wait3A_211] : memref<6x128x32xf32, #tpu.memory_space<vmem>> -> memref<1x128x32xf32, #tpu.memory_space<vmem>>
      %dma_wait3A_213 = tpu.memref_squeeze %dma_wait3A_212 : memref<1x128x32xf32, #tpu.memory_space<vmem>> -> memref<128x32xf32, #tpu.memory_space<vmem>>
      %dma_wait3A_214 = arith.constant 0 : i32
      %dma_wait3A_215 = tpu.memref_slice %arg8[%run_scoped3A_193, %dma_wait3A_214] : memref<84x128xi32, #tpu.memory_space<vmem>> -> memref<1x128xi32, #tpu.memory_space<vmem>>
      %dma_wait3A_216 = tpu.memref_squeeze %dma_wait3A_215 : memref<1x128xi32, #tpu.memory_space<vmem>> -> memref<128xi32, #tpu.memory_space<vmem>>
      %dma_wait3A_217 = arith.constant 0 : i32
      %dma_wait3A_218 = arith.constant 0 : i32
      %dma_wait3A_219 = tpu.memref_slice %arg10[%dma_wait3A_217, %dma_wait3A_218] : memref<10112x32xf32, #tpu.memory_space<vmem_shared>> -> memref<10112x32xf32, #tpu.memory_space<vmem_shared>>
      tpu.wait_indirect_dma semaphore(%run_scoped3A_199 : memref<!tpu.dma_semaphore, #tpu.memory_space<semaphore_mem>>) src(%dma_wait3A_213 : memref<128x32xf32, #tpu.memory_space<vmem>>) dst(%dma_wait3A_219 : memref<10112x32xf32, #tpu.memory_space<vmem_shared>>)
      tpu.yield
    }) : () -> ()
    %barrier3A_194 = arith.constant 0 : index
    tpu.barrier barrier_id(%barrier3A_194)
    %mul3A_195 = arith.constant 632 : i32
    %mul3A_196 = arith.muli %arg1, %mul3A_195 : i32
    %mul3A_197 = arith.constant 632 : i32
    %mul3A_198 = arith.muli %arg1, %mul3A_197 : i32
    "tpu.region"() ({
      %run_scoped3A_199 = tpu.sem_alloc : memref<!tpu.dma_semaphore, #tpu.memory_space<semaphore_mem>>
      %dma_start3A_200 = arith.constant 0 : i32
      %dma_start3A_201 = arith.constant 0 : i32
      %dma_start3A_202 = tpu.memref_slice %arg6[%arg0, %dma_start3A_200, %dma_start3A_201] : memref<2x10112x32xf32, #tpu.memory_space<hbm>> -> memref<1x10112x32xf32, #tpu.memory_space<hbm>>
      %dma_start3A_203 = tpu.memref_squeeze %dma_start3A_202 : memref<1x10112x32xf32, #tpu.memory_space<hbm>> -> memref<10112x32xf32, #tpu.memory_space<hbm>>
      %dma_start3A_204 = arith.constant 0 : i32
      %dma_start3A_205 = tpu.memref_slice %dma_start3A_203[%mul3A_198, %dma_start3A_204] : memref<10112x32xf32, #tpu.memory_space<hbm>> -> memref<632x32xf32, #tpu.memory_space<hbm>>
      %dma_start3A_206 = arith.constant 0 : i32
      %dma_start3A_207 = tpu.memref_slice %arg10[%mul3A_196, %dma_start3A_206] : memref<10112x32xf32, #tpu.memory_space<vmem_shared>> -> memref<632x32xf32, #tpu.memory_space<vmem_shared>>
      tpu.enqueue_dma source(%dma_start3A_207 : memref<632x32xf32, #tpu.memory_space<vmem_shared>>) target(%dma_start3A_205 : memref<632x32xf32, #tpu.memory_space<hbm>>) target_semaphore(%run_scoped3A_199 : memref<!tpu.dma_semaphore, #tpu.memory_space<semaphore_mem>>)
      %dma_wait3A_208 = arith.constant 0 : i32
      %dma_wait3A_209 = arith.constant 0 : i32
      %dma_wait3A_210 = tpu.memref_slice %arg6[%arg0, %dma_wait3A_208, %dma_wait3A_209] : memref<2x10112x32xf32, #tpu.memory_space<hbm>> -> memref<1x10112x32xf32, #tpu.memory_space<hbm>>
      %dma_wait3A_211 = tpu.memref_squeeze %dma_wait3A_210 : memref<1x10112x32xf32, #tpu.memory_space<hbm>> -> memref<10112x32xf32, #tpu.memory_space<hbm>>
      %dma_wait3A_212 = arith.constant 0 : i32
      %dma_wait3A_213 = tpu.memref_slice %dma_wait3A_211[%mul3A_198, %dma_wait3A_212] : memref<10112x32xf32, #tpu.memory_space<hbm>> -> memref<632x32xf32, #tpu.memory_space<hbm>>
      %dma_wait3A_214 = arith.constant 0 : i32
      %dma_wait3A_215 = tpu.memref_slice %arg10[%mul3A_196, %dma_wait3A_214] : memref<10112x32xf32, #tpu.memory_space<vmem_shared>> -> memref<632x32xf32, #tpu.memory_space<vmem_shared>>
      tpu.wait_dma2 semaphore(%run_scoped3A_199 : memref<!tpu.dma_semaphore, #tpu.memory_space<semaphore_mem>>) src(%dma_wait3A_215 : memref<632x32xf32, #tpu.memory_space<vmem_shared>>) dst(%dma_wait3A_213 : memref<632x32xf32, #tpu.memory_space<hbm>>)
      tpu.yield
    }) : () -> ()
    return
  }
}

module attributes {stable_mosaic.version = 14 : i64} {
  func.func @body(%arg0: memref<10000x128xf32, #tpu.memory_space<vmem>>, %arg1: memref<10000x1xf32, #tpu.memory_space<vmem>>, %arg2: memref<2x10112x64xf32, #tpu.memory_space<vmem>>) attributes {dimension_semantics = [], scalar_prefetch = 0 : i64, scratch_operands = 0 : i64, tpu.core_type = #tpu.core_type<tc>} {
    %get3A = arith.constant 0 : index
    %get3A_0 = arith.constant 0 : index
    %get3A_1 = vector.load %arg1[%get3A, %get3A_0] : memref<10000x1xf32, #tpu.memory_space<vmem>>, vector<10000x1xf32>
    %get3A_2 = arith.constant 0 : index
    %get3A_3 = arith.constant 0 : index
    %get3A_4 = vector.load %arg0[%get3A_2, %get3A_3] : memref<10000x128xf32, #tpu.memory_space<vmem>>, vector<10000x128xf32>
    %mul3A = vector.broadcast %get3A_1 : vector<10000x1xf32> to vector<10000x128xf32>
    %mul3A_5 = arith.mulf %mul3A, %get3A_4 : vector<10000x128xf32>
    %slice3A = vector.extract_strided_slice %mul3A_5 {offsets = [0, 0], sizes = [10000, 64], strides = [1, 1]} : vector<10000x128xf32> to vector<10000x64xf32>
    %swap3A = arith.constant 0 : index
    %swap3A_6 = arith.constant 0 : index
    %swap3A_7 = arith.constant 0 : index
    %swap3A_8 = vector.load %arg2[%swap3A, %swap3A_6, %swap3A_7] : memref<2x10112x64xf32, #tpu.memory_space<vmem>>, vector<1x10000x64xf32>
    %swap3A_9 = vector.shape_cast %swap3A_8 : vector<1x10000x64xf32> to vector<10000x64xf32>
    %swap3A_10 = vector.shape_cast %slice3A : vector<10000x64xf32> to vector<1x10000x64xf32>
    tpu.vector_store %arg2[%swap3A, %swap3A_6, %swap3A_7], %swap3A_10 {strides = array<i32>} : memref<2x10112x64xf32, #tpu.memory_space<vmem>>, vector<1x10000x64xf32>,
    %slice3A_11 = vector.extract_strided_slice %mul3A_5 {offsets = [0, 64], sizes = [10000, 64], strides = [1, 1]} : vector<10000x128xf32> to vector<10000x64xf32>
    %swap3A_12 = arith.constant 1 : index
    %swap3A_13 = arith.constant 0 : index
    %swap3A_14 = arith.constant 0 : index
    %swap3A_15 = vector.load %arg2[%swap3A_12, %swap3A_13, %swap3A_14] : memref<2x10112x64xf32, #tpu.memory_space<vmem>>, vector<1x10000x64xf32>
    %swap3A_16 = vector.shape_cast %swap3A_15 : vector<1x10000x64xf32> to vector<10000x64xf32>
    %swap3A_17 = vector.shape_cast %slice3A_11 : vector<10000x64xf32> to vector<1x10000x64xf32>
    tpu.vector_store %arg2[%swap3A_12, %swap3A_13, %swap3A_14], %swap3A_17 {strides = array<i32>} : memref<2x10112x64xf32, #tpu.memory_space<vmem>>, vector<1x10000x64xf32>,
    return
  }
}

module attributes {stable_mosaic.version = 14 : i64} {
  func.func @body(%arg0: memref<2x10112x64xf32, #tpu.memory_space<vmem>>, %arg1: memref<10000x128xf32, #tpu.memory_space<vmem>>, %arg2: memref<128x32xf32, #tpu.memory_space<vmem>>, %arg3: memref<1x32xf32, #tpu.memory_space<vmem>>, %arg4: memref<10000x1xf32, #tpu.memory_space<vmem>>, %arg5: memref<10112x32xf32, #tpu.memory_space<vmem>>, %arg6: memref<10112x32xf32, #tpu.memory_space<vmem>>) attributes {dimension_semantics = [], scalar_prefetch = 0 : i64, scratch_operands = 0 : i64, tpu.core_type = #tpu.core_type<tc>} {
    %get3A = arith.constant 0 : index
    %get3A_0 = arith.constant 0 : index
    %get3A_1 = vector.load %arg1[%get3A, %get3A_0] : memref<10000x128xf32, #tpu.memory_space<vmem>>, vector<10000x128xf32>
    %get3A_2 = arith.constant 0 : index
    %get3A_3 = arith.constant 0 : index
    %get3A_4 = arith.constant 0 : index
    %get3A_5 = vector.load %arg0[%get3A_2, %get3A_3, %get3A_4] : memref<2x10112x64xf32, #tpu.memory_space<vmem>>, vector<1x10000x64xf32>
    %get3A_6 = vector.shape_cast %get3A_5 : vector<1x10000x64xf32> to vector<10000x64xf32>
    %get3A_7 = arith.constant 1 : index
    %get3A_8 = arith.constant 0 : index
    %get3A_9 = arith.constant 0 : index
    %get3A_10 = vector.load %arg0[%get3A_7, %get3A_8, %get3A_9] : memref<2x10112x64xf32, #tpu.memory_space<vmem>>, vector<1x10000x64xf32>
    %get3A_11 = vector.shape_cast %get3A_10 : vector<1x10000x64xf32> to vector<10000x64xf32>
    %concatenate3A = tpu.concatenate %get3A_6, %get3A_11 in 1 : vector<10000x64xf32>, vector<10000x64xf32> -> vector<10000x128xf32>
    %add3A = arith.addf %concatenate3A, %get3A_1 : vector<10000x128xf32>
    %get3A_12 = arith.constant 0 : index
    %get3A_13 = arith.constant 0 : index
    %get3A_14 = vector.load %arg2[%get3A_12, %get3A_13] : memref<128x32xf32, #tpu.memory_space<vmem>>, vector<128x32xf32>
    %dot_general3A = arith.constant dense<0.000000e+00> : vector<10000x32xf32>
    %dot_general3A_15 = tpu.matmul %add3A, %get3A_14, %dot_general3A {dimension_numbers = #tpu.dot_dimension_numbers<[1], [0], [0], [1], [0, 0, 1, 1], [], []>, transpose_lhs_hint = false} : vector<10000x128xf32>, vector<128x32xf32>, vector<10000x32xf32> -> vector<10000x32xf32>
    %get3A_16 = arith.constant 0 : index
    %get3A_17 = arith.constant 0 : index
    %get3A_18 = vector.load %arg3[%get3A_16, %get3A_17] : memref<1x32xf32, #tpu.memory_space<vmem>>, vector<1x32xf32>
    %add3A_19 = vector.broadcast %get3A_18 : vector<1x32xf32> to vector<10000x32xf32>
    %add3A_20 = arith.addf %dot_general3A_15, %add3A_19 : vector<10000x32xf32>
    %max3A = arith.constant 0.000000e+00 : f32
    %max3A_21 = vector.broadcast %max3A : f32 to vector<10000x32xf32>
    %max3A_22 = arith.maximumf %add3A_20, %max3A_21 : vector<10000x32xf32>
    %swap3A = arith.constant 0 : index
    %swap3A_23 = arith.constant 0 : index
    %swap3A_24 = vector.load %arg5[%swap3A, %swap3A_23] : memref<10112x32xf32, #tpu.memory_space<vmem>>, vector<10000x32xf32>
    tpu.vector_store %arg5[%swap3A, %swap3A_23], %max3A_22 {strides = array<i32>} : memref<10112x32xf32, #tpu.memory_space<vmem>>, vector<10000x32xf32>,
    %get3A_25 = arith.constant 0 : index
    %get3A_26 = arith.constant 0 : index
    %get3A_27 = vector.load %arg4[%get3A_25, %get3A_26] : memref<10000x1xf32, #tpu.memory_space<vmem>>, vector<10000x1xf32>
    %mul3A = vector.broadcast %get3A_27 : vector<10000x1xf32> to vector<10000x32xf32>
    %mul3A_28 = arith.mulf %mul3A, %max3A_22 : vector<10000x32xf32>
    %swap3A_29 = arith.constant 0 : index
    %swap3A_30 = arith.constant 0 : index
    %swap3A_31 = vector.load %arg6[%swap3A_29, %swap3A_30] : memref<10112x32xf32, #tpu.memory_space<vmem>>, vector<10000x32xf32>
    tpu.vector_store %arg6[%swap3A_29, %swap3A_30], %mul3A_28 {strides = array<i32>} : memref<10112x32xf32, #tpu.memory_space<vmem>>, vector<10000x32xf32>,
    return
  }
}

module attributes {stable_mosaic.version = 14 : i64} {
  func.func @body(%arg0: memref<2x10112x32xf32, #tpu.memory_space<vmem>>, %arg1: memref<10112x32xf32, #tpu.memory_space<vmem>>, %arg2: memref<32x16xf32, #tpu.memory_space<vmem>>, %arg3: memref<1x16xf32, #tpu.memory_space<vmem>>, %arg4: memref<10000x1xf32, #tpu.memory_space<vmem>>, %arg5: memref<10112x16xf32, #tpu.memory_space<vmem>>, %arg6: memref<10112x16xf32, #tpu.memory_space<vmem>>) attributes {dimension_semantics = [], scalar_prefetch = 0 : i64, scratch_operands = 0 : i64, tpu.core_type = #tpu.core_type<tc>} {
    %get3A = arith.constant 0 : index
    %get3A_0 = arith.constant 0 : index
    %get3A_1 = vector.load %arg1[%get3A, %get3A_0] : memref<10112x32xf32, #tpu.memory_space<vmem>>, vector<10000x32xf32>
    %get3A_2 = arith.constant 0 : index
    %get3A_3 = arith.constant 0 : index
    %get3A_4 = arith.constant 0 : index
    %get3A_5 = vector.load %arg0[%get3A_2, %get3A_3, %get3A_4] : memref<2x10112x32xf32, #tpu.memory_space<vmem>>, vector<1x10000x32xf32>
    %get3A_6 = vector.shape_cast %get3A_5 : vector<1x10000x32xf32> to vector<10000x32xf32>
    %get3A_7 = arith.constant 1 : index
    %get3A_8 = arith.constant 0 : index
    %get3A_9 = arith.constant 0 : index
    %get3A_10 = vector.load %arg0[%get3A_7, %get3A_8, %get3A_9] : memref<2x10112x32xf32, #tpu.memory_space<vmem>>, vector<1x10000x32xf32>
    %get3A_11 = vector.shape_cast %get3A_10 : vector<1x10000x32xf32> to vector<10000x32xf32>
    %add3A = arith.addf %get3A_6, %get3A_11 : vector<10000x32xf32>
    %add3A_12 = arith.addf %add3A, %get3A_1 : vector<10000x32xf32>
    %get3A_13 = arith.constant 0 : index
    %get3A_14 = arith.constant 0 : index
    %get3A_15 = vector.load %arg2[%get3A_13, %get3A_14] : memref<32x16xf32, #tpu.memory_space<vmem>>, vector<32x16xf32>
    %dot_general3A = arith.constant dense<0.000000e+00> : vector<10000x16xf32>
    %dot_general3A_16 = tpu.matmul %add3A_12, %get3A_15, %dot_general3A {dimension_numbers = #tpu.dot_dimension_numbers<[1], [0], [0], [1], [0, 0, 1, 1], [], []>, transpose_lhs_hint = false} : vector<10000x32xf32>, vector<32x16xf32>, vector<10000x16xf32> -> vector<10000x16xf32>
    %get3A_17 = arith.constant 0 : index
    %get3A_18 = arith.constant 0 : index
    %get3A_19 = vector.load %arg3[%get3A_17, %get3A_18] : memref<1x16xf32, #tpu.memory_space<vmem>>, vector<1x16xf32>
    %add3A_20 = vector.broadcast %get3A_19 : vector<1x16xf32> to vector<10000x16xf32>
    %add3A_21 = arith.addf %dot_general3A_16, %add3A_20 : vector<10000x16xf32>
    %max3A = arith.constant 0.000000e+00 : f32
    %max3A_22 = vector.broadcast %max3A : f32 to vector<10000x16xf32>
    %max3A_23 = arith.maximumf %add3A_21, %max3A_22 : vector<10000x16xf32>
    %swap3A = arith.constant 0 : index
    %swap3A_24 = arith.constant 0 : index
    %swap3A_25 = vector.load %arg5[%swap3A, %swap3A_24] : memref<10112x16xf32, #tpu.memory_space<vmem>>, vector<10000x16xf32>
    tpu.vector_store %arg5[%swap3A, %swap3A_24], %max3A_23 {strides = array<i32>} : memref<10112x16xf32, #tpu.memory_space<vmem>>, vector<10000x16xf32>,
    %get3A_26 = arith.constant 0 : index
    %get3A_27 = arith.constant 0 : index
    %get3A_28 = vector.load %arg4[%get3A_26, %get3A_27] : memref<10000x1xf32, #tpu.memory_space<vmem>>, vector<10000x1xf32>
    %mul3A = vector.broadcast %get3A_28 : vector<10000x1xf32> to vector<10000x16xf32>
    %mul3A_29 = arith.mulf %mul3A, %max3A_23 : vector<10000x16xf32>
    %swap3A_30 = arith.constant 0 : index
    %swap3A_31 = arith.constant 0 : index
    %swap3A_32 = vector.load %arg6[%swap3A_30, %swap3A_31] : memref<10112x16xf32, #tpu.memory_space<vmem>>, vector<10000x16xf32>
    tpu.vector_store %arg6[%swap3A_30, %swap3A_31], %mul3A_29 {strides = array<i32>} : memref<10112x16xf32, #tpu.memory_space<vmem>>, vector<10000x16xf32>,
    return
  }
}

module attributes {stable_mosaic.version = 14 : i64} {
  func.func @body(%arg0: memref<2x10112x16xf32, #tpu.memory_space<vmem>>, %arg1: memref<10112x16xf32, #tpu.memory_space<vmem>>, %arg2: memref<16x8xf32, #tpu.memory_space<vmem>>, %arg3: memref<1x8xf32, #tpu.memory_space<vmem>>, %arg4: memref<10000x8xf32, #tpu.memory_space<vmem>>) attributes {dimension_semantics = [], scalar_prefetch = 0 : i64, scratch_operands = 0 : i64, tpu.core_type = #tpu.core_type<tc>} {
    %get3A = arith.constant 0 : index
    %get3A_0 = arith.constant 0 : index
    %get3A_1 = arith.constant 0 : index
    %get3A_2 = vector.load %arg0[%get3A, %get3A_0, %get3A_1] : memref<2x10112x16xf32, #tpu.memory_space<vmem>>, vector<1x10000x16xf32>
    %get3A_3 = vector.shape_cast %get3A_2 : vector<1x10000x16xf32> to vector<10000x16xf32>
    %get3A_4 = arith.constant 1 : index
    %get3A_5 = arith.constant 0 : index
    %get3A_6 = arith.constant 0 : index
    %get3A_7 = vector.load %arg0[%get3A_4, %get3A_5, %get3A_6] : memref<2x10112x16xf32, #tpu.memory_space<vmem>>, vector<1x10000x16xf32>
    %get3A_8 = vector.shape_cast %get3A_7 : vector<1x10000x16xf32> to vector<10000x16xf32>
    %add3A = arith.addf %get3A_3, %get3A_8 : vector<10000x16xf32>
    %get3A_9 = arith.constant 0 : index
    %get3A_10 = arith.constant 0 : index
    %get3A_11 = vector.load %arg1[%get3A_9, %get3A_10] : memref<10112x16xf32, #tpu.memory_space<vmem>>, vector<10000x16xf32>
    %add3A_12 = arith.addf %add3A, %get3A_11 : vector<10000x16xf32>
    %get3A_13 = arith.constant 0 : index
    %get3A_14 = arith.constant 0 : index
    %get3A_15 = vector.load %arg2[%get3A_13, %get3A_14] : memref<16x8xf32, #tpu.memory_space<vmem>>, vector<16x8xf32>
    %dot_general3A = arith.constant dense<0.000000e+00> : vector<10000x8xf32>
    %dot_general3A_16 = tpu.matmul %add3A_12, %get3A_15, %dot_general3A {dimension_numbers = #tpu.dot_dimension_numbers<[1], [0], [0], [1], [0, 0, 1, 1], [], []>, transpose_lhs_hint = false} : vector<10000x16xf32>, vector<16x8xf32>, vector<10000x8xf32> -> vector<10000x8xf32>
    %get3A_17 = arith.constant 0 : index
    %get3A_18 = arith.constant 0 : index
    %get3A_19 = vector.load %arg3[%get3A_17, %get3A_18] : memref<1x8xf32, #tpu.memory_space<vmem>>, vector<1x8xf32>
    %add3A_20 = vector.broadcast %get3A_19 : vector<1x8xf32> to vector<10000x8xf32>
    %add3A_21 = arith.addf %dot_general3A_16, %add3A_20 : vector<10000x8xf32>
    %logistic3A = arith.negf %add3A_21 : vector<10000x8xf32>
    %logistic3A_22 = math.exp %logistic3A : vector<10000x8xf32>
    %logistic3A_23 = arith.constant 1.000000e+00 : f32
    %logistic3A_24 = vector.broadcast %logistic3A_23 : f32 to vector<10000x8xf32>
    %logistic3A_25 = arith.addf %logistic3A_24, %logistic3A_22 : vector<10000x8xf32>
    %logistic3A_26 = arith.divf %logistic3A_24, %logistic3A_25 : vector<10000x8xf32>
    %swap3A = arith.constant 0 : index
    %swap3A_27 = arith.constant 0 : index
    %swap3A_28 = vector.load %arg4[%swap3A, %swap3A_27] : memref<10000x8xf32, #tpu.memory_space<vmem>>, vector<10000x8xf32>
    tpu.vector_store %arg4[%swap3A, %swap3A_27], %logistic3A_26 {strides = array<i32>} : memref<10000x8xf32, #tpu.memory_space<vmem>>, vector<10000x8xf32>,
    return
  }
}

</mosaic_0001>

<sc_bundles>
// kernel: kernel.12.cloned.1.call-start
scs
__scs_entry_jumppad:
0x0: {  	(pc) =	sbr.rel $0x88, $3  }
0x1: {  	(tag) =	ssettag $0x0;
	lr =	simm.s32 $0x1  }
0x2: {  	[smem:$0x3F98] =	sst lr;
	_ =	strace $0xD0000000  }
0x3: {  	_ = 	snop  }
0x4: {  	_ = 	snop  }
0x5: {  	_ = 	snop  }
0x6: {  	_ = 	snop  }
0x7: {  	_ = 	snop  }
__scs_overlays_trampoline_lowered:
0x8: {  	[smem:$0x3FA7] =	sst s0  }
0x9: {  	[smem:$0x3FA8] =	sst s1  }
0xa: {  	[smem:$0x3FA9] =	sst s2  }
0xb: {  	[smem:$0x3FAA] =	sst s3  }
0xc: {  	[smem:$0x3FAB] =	sst s4  }
0xd: {  	[smem:$0x3FAC] =	sst s5  }
0xe: {  	[smem:$0x3FAD] =	sst s6  }
0xf: {  	[smem:$0x3FAE] =	sst s7  }
0x10: {  	[smem:$0x3FAF] =	sst s8  }
0x11: {  	[smem:$0x3FB0] =	sst s9;
	s0 =	simm.s32 @!p0 $0x0  }
0x12: {  	s1 =	sld [smem:$0x3F96];
	s0 =	simm.s32 @p0 $0x1  }
0x13: {  	[smem:$0x3FB1] =	sst s0;
	s0 =	simm.s32 @!p1 $0x0  }
0x14: {  	s2 =	sld [smem:$0x3F95];
	s0 =	simm.s32 @p1 $0x1  }
0x15: {  	[smem:$0x3FB2] =	sst s0;
	s0 =	simm.s32 @!p2 $0x0  }
0x16: {  	s3 =	sld [smem:$0x3FDB];
	s0 =	simm.s32 @p2 $0x1  }
0x17: {  	s4 =	simm.s32 $0x1BF5;
	[smem:$0x3FB4] =	sst s0  }
0x18: {  	s0 =	sld [smem:$0x3F97];
	_ =	swait.ge [sflag:s4], $0x0  }
0x19: {  	s7 =	sld [smem:$0x3F98]  }
0x1a: {  	s8 =	sadd.s32 $0xFFFFE003, lr  }
0x1b: {  	s9 =	sadd.s32 $0xFFFFFEF7, lr;
	s5 =	simm.s32 $0xFFFFFFFF;
	p2 =	slt.u32 s8, $0xFFFFF086  }
0x1c: {  	p1 =	slt.u32 s9, $0xF7A;
	s5 =	simm.s32 @!p2 $0x0  }
0x1d: {  	s5 =	simm.s32 @p1 $0x1;
	p0 =	seq.s32 s7, s2  }
0x1e: {  	s7 =	smul.u32 @!p0 $0xF7A, s2;
	p2 =	seq.s32 @!p0 s5, $0x0  }
0x1f: {  	s9 =	smul.u32 $0xF7A, s1;
	s8 =	simm.s32 @!p0 $0x1BF5;
	p2 =	por !p2, p0  }
0x20: {  	[sflag:s8] =	ssyncset.s32 @!p0 $0xFFFFF086;
	s6 =	sadd.s32 @!p0 s3, s7;
	s7 =	simm.s32 @!p0 $0x108  }
0x21: {  	s3 =	sadd.s32 s3, s9;
	s6 =	sadd.s32 @!p0 $0x88, s6;
	s7 =	simm.s32 @p2 $0x1082  }
0x22: {  	[simem:s7], [sflag:s8] =	dma.local @!p0 [hbm:s6], $0xF7A  }
0x23: {  	s9 =	sor.u32 $0xD0000000, s2;
	s6 =	simm.s32 $0x108;
	_ =	swait.ge @!p0 [sflag:s8], $0x0  }
0x24: {  	s3 =	sadd.s32 $0x88, s3;
	s6 =	simm.s32 @!p1 $0x1082;
	[sflag:s4] =	ssyncset.s32 $0xFFFFF086  }
0x25: {  	[simem:s6], [sflag:s4] =	dma.local [hbm:s3], $0xF7A  }
0x26: {  	[smem:$0x3F98] =	sst s1;
	(tag) =	ssettag s2;
	_ =	strace s9  }
0x27: {  	s1 =	sld [smem:$0x3FA8]  }
0x28: {  	s2 =	sld [smem:$0x3FA9]  }
0x29: {  	s4 =	sld [smem:$0x3FAB]  }
0x2a: {  	p0 =	seq.s32 s5, $0x0;
	s5 =	sld [smem:$0x3FAC]  }
0x2b: {  	s6 =	sld [smem:$0x3FAD]  }
0x2c: {  	s7 =	sld [smem:$0x3FAE]  }
0x2d: {  	s3 =	simm.s32 $0x108;
	s8 =	sld [smem:$0x3FAF]  }
0x2e: {  	s3 =	simm.s32 @!p0 $0x1082;
	s9 =	sld [smem:$0x3FB0]  }
0x2f: {  	lr =	sadd.s32 s0, s3;
	s0 =	sld [smem:$0x3FA7]  }
0x30: {  	s3 =	sld [smem:$0x3FAA]  }
0x31: {  	[smem:$0x3FB3] =	sst s10  }
0x32: {  	s10 =	sld [smem:$0x3FB1];
	_ =	sdelay $0x3  }
0x33: {  	p0 =	seq.s32 s10, $0x1;
	s10 =	sld [smem:$0x3FB3];
	_ =	sdelay $0x3  }
0x34: {  	[smem:$0x3FB3] =	sst s10  }
0x35: {  	s10 =	sld [smem:$0x3FB2];
	_ =	sdelay $0x3  }
0x36: {  	p1 =	seq.s32 s10, $0x1;
	s10 =	sld [smem:$0x3FB3];
	_ =	sdelay $0x3  }
0x37: {  	[smem:$0x3FB3] =	sst s10  }
0x38: {  	s10 =	sld [smem:$0x3FB4]  }
0x39: {  	_ = 	snop;
	(pc) =	sbr.ind lr, $3  }
0x3a: {  	_ = 	snop  }
0x3b: {  	_ = 	snop  }
0x3c: {  	p2 =	seq.s32 s10, $0x1;
	s10 =	sld [smem:$0x3FB3]  }
0x3d: {  	_ =	shalt  }
0x3e: {  	_ =	shalt  }
0x3f: {  	_ =	shalt  }
0x40: {  	_ =	shalt  }
0x41: {  	_ =	shalt  }
0x42: {  	_ =	shalt  }
0x43: {  	_ =	shalt  }
0x44: {  	_ =	shalt  }
0x45: {  	_ =	shalt  }
0x46: {  	_ =	shalt  }
0x47: {  	_ =	shalt  }
0x48: {  	_ =	shalt  }
0x49: {  	_ =	shalt  }
0x4a: {  	_ =	shalt  }
0x4b: {  	_ =	shalt  }
0x4c: {  	_ =	shalt  }
0x4d: {  	_ =	shalt  }
0x4e: {  	_ =	shalt  }
0x4f: {  	_ =	shalt  }
0x50: {  	_ =	shalt  }
0x51: {  	_ =	shalt  }
0x52: {  	_ =	shalt  }
0x53: {  	_ =	shalt  }
0x54: {  	_ =	shalt  }
0x55: {  	_ =	shalt  }
0x56: {  	_ =	shalt  }
0x57: {  	_ =	shalt  }
0x58: {  	_ =	shalt  }
0x59: {  	_ =	shalt  }
0x5a: {  	_ =	shalt  }
0x5b: {  	_ =	shalt  }
0x5c: {  	_ =	shalt  }
0x5d: {  	_ =	shalt  }
0x5e: {  	_ =	shalt  }
0x5f: {  	_ =	shalt  }
0x60: {  	_ =	shalt  }
0x61: {  	_ =	shalt  }
0x62: {  	_ =	shalt  }
0x63: {  	_ =	shalt  }
0x64: {  	_ =	shalt  }
0x65: {  	_ =	shalt  }
0x66: {  	_ =	shalt  }
0x67: {  	_ =	shalt  }
0x68: {  	_ =	shalt  }
0x69: {  	_ =	shalt  }
0x6a: {  	_ =	shalt  }
0x6b: {  	_ =	shalt  }
0x6c: {  	_ =	shalt  }
0x6d: {  	_ =	shalt  }
0x6e: {  	_ =	shalt  }
0x6f: {  	_ =	shalt  }
0x70: {  	_ =	shalt  }
0x71: {  	_ =	shalt  }
0x72: {  	_ =	shalt  }
0x73: {  	_ =	shalt  }
0x74: {  	_ =	shalt  }
0x75: {  	_ =	shalt  }
0x76: {  	_ =	shalt  }
0x77: {  	_ =	shalt  }
0x78: {  	_ =	shalt  }
0x79: {  	_ =	shalt  }
0x7a: {  	_ =	shalt  }
0x7b: {  	_ =	shalt  }
0x7c: {  	_ =	shalt  }
0x7d: {  	_ =	shalt  }
0x7e: {  	_ =	shalt  }
0x7f: {  	_ =	shalt  }
0x80: {  	_ =	shalt  }
0x81: {  	_ =	shalt  }
0x82: {  	_ =	shalt  }
0x83: {  	_ =	shalt  }
0x84: {  	_ =	shalt  }
0x85: {  	_ =	shalt  }
0x86: {  	_ =	shalt  }
0x87: {  	_ =	shalt  }
.Lfunc_end0:
.L_simem_size_0:
called_computation.1_lowered:
.L_overlay_start_0:
0x88: {  	s2 =	sld [smem:$0x3FD9]  }
0x89: {  	s3 =	sld [smem:$0x3FFE];
	_ =	sdelay $0x1  }
0x8a: {  	s1 =	srdreg.scid  }
0x8b: {  	s0 =	sand.u32 $0x1, s1  }
0x8c: {  	s16 =	sshll.u32 s0, $0xA;
	s2 =	sadd.s32 s3, s2  }
0x8d: {  	s2 =	sadd.s32 s2, s16  }
0x8e: {  	[smem:$0x3FBF] =	sst s2  }
0x8f: {  	_ = 	snop  }
0x90: {  	(tm) =	ssettm $0x1  }
0x91: {  	s17 =	sld [smem:$0x3FFB];
	_ =	sdelay $0x3  }
0x92: {  	_ =	strace s17  }
0x93: {  	s2 =	sld [smem:$0x3FFC];
	_ =	sdelay $0x3  }
0x94: {  	_ =	strace s2  }
0x95: {  	s2 =	sld [smem:$0x3FFD];
	_ =	sdelay $0x3  }
0x96: {  	_ =	strace s2  }
0x97: {  	_ =	strace $0x8FFFFFFF  }
0x98: {  	s18 =	sld [smem:$0x3FDB];
	_ =	sdelay $0x1  }
0x99: {  	s19 =	simm.s32 $_scs_section_size  }
0x9a: {  	s4 =	simm.s32 $_size__tile_overlayer_lowered;
	s5 =	simm.s32 $_tile_overlayer_lowered  }
0x9b: {  	s22 =	simm.s32 $0x1BFF;
	s21 =	sshll.u32 s5, $0x1;
	s2 =	sadd.s32 s19, s18  }
0x9c: {  	s6 =	simm.s32 $0x0;
	s20 =	sshll.u32 s4, $0x1;
	s4 =	sadd.s32 s21, s2  }
0x9d: {  	[timem:s6], [sflag:s22] =	dma.local [hbm:s4], s20  }
0x9e: {  	_ =	swait.ge [sflag:s22], s20  }
0x9f: {  	s3 =	ssub.s32 $0x0, s20;
	[sflag:s22] =	ssyncset.done $0x0  }
0xa0: {  	[sflag:s22] =	ssyncadd.s32 s3;
	_ =	sdelay $0x1  }
0xa1: {  	s23 =	simm.s32 $0x1B8B  }
0xa2: {  	_ =	swait.ge [sflag:s23], $0x1  }
0xa3: {  	[sflag:s23] =	ssyncset.done $0x0  }
0xa4: {  	s25 =	simm.s32 $0x1B8E;
	s24 =	sld [smem:$0x3FFE];
	[sflag:s23] =	ssyncadd.s32 $0xFFFFFFFF  }
0xa5: {  	s26 =	simm.s32 $execute0_lowered;
	[smem:$0x3FD2] =	sst s25  }
0xa6: {  	s4 =	sshll.u32 s26, $0x1;
	_ =	strace $0x80000049;
	[dreg:$0x1] =	wrdreg $0xFFFFFFFF  }
0xa7: {  	s28 =	simm.s32 $_size_execute0_lowered;
	s2 =	sadd.s32 s2, s4;
	[dreg:$0x0] =	wrdreg $0x0  }
0xa8: {  	s4 =	sshll.u32 s28, $0x1;
	[dreg:$0x2] =	wrdreg s2  }
0xa9: {  	[dreg:$0x3] =	wrdreg s4  }
0xaa: {  	[dreg:$0x4] =	wrdreg $0xC0  }
0xab: {  	_ =	task [dreg:s6], $0x5FFFF  }
0xac: {  	[dreg:$0x1] =	wrdreg $0xFFFFFFFF  }
0xad: {  	[dreg:$0x0] =	wrdreg $0x60  }
0xae: {  	[dreg:$0x2] =	wrdreg s24  }
0xaf: {  	[dreg:$0x3] =	wrdreg $0xB4000  }
0xb0: {  	[dreg:$0x4] =	wrdreg $0x9  }
0xb1: {  	_ =	task.clear_ibuf [dreg:s6], $0x5FFFF;
	_ =	strace $0x90000049  }
0xb2: {  	s29 =	simm.s32 $0x9;
	_ =	strace $0x8000004B  }
0xb3: {  	_ =	swait.ge [sflag:s29], $0x1  }
0xb4: {  	[sflag:s29] =	ssyncadd.s32 $0xFFFFFFFF  }
0xb5: {  	_ =	strace $0x9000004B  }
0xb6: {  	_ =	sfence  }
0xb7: {  	s30 =	sld [smem:$0x0];
	_ =	sdelay $0x2  }
0xb8: {  	s31 =	sshll.u32 s1, $0xD;
	s1 =	sshrl.u32 s1, $0x2  }
0xb9: {  	s3 =	sand.u32 $0x4000, s31;
	s1 =	sadd.s32 s1, s30  }
0xba: {  	s0 =	sor.u32 s3, s0;
	s1 =	sshll.u32 s1, $0x11  }
0xbb: {  	s0 =	sor.u32 s1, s0  }
0xbc: {  	s0 =	sadd.s32 $0x8F2B, s0  }
0xbd: {  	[sflag:s0] =	ssyncadd.remote.s32 $0x1  }
0xbe: {  	_ =	sfence.sel $0xFFFF  }
0xbf: {  	[dreg:$0x0] =	wrdreg $0xFFFFFFFF;
	(pc) =	sbr.abs _section_cstart, $3  }
0xc0: {  	[dreg:$0x1] =	wrdreg $0xFFFFFFFF  }
0xc1: {  	_ =	task.clear_ibuf [dreg:s6], $0x2FFFF;
	_ =	strace $0x9FFFFFFF  }
0xc2: {  	(tm) =	ssettm $0x7FFFFFFF  }
0xc3: {  	_ =	shalt  }
tec
execute0_lowered:
.L_overlay_start_1:
0x0: {  	(tag) =	ssettag $0x1  }
0x1: {  	s0 =	rddreg [dreg:$0x0]  }
0x2: {  	s2 =	rddreg [dreg:$0x1]  }
0x3: {  	s12 =	stileid.u32;
	s1 =	srdreg.scid;
	s3 =	simm.s32 $0x0  }
0x4: {  	s13 =	simm.s32 $0x1;
	s14 =	simm.s32 $0x2;
	s15 =	simm.s32 $0x80  }
0x5: {  	s16 =	simm.s32 $0x5400;
	s17 =	simm.s32 $0x6400;
	s19 =	simm.s32 $0x7400  }
0x6: {  	s21 =	simm.s32 $0x8400;
	s23 =	simm.s32 $0x9400;
	s28 =	simm.s32 $0x4  }
0x7: {  	s29 =	simm.s32 $0x5;
	s30 =	simm.s32 $0x6;
	s22 =	simm.s32 $0x5380  }
0x8: {  	s31 =	simm.s32 $0x0;
	s1 =	sand.u32 $0x1, s1;
	s4 =	sshll.u32 s12, $0x1  }
0x9: {  	[smem:$0x7FF] =	sst s3;
	s7 =	smul.u32 $0x4F00, s12;
	s25 =	sshll.u32 s12, $0x6  }
0xa: {  	s12 =	simm.s32 $0x7;
	s4 =	sor.u32 s1, s4;
	s6 =	smul.u32 $0x9E00, s1  }
0xb: {  	_ =	strace $0x8000004A;
	s1 =	ssub.s32 $0x2, s1;
	s5 =	smul.u32 $0x540, s4  }
0xc: {  	s10 =	sshrl.u32 s7, $0x3;
	s4 =	sadd.s32 $0x1A00, s0;
	s9 =	sshrl.u32 s1, $0x1  }
0xd: {  	s26 =	sadd.s32 s7, s2;
	s8 =	sadd.s32 s10, s0;
	s1 =	ssub.s32 s1, s9  }
0xe: {  	s11 =	sadd.s32 s5, s0;
	s0 =	sadd.s32 s6, s0;
	s7 =	sadd.s32 $0xB800, s8  }
0xf: {  	s8 =	sor.u32 $0x1C07, s25;
	s9 =	smax.u32 s1, $0x1;
	s25 =	simm.s32 $0xA400  }
0x10: {  	s5 =	sadd.s32 $0x33A00, s11;
	s6 =	sadd.s32 $0x29200, s11;
	s0 =	sadd.s32 $0x15600, s0  }
0x11: {  	s11 =	sshrl.u32 s26, $0x3;
	s26 =	simm.s32 $0x3;
	s24 =	sadd.s32 s10, s0  }
.LBB2_1:
0x12: {  	[tilespmem:s3], [sflag:$0x1] =	stream.linear.gather [hbm4b:s5+s3], $0x2A00, $0x38;
	[tilespmem:$0x10300] =	vst v63  }
0x13: {  	s0 =	simm.s32 $0x2A00  }
0x14: {  	[tilespmem:s0], [sflag:$0x2] =	stream.linear.gather [hbm4b:s6+s3], $0x2A00, $0x38;
	[tilespmem:$0x10300] =	vst v63  }
0x15: {  	[spmem:s11], [sflag:s8] =	dma.local [hbm:s7], $0x9E0  }
0x16: {  	_ =	swait.ge [sflag:s12], $0x9E0  }
0x17: {  	[sflag:s12] =	ssyncset.done $0x0  }
0x18: {  	[sflag:s12] =	ssyncadd.s32 $0xFFFFF620  }
0x19: {  	_ =	swait.ge [sflag:s13], $0x2A00  }
0x1a: {  	[sflag:s13] =	ssyncset.done $0x0  }
0x1b: {  	[sflag:s13] =	ssyncadd.s32 $0xFFFFD600  }
0x1c: {  	_ =	swait.ge [sflag:s14], $0x2A00  }
0x1d: {  	[sflag:s14] =	ssyncset.done $0x0  }
0x1e: {  	[sflag:s14] =	ssyncadd.s32 $0xFFFFD600  }
0x1f: {  	[bflag:$0x0] =	sbarrier.arrive $0xFFFF  }
0x20: {  	[tilespmem:s16], [sflag:$0x1] =	stream.indirect.gather [hbm4b:s4+s15], $0x20, s3, s15, $0xb8;
	[tilespmem:$0x10300] =	vst v63  }
0x21: {  	_ = 	snop  }
0x22: {  	[tilespmem:s17], [sflag:$0x2] =	stream.indirect.gather [hbm4b:s4+s15], $0x20, s15, s15, $0xb8;
	[tilespmem:$0x10300] =	vst v63  }
0x23: {  	s10 =	simm.s32 $0x100  }
0x24: {  	[tilespmem:s19], [sflag:$0x3] =	stream.indirect.gather [hbm4b:s4+s15], $0x20, s10, s15, $0xb8;
	[tilespmem:$0x10300] =	vst v63  }
0x25: {  	s18 =	simm.s32 $0x180  }
0x26: {  	[tilespmem:s21], [sflag:$0x4] =	stream.indirect.gather [hbm4b:s4+s15], $0x20, s18, s15, $0xb8;
	[tilespmem:$0x10300] =	vst v63  }
0x27: {  	s20 =	simm.s32 $0x200  }
0x28: {  	[tilespmem:s23], [sflag:$0x5] =	stream.indirect.gather [hbm4b:s4+s15], $0x20, s20, s15, $0xb8;
	[tilespmem:$0x10300] =	vst v63  }
0x29: {  	s1 =	simm.s32 $0x280  }
0x2a: {  	[tilespmem:s25], [sflag:$0x6] =	stream.indirect.gather [hbm4b:s4+s15], $0x20, s1, s15, $0xb8;
	[tilespmem:$0x10300] =	vst v63  }
0x2b: {  	_ =	swait.ge [sflag:s13], $0x1000  }
0x2c: {  	[sflag:s13] =	ssyncset.done $0x0  }
0x2d: {  	s10 =	simm.s32 $0x2A00;
	[sflag:s13] =	ssyncadd.s32 $0xFFFFF000  }
0x2e: {  	[spmem:s2] =	stream.indirect.scatter.add.f32 [tilespmem:s16], [sflag:$0x7], $0x20, s10, s15, $0xb8;
	[tilespmem:$0x10300] =	vst v63  }
0x2f: {  	_ =	swait.ge [sflag:s12], $0x1000  }
0x30: {  	[sflag:s12] =	ssyncset.done $0x0  }
0x31: {  	s18 =	simm.s32 $0x300;
	[sflag:s12] =	ssyncadd.s32 $0xFFFFF000  }
0x32: {  	[tilespmem:s16], [sflag:$0x1] =	stream.indirect.gather [hbm4b:s4+s15], $0x20, s18, s15, $0xb8;
	[tilespmem:$0x10300] =	vst v63  }
0x33: {  	_ =	swait.ge [sflag:s14], $0x1000  }
0x34: {  	[sflag:s14] =	ssyncset.done $0x0  }
0x35: {  	s20 =	simm.s32 $0x2A80;
	[sflag:s14] =	ssyncadd.s32 $0xFFFFF000  }
0x36: {  	[spmem:s2] =	stream.indirect.scatter.add.f32 [tilespmem:s17], [sflag:$0x7], $0x20, s20, s15, $0xb8;
	[tilespmem:$0x10300] =	vst v63  }
0x37: {  	_ =	swait.ge [sflag:s12], $0x1000  }
0x38: {  	[sflag:s12] =	ssyncset.done $0x0  }
0x39: {  	s1 =	simm.s32 $0x380;
	[sflag:s12] =	ssyncadd.s32 $0xFFFFF000  }
0x3a: {  	[tilespmem:s17], [sflag:$0x2] =	stream.indirect.gather [hbm4b:s4+s15], $0x20, s1, s15, $0xb8;
	[tilespmem:$0x10300] =	vst v63  }
0x3b: {  	_ =	swait.ge [sflag:s26], $0x1000  }
0x3c: {  	[sflag:s26] =	ssyncset.done $0x0  }
0x3d: {  	s10 =	simm.s32 $0x2B00;
	[sflag:s26] =	ssyncadd.s32 $0xFFFFF000  }
0x3e: {  	[spmem:s2] =	stream.indirect.scatter.add.f32 [tilespmem:s19], [sflag:$0x7], $0x20, s10, s15, $0xb8;
	[tilespmem:$0x10300] =	vst v63  }
0x3f: {  	_ =	swait.ge [sflag:s12], $0x1000  }
0x40: {  	[sflag:s12] =	ssyncset.done $0x0  }
0x41: {  	s18 =	simm.s32 $0x400;
	[sflag:s12] =	ssyncadd.s32 $0xFFFFF000  }
0x42: {  	[tilespmem:s19], [sflag:$0x3] =	stream.indirect.gather [hbm4b:s4+s15], $0x20, s18, s15, $0xb8;
	[tilespmem:$0x10300] =	vst v63  }
0x43: {  	_ =	swait.ge [sflag:s28], $0x1000  }
0x44: {  	[sflag:s28] =	ssyncset.done $0x0  }
0x45: {  	s20 =	simm.s32 $0x2B80;
	[sflag:s28] =	ssyncadd.s32 $0xFFFFF000  }
0x46: {  	[spmem:s2] =	stream.indirect.scatter.add.f32 [tilespmem:s21], [sflag:$0x7], $0x20, s20, s15, $0xb8;
	[tilespmem:$0x10300] =	vst v63  }
0x47: {  	_ =	swait.ge [sflag:s12], $0x1000  }
0x48: {  	[sflag:s12] =	ssyncset.done $0x0  }
0x49: {  	s1 =	simm.s32 $0x480;
	[sflag:s12] =	ssyncadd.s32 $0xFFFFF000  }
0x4a: {  	[tilespmem:s21], [sflag:$0x4] =	stream.indirect.gather [hbm4b:s4+s15], $0x20, s1, s15, $0xb8;
	[tilespmem:$0x10300] =	vst v63  }
0x4b: {  	_ =	swait.ge [sflag:s29], $0x1000  }
0x4c: {  	[sflag:s29] =	ssyncset.done $0x0  }
0x4d: {  	s10 =	simm.s32 $0x2C00;
	[sflag:s29] =	ssyncadd.s32 $0xFFFFF000  }
0x4e: {  	[spmem:s2] =	stream.indirect.scatter.add.f32 [tilespmem:s23], [sflag:$0x7], $0x20, s10, s15, $0xb8;
	[tilespmem:$0x10300] =	vst v63  }
0x4f: {  	_ =	swait.ge [sflag:s12], $0x1000  }
0x50: {  	[sflag:s12] =	ssyncset.done $0x0  }
0x51: {  	s18 =	simm.s32 $0x500;
	[sflag:s12] =	ssyncadd.s32 $0xFFFFF000  }
0x52: {  	[tilespmem:s23], [sflag:$0x5] =	stream.indirect.gather [hbm4b:s4+s15], $0x20, s18, s15, $0xb8;
	[tilespmem:$0x10300] =	vst v63  }
0x53: {  	_ =	swait.ge [sflag:s30], $0x1000  }
0x54: {  	[sflag:s30] =	ssyncset.done $0x0  }
0x55: {  	s20 =	simm.s32 $0x2C80;
	[sflag:s30] =	ssyncadd.s32 $0xFFFFF000  }
0x56: {  	[spmem:s2] =	stream.indirect.scatter.add.f32 [tilespmem:s25], [sflag:$0x7], $0x20, s20, s15, $0xb8;
	[tilespmem:$0x10300] =	vst v63  }
0x57: {  	_ =	swait.ge [sflag:s12], $0x1000  }
0x58: {  	s0 =	simm.s32 $0x300;
	s1 =	simm.s32 $0x1800;
	[sflag:s12] =	ssyncset.done $0x0  }
.LBB2_2:
0x59: {  	s20 =	sadd.s32 $0x280, s0  }
0x5a: {  	[sflag:s12] =	ssyncadd.s32 $0xFFFFF000;
	s10 =	smov.u32 s1;
	s18 =	sadd.s32 $0xC00, s1  }
0x5b: {  	[tilespmem:s25], [sflag:$0x6] =	stream.indirect.gather [hbm4b:s4+s15], $0x20, s20, s15, $0xb8;
	[tilespmem:$0x10300] =	vst v63  }
0x5c: {  	p0 =	sne.s32 s1, $0x9000;
	_ =	swait.ge [sflag:s13], $0x1000  }
0x5d: {  	[sflag:s13] =	ssyncset.done $0x0  }
0x5e: {  	s1 =	sadd.s32 $0x2A00, s0;
	[sflag:s13] =	ssyncadd.s32 $0xFFFFF000  }
0x5f: {  	[spmem:s2] =	stream.indirect.scatter.add.f32 [tilespmem:s16], [sflag:$0x7], $0x20, s1, s15, $0xb8;
	[tilespmem:$0x10300] =	vst v63  }
0x60: {  	_ =	swait.ge [sflag:s12], $0x1000  }
0x61: {  	[sflag:s12] =	ssyncset.done $0x0  }
0x62: {  	s1 =	sadd.s32 $0x300, s0;
	[sflag:s12] =	ssyncadd.s32 $0xFFFFF000  }
0x63: {  	[tilespmem:s16], [sflag:$0x1] =	stream.indirect.gather [hbm4b:s4+s15], $0x20, s1, s15, $0xb8;
	[tilespmem:$0x10300] =	vst v63  }
0x64: {  	_ =	swait.ge [sflag:s14], $0x1000  }
0x65: {  	[sflag:s14] =	ssyncset.done $0x0  }
0x66: {  	s1 =	sadd.s32 $0x2A80, s0;
	[sflag:s14] =	ssyncadd.s32 $0xFFFFF000  }
0x67: {  	[spmem:s2] =	stream.indirect.scatter.add.f32 [tilespmem:s17], [sflag:$0x7], $0x20, s1, s15, $0xb8;
	[tilespmem:$0x10300] =	vst v63  }
0x68: {  	_ =	swait.ge [sflag:s12], $0x1000  }
0x69: {  	[sflag:s12] =	ssyncset.done $0x0  }
0x6a: {  	s1 =	sadd.s32 $0x380, s0;
	[sflag:s12] =	ssyncadd.s32 $0xFFFFF000  }
0x6b: {  	[tilespmem:s17], [sflag:$0x2] =	stream.indirect.gather [hbm4b:s4+s15], $0x20, s1, s15, $0xb8;
	[tilespmem:$0x10300] =	vst v63  }
0x6c: {  	_ =	swait.ge [sflag:s26], $0x1000  }
0x6d: {  	[sflag:s26] =	ssyncset.done $0x0  }
0x6e: {  	s1 =	sadd.s32 $0x2B00, s0;
	[sflag:s26] =	ssyncadd.s32 $0xFFFFF000  }
0x6f: {  	[spmem:s2] =	stream.indirect.scatter.add.f32 [tilespmem:s19], [sflag:$0x7], $0x20, s1, s15, $0xb8;
	[tilespmem:$0x10300] =	vst v63  }
0x70: {  	_ =	swait.ge [sflag:s12], $0x1000  }
0x71: {  	[sflag:s12] =	ssyncset.done $0x0  }
0x72: {  	s1 =	sadd.s32 $0x400, s0;
	[sflag:s12] =	ssyncadd.s32 $0xFFFFF000  }
0x73: {  	[tilespmem:s19], [sflag:$0x3] =	stream.indirect.gather [hbm4b:s4+s15], $0x20, s1, s15, $0xb8;
	[tilespmem:$0x10300] =	vst v63  }
0x74: {  	_ =	swait.ge [sflag:s28], $0x1000  }
0x75: {  	[sflag:s28] =	ssyncset.done $0x0  }
0x76: {  	s1 =	sadd.s32 $0x2B80, s0;
	[sflag:s28] =	ssyncadd.s32 $0xFFFFF000  }
0x77: {  	[spmem:s2] =	stream.indirect.scatter.add.f32 [tilespmem:s21], [sflag:$0x7], $0x20, s1, s15, $0xb8;
	[tilespmem:$0x10300] =	vst v63  }
0x78: {  	_ =	swait.ge [sflag:s12], $0x1000  }
0x79: {  	[sflag:s12] =	ssyncset.done $0x0  }
0x7a: {  	s1 =	sadd.s32 $0x480, s0;
	[sflag:s12] =	ssyncadd.s32 $0xFFFFF000  }
0x7b: {  	[tilespmem:s21], [sflag:$0x4] =	stream.indirect.gather [hbm4b:s4+s15], $0x20, s1, s15, $0xb8;
	[tilespmem:$0x10300] =	vst v63  }
0x7c: {  	_ =	swait.ge [sflag:s29], $0x1000  }
0x7d: {  	[sflag:s29] =	ssyncset.done $0x0  }
0x7e: {  	s1 =	sadd.s32 $0x2C00, s0;
	[sflag:s29] =	ssyncadd.s32 $0xFFFFF000  }
0x7f: {  	[spmem:s2] =	stream.indirect.scatter.add.f32 [tilespmem:s23], [sflag:$0x7], $0x20, s1, s15, $0xb8;
	[tilespmem:$0x10300] =	vst v63  }
0x80: {  	_ =	swait.ge [sflag:s12], $0x1000  }
0x81: {  	[sflag:s12] =	ssyncset.done $0x0  }
0x82: {  	s1 =	sadd.s32 $0x500, s0;
	[sflag:s12] =	ssyncadd.s32 $0xFFFFF000  }
0x83: {  	[tilespmem:s23], [sflag:$0x5] =	stream.indirect.gather [hbm4b:s4+s15], $0x20, s1, s15, $0xb8;
	[tilespmem:$0x10300] =	vst v63  }
0x84: {  	_ =	swait.ge [sflag:s30], $0x1000  }
.Ltmp0:
0x85: {  	[sflag:s30] =	ssyncset.done $0x0;
	(pc) =	sbr.rel @p0 .LBB2_2-.Ltmp0, $4  }
0x86: {  	s0 =	sadd.s32 $0x2C80, s0;
	[sflag:s30] =	ssyncadd.s32 $0xFFFFF000  }
0x87: {  	[spmem:s2] =	stream.indirect.scatter.add.f32 [tilespmem:s25], [sflag:$0x7], $0x20, s0, s15, $0xb8;
	[tilespmem:$0x10300] =	vst v63  }
0x88: {  	_ =	swait.ge [sflag:s12], $0x1000  }
0x89: {  	s1 =	smov.u32 s18;
	s0 =	sshra.s32 s10, $0x2;
	[sflag:s12] =	ssyncset.done $0x0  }
0x8a: {  	s1 =	sadd.s32 $0x280, s0;
	[sflag:s12] =	ssyncadd.s32 $0xFFFFF000  }
0x8b: {  	[tilespmem:s25], [sflag:$0x6] =	stream.indirect.gather [hbm4b:s4+s15], $0x20, s1, s15, $0xb8;
	[tilespmem:$0x10300] =	vst v63  }
0x8c: {  	_ =	swait.ge [sflag:s13], $0x1000  }
0x8d: {  	[sflag:s13] =	ssyncset.done $0x0  }
0x8e: {  	s20 =	sadd.s32 $0x2A00, s0;
	[sflag:s13] =	ssyncadd.s32 $0xFFFFF000  }
0x8f: {  	[spmem:s2] =	stream.indirect.scatter.add.f32 [tilespmem:s16], [sflag:$0x7], $0x20, s20, s15, $0xb8;
	[tilespmem:$0x10300] =	vst v63  }
0x90: {  	_ =	swait.ge [sflag:s12], $0x1000  }
0x91: {  	[sflag:s12] =	ssyncset.done $0x0  }
0x92: {  	s10 =	sadd.s32 $0x300, s0;
	[sflag:s12] =	ssyncadd.s32 $0xFFFFF000  }
0x93: {  	[tilespmem:s16], [sflag:$0x1] =	stream.indirect.gather [hbm4b:s4+s15], $0x20, s10, s15, $0xb8;
	[tilespmem:$0x10300] =	vst v63  }
0x94: {  	_ =	swait.ge [sflag:s14], $0x1000  }
0x95: {  	[sflag:s14] =	ssyncset.done $0x0  }
0x96: {  	s18 =	sadd.s32 $0x2A80, s0;
	[sflag:s14] =	ssyncadd.s32 $0xFFFFF000  }
0x97: {  	[spmem:s2] =	stream.indirect.scatter.add.f32 [tilespmem:s17], [sflag:$0x7], $0x20, s18, s15, $0xb8;
	[tilespmem:$0x10300] =	vst v63  }
0x98: {  	_ =	swait.ge [sflag:s12], $0x1000  }
0x99: {  	[sflag:s12] =	ssyncset.done $0x0  }
0x9a: {  	s20 =	sadd.s32 $0x380, s0;
	[sflag:s12] =	ssyncadd.s32 $0xFFFFF000  }
0x9b: {  	[tilespmem:s17], [sflag:$0x2] =	stream.indirect.gather [hbm4b:s4+s15], $0x20, s20, s15, $0xb8;
	[tilespmem:$0x10300] =	vst v63  }
0x9c: {  	_ =	swait.ge [sflag:s26], $0x1000  }
0x9d: {  	[sflag:s26] =	ssyncset.done $0x0  }
0x9e: {  	s10 =	sadd.s32 $0x2B00, s0;
	[sflag:s26] =	ssyncadd.s32 $0xFFFFF000  }
0x9f: {  	[spmem:s2] =	stream.indirect.scatter.add.f32 [tilespmem:s19], [sflag:$0x7], $0x20, s10, s15, $0xb8;
	[tilespmem:$0x10300] =	vst v63  }
0xa0: {  	_ =	swait.ge [sflag:s12], $0x1000  }
0xa1: {  	[sflag:s12] =	ssyncset.done $0x0  }
0xa2: {  	s18 =	sadd.s32 $0x400, s0;
	[sflag:s12] =	ssyncadd.s32 $0xFFFFF000  }
0xa3: {  	[tilespmem:s19], [sflag:$0x3] =	stream.indirect.gather [hbm4b:s4+s15], $0x20, s18, s15, $0xb8;
	[tilespmem:$0x10300] =	vst v63  }
0xa4: {  	_ =	swait.ge [sflag:s28], $0x1000  }
0xa5: {  	[sflag:s28] =	ssyncset.done $0x0  }
0xa6: {  	s20 =	sadd.s32 $0x2B80, s0;
	[sflag:s28] =	ssyncadd.s32 $0xFFFFF000  }
0xa7: {  	[spmem:s2] =	stream.indirect.scatter.add.f32 [tilespmem:s21], [sflag:$0x7], $0x20, s20, s15, $0xb8;
	[tilespmem:$0x10300] =	vst v63  }
0xa8: {  	_ =	swait.ge [sflag:s12], $0x1000  }
0xa9: {  	[sflag:s12] =	ssyncset.done $0x0  }
0xaa: {  	s10 =	sadd.s32 $0x480, s0;
	[sflag:s12] =	ssyncadd.s32 $0xFFFFF000  }
0xab: {  	[tilespmem:s21], [sflag:$0x4] =	stream.indirect.gather [hbm4b:s4+s15], $0x20, s10, s15, $0xb8;
	[tilespmem:$0x10300] =	vst v63  }
0xac: {  	_ =	swait.ge [sflag:s29], $0x1000  }
0xad: {  	[sflag:s29] =	ssyncset.done $0x0  }
0xae: {  	s18 =	sadd.s32 $0x2C00, s0;
	[sflag:s29] =	ssyncadd.s32 $0xFFFFF000  }
0xaf: {  	[spmem:s2] =	stream.indirect.scatter.add.f32 [tilespmem:s23], [sflag:$0x7], $0x20, s18, s15, $0xb8;
	[tilespmem:$0x10300] =	vst v63  }
0xb0: {  	_ =	swait.ge [sflag:s12], $0x1000  }
0xb1: {  	[sflag:s12] =	ssyncset.done $0x0  }
0xb2: {  	s20 =	sadd.s32 $0x500, s0;
	[sflag:s12] =	ssyncadd.s32 $0xFFFFF000  }
0xb3: {  	[tilespmem:s23], [sflag:$0x5] =	stream.indirect.gather [hbm4b:s4+s15], $0x20, s20, s15, $0xb8;
	[tilespmem:$0x10300] =	vst v63  }
0xb4: {  	_ =	swait.ge [sflag:s30], $0x1000  }
0xb5: {  	[sflag:s30] =	ssyncset.done $0x0  }
0xb6: {  	s10 =	sadd.s32 $0x2C80, s0;
	[sflag:s30] =	ssyncadd.s32 $0xFFFFF000  }
0xb7: {  	[spmem:s2] =	stream.indirect.scatter.add.f32 [tilespmem:s25], [sflag:$0x7], $0x20, s10, s15, $0xb8;
	[tilespmem:$0x10300] =	vst v63  }
0xb8: {  	_ =	swait.ge [sflag:s12], $0x1000  }
0xb9: {  	[sflag:s12] =	ssyncset.done $0x0  }
0xba: {  	s18 =	simm.s32 $0x2980;
	[sflag:s12] =	ssyncadd.s32 $0xFFFFF000  }
0xbb: {  	[tilespmem:s25], [sflag:$0x6] =	stream.indirect.gather [hbm4b:s4+s15], $0x20, s18, s15, $0xb8;
	[tilespmem:$0x10300] =	vst v63  }
0xbc: {  	_ =	swait.ge [sflag:s13], $0x1000  }
0xbd: {  	[sflag:s13] =	ssyncset.done $0x0  }
0xbe: {  	s20 =	simm.s32 $0x5100;
	[sflag:s13] =	ssyncadd.s32 $0xFFFFF000  }
0xbf: {  	[spmem:s2] =	stream.indirect.scatter.add.f32 [tilespmem:s16], [sflag:$0x7], $0x20, s20, s15, $0xb8;
	[tilespmem:$0x10300] =	vst v63  }
0xc0: {  	_ =	swait.ge [sflag:s12], $0x1000  }
0xc1: {  	[sflag:s12] =	ssyncset.done $0x0  }
0xc2: {  	[sflag:s12] =	ssyncadd.s32 $0xFFFFF000  }
0xc3: {  	_ =	swait.ge [sflag:s14], $0x1000  }
0xc4: {  	[sflag:s14] =	ssyncset.done $0x0  }
0xc5: {  	s1 =	simm.s32 $0x5180;
	[sflag:s14] =	ssyncadd.s32 $0xFFFFF000  }
0xc6: {  	[spmem:s2] =	stream.indirect.scatter.add.f32 [tilespmem:s17], [sflag:$0x7], $0x20, s1, s15, $0xb8;
	[tilespmem:$0x10300] =	vst v63  }
0xc7: {  	_ =	swait.ge [sflag:s12], $0x1000  }
0xc8: {  	[sflag:s12] =	ssyncset.done $0x0  }
0xc9: {  	[sflag:s12] =	ssyncadd.s32 $0xFFFFF000  }
0xca: {  	_ =	swait.ge [sflag:s26], $0x1000  }
0xcb: {  	[sflag:s26] =	ssyncset.done $0x0  }
0xcc: {  	s10 =	simm.s32 $0x5200;
	[sflag:s26] =	ssyncadd.s32 $0xFFFFF000  }
0xcd: {  	[spmem:s2] =	stream.indirect.scatter.add.f32 [tilespmem:s19], [sflag:$0x7], $0x20, s10, s15, $0xb8;
	[tilespmem:$0x10300] =	vst v63  }
0xce: {  	_ =	swait.ge [sflag:s12], $0x1000  }
0xcf: {  	[sflag:s12] =	ssyncset.done $0x0  }
0xd0: {  	[sflag:s12] =	ssyncadd.s32 $0xFFFFF000  }
0xd1: {  	_ =	swait.ge [sflag:s28], $0x1000  }
0xd2: {  	[sflag:s28] =	ssyncset.done $0x0  }
0xd3: {  	s18 =	simm.s32 $0x5280;
	[sflag:s28] =	ssyncadd.s32 $0xFFFFF000  }
0xd4: {  	[spmem:s2] =	stream.indirect.scatter.add.f32 [tilespmem:s21], [sflag:$0x7], $0x20, s18, s15, $0xb8;
	[tilespmem:$0x10300] =	vst v63  }
0xd5: {  	_ =	swait.ge [sflag:s12], $0x1000  }
0xd6: {  	[sflag:s12] =	ssyncset.done $0x0  }
0xd7: {  	[sflag:s12] =	ssyncadd.s32 $0xFFFFF000  }
0xd8: {  	_ =	swait.ge [sflag:s29], $0x1000  }
0xd9: {  	[sflag:s29] =	ssyncset.done $0x0  }
0xda: {  	s20 =	simm.s32 $0x5300;
	[sflag:s29] =	ssyncadd.s32 $0xFFFFF000  }
0xdb: {  	[spmem:s2] =	stream.indirect.scatter.add.f32 [tilespmem:s23], [sflag:$0x7], $0x20, s20, s15, $0xb8;
	[tilespmem:$0x10300] =	vst v63  }
0xdc: {  	_ =	swait.ge [sflag:s12], $0x1000  }
0xdd: {  	[sflag:s12] =	ssyncset.done $0x0  }
0xde: {  	[sflag:s12] =	ssyncadd.s32 $0xFFFFF000  }
0xdf: {  	_ =	swait.ge [sflag:s30], $0x1000  }
0xe0: {  	[sflag:s30] =	ssyncset.done $0x0  }
0xe1: {  	[sflag:s30] =	ssyncadd.s32 $0xFFFFF000  }
0xe2: {  	[spmem:s2] =	stream.indirect.scatter.add.f32 [tilespmem:s25], [sflag:$0x7], $0x20, s22, s15, $0xb8;
	[tilespmem:$0x10300] =	vst v63  }
0xe3: {  	_ =	swait.ge [sflag:s12], $0x1000  }
0xe4: {  	s31 =	sadd.s32 $0x1, s31;
	[sflag:s12] =	ssyncset.done $0x0  }
0xe5: {  	p0 =	sne.s32 s31, s9;
	[sflag:s12] =	ssyncadd.s32 $0xFFFFF000  }
.Ltmp1:
0xe6: {  	[bflag:$0x0] =	sbarrier.arrive $0xFFFF;
	(pc) =	sbr.rel @p0 .LBB2_1-.Ltmp1, $4  }
0xe7: {  	[hbm:s24], [sflag:s8] =	dma.local [spmem:s11], $0x9E0  }
0xe8: {  	_ =	swait.ge [sflag:s12], $0x9E0  }
0xe9: {  	[sflag:s12] =	ssyncset.done $0x0  }
0xea: {  	[sflag:s12] =	ssyncadd.s32 $0xFFFFF620  }
0xeb: {  	_ =	sfence.sel $0x180000  }
0xec: {  	[bflag:$0x0] =	sbarrier.arrive $0xFFFF  }
0xed: {  	_ =	strace $0x9000004A  }
0xee: {  	s0 =	stileid.u32;
	[bflag:$0x2] =	sbarrier.arrive $0xFFFF  }
0xef: {  	p0 =	sne.s32 s0, $0x0;
	s0 =	rddreg [dreg:$0x2]  }
0xf0: {  	s0 =	sadd.s32 @!p0 $0x100000, s0  }
0xf1: {  	[sflag:s0] =	ssyncadd.tile.s32 @!p0 $0x1;
	_ =	shalt  }
.Lfunc_end2:
_tile_overlayer_lowered:
.L_overlay_start_2:
0xf2: {  	(tag) =	ssettag $0x2  }
0xf3: {  	s0 =	rddreg [dreg:$0x0];
	s2 =	stileid.u32  }
0xf4: {  	s1 =	rddreg [dreg:$0x1];
	p0 =	sne.s32 s2, $0x0  }
0xf5: {  	s3 =	rddreg [dreg:$0x2];
	[bflag:$0x3] =	sbarrier.arrive $0xFFFF;
	s2 =	simm.s32 @!p0 $0x1C07  }
0xf6: {  	[timem:s3], [sflag:s2] =	dma.local @!p0 [hbm:s0], s1  }
0xf7: {  	s0 =	simm.s32 @!p0 $0x7  }
0xf8: {  	_ =	swait.ge @!p0 [sflag:s0], s1  }
0xf9: {  	s1 =	ssub.s32 @!p0 $0x0, s1;
	[sflag:s0] =	ssyncset.done @!p0 $0x0  }
0xfa: {  	[sflag:s0] =	ssyncadd.s32 @!p0 s1  }
0xfb: {  	[bflag:$0x3] =	sbarrier.arrive $0xFFFF  }
0xfc: {  	_ =	shalt  }

// kernel: kernel.15.cloned.1.call-start
scs
__scs_entry_jumppad:
0x0: {  	(pc) =	sbr.rel $0x88, $3  }
0x1: {  	(tag) =	ssettag $0x0;
	lr =	simm.s32 $0x1  }
0x2: {  	[smem:$0x3F98] =	sst lr;
	_ =	strace $0xD0000000  }
0x3: {  	_ = 	snop  }
0x4: {  	_ = 	snop  }
0x5: {  	_ = 	snop  }
0x6: {  	_ = 	snop  }
0x7: {  	_ = 	snop  }
__scs_overlays_trampoline_lowered:
0x8: {  	[smem:$0x3FA7] =	sst s0  }
0x9: {  	[smem:$0x3FA8] =	sst s1  }
0xa: {  	[smem:$0x3FA9] =	sst s2  }
0xb: {  	[smem:$0x3FAA] =	sst s3  }
0xc: {  	[smem:$0x3FAB] =	sst s4  }
0xd: {  	[smem:$0x3FAC] =	sst s5  }
0xe: {  	[smem:$0x3FAD] =	sst s6  }
0xf: {  	[smem:$0x3FAE] =	sst s7  }
0x10: {  	[smem:$0x3FAF] =	sst s8  }
0x11: {  	[smem:$0x3FB0] =	sst s9;
	s0 =	simm.s32 @!p0 $0x0  }
0x12: {  	s1 =	sld [smem:$0x3F96];
	s0 =	simm.s32 @p0 $0x1  }
0x13: {  	[smem:$0x3FB1] =	sst s0;
	s0 =	simm.s32 @!p1 $0x0  }
0x14: {  	s2 =	sld [smem:$0x3F95];
	s0 =	simm.s32 @p1 $0x1  }
0x15: {  	[smem:$0x3FB2] =	sst s0;
	s0 =	simm.s32 @!p2 $0x0  }
0x16: {  	s3 =	sld [smem:$0x3FDB];
	s0 =	simm.s32 @p2 $0x1  }
0x17: {  	s4 =	simm.s32 $0x1BF5;
	[smem:$0x3FB4] =	sst s0  }
0x18: {  	s0 =	sld [smem:$0x3F97];
	_ =	swait.ge [sflag:s4], $0x0  }
0x19: {  	s7 =	sld [smem:$0x3F98]  }
0x1a: {  	s8 =	sadd.s32 $0xFFFFE003, lr  }
0x1b: {  	s9 =	sadd.s32 $0xFFFFFEF7, lr;
	s5 =	simm.s32 $0xFFFFFFFF;
	p2 =	slt.u32 s8, $0xFFFFF086  }
0x1c: {  	p1 =	slt.u32 s9, $0xF7A;
	s5 =	simm.s32 @!p2 $0x0  }
0x1d: {  	s5 =	simm.s32 @p1 $0x1;
	p0 =	seq.s32 s7, s2  }
0x1e: {  	s7 =	smul.u32 @!p0 $0xF7A, s2;
	p2 =	seq.s32 @!p0 s5, $0x0  }
0x1f: {  	s9 =	smul.u32 $0xF7A, s1;
	s8 =	simm.s32 @!p0 $0x1BF5;
	p2 =	por !p2, p0  }
0x20: {  	[sflag:s8] =	ssyncset.s32 @!p0 $0xFFFFF086;
	s6 =	sadd.s32 @!p0 s3, s7;
	s7 =	simm.s32 @!p0 $0x108  }
0x21: {  	s3 =	sadd.s32 s3, s9;
	s6 =	sadd.s32 @!p0 $0x88, s6;
	s7 =	simm.s32 @p2 $0x1082  }
0x22: {  	[simem:s7], [sflag:s8] =	dma.local @!p0 [hbm:s6], $0xF7A  }
0x23: {  	s9 =	sor.u32 $0xD0000000, s2;
	s6 =	simm.s32 $0x108;
	_ =	swait.ge @!p0 [sflag:s8], $0x0  }
0x24: {  	s3 =	sadd.s32 $0x88, s3;
	s6 =	simm.s32 @!p1 $0x1082;
	[sflag:s4] =	ssyncset.s32 $0xFFFFF086  }
0x25: {  	[simem:s6], [sflag:s4] =	dma.local [hbm:s3], $0xF7A  }
0x26: {  	[smem:$0x3F98] =	sst s1;
	(tag) =	ssettag s2;
	_ =	strace s9  }
0x27: {  	s1 =	sld [smem:$0x3FA8]  }
0x28: {  	s2 =	sld [smem:$0x3FA9]  }
0x29: {  	s4 =	sld [smem:$0x3FAB]  }
0x2a: {  	p0 =	seq.s32 s5, $0x0;
	s5 =	sld [smem:$0x3FAC]  }
0x2b: {  	s6 =	sld [smem:$0x3FAD]  }
0x2c: {  	s7 =	sld [smem:$0x3FAE]  }
0x2d: {  	s3 =	simm.s32 $0x108;
	s8 =	sld [smem:$0x3FAF]  }
0x2e: {  	s3 =	simm.s32 @!p0 $0x1082;
	s9 =	sld [smem:$0x3FB0]  }
0x2f: {  	lr =	sadd.s32 s0, s3;
	s0 =	sld [smem:$0x3FA7]  }
0x30: {  	s3 =	sld [smem:$0x3FAA]  }
0x31: {  	[smem:$0x3FB3] =	sst s10  }
0x32: {  	s10 =	sld [smem:$0x3FB1];
	_ =	sdelay $0x3  }
0x33: {  	p0 =	seq.s32 s10, $0x1;
	s10 =	sld [smem:$0x3FB3];
	_ =	sdelay $0x3  }
0x34: {  	[smem:$0x3FB3] =	sst s10  }
0x35: {  	s10 =	sld [smem:$0x3FB2];
	_ =	sdelay $0x3  }
0x36: {  	p1 =	seq.s32 s10, $0x1;
	s10 =	sld [smem:$0x3FB3];
	_ =	sdelay $0x3  }
0x37: {  	[smem:$0x3FB3] =	sst s10  }
0x38: {  	s10 =	sld [smem:$0x3FB4]  }
0x39: {  	_ = 	snop;
	(pc) =	sbr.ind lr, $3  }
0x3a: {  	_ = 	snop  }
0x3b: {  	_ = 	snop  }
0x3c: {  	p2 =	seq.s32 s10, $0x1;
	s10 =	sld [smem:$0x3FB3]  }
0x3d: {  	_ =	shalt  }
0x3e: {  	_ =	shalt  }
0x3f: {  	_ =	shalt  }
0x40: {  	_ =	shalt  }
0x41: {  	_ =	shalt  }
0x42: {  	_ =	shalt  }
0x43: {  	_ =	shalt  }
0x44: {  	_ =	shalt  }
0x45: {  	_ =	shalt  }
0x46: {  	_ =	shalt  }
0x47: {  	_ =	shalt  }
0x48: {  	_ =	shalt  }
0x49: {  	_ =	shalt  }
0x4a: {  	_ =	shalt  }
0x4b: {  	_ =	shalt  }
0x4c: {  	_ =	shalt  }
0x4d: {  	_ =	shalt  }
0x4e: {  	_ =	shalt  }
0x4f: {  	_ =	shalt  }
0x50: {  	_ =	shalt  }
0x51: {  	_ =	shalt  }
0x52: {  	_ =	shalt  }
0x53: {  	_ =	shalt  }
0x54: {  	_ =	shalt  }
0x55: {  	_ =	shalt  }
0x56: {  	_ =	shalt  }
0x57: {  	_ =	shalt  }
0x58: {  	_ =	shalt  }
0x59: {  	_ =	shalt  }
0x5a: {  	_ =	shalt  }
0x5b: {  	_ =	shalt  }
0x5c: {  	_ =	shalt  }
0x5d: {  	_ =	shalt  }
0x5e: {  	_ =	shalt  }
0x5f: {  	_ =	shalt  }
0x60: {  	_ =	shalt  }
0x61: {  	_ =	shalt  }
0x62: {  	_ =	shalt  }
0x63: {  	_ =	shalt  }
0x64: {  	_ =	shalt  }
0x65: {  	_ =	shalt  }
0x66: {  	_ =	shalt  }
0x67: {  	_ =	shalt  }
0x68: {  	_ =	shalt  }
0x69: {  	_ =	shalt  }
0x6a: {  	_ =	shalt  }
0x6b: {  	_ =	shalt  }
0x6c: {  	_ =	shalt  }
0x6d: {  	_ =	shalt  }
0x6e: {  	_ =	shalt  }
0x6f: {  	_ =	shalt  }
0x70: {  	_ =	shalt  }
0x71: {  	_ =	shalt  }
0x72: {  	_ =	shalt  }
0x73: {  	_ =	shalt  }
0x74: {  	_ =	shalt  }
0x75: {  	_ =	shalt  }
0x76: {  	_ =	shalt  }
0x77: {  	_ =	shalt  }
0x78: {  	_ =	shalt  }
0x79: {  	_ =	shalt  }
0x7a: {  	_ =	shalt  }
0x7b: {  	_ =	shalt  }
0x7c: {  	_ =	shalt  }
0x7d: {  	_ =	shalt  }
0x7e: {  	_ =	shalt  }
0x7f: {  	_ =	shalt  }
0x80: {  	_ =	shalt  }
0x81: {  	_ =	shalt  }
0x82: {  	_ =	shalt  }
0x83: {  	_ =	shalt  }
0x84: {  	_ =	shalt  }
0x85: {  	_ =	shalt  }
0x86: {  	_ =	shalt  }
0x87: {  	_ =	shalt  }
.Lfunc_end0:
.L_simem_size_0:
called_computation.2_lowered:
.L_overlay_start_0:
0x88: {  	s2 =	sld [smem:$0x3FD9]  }
0x89: {  	s3 =	sld [smem:$0x3FFE];
	_ =	sdelay $0x1  }
0x8a: {  	s1 =	srdreg.scid  }
0x8b: {  	s0 =	sand.u32 $0x1, s1  }
0x8c: {  	s16 =	sshll.u32 s0, $0xA;
	s2 =	sadd.s32 s3, s2  }
0x8d: {  	s2 =	sadd.s32 s2, s16  }
0x8e: {  	[smem:$0x3FBF] =	sst s2  }
0x8f: {  	_ = 	snop  }
0x90: {  	(tm) =	ssettm $0x1  }
0x91: {  	s17 =	sld [smem:$0x3FFB];
	_ =	sdelay $0x3  }
0x92: {  	_ =	strace s17  }
0x93: {  	s2 =	sld [smem:$0x3FFC];
	_ =	sdelay $0x3  }
0x94: {  	_ =	strace s2  }
0x95: {  	s2 =	sld [smem:$0x3FFD];
	_ =	sdelay $0x3  }
0x96: {  	_ =	strace s2  }
0x97: {  	_ =	strace $0x8FFFFFFF  }
0x98: {  	s18 =	sld [smem:$0x3FDB];
	_ =	sdelay $0x1  }
0x99: {  	s19 =	simm.s32 $_scs_section_size  }
0x9a: {  	s4 =	simm.s32 $_size__tile_overlayer_lowered;
	s5 =	simm.s32 $_tile_overlayer_lowered  }
0x9b: {  	s22 =	simm.s32 $0x1BFF;
	s21 =	sshll.u32 s5, $0x1;
	s2 =	sadd.s32 s19, s18  }
0x9c: {  	s6 =	simm.s32 $0x0;
	s20 =	sshll.u32 s4, $0x1;
	s4 =	sadd.s32 s21, s2  }
0x9d: {  	[timem:s6], [sflag:s22] =	dma.local [hbm:s4], s20  }
0x9e: {  	_ =	swait.ge [sflag:s22], s20  }
0x9f: {  	s3 =	ssub.s32 $0x0, s20;
	[sflag:s22] =	ssyncset.done $0x0  }
0xa0: {  	[sflag:s22] =	ssyncadd.s32 s3;
	_ =	sdelay $0x1  }
0xa1: {  	s23 =	simm.s32 $0x1B8B  }
0xa2: {  	_ =	swait.ge [sflag:s23], $0x1  }
0xa3: {  	[sflag:s23] =	ssyncset.done $0x0  }
0xa4: {  	s25 =	simm.s32 $0x1B8E;
	s24 =	sld [smem:$0x3FFE];
	[sflag:s23] =	ssyncadd.s32 $0xFFFFFFFF  }
0xa5: {  	s26 =	simm.s32 $execute0_lowered;
	[smem:$0x3FD2] =	sst s25  }
0xa6: {  	s4 =	sshll.u32 s26, $0x1;
	_ =	strace $0x8000004C;
	[dreg:$0x1] =	wrdreg $0xFFFFFFFF  }
0xa7: {  	s28 =	simm.s32 $_size_execute0_lowered;
	s2 =	sadd.s32 s2, s4;
	[dreg:$0x0] =	wrdreg $0x0  }
0xa8: {  	s4 =	sshll.u32 s28, $0x1;
	[dreg:$0x2] =	wrdreg s2  }
0xa9: {  	[dreg:$0x3] =	wrdreg s4  }
0xaa: {  	[dreg:$0x4] =	wrdreg $0xC0  }
0xab: {  	_ =	task [dreg:s6], $0x5FFFF  }
0xac: {  	[dreg:$0x1] =	wrdreg $0xFFFFFFFF  }
0xad: {  	[dreg:$0x0] =	wrdreg $0x60  }
0xae: {  	[dreg:$0x2] =	wrdreg s24  }
0xaf: {  	[dreg:$0x3] =	wrdreg $0x84000  }
0xb0: {  	[dreg:$0x4] =	wrdreg $0x9  }
0xb1: {  	_ =	task.clear_ibuf [dreg:s6], $0x5FFFF;
	_ =	strace $0x9000004C  }
0xb2: {  	s29 =	simm.s32 $0x9;
	_ =	strace $0x8000004E  }
0xb3: {  	_ =	swait.ge [sflag:s29], $0x1  }
0xb4: {  	[sflag:s29] =	ssyncadd.s32 $0xFFFFFFFF  }
0xb5: {  	_ =	strace $0x9000004E  }
0xb6: {  	_ =	sfence  }
0xb7: {  	s30 =	sld [smem:$0x0];
	_ =	sdelay $0x2  }
0xb8: {  	s31 =	sshll.u32 s1, $0xD;
	s1 =	sshrl.u32 s1, $0x2  }
0xb9: {  	s3 =	sand.u32 $0x4000, s31;
	s1 =	sadd.s32 s1, s30  }
0xba: {  	s0 =	sor.u32 s3, s0;
	s1 =	sshll.u32 s1, $0x11  }
0xbb: {  	s0 =	sor.u32 s1, s0  }
0xbc: {  	s0 =	sadd.s32 $0x8F2B, s0  }
0xbd: {  	[sflag:s0] =	ssyncadd.remote.s32 $0x1  }
0xbe: {  	_ =	sfence.sel $0xFFFF  }
0xbf: {  	[dreg:$0x0] =	wrdreg $0xFFFFFFFF;
	(pc) =	sbr.abs _section_cstart, $3  }
0xc0: {  	[dreg:$0x1] =	wrdreg $0xFFFFFFFF  }
0xc1: {  	_ =	task.clear_ibuf [dreg:s6], $0x2FFFF;
	_ =	strace $0x9FFFFFFF  }
0xc2: {  	(tm) =	ssettm $0x7FFFFFFF  }
0xc3: {  	_ =	shalt  }
tec
execute0_lowered:
.L_overlay_start_1:
0x0: {  	(tag) =	ssettag $0x1  }
0x1: {  	s0 =	rddreg [dreg:$0x0]  }
0x2: {  	s2 =	rddreg [dreg:$0x1]  }
0x3: {  	s12 =	stileid.u32;
	s1 =	srdreg.scid;
	s3 =	simm.s32 $0x0  }
0x4: {  	s13 =	simm.s32 $0x1;
	s14 =	simm.s32 $0x2;
	s15 =	simm.s32 $0x80  }
0x5: {  	s16 =	simm.s32 $0x5400;
	s17 =	simm.s32 $0x5C00;
	s19 =	simm.s32 $0x6400  }
0x6: {  	s21 =	simm.s32 $0x6C00;
	s23 =	simm.s32 $0x7400;
	s28 =	simm.s32 $0x4  }
0x7: {  	s29 =	simm.s32 $0x5;
	s30 =	simm.s32 $0x6;
	s22 =	simm.s32 $0x5380  }
0x8: {  	s31 =	simm.s32 $0x0;
	s1 =	sand.u32 $0x1, s1;
	s4 =	sshll.u32 s12, $0x1  }
0x9: {  	[smem:$0x7FF] =	sst s3;
	s7 =	smul.u32 $0x2780, s12;
	s25 =	sshll.u32 s12, $0x6  }
0xa: {  	s12 =	simm.s32 $0x7;
	s4 =	sor.u32 s1, s4;
	s6 =	smul.u32 $0x4F00, s1  }
0xb: {  	_ =	strace $0x8000004D;
	s1 =	ssub.s32 $0x2, s1;
	s5 =	smul.u32 $0x540, s4  }
0xc: {  	s10 =	sshrl.u32 s7, $0x3;
	s4 =	sadd.s32 $0x1A00, s0;
	s9 =	sshrl.u32 s1, $0x1  }
0xd: {  	s26 =	sadd.s32 s7, s2;
	s8 =	sadd.s32 s10, s0;
	s1 =	ssub.s32 s1, s9  }
0xe: {  	s11 =	sadd.s32 s5, s0;
	s0 =	sadd.s32 s6, s0;
	s7 =	sadd.s32 $0x6A00, s8  }
0xf: {  	s8 =	sor.u32 $0x1C07, s25;
	s9 =	smax.u32 s1, $0x1;
	s25 =	simm.s32 $0x7C00  }
0x10: {  	s5 =	sadd.s32 $0x33A00, s11;
	s6 =	sadd.s32 $0x29200, s11;
	s0 =	sadd.s32 $0xBA00, s0  }
0x11: {  	s11 =	sshrl.u32 s26, $0x3;
	s26 =	simm.s32 $0x3;
	s24 =	sadd.s32 s10, s0  }
.LBB2_1:
0x12: {  	[tilespmem:s3], [sflag:$0x1] =	stream.linear.gather [hbm4b:s5+s3], $0x2A00, $0x38;
	[tilespmem:$0xAB80] =	vst v63  }
0x13: {  	s0 =	simm.s32 $0x2A00  }
0x14: {  	[tilespmem:s0], [sflag:$0x2] =	stream.linear.gather [hbm4b:s6+s3], $0x2A00, $0x38;
	[tilespmem:$0xAB80] =	vst v63  }
0x15: {  	[spmem:s11], [sflag:s8] =	dma.local [hbm:s7], $0x4F0  }
0x16: {  	_ =	swait.ge [sflag:s12], $0x4F0  }
0x17: {  	[sflag:s12] =	ssyncset.done $0x0  }
0x18: {  	[sflag:s12] =	ssyncadd.s32 $0xFFFFFB10  }
0x19: {  	_ =	swait.ge [sflag:s13], $0x2A00  }
0x1a: {  	[sflag:s13] =	ssyncset.done $0x0  }
0x1b: {  	[sflag:s13] =	ssyncadd.s32 $0xFFFFD600  }
0x1c: {  	_ =	swait.ge [sflag:s14], $0x2A00  }
0x1d: {  	[sflag:s14] =	ssyncset.done $0x0  }
0x1e: {  	[sflag:s14] =	ssyncadd.s32 $0xFFFFD600  }
0x1f: {  	[bflag:$0x0] =	sbarrier.arrive $0xFFFF  }
0x20: {  	[tilespmem:s16], [sflag:$0x1] =	stream.indirect.gather [hbm4b:s4+s15], $0x10, s3, s15, $0xb8;
	[tilespmem:$0xAB80] =	vst v63  }
0x21: {  	_ = 	snop  }
0x22: {  	[tilespmem:s17], [sflag:$0x2] =	stream.indirect.gather [hbm4b:s4+s15], $0x10, s15, s15, $0xb8;
	[tilespmem:$0xAB80] =	vst v63  }
0x23: {  	s10 =	simm.s32 $0x100  }
0x24: {  	[tilespmem:s19], [sflag:$0x3] =	stream.indirect.gather [hbm4b:s4+s15], $0x10, s10, s15, $0xb8;
	[tilespmem:$0xAB80] =	vst v63  }
0x25: {  	s18 =	simm.s32 $0x180  }
0x26: {  	[tilespmem:s21], [sflag:$0x4] =	stream.indirect.gather [hbm4b:s4+s15], $0x10, s18, s15, $0xb8;
	[tilespmem:$0xAB80] =	vst v63  }
0x27: {  	s20 =	simm.s32 $0x200  }
0x28: {  	[tilespmem:s23], [sflag:$0x5] =	stream.indirect.gather [hbm4b:s4+s15], $0x10, s20, s15, $0xb8;
	[tilespmem:$0xAB80] =	vst v63  }
0x29: {  	s1 =	simm.s32 $0x280  }
0x2a: {  	[tilespmem:s25], [sflag:$0x6] =	stream.indirect.gather [hbm4b:s4+s15], $0x10, s1, s15, $0xb8;
	[tilespmem:$0xAB80] =	vst v63  }
0x2b: {  	_ =	swait.ge [sflag:s13], $0x800  }
0x2c: {  	[sflag:s13] =	ssyncset.done $0x0  }
0x2d: {  	s10 =	simm.s32 $0x2A00;
	[sflag:s13] =	ssyncadd.s32 $0xFFFFF800  }
0x2e: {  	[spmem:s2] =	stream.indirect.scatter.add.f32 [tilespmem:s16], [sflag:$0x7], $0x10, s10, s15, $0xb8;
	[tilespmem:$0xAB80] =	vst v63  }
0x2f: {  	_ =	swait.ge [sflag:s12], $0x800  }
0x30: {  	[sflag:s12] =	ssyncset.done $0x0  }
0x31: {  	s18 =	simm.s32 $0x300;
	[sflag:s12] =	ssyncadd.s32 $0xFFFFF800  }
0x32: {  	[tilespmem:s16], [sflag:$0x1] =	stream.indirect.gather [hbm4b:s4+s15], $0x10, s18, s15, $0xb8;
	[tilespmem:$0xAB80] =	vst v63  }
0x33: {  	_ =	swait.ge [sflag:s14], $0x800  }
0x34: {  	[sflag:s14] =	ssyncset.done $0x0  }
0x35: {  	s20 =	simm.s32 $0x2A80;
	[sflag:s14] =	ssyncadd.s32 $0xFFFFF800  }
0x36: {  	[spmem:s2] =	stream.indirect.scatter.add.f32 [tilespmem:s17], [sflag:$0x7], $0x10, s20, s15, $0xb8;
	[tilespmem:$0xAB80] =	vst v63  }
0x37: {  	_ =	swait.ge [sflag:s12], $0x800  }
0x38: {  	[sflag:s12] =	ssyncset.done $0x0  }
0x39: {  	s1 =	simm.s32 $0x380;
	[sflag:s12] =	ssyncadd.s32 $0xFFFFF800  }
0x3a: {  	[tilespmem:s17], [sflag:$0x2] =	stream.indirect.gather [hbm4b:s4+s15], $0x10, s1, s15, $0xb8;
	[tilespmem:$0xAB80] =	vst v63  }
0x3b: {  	_ =	swait.ge [sflag:s26], $0x800  }
0x3c: {  	[sflag:s26] =	ssyncset.done $0x0  }
0x3d: {  	s10 =	simm.s32 $0x2B00;
	[sflag:s26] =	ssyncadd.s32 $0xFFFFF800  }
0x3e: {  	[spmem:s2] =	stream.indirect.scatter.add.f32 [tilespmem:s19], [sflag:$0x7], $0x10, s10, s15, $0xb8;
	[tilespmem:$0xAB80] =	vst v63  }
0x3f: {  	_ =	swait.ge [sflag:s12], $0x800  }
0x40: {  	[sflag:s12] =	ssyncset.done $0x0  }
0x41: {  	s18 =	simm.s32 $0x400;
	[sflag:s12] =	ssyncadd.s32 $0xFFFFF800  }
0x42: {  	[tilespmem:s19], [sflag:$0x3] =	stream.indirect.gather [hbm4b:s4+s15], $0x10, s18, s15, $0xb8;
	[tilespmem:$0xAB80] =	vst v63  }
0x43: {  	_ =	swait.ge [sflag:s28], $0x800  }
0x44: {  	[sflag:s28] =	ssyncset.done $0x0  }
0x45: {  	s20 =	simm.s32 $0x2B80;
	[sflag:s28] =	ssyncadd.s32 $0xFFFFF800  }
0x46: {  	[spmem:s2] =	stream.indirect.scatter.add.f32 [tilespmem:s21], [sflag:$0x7], $0x10, s20, s15, $0xb8;
	[tilespmem:$0xAB80] =	vst v63  }
0x47: {  	_ =	swait.ge [sflag:s12], $0x800  }
0x48: {  	[sflag:s12] =	ssyncset.done $0x0  }
0x49: {  	s1 =	simm.s32 $0x480;
	[sflag:s12] =	ssyncadd.s32 $0xFFFFF800  }
0x4a: {  	[tilespmem:s21], [sflag:$0x4] =	stream.indirect.gather [hbm4b:s4+s15], $0x10, s1, s15, $0xb8;
	[tilespmem:$0xAB80] =	vst v63  }
0x4b: {  	_ =	swait.ge [sflag:s29], $0x800  }
0x4c: {  	[sflag:s29] =	ssyncset.done $0x0  }
0x4d: {  	s10 =	simm.s32 $0x2C00;
	[sflag:s29] =	ssyncadd.s32 $0xFFFFF800  }
0x4e: {  	[spmem:s2] =	stream.indirect.scatter.add.f32 [tilespmem:s23], [sflag:$0x7], $0x10, s10, s15, $0xb8;
	[tilespmem:$0xAB80] =	vst v63  }
0x4f: {  	_ =	swait.ge [sflag:s12], $0x800  }
0x50: {  	[sflag:s12] =	ssyncset.done $0x0  }
0x51: {  	s18 =	simm.s32 $0x500;
	[sflag:s12] =	ssyncadd.s32 $0xFFFFF800  }
0x52: {  	[tilespmem:s23], [sflag:$0x5] =	stream.indirect.gather [hbm4b:s4+s15], $0x10, s18, s15, $0xb8;
	[tilespmem:$0xAB80] =	vst v63  }
0x53: {  	_ =	swait.ge [sflag:s30], $0x800  }
0x54: {  	[sflag:s30] =	ssyncset.done $0x0  }
0x55: {  	s20 =	simm.s32 $0x2C80;
	[sflag:s30] =	ssyncadd.s32 $0xFFFFF800  }
0x56: {  	[spmem:s2] =	stream.indirect.scatter.add.f32 [tilespmem:s25], [sflag:$0x7], $0x10, s20, s15, $0xb8;
	[tilespmem:$0xAB80] =	vst v63  }
0x57: {  	_ =	swait.ge [sflag:s12], $0x800  }
0x58: {  	s0 =	simm.s32 $0x300;
	s1 =	simm.s32 $0x1800;
	[sflag:s12] =	ssyncset.done $0x0  }
.LBB2_2:
0x59: {  	s20 =	sadd.s32 $0x280, s0  }
0x5a: {  	[sflag:s12] =	ssyncadd.s32 $0xFFFFF800;
	s10 =	smov.u32 s1;
	s18 =	sadd.s32 $0xC00, s1  }
0x5b: {  	[tilespmem:s25], [sflag:$0x6] =	stream.indirect.gather [hbm4b:s4+s15], $0x10, s20, s15, $0xb8;
	[tilespmem:$0xAB80] =	vst v63  }
0x5c: {  	p0 =	sne.s32 s1, $0x9000;
	_ =	swait.ge [sflag:s13], $0x800  }
0x5d: {  	[sflag:s13] =	ssyncset.done $0x0  }
0x5e: {  	s1 =	sadd.s32 $0x2A00, s0;
	[sflag:s13] =	ssyncadd.s32 $0xFFFFF800  }
0x5f: {  	[spmem:s2] =	stream.indirect.scatter.add.f32 [tilespmem:s16], [sflag:$0x7], $0x10, s1, s15, $0xb8;
	[tilespmem:$0xAB80] =	vst v63  }
0x60: {  	_ =	swait.ge [sflag:s12], $0x800  }
0x61: {  	[sflag:s12] =	ssyncset.done $0x0  }
0x62: {  	s1 =	sadd.s32 $0x300, s0;
	[sflag:s12] =	ssyncadd.s32 $0xFFFFF800  }
0x63: {  	[tilespmem:s16], [sflag:$0x1] =	stream.indirect.gather [hbm4b:s4+s15], $0x10, s1, s15, $0xb8;
	[tilespmem:$0xAB80] =	vst v63  }
0x64: {  	_ =	swait.ge [sflag:s14], $0x800  }
0x65: {  	[sflag:s14] =	ssyncset.done $0x0  }
0x66: {  	s1 =	sadd.s32 $0x2A80, s0;
	[sflag:s14] =	ssyncadd.s32 $0xFFFFF800  }
0x67: {  	[spmem:s2] =	stream.indirect.scatter.add.f32 [tilespmem:s17], [sflag:$0x7], $0x10, s1, s15, $0xb8;
	[tilespmem:$0xAB80] =	vst v63  }
0x68: {  	_ =	swait.ge [sflag:s12], $0x800  }
0x69: {  	[sflag:s12] =	ssyncset.done $0x0  }
0x6a: {  	s1 =	sadd.s32 $0x380, s0;
	[sflag:s12] =	ssyncadd.s32 $0xFFFFF800  }
0x6b: {  	[tilespmem:s17], [sflag:$0x2] =	stream.indirect.gather [hbm4b:s4+s15], $0x10, s1, s15, $0xb8;
	[tilespmem:$0xAB80] =	vst v63  }
0x6c: {  	_ =	swait.ge [sflag:s26], $0x800  }
0x6d: {  	[sflag:s26] =	ssyncset.done $0x0  }
0x6e: {  	s1 =	sadd.s32 $0x2B00, s0;
	[sflag:s26] =	ssyncadd.s32 $0xFFFFF800  }
0x6f: {  	[spmem:s2] =	stream.indirect.scatter.add.f32 [tilespmem:s19], [sflag:$0x7], $0x10, s1, s15, $0xb8;
	[tilespmem:$0xAB80] =	vst v63  }
0x70: {  	_ =	swait.ge [sflag:s12], $0x800  }
0x71: {  	[sflag:s12] =	ssyncset.done $0x0  }
0x72: {  	s1 =	sadd.s32 $0x400, s0;
	[sflag:s12] =	ssyncadd.s32 $0xFFFFF800  }
0x73: {  	[tilespmem:s19], [sflag:$0x3] =	stream.indirect.gather [hbm4b:s4+s15], $0x10, s1, s15, $0xb8;
	[tilespmem:$0xAB80] =	vst v63  }
0x74: {  	_ =	swait.ge [sflag:s28], $0x800  }
0x75: {  	[sflag:s28] =	ssyncset.done $0x0  }
0x76: {  	s1 =	sadd.s32 $0x2B80, s0;
	[sflag:s28] =	ssyncadd.s32 $0xFFFFF800  }
0x77: {  	[spmem:s2] =	stream.indirect.scatter.add.f32 [tilespmem:s21], [sflag:$0x7], $0x10, s1, s15, $0xb8;
	[tilespmem:$0xAB80] =	vst v63  }
0x78: {  	_ =	swait.ge [sflag:s12], $0x800  }
0x79: {  	[sflag:s12] =	ssyncset.done $0x0  }
0x7a: {  	s1 =	sadd.s32 $0x480, s0;
	[sflag:s12] =	ssyncadd.s32 $0xFFFFF800  }
0x7b: {  	[tilespmem:s21], [sflag:$0x4] =	stream.indirect.gather [hbm4b:s4+s15], $0x10, s1, s15, $0xb8;
	[tilespmem:$0xAB80] =	vst v63  }
0x7c: {  	_ =	swait.ge [sflag:s29], $0x800  }
0x7d: {  	[sflag:s29] =	ssyncset.done $0x0  }
0x7e: {  	s1 =	sadd.s32 $0x2C00, s0;
	[sflag:s29] =	ssyncadd.s32 $0xFFFFF800  }
0x7f: {  	[spmem:s2] =	stream.indirect.scatter.add.f32 [tilespmem:s23], [sflag:$0x7], $0x10, s1, s15, $0xb8;
	[tilespmem:$0xAB80] =	vst v63  }
0x80: {  	_ =	swait.ge [sflag:s12], $0x800  }
0x81: {  	[sflag:s12] =	ssyncset.done $0x0  }
0x82: {  	s1 =	sadd.s32 $0x500, s0;
	[sflag:s12] =	ssyncadd.s32 $0xFFFFF800  }
0x83: {  	[tilespmem:s23], [sflag:$0x5] =	stream.indirect.gather [hbm4b:s4+s15], $0x10, s1, s15, $0xb8;
	[tilespmem:$0xAB80] =	vst v63  }
0x84: {  	_ =	swait.ge [sflag:s30], $0x800  }
.Ltmp0:
0x85: {  	[sflag:s30] =	ssyncset.done $0x0;
	(pc) =	sbr.rel @p0 .LBB2_2-.Ltmp0, $4  }
0x86: {  	s0 =	sadd.s32 $0x2C80, s0;
	[sflag:s30] =	ssyncadd.s32 $0xFFFFF800  }
0x87: {  	[spmem:s2] =	stream.indirect.scatter.add.f32 [tilespmem:s25], [sflag:$0x7], $0x10, s0, s15, $0xb8;
	[tilespmem:$0xAB80] =	vst v63  }
0x88: {  	_ =	swait.ge [sflag:s12], $0x800  }
0x89: {  	s1 =	smov.u32 s18;
	s0 =	sshra.s32 s10, $0x2;
	[sflag:s12] =	ssyncset.done $0x0  }
0x8a: {  	s1 =	sadd.s32 $0x280, s0;
	[sflag:s12] =	ssyncadd.s32 $0xFFFFF800  }
0x8b: {  	[tilespmem:s25], [sflag:$0x6] =	stream.indirect.gather [hbm4b:s4+s15], $0x10, s1, s15, $0xb8;
	[tilespmem:$0xAB80] =	vst v63  }
0x8c: {  	_ =	swait.ge [sflag:s13], $0x800  }
0x8d: {  	[sflag:s13] =	ssyncset.done $0x0  }
0x8e: {  	s20 =	sadd.s32 $0x2A00, s0;
	[sflag:s13] =	ssyncadd.s32 $0xFFFFF800  }
0x8f: {  	[spmem:s2] =	stream.indirect.scatter.add.f32 [tilespmem:s16], [sflag:$0x7], $0x10, s20, s15, $0xb8;
	[tilespmem:$0xAB80] =	vst v63  }
0x90: {  	_ =	swait.ge [sflag:s12], $0x800  }
0x91: {  	[sflag:s12] =	ssyncset.done $0x0  }
0x92: {  	s10 =	sadd.s32 $0x300, s0;
	[sflag:s12] =	ssyncadd.s32 $0xFFFFF800  }
0x93: {  	[tilespmem:s16], [sflag:$0x1] =	stream.indirect.gather [hbm4b:s4+s15], $0x10, s10, s15, $0xb8;
	[tilespmem:$0xAB80] =	vst v63  }
0x94: {  	_ =	swait.ge [sflag:s14], $0x800  }
0x95: {  	[sflag:s14] =	ssyncset.done $0x0  }
0x96: {  	s18 =	sadd.s32 $0x2A80, s0;
	[sflag:s14] =	ssyncadd.s32 $0xFFFFF800  }
0x97: {  	[spmem:s2] =	stream.indirect.scatter.add.f32 [tilespmem:s17], [sflag:$0x7], $0x10, s18, s15, $0xb8;
	[tilespmem:$0xAB80] =	vst v63  }
0x98: {  	_ =	swait.ge [sflag:s12], $0x800  }
0x99: {  	[sflag:s12] =	ssyncset.done $0x0  }
0x9a: {  	s20 =	sadd.s32 $0x380, s0;
	[sflag:s12] =	ssyncadd.s32 $0xFFFFF800  }
0x9b: {  	[tilespmem:s17], [sflag:$0x2] =	stream.indirect.gather [hbm4b:s4+s15], $0x10, s20, s15, $0xb8;
	[tilespmem:$0xAB80] =	vst v63  }
0x9c: {  	_ =	swait.ge [sflag:s26], $0x800  }
0x9d: {  	[sflag:s26] =	ssyncset.done $0x0  }
0x9e: {  	s10 =	sadd.s32 $0x2B00, s0;
	[sflag:s26] =	ssyncadd.s32 $0xFFFFF800  }
0x9f: {  	[spmem:s2] =	stream.indirect.scatter.add.f32 [tilespmem:s19], [sflag:$0x7], $0x10, s10, s15, $0xb8;
	[tilespmem:$0xAB80] =	vst v63  }
0xa0: {  	_ =	swait.ge [sflag:s12], $0x800  }
0xa1: {  	[sflag:s12] =	ssyncset.done $0x0  }
0xa2: {  	s18 =	sadd.s32 $0x400, s0;
	[sflag:s12] =	ssyncadd.s32 $0xFFFFF800  }
0xa3: {  	[tilespmem:s19], [sflag:$0x3] =	stream.indirect.gather [hbm4b:s4+s15], $0x10, s18, s15, $0xb8;
	[tilespmem:$0xAB80] =	vst v63  }
0xa4: {  	_ =	swait.ge [sflag:s28], $0x800  }
0xa5: {  	[sflag:s28] =	ssyncset.done $0x0  }
0xa6: {  	s20 =	sadd.s32 $0x2B80, s0;
	[sflag:s28] =	ssyncadd.s32 $0xFFFFF800  }
0xa7: {  	[spmem:s2] =	stream.indirect.scatter.add.f32 [tilespmem:s21], [sflag:$0x7], $0x10, s20, s15, $0xb8;
	[tilespmem:$0xAB80] =	vst v63  }
0xa8: {  	_ =	swait.ge [sflag:s12], $0x800  }
0xa9: {  	[sflag:s12] =	ssyncset.done $0x0  }
0xaa: {  	s10 =	sadd.s32 $0x480, s0;
	[sflag:s12] =	ssyncadd.s32 $0xFFFFF800  }
0xab: {  	[tilespmem:s21], [sflag:$0x4] =	stream.indirect.gather [hbm4b:s4+s15], $0x10, s10, s15, $0xb8;
	[tilespmem:$0xAB80] =	vst v63  }
0xac: {  	_ =	swait.ge [sflag:s29], $0x800  }
0xad: {  	[sflag:s29] =	ssyncset.done $0x0  }
0xae: {  	s18 =	sadd.s32 $0x2C00, s0;
	[sflag:s29] =	ssyncadd.s32 $0xFFFFF800  }
0xaf: {  	[spmem:s2] =	stream.indirect.scatter.add.f32 [tilespmem:s23], [sflag:$0x7], $0x10, s18, s15, $0xb8;
	[tilespmem:$0xAB80] =	vst v63  }
0xb0: {  	_ =	swait.ge [sflag:s12], $0x800  }
0xb1: {  	[sflag:s12] =	ssyncset.done $0x0  }
0xb2: {  	s20 =	sadd.s32 $0x500, s0;
	[sflag:s12] =	ssyncadd.s32 $0xFFFFF800  }
0xb3: {  	[tilespmem:s23], [sflag:$0x5] =	stream.indirect.gather [hbm4b:s4+s15], $0x10, s20, s15, $0xb8;
	[tilespmem:$0xAB80] =	vst v63  }
0xb4: {  	_ =	swait.ge [sflag:s30], $0x800  }
0xb5: {  	[sflag:s30] =	ssyncset.done $0x0  }
0xb6: {  	s10 =	sadd.s32 $0x2C80, s0;
	[sflag:s30] =	ssyncadd.s32 $0xFFFFF800  }
0xb7: {  	[spmem:s2] =	stream.indirect.scatter.add.f32 [tilespmem:s25], [sflag:$0x7], $0x10, s10, s15, $0xb8;
	[tilespmem:$0xAB80] =	vst v63  }
0xb8: {  	_ =	swait.ge [sflag:s12], $0x800  }
0xb9: {  	[sflag:s12] =	ssyncset.done $0x0  }
0xba: {  	s18 =	simm.s32 $0x2980;
	[sflag:s12] =	ssyncadd.s32 $0xFFFFF800  }
0xbb: {  	[tilespmem:s25], [sflag:$0x6] =	stream.indirect.gather [hbm4b:s4+s15], $0x10, s18, s15, $0xb8;
	[tilespmem:$0xAB80] =	vst v63  }
0xbc: {  	_ =	swait.ge [sflag:s13], $0x800  }
0xbd: {  	[sflag:s13] =	ssyncset.done $0x0  }
0xbe: {  	s20 =	simm.s32 $0x5100;
	[sflag:s13] =	ssyncadd.s32 $0xFFFFF800  }
0xbf: {  	[spmem:s2] =	stream.indirect.scatter.add.f32 [tilespmem:s16], [sflag:$0x7], $0x10, s20, s15, $0xb8;
	[tilespmem:$0xAB80] =	vst v63  }
0xc0: {  	_ =	swait.ge [sflag:s12], $0x800  }
0xc1: {  	[sflag:s12] =	ssyncset.done $0x0  }
0xc2: {  	[sflag:s12] =	ssyncadd.s32 $0xFFFFF800  }
0xc3: {  	_ =	swait.ge [sflag:s14], $0x800  }
0xc4: {  	[sflag:s14] =	ssyncset.done $0x0  }
0xc5: {  	s1 =	simm.s32 $0x5180;
	[sflag:s14] =	ssyncadd.s32 $0xFFFFF800  }
0xc6: {  	[spmem:s2] =	stream.indirect.scatter.add.f32 [tilespmem:s17], [sflag:$0x7], $0x10, s1, s15, $0xb8;
	[tilespmem:$0xAB80] =	vst v63  }
0xc7: {  	_ =	swait.ge [sflag:s12], $0x800  }
0xc8: {  	[sflag:s12] =	ssyncset.done $0x0  }
0xc9: {  	[sflag:s12] =	ssyncadd.s32 $0xFFFFF800  }
0xca: {  	_ =	swait.ge [sflag:s26], $0x800  }
0xcb: {  	[sflag:s26] =	ssyncset.done $0x0  }
0xcc: {  	s10 =	simm.s32 $0x5200;
	[sflag:s26] =	ssyncadd.s32 $0xFFFFF800  }
0xcd: {  	[spmem:s2] =	stream.indirect.scatter.add.f32 [tilespmem:s19], [sflag:$0x7], $0x10, s10, s15, $0xb8;
	[tilespmem:$0xAB80] =	vst v63  }
0xce: {  	_ =	swait.ge [sflag:s12], $0x800  }
0xcf: {  	[sflag:s12] =	ssyncset.done $0x0  }
0xd0: {  	[sflag:s12] =	ssyncadd.s32 $0xFFFFF800  }
0xd1: {  	_ =	swait.ge [sflag:s28], $0x800  }
0xd2: {  	[sflag:s28] =	ssyncset.done $0x0  }
0xd3: {  	s18 =	simm.s32 $0x5280;
	[sflag:s28] =	ssyncadd.s32 $0xFFFFF800  }
0xd4: {  	[spmem:s2] =	stream.indirect.scatter.add.f32 [tilespmem:s21], [sflag:$0x7], $0x10, s18, s15, $0xb8;
	[tilespmem:$0xAB80] =	vst v63  }
0xd5: {  	_ =	swait.ge [sflag:s12], $0x800  }
0xd6: {  	[sflag:s12] =	ssyncset.done $0x0  }
0xd7: {  	[sflag:s12] =	ssyncadd.s32 $0xFFFFF800  }
0xd8: {  	_ =	swait.ge [sflag:s29], $0x800  }
0xd9: {  	[sflag:s29] =	ssyncset.done $0x0  }
0xda: {  	s20 =	simm.s32 $0x5300;
	[sflag:s29] =	ssyncadd.s32 $0xFFFFF800  }
0xdb: {  	[spmem:s2] =	stream.indirect.scatter.add.f32 [tilespmem:s23], [sflag:$0x7], $0x10, s20, s15, $0xb8;
	[tilespmem:$0xAB80] =	vst v63  }
0xdc: {  	_ =	swait.ge [sflag:s12], $0x800  }
0xdd: {  	[sflag:s12] =	ssyncset.done $0x0  }
0xde: {  	[sflag:s12] =	ssyncadd.s32 $0xFFFFF800  }
0xdf: {  	_ =	swait.ge [sflag:s30], $0x800  }
0xe0: {  	[sflag:s30] =	ssyncset.done $0x0  }
0xe1: {  	[sflag:s30] =	ssyncadd.s32 $0xFFFFF800  }
0xe2: {  	[spmem:s2] =	stream.indirect.scatter.add.f32 [tilespmem:s25], [sflag:$0x7], $0x10, s22, s15, $0xb8;
	[tilespmem:$0xAB80] =	vst v63  }
0xe3: {  	_ =	swait.ge [sflag:s12], $0x800  }
0xe4: {  	s31 =	sadd.s32 $0x1, s31;
	[sflag:s12] =	ssyncset.done $0x0  }
0xe5: {  	p0 =	sne.s32 s31, s9;
	[sflag:s12] =	ssyncadd.s32 $0xFFFFF800  }
.Ltmp1:
0xe6: {  	[bflag:$0x0] =	sbarrier.arrive $0xFFFF;
	(pc) =	sbr.rel @p0 .LBB2_1-.Ltmp1, $4  }
0xe7: {  	[hbm:s24], [sflag:s8] =	dma.local [spmem:s11], $0x4F0  }
0xe8: {  	_ =	swait.ge [sflag:s12], $0x4F0  }
0xe9: {  	[sflag:s12] =	ssyncset.done $0x0  }
0xea: {  	[sflag:s12] =	ssyncadd.s32 $0xFFFFFB10  }
0xeb: {  	_ =	sfence.sel $0x180000  }
0xec: {  	[bflag:$0x0] =	sbarrier.arrive $0xFFFF  }
0xed: {  	_ =	strace $0x9000004D  }
0xee: {  	s0 =	stileid.u32;
	[bflag:$0x2] =	sbarrier.arrive $0xFFFF  }
0xef: {  	p0 =	sne.s32 s0, $0x0;
	s0 =	rddreg [dreg:$0x2]  }
0xf0: {  	s0 =	sadd.s32 @!p0 $0x100000, s0  }
0xf1: {  	[sflag:s0] =	ssyncadd.tile.s32 @!p0 $0x1;
	_ =	shalt  }
.Lfunc_end2:
_tile_overlayer_lowered:
.L_overlay_start_2:
0xf2: {  	(tag) =	ssettag $0x2  }
0xf3: {  	s0 =	rddreg [dreg:$0x0];
	s2 =	stileid.u32  }
0xf4: {  	s1 =	rddreg [dreg:$0x1];
	p0 =	sne.s32 s2, $0x0  }
0xf5: {  	s3 =	rddreg [dreg:$0x2];
	[bflag:$0x3] =	sbarrier.arrive $0xFFFF;
	s2 =	simm.s32 @!p0 $0x1C07  }
0xf6: {  	[timem:s3], [sflag:s2] =	dma.local @!p0 [hbm:s0], s1  }
0xf7: {  	s0 =	simm.s32 @!p0 $0x7  }
0xf8: {  	_ =	swait.ge @!p0 [sflag:s0], s1  }
0xf9: {  	s1 =	ssub.s32 @!p0 $0x0, s1;
	[sflag:s0] =	ssyncset.done @!p0 $0x0  }
0xfa: {  	[sflag:s0] =	ssyncadd.s32 @!p0 s1  }
0xfb: {  	[bflag:$0x3] =	sbarrier.arrive $0xFFFF  }
0xfc: {  	_ =	shalt  }

// kernel: kernel.9.cloned.1.call-start
scs
__scs_entry_jumppad:
0x0: {  	(pc) =	sbr.rel $0x88, $3  }
0x1: {  	(tag) =	ssettag $0x0;
	lr =	simm.s32 $0x1  }
0x2: {  	[smem:$0x3F98] =	sst lr;
	_ =	strace $0xD0000000  }
0x3: {  	_ = 	snop  }
0x4: {  	_ = 	snop  }
0x5: {  	_ = 	snop  }
0x6: {  	_ = 	snop  }
0x7: {  	_ = 	snop  }
__scs_overlays_trampoline_lowered:
0x8: {  	[smem:$0x3FA7] =	sst s0  }
0x9: {  	[smem:$0x3FA8] =	sst s1  }
0xa: {  	[smem:$0x3FA9] =	sst s2  }
0xb: {  	[smem:$0x3FAA] =	sst s3  }
0xc: {  	[smem:$0x3FAB] =	sst s4  }
0xd: {  	[smem:$0x3FAC] =	sst s5  }
0xe: {  	[smem:$0x3FAD] =	sst s6  }
0xf: {  	[smem:$0x3FAE] =	sst s7  }
0x10: {  	[smem:$0x3FAF] =	sst s8  }
0x11: {  	[smem:$0x3FB0] =	sst s9;
	s0 =	simm.s32 @!p0 $0x0  }
0x12: {  	s1 =	sld [smem:$0x3F96];
	s0 =	simm.s32 @p0 $0x1  }
0x13: {  	[smem:$0x3FB1] =	sst s0;
	s0 =	simm.s32 @!p1 $0x0  }
0x14: {  	s2 =	sld [smem:$0x3F95];
	s0 =	simm.s32 @p1 $0x1  }
0x15: {  	[smem:$0x3FB2] =	sst s0;
	s0 =	simm.s32 @!p2 $0x0  }
0x16: {  	s3 =	sld [smem:$0x3FDB];
	s0 =	simm.s32 @p2 $0x1  }
0x17: {  	s4 =	simm.s32 $0x1BF5;
	[smem:$0x3FB4] =	sst s0  }
0x18: {  	s0 =	sld [smem:$0x3F97];
	_ =	swait.ge [sflag:s4], $0x0  }
0x19: {  	s7 =	sld [smem:$0x3F98]  }
0x1a: {  	s8 =	sadd.s32 $0xFFFFE003, lr  }
0x1b: {  	s9 =	sadd.s32 $0xFFFFFEF7, lr;
	s5 =	simm.s32 $0xFFFFFFFF;
	p2 =	slt.u32 s8, $0xFFFFF086  }
0x1c: {  	p1 =	slt.u32 s9, $0xF7A;
	s5 =	simm.s32 @!p2 $0x0  }
0x1d: {  	s5 =	simm.s32 @p1 $0x1;
	p0 =	seq.s32 s7, s2  }
0x1e: {  	s7 =	smul.u32 @!p0 $0xF7A, s2;
	p2 =	seq.s32 @!p0 s5, $0x0  }
0x1f: {  	s9 =	smul.u32 $0xF7A, s1;
	s8 =	simm.s32 @!p0 $0x1BF5;
	p2 =	por !p2, p0  }
0x20: {  	[sflag:s8] =	ssyncset.s32 @!p0 $0xFFFFF086;
	s6 =	sadd.s32 @!p0 s3, s7;
	s7 =	simm.s32 @!p0 $0x108  }
0x21: {  	s3 =	sadd.s32 s3, s9;
	s6 =	sadd.s32 @!p0 $0x88, s6;
	s7 =	simm.s32 @p2 $0x1082  }
0x22: {  	[simem:s7], [sflag:s8] =	dma.local @!p0 [hbm:s6], $0xF7A  }
0x23: {  	s9 =	sor.u32 $0xD0000000, s2;
	s6 =	simm.s32 $0x108;
	_ =	swait.ge @!p0 [sflag:s8], $0x0  }
0x24: {  	s3 =	sadd.s32 $0x88, s3;
	s6 =	simm.s32 @!p1 $0x1082;
	[sflag:s4] =	ssyncset.s32 $0xFFFFF086  }
0x25: {  	[simem:s6], [sflag:s4] =	dma.local [hbm:s3], $0xF7A  }
0x26: {  	[smem:$0x3F98] =	sst s1;
	(tag) =	ssettag s2;
	_ =	strace s9  }
0x27: {  	s1 =	sld [smem:$0x3FA8]  }
0x28: {  	s2 =	sld [smem:$0x3FA9]  }
0x29: {  	s4 =	sld [smem:$0x3FAB]  }
0x2a: {  	p0 =	seq.s32 s5, $0x0;
	s5 =	sld [smem:$0x3FAC]  }
0x2b: {  	s6 =	sld [smem:$0x3FAD]  }
0x2c: {  	s7 =	sld [smem:$0x3FAE]  }
0x2d: {  	s3 =	simm.s32 $0x108;
	s8 =	sld [smem:$0x3FAF]  }
0x2e: {  	s3 =	simm.s32 @!p0 $0x1082;
	s9 =	sld [smem:$0x3FB0]  }
0x2f: {  	lr =	sadd.s32 s0, s3;
	s0 =	sld [smem:$0x3FA7]  }
0x30: {  	s3 =	sld [smem:$0x3FAA]  }
0x31: {  	[smem:$0x3FB3] =	sst s10  }
0x32: {  	s10 =	sld [smem:$0x3FB1];
	_ =	sdelay $0x3  }
0x33: {  	p0 =	seq.s32 s10, $0x1;
	s10 =	sld [smem:$0x3FB3];
	_ =	sdelay $0x3  }
0x34: {  	[smem:$0x3FB3] =	sst s10  }
0x35: {  	s10 =	sld [smem:$0x3FB2];
	_ =	sdelay $0x3  }
0x36: {  	p1 =	seq.s32 s10, $0x1;
	s10 =	sld [smem:$0x3FB3];
	_ =	sdelay $0x3  }
0x37: {  	[smem:$0x3FB3] =	sst s10  }
0x38: {  	s10 =	sld [smem:$0x3FB4]  }
0x39: {  	_ = 	snop;
	(pc) =	sbr.ind lr, $3  }
0x3a: {  	_ = 	snop  }
0x3b: {  	_ = 	snop  }
0x3c: {  	p2 =	seq.s32 s10, $0x1;
	s10 =	sld [smem:$0x3FB3]  }
0x3d: {  	_ =	shalt  }
0x3e: {  	_ =	shalt  }
0x3f: {  	_ =	shalt  }
0x40: {  	_ =	shalt  }
0x41: {  	_ =	shalt  }
0x42: {  	_ =	shalt  }
0x43: {  	_ =	shalt  }
0x44: {  	_ =	shalt  }
0x45: {  	_ =	shalt  }
0x46: {  	_ =	shalt  }
0x47: {  	_ =	shalt  }
0x48: {  	_ =	shalt  }
0x49: {  	_ =	shalt  }
0x4a: {  	_ =	shalt  }
0x4b: {  	_ =	shalt  }
0x4c: {  	_ =	shalt  }
0x4d: {  	_ =	shalt  }
0x4e: {  	_ =	shalt  }
0x4f: {  	_ =	shalt  }
0x50: {  	_ =	shalt  }
0x51: {  	_ =	shalt  }
0x52: {  	_ =	shalt  }
0x53: {  	_ =	shalt  }
0x54: {  	_ =	shalt  }
0x55: {  	_ =	shalt  }
0x56: {  	_ =	shalt  }
0x57: {  	_ =	shalt  }
0x58: {  	_ =	shalt  }
0x59: {  	_ =	shalt  }
0x5a: {  	_ =	shalt  }
0x5b: {  	_ =	shalt  }
0x5c: {  	_ =	shalt  }
0x5d: {  	_ =	shalt  }
0x5e: {  	_ =	shalt  }
0x5f: {  	_ =	shalt  }
0x60: {  	_ =	shalt  }
0x61: {  	_ =	shalt  }
0x62: {  	_ =	shalt  }
0x63: {  	_ =	shalt  }
0x64: {  	_ =	shalt  }
0x65: {  	_ =	shalt  }
0x66: {  	_ =	shalt  }
0x67: {  	_ =	shalt  }
0x68: {  	_ =	shalt  }
0x69: {  	_ =	shalt  }
0x6a: {  	_ =	shalt  }
0x6b: {  	_ =	shalt  }
0x6c: {  	_ =	shalt  }
0x6d: {  	_ =	shalt  }
0x6e: {  	_ =	shalt  }
0x6f: {  	_ =	shalt  }
0x70: {  	_ =	shalt  }
0x71: {  	_ =	shalt  }
0x72: {  	_ =	shalt  }
0x73: {  	_ =	shalt  }
0x74: {  	_ =	shalt  }
0x75: {  	_ =	shalt  }
0x76: {  	_ =	shalt  }
0x77: {  	_ =	shalt  }
0x78: {  	_ =	shalt  }
0x79: {  	_ =	shalt  }
0x7a: {  	_ =	shalt  }
0x7b: {  	_ =	shalt  }
0x7c: {  	_ =	shalt  }
0x7d: {  	_ =	shalt  }
0x7e: {  	_ =	shalt  }
0x7f: {  	_ =	shalt  }
0x80: {  	_ =	shalt  }
0x81: {  	_ =	shalt  }
0x82: {  	_ =	shalt  }
0x83: {  	_ =	shalt  }
0x84: {  	_ =	shalt  }
0x85: {  	_ =	shalt  }
0x86: {  	_ =	shalt  }
0x87: {  	_ =	shalt  }
.Lfunc_end0:
.L_simem_size_0:
called_computation_lowered:
.L_overlay_start_0:
0x88: {  	s2 =	sld [smem:$0x3FD9]  }
0x89: {  	s3 =	sld [smem:$0x3FFE];
	_ =	sdelay $0x1  }
0x8a: {  	s1 =	srdreg.scid  }
0x8b: {  	s0 =	sand.u32 $0x1, s1  }
0x8c: {  	s16 =	sshll.u32 s0, $0xA;
	s2 =	sadd.s32 s3, s2  }
0x8d: {  	s2 =	sadd.s32 s2, s16  }
0x8e: {  	[smem:$0x3FBF] =	sst s2  }
0x8f: {  	_ = 	snop  }
0x90: {  	(tm) =	ssettm $0x1  }
0x91: {  	s17 =	sld [smem:$0x3FFB];
	_ =	sdelay $0x3  }
0x92: {  	_ =	strace s17  }
0x93: {  	s2 =	sld [smem:$0x3FFC];
	_ =	sdelay $0x3  }
0x94: {  	_ =	strace s2  }
0x95: {  	s2 =	sld [smem:$0x3FFD];
	_ =	sdelay $0x3  }
0x96: {  	_ =	strace s2  }
0x97: {  	_ =	strace $0x8FFFFFFF  }
0x98: {  	s18 =	sld [smem:$0x3FDB];
	_ =	sdelay $0x1  }
0x99: {  	s19 =	simm.s32 $_scs_section_size  }
0x9a: {  	s4 =	simm.s32 $_size__tile_overlayer_lowered;
	s5 =	simm.s32 $_tile_overlayer_lowered  }
0x9b: {  	s22 =	simm.s32 $0x1BFF;
	s21 =	sshll.u32 s5, $0x1;
	s2 =	sadd.s32 s19, s18  }
0x9c: {  	s6 =	simm.s32 $0x0;
	s20 =	sshll.u32 s4, $0x1;
	s4 =	sadd.s32 s21, s2  }
0x9d: {  	[timem:s6], [sflag:s22] =	dma.local [hbm:s4], s20  }
0x9e: {  	_ =	swait.ge [sflag:s22], s20  }
0x9f: {  	s3 =	ssub.s32 $0x0, s20;
	[sflag:s22] =	ssyncset.done $0x0  }
0xa0: {  	[sflag:s22] =	ssyncadd.s32 s3;
	_ =	sdelay $0x1  }
0xa1: {  	s23 =	simm.s32 $0x1B8B  }
0xa2: {  	_ =	swait.ge [sflag:s23], $0x1  }
0xa3: {  	[sflag:s23] =	ssyncset.done $0x0  }
0xa4: {  	s25 =	simm.s32 $0x1B8E;
	s24 =	sld [smem:$0x3FFE];
	[sflag:s23] =	ssyncadd.s32 $0xFFFFFFFF  }
0xa5: {  	s26 =	simm.s32 $execute0_lowered;
	[smem:$0x3FD2] =	sst s25  }
0xa6: {  	s4 =	sshll.u32 s26, $0x1;
	_ =	strace $0x80000046;
	[dreg:$0x1] =	wrdreg $0xFFFFFFFF  }
0xa7: {  	s28 =	simm.s32 $_size_execute0_lowered;
	s2 =	sadd.s32 s2, s4;
	[dreg:$0x0] =	wrdreg $0x0  }
0xa8: {  	s4 =	sshll.u32 s28, $0x1;
	[dreg:$0x2] =	wrdreg s2  }
0xa9: {  	[dreg:$0x3] =	wrdreg s4  }
0xaa: {  	[dreg:$0x4] =	wrdreg $0xC0  }
0xab: {  	_ =	task [dreg:s6], $0x5FFFF  }
0xac: {  	[dreg:$0x1] =	wrdreg $0xFFFFFFFF  }
0xad: {  	[dreg:$0x0] =	wrdreg $0x60  }
0xae: {  	[dreg:$0x2] =	wrdreg s24  }
0xaf: {  	[dreg:$0x3] =	wrdreg $0x128000  }
0xb0: {  	[dreg:$0x4] =	wrdreg $0x9  }
0xb1: {  	_ =	task.clear_ibuf [dreg:s6], $0x5FFFF;
	_ =	strace $0x90000046  }
0xb2: {  	s29 =	simm.s32 $0x9;
	_ =	strace $0x80000048  }
0xb3: {  	_ =	swait.ge [sflag:s29], $0x1  }
0xb4: {  	[sflag:s29] =	ssyncadd.s32 $0xFFFFFFFF  }
0xb5: {  	_ =	strace $0x90000048  }
0xb6: {  	_ =	sfence  }
0xb7: {  	s30 =	sld [smem:$0x0];
	_ =	sdelay $0x2  }
0xb8: {  	s31 =	sshll.u32 s1, $0xD;
	s1 =	sshrl.u32 s1, $0x2  }
0xb9: {  	s3 =	sand.u32 $0x4000, s31;
	s1 =	sadd.s32 s1, s30  }
0xba: {  	s0 =	sor.u32 s3, s0;
	s1 =	sshll.u32 s1, $0x11  }
0xbb: {  	s0 =	sor.u32 s1, s0  }
0xbc: {  	s0 =	sadd.s32 $0x8F2B, s0  }
0xbd: {  	[sflag:s0] =	ssyncadd.remote.s32 $0x1  }
0xbe: {  	_ =	sfence.sel $0xFFFF  }
0xbf: {  	[dreg:$0x0] =	wrdreg $0xFFFFFFFF;
	(pc) =	sbr.abs _section_cstart, $3  }
0xc0: {  	[dreg:$0x1] =	wrdreg $0xFFFFFFFF  }
0xc1: {  	_ =	task.clear_ibuf [dreg:s6], $0x2FFFF;
	_ =	strace $0x9FFFFFFF  }
0xc2: {  	(tm) =	ssettm $0x7FFFFFFF  }
0xc3: {  	_ =	shalt  }
tec
execute0_lowered:
.L_overlay_start_1:
0x0: {  	(tag) =	ssettag $0x1  }
0x1: {  	s0 =	rddreg [dreg:$0x0]  }
0x2: {  	s2 =	rddreg [dreg:$0x1];
	s8 =	stileid.u32  }
0x3: {  	s4 =	srdreg.scid;
	s3 =	simm.s32 $0x0;
	s12 =	simm.s32 $0x5  }
0x4: {  	s13 =	simm.s32 $0x1;
	s14 =	simm.s32 $0x2;
	s15 =	simm.s32 $0x80  }
0x5: {  	s16 =	simm.s32 $0xA800;
	s17 =	simm.s32 $0xC800;
	s19 =	simm.s32 $0xE800  }
0x6: {  	s20 =	simm.s32 $0x10800;
	s21 =	simm.s32 $0x3;
	s22 =	simm.s32 $0x4  }
0x7: {  	s23 =	simm.s32 $0x5380;
	s25 =	simm.s32 $0xA600;
	s28 =	simm.s32 $0xA700  }
0x8: {  	s29 =	simm.s32 $0xA780;
	s30 =	simm.s32 $0x0;
	s1 =	smul.u32 $0x9E00, s8  }
0x9: {  	s5 =	smul.u32 $0xA80, s8;
	s4 =	sand.u32 $0x1, s4;
	[smem:$0x7FF] =	sst s3  }
0xa: {  	s31 =	sshll.u32 s8, $0x6;
	s6 =	smul.u32 $0x13C00, s4;
	_ =	strace $0x80000047  }
0xb: {  	s4 =	ssub.s32 $0x2, s4;
	s10 =	sshrl.u32 s1, $0x3;
	s5 =	sadd.s32 s5, s0  }
0xc: {  	s26 =	sshrl.u32 s4, $0x1;
	s1 =	sadd.s32 s1, s2;
	s7 =	sadd.s32 s10, s0  }
0xd: {  	s0 =	sadd.s32 s6, s0;
	s9 =	ssub.s32 s4, s26;
	s4 =	sadd.s32 $0x33A00, s5  }
0xe: {  	s5 =	sadd.s32 $0x29200, s5;
	s11 =	sshrl.u32 s1, $0x3;
	s26 =	simm.s32 $0xA680  }
0xf: {  	s6 =	sadd.s32 $0x3E200, s7;
	s8 =	sadd.s32 $0x1A00, s0;
	s0 =	sadd.s32 $0x51E00, s0  }
0x10: {  	s7 =	sor.u32 $0x1C05, s31;
	s9 =	smax.u32 s9, $0x1;
	s24 =	sadd.s32 s10, s0  }
.LBB2_1:
0x11: {  	[tilespmem:s3], [sflag:$0x1] =	stream.linear.gather [hbm4b:s4+s3], $0x5400, $0x38;
	[tilespmem:$0x1C600] =	vst v63  }
0x12: {  	s0 =	simm.s32 $0x5400  }
0x13: {  	[tilespmem:s0], [sflag:$0x2] =	stream.linear.gather [hbm4b:s5+s3], $0x5400, $0x38;
	[tilespmem:$0x1C600] =	vst v63  }
0x14: {  	[spmem:s11], [sflag:s7] =	dma.local [hbm:s6], $0x13C0  }
0x15: {  	_ =	swait.ge [sflag:s12], $0x13C0  }
0x16: {  	[sflag:s12] =	ssyncset.done $0x0  }
0x17: {  	[sflag:s12] =	ssyncadd.s32 $0xFFFFEC40  }
0x18: {  	_ =	swait.ge [sflag:s13], $0x5400  }
0x19: {  	[sflag:s13] =	ssyncset.done $0x0  }
0x1a: {  	[sflag:s13] =	ssyncadd.s32 $0xFFFFAC00  }
0x1b: {  	_ =	swait.ge [sflag:s14], $0x5400  }
0x1c: {  	[sflag:s14] =	ssyncset.done $0x0  }
0x1d: {  	[sflag:s14] =	ssyncadd.s32 $0xFFFFAC00  }
0x1e: {  	[bflag:$0x0] =	sbarrier.arrive $0xFFFF  }
0x1f: {  	[tilespmem:s16], [sflag:$0x1] =	stream.indirect.gather [hbm4b:s8+s15], $0x40, s3, s15, $0xb8;
	[tilespmem:$0x1C600] =	vst v63  }
0x20: {  	_ = 	snop  }
0x21: {  	[tilespmem:s17], [sflag:$0x2] =	stream.indirect.gather [hbm4b:s8+s15], $0x40, s15, s15, $0xb8;
	[tilespmem:$0x1C600] =	vst v63  }
0x22: {  	s1 =	simm.s32 $0x100  }
0x23: {  	[tilespmem:s19], [sflag:$0x3] =	stream.indirect.gather [hbm4b:s8+s15], $0x40, s1, s15, $0xb8;
	[tilespmem:$0x1C600] =	vst v63  }
0x24: {  	s10 =	simm.s32 $0x180  }
0x25: {  	[tilespmem:s20], [sflag:$0x4] =	stream.indirect.gather [hbm4b:s8+s15], $0x40, s10, s15, $0xb8;
	[tilespmem:$0x1C600] =	vst v63  }
0x26: {  	_ =	swait.ge [sflag:s13], $0x2000  }
0x27: {  	[sflag:s13] =	ssyncset.done $0x0  }
0x28: {  	s18 =	simm.s32 $0x5400;
	[sflag:s13] =	ssyncadd.s32 $0xFFFFE000  }
0x29: {  	[spmem:s2] =	stream.indirect.scatter.add.f32 [tilespmem:s16], [sflag:$0x5], $0x40, s18, s15, $0xb8;
	[tilespmem:$0x1C600] =	vst v63  }
0x2a: {  	_ =	swait.ge [sflag:s12], $0x2000  }
0x2b: {  	[sflag:s12] =	ssyncset.done $0x0  }
0x2c: {  	s1 =	simm.s32 $0x200;
	[sflag:s12] =	ssyncadd.s32 $0xFFFFE000  }
0x2d: {  	[tilespmem:s16], [sflag:$0x1] =	stream.indirect.gather [hbm4b:s8+s15], $0x40, s1, s15, $0xb8;
	[tilespmem:$0x1C600] =	vst v63  }
0x2e: {  	_ =	swait.ge [sflag:s14], $0x2000  }
0x2f: {  	[sflag:s14] =	ssyncset.done $0x0  }
0x30: {  	s10 =	simm.s32 $0x5480;
	[sflag:s14] =	ssyncadd.s32 $0xFFFFE000  }
0x31: {  	[spmem:s2] =	stream.indirect.scatter.add.f32 [tilespmem:s17], [sflag:$0x5], $0x40, s10, s15, $0xb8;
	[tilespmem:$0x1C600] =	vst v63  }
0x32: {  	_ =	swait.ge [sflag:s12], $0x2000  }
0x33: {  	[sflag:s12] =	ssyncset.done $0x0  }
0x34: {  	s18 =	simm.s32 $0x280;
	[sflag:s12] =	ssyncadd.s32 $0xFFFFE000  }
0x35: {  	[tilespmem:s17], [sflag:$0x2] =	stream.indirect.gather [hbm4b:s8+s15], $0x40, s18, s15, $0xb8;
	[tilespmem:$0x1C600] =	vst v63  }
0x36: {  	_ =	swait.ge [sflag:s21], $0x2000  }
0x37: {  	[sflag:s21] =	ssyncset.done $0x0  }
0x38: {  	s1 =	simm.s32 $0x5500;
	[sflag:s21] =	ssyncadd.s32 $0xFFFFE000  }
0x39: {  	[spmem:s2] =	stream.indirect.scatter.add.f32 [tilespmem:s19], [sflag:$0x5], $0x40, s1, s15, $0xb8;
	[tilespmem:$0x1C600] =	vst v63  }
0x3a: {  	_ =	swait.ge [sflag:s12], $0x2000  }
0x3b: {  	[sflag:s12] =	ssyncset.done $0x0  }
0x3c: {  	s10 =	simm.s32 $0x300;
	[sflag:s12] =	ssyncadd.s32 $0xFFFFE000  }
0x3d: {  	[tilespmem:s19], [sflag:$0x3] =	stream.indirect.gather [hbm4b:s8+s15], $0x40, s10, s15, $0xb8;
	[tilespmem:$0x1C600] =	vst v63  }
0x3e: {  	_ =	swait.ge [sflag:s22], $0x2000  }
0x3f: {  	[sflag:s22] =	ssyncset.done $0x0  }
0x40: {  	s18 =	simm.s32 $0x5580;
	[sflag:s22] =	ssyncadd.s32 $0xFFFFE000  }
0x41: {  	[spmem:s2] =	stream.indirect.scatter.add.f32 [tilespmem:s20], [sflag:$0x5], $0x40, s18, s15, $0xb8;
	[tilespmem:$0x1C600] =	vst v63  }
0x42: {  	_ =	swait.ge [sflag:s12], $0x2000  }
0x43: {  	s31 =	simm.s32 $0x200;
	s0 =	simm.s32 $0x1000;
	[sflag:s12] =	ssyncset.done $0x0  }
.LBB2_2:
0x44: {  	s18 =	sadd.s32 $0x180, s31  }
0x45: {  	[sflag:s12] =	ssyncadd.s32 $0xFFFFE000;
	s1 =	smov.u32 s0;
	s10 =	sadd.s32 $0x800, s0  }
0x46: {  	[tilespmem:s20], [sflag:$0x4] =	stream.indirect.gather [hbm4b:s8+s15], $0x40, s18, s15, $0xb8;
	[tilespmem:$0x1C600] =	vst v63  }
0x47: {  	p0 =	sne.s32 s0, $0x14000;
	_ =	swait.ge [sflag:s13], $0x2000  }
0x48: {  	[sflag:s13] =	ssyncset.done $0x0  }
0x49: {  	s0 =	sadd.s32 $0x5400, s31;
	[sflag:s13] =	ssyncadd.s32 $0xFFFFE000  }
0x4a: {  	[spmem:s2] =	stream.indirect.scatter.add.f32 [tilespmem:s16], [sflag:$0x5], $0x40, s0, s15, $0xb8;
	[tilespmem:$0x1C600] =	vst v63  }
0x4b: {  	_ =	swait.ge [sflag:s12], $0x2000  }
0x4c: {  	[sflag:s12] =	ssyncset.done $0x0  }
0x4d: {  	s0 =	sadd.s32 $0x200, s31;
	[sflag:s12] =	ssyncadd.s32 $0xFFFFE000  }
0x4e: {  	[tilespmem:s16], [sflag:$0x1] =	stream.indirect.gather [hbm4b:s8+s15], $0x40, s0, s15, $0xb8;
	[tilespmem:$0x1C600] =	vst v63  }
0x4f: {  	_ =	swait.ge [sflag:s14], $0x2000  }
0x50: {  	[sflag:s14] =	ssyncset.done $0x0  }
0x51: {  	s0 =	sadd.s32 $0x5480, s31;
	[sflag:s14] =	ssyncadd.s32 $0xFFFFE000  }
0x52: {  	[spmem:s2] =	stream.indirect.scatter.add.f32 [tilespmem:s17], [sflag:$0x5], $0x40, s0, s15, $0xb8;
	[tilespmem:$0x1C600] =	vst v63  }
0x53: {  	_ =	swait.ge [sflag:s12], $0x2000  }
0x54: {  	[sflag:s12] =	ssyncset.done $0x0  }
0x55: {  	s0 =	sadd.s32 $0x280, s31;
	[sflag:s12] =	ssyncadd.s32 $0xFFFFE000  }
0x56: {  	[tilespmem:s17], [sflag:$0x2] =	stream.indirect.gather [hbm4b:s8+s15], $0x40, s0, s15, $0xb8;
	[tilespmem:$0x1C600] =	vst v63  }
0x57: {  	_ =	swait.ge [sflag:s21], $0x2000  }
0x58: {  	[sflag:s21] =	ssyncset.done $0x0  }
0x59: {  	s0 =	sadd.s32 $0x5500, s31;
	[sflag:s21] =	ssyncadd.s32 $0xFFFFE000  }
0x5a: {  	[spmem:s2] =	stream.indirect.scatter.add.f32 [tilespmem:s19], [sflag:$0x5], $0x40, s0, s15, $0xb8;
	[tilespmem:$0x1C600] =	vst v63  }
0x5b: {  	_ =	swait.ge [sflag:s12], $0x2000  }
0x5c: {  	[sflag:s12] =	ssyncset.done $0x0  }
0x5d: {  	s0 =	sadd.s32 $0x300, s31;
	[sflag:s12] =	ssyncadd.s32 $0xFFFFE000  }
0x5e: {  	[tilespmem:s19], [sflag:$0x3] =	stream.indirect.gather [hbm4b:s8+s15], $0x40, s0, s15, $0xb8;
	[tilespmem:$0x1C600] =	vst v63  }
0x5f: {  	_ =	swait.ge [sflag:s22], $0x2000  }
.Ltmp0:
0x60: {  	[sflag:s22] =	ssyncset.done $0x0;
	(pc) =	sbr.rel @p0 .LBB2_2-.Ltmp0, $4  }
0x61: {  	s0 =	sadd.s32 $0x5580, s31;
	[sflag:s22] =	ssyncadd.s32 $0xFFFFE000  }
0x62: {  	[spmem:s2] =	stream.indirect.scatter.add.f32 [tilespmem:s20], [sflag:$0x5], $0x40, s0, s15, $0xb8;
	[tilespmem:$0x1C600] =	vst v63  }
0x63: {  	_ =	swait.ge [sflag:s12], $0x2000  }
0x64: {  	s31 =	sshra.s32 s1, $0x2;
	s0 =	smov.u32 s10;
	[sflag:s12] =	ssyncset.done $0x0  }
0x65: {  	s0 =	sadd.s32 $0x180, s31;
	[sflag:s12] =	ssyncadd.s32 $0xFFFFE000  }
0x66: {  	[tilespmem:s20], [sflag:$0x4] =	stream.indirect.gather [hbm4b:s8+s15], $0x40, s0, s15, $0xb8;
	[tilespmem:$0x1C600] =	vst v63  }
0x67: {  	_ =	swait.ge [sflag:s13], $0x2000  }
0x68: {  	[sflag:s13] =	ssyncset.done $0x0  }
0x69: {  	s1 =	sadd.s32 $0x5400, s31;
	[sflag:s13] =	ssyncadd.s32 $0xFFFFE000  }
0x6a: {  	[spmem:s2] =	stream.indirect.scatter.add.f32 [tilespmem:s16], [sflag:$0x5], $0x40, s1, s15, $0xb8;
	[tilespmem:$0x1C600] =	vst v63  }
0x6b: {  	_ =	swait.ge [sflag:s12], $0x2000  }
0x6c: {  	[sflag:s12] =	ssyncset.done $0x0  }
0x6d: {  	s10 =	sadd.s32 $0x200, s31;
	[sflag:s12] =	ssyncadd.s32 $0xFFFFE000  }
0x6e: {  	[tilespmem:s16], [sflag:$0x1] =	stream.indirect.gather [hbm4b:s8+s15], $0x40, s10, s15, $0xb8;
	[tilespmem:$0x1C600] =	vst v63  }
0x6f: {  	_ =	swait.ge [sflag:s14], $0x2000  }
0x70: {  	[sflag:s14] =	ssyncset.done $0x0  }
0x71: {  	s18 =	sadd.s32 $0x5480, s31;
	[sflag:s14] =	ssyncadd.s32 $0xFFFFE000  }
0x72: {  	[spmem:s2] =	stream.indirect.scatter.add.f32 [tilespmem:s17], [sflag:$0x5], $0x40, s18, s15, $0xb8;
	[tilespmem:$0x1C600] =	vst v63  }
0x73: {  	_ =	swait.ge [sflag:s12], $0x2000  }
0x74: {  	[sflag:s12] =	ssyncset.done $0x0  }
0x75: {  	s1 =	sadd.s32 $0x280, s31;
	[sflag:s12] =	ssyncadd.s32 $0xFFFFE000  }
0x76: {  	[tilespmem:s17], [sflag:$0x2] =	stream.indirect.gather [hbm4b:s8+s15], $0x40, s1, s15, $0xb8;
	[tilespmem:$0x1C600] =	vst v63  }
0x77: {  	_ =	swait.ge [sflag:s21], $0x2000  }
0x78: {  	[sflag:s21] =	ssyncset.done $0x0  }
0x79: {  	s10 =	sadd.s32 $0x5500, s31;
	[sflag:s21] =	ssyncadd.s32 $0xFFFFE000  }
0x7a: {  	[spmem:s2] =	stream.indirect.scatter.add.f32 [tilespmem:s19], [sflag:$0x5], $0x40, s10, s15, $0xb8;
	[tilespmem:$0x1C600] =	vst v63  }
0x7b: {  	_ =	swait.ge [sflag:s12], $0x2000  }
0x7c: {  	[sflag:s12] =	ssyncset.done $0x0  }
0x7d: {  	s18 =	sadd.s32 $0x300, s31;
	[sflag:s12] =	ssyncadd.s32 $0xFFFFE000  }
0x7e: {  	[tilespmem:s19], [sflag:$0x3] =	stream.indirect.gather [hbm4b:s8+s15], $0x40, s18, s15, $0xb8;
	[tilespmem:$0x1C600] =	vst v63  }
0x7f: {  	_ =	swait.ge [sflag:s22], $0x2000  }
0x80: {  	[sflag:s22] =	ssyncset.done $0x0  }
0x81: {  	s31 =	sadd.s32 $0x5580, s31;
	[sflag:s22] =	ssyncadd.s32 $0xFFFFE000  }
0x82: {  	[spmem:s2] =	stream.indirect.scatter.add.f32 [tilespmem:s20], [sflag:$0x5], $0x40, s31, s15, $0xb8;
	[tilespmem:$0x1C600] =	vst v63  }
0x83: {  	_ =	swait.ge [sflag:s12], $0x2000  }
0x84: {  	[sflag:s12] =	ssyncset.done $0x0  }
0x85: {  	[sflag:s12] =	ssyncadd.s32 $0xFFFFE000  }
0x86: {  	[tilespmem:s20], [sflag:$0x4] =	stream.indirect.gather [hbm4b:s8+s15], $0x40, s23, s15, $0xb8;
	[tilespmem:$0x1C600] =	vst v63  }
0x87: {  	_ =	swait.ge [sflag:s13], $0x2000  }
0x88: {  	[sflag:s13] =	ssyncset.done $0x0  }
0x89: {  	[sflag:s13] =	ssyncadd.s32 $0xFFFFE000  }
0x8a: {  	[spmem:s2] =	stream.indirect.scatter.add.f32 [tilespmem:s16], [sflag:$0x5], $0x40, s25, s15, $0xb8;
	[tilespmem:$0x1C600] =	vst v63  }
0x8b: {  	_ =	swait.ge [sflag:s12], $0x2000  }
0x8c: {  	[sflag:s12] =	ssyncset.done $0x0  }
0x8d: {  	[sflag:s12] =	ssyncadd.s32 $0xFFFFE000  }
0x8e: {  	_ =	swait.ge [sflag:s14], $0x2000  }
0x8f: {  	[sflag:s14] =	ssyncset.done $0x0  }
0x90: {  	[sflag:s14] =	ssyncadd.s32 $0xFFFFE000  }
0x91: {  	[spmem:s2] =	stream.indirect.scatter.add.f32 [tilespmem:s17], [sflag:$0x5], $0x40, s26, s15, $0xb8;
	[tilespmem:$0x1C600] =	vst v63  }
0x92: {  	_ =	swait.ge [sflag:s12], $0x2000  }
0x93: {  	[sflag:s12] =	ssyncset.done $0x0  }
0x94: {  	[sflag:s12] =	ssyncadd.s32 $0xFFFFE000  }
0x95: {  	_ =	swait.ge [sflag:s21], $0x2000  }
0x96: {  	[sflag:s21] =	ssyncset.done $0x0  }
0x97: {  	[sflag:s21] =	ssyncadd.s32 $0xFFFFE000  }
0x98: {  	[spmem:s2] =	stream.indirect.scatter.add.f32 [tilespmem:s19], [sflag:$0x5], $0x40, s28, s15, $0xb8;
	[tilespmem:$0x1C600] =	vst v63  }
0x99: {  	_ =	swait.ge [sflag:s12], $0x2000  }
0x9a: {  	[sflag:s12] =	ssyncset.done $0x0  }
0x9b: {  	[sflag:s12] =	ssyncadd.s32 $0xFFFFE000  }
0x9c: {  	_ =	swait.ge [sflag:s22], $0x2000  }
0x9d: {  	[sflag:s22] =	ssyncset.done $0x0  }
0x9e: {  	[sflag:s22] =	ssyncadd.s32 $0xFFFFE000  }
0x9f: {  	[spmem:s2] =	stream.indirect.scatter.add.f32 [tilespmem:s20], [sflag:$0x5], $0x40, s29, s15, $0xb8;
	[tilespmem:$0x1C600] =	vst v63  }
0xa0: {  	_ =	swait.ge [sflag:s12], $0x2000  }
0xa1: {  	s30 =	sadd.s32 $0x1, s30;
	[sflag:s12] =	ssyncset.done $0x0  }
0xa2: {  	p0 =	sne.s32 s30, s9;
	[sflag:s12] =	ssyncadd.s32 $0xFFFFE000  }
.Ltmp1:
0xa3: {  	[bflag:$0x0] =	sbarrier.arrive $0xFFFF;
	(pc) =	sbr.rel @p0 .LBB2_1-.Ltmp1, $4  }
0xa4: {  	[hbm:s24], [sflag:s7] =	dma.local [spmem:s11], $0x13C0  }
0xa5: {  	_ =	swait.ge [sflag:s12], $0x13C0  }
0xa6: {  	[sflag:s12] =	ssyncset.done $0x0  }
0xa7: {  	[sflag:s12] =	ssyncadd.s32 $0xFFFFEC40  }
0xa8: {  	_ =	sfence.sel $0x180000  }
0xa9: {  	[bflag:$0x0] =	sbarrier.arrive $0xFFFF  }
0xaa: {  	_ =	strace $0x90000047  }
0xab: {  	s0 =	stileid.u32;
	[bflag:$0x2] =	sbarrier.arrive $0xFFFF  }
0xac: {  	p0 =	sne.s32 s0, $0x0;
	s0 =	rddreg [dreg:$0x2]  }
0xad: {  	s0 =	sadd.s32 @!p0 $0x100000, s0  }
0xae: {  	[sflag:s0] =	ssyncadd.tile.s32 @!p0 $0x1;
	_ =	shalt  }
.Lfunc_end2:
_tile_overlayer_lowered:
.L_overlay_start_2:
0xaf: {  	(tag) =	ssettag $0x2  }
0xb0: {  	s0 =	rddreg [dreg:$0x0];
	s2 =	stileid.u32  }
0xb1: {  	s1 =	rddreg [dreg:$0x1];
	p0 =	sne.s32 s2, $0x0  }
0xb2: {  	s3 =	rddreg [dreg:$0x2];
	[bflag:$0x3] =	sbarrier.arrive $0xFFFF;
	s2 =	simm.s32 @!p0 $0x1C05  }
0xb3: {  	[timem:s3], [sflag:s2] =	dma.local @!p0 [hbm:s0], s1  }
0xb4: {  	s0 =	simm.s32 @!p0 $0x5  }
0xb5: {  	_ =	swait.ge @!p0 [sflag:s0], s1  }
0xb6: {  	s1 =	ssub.s32 @!p0 $0x0, s1;
	[sflag:s0] =	ssyncset.done @!p0 $0x0  }
0xb7: {  	[sflag:s0] =	ssyncadd.s32 @!p0 s1  }
0xb8: {  	[bflag:$0x3] =	sbarrier.arrive $0xFFFF  }
0xb9: {  	_ =	shalt  }

</sc_bundles>
